<compile_context>
chip_gen: v7x
topology: tpu7x:2x2x1
jax: 0.10.2.dev20260603
libtpu: 0.0.44.dev20260713+nightly
codegen_flags: <defaults>
</compile_context>

<pallas_src>
import functools

import jax
import jax.numpy as jnp
from jax import lax
from jax.experimental import pallas as pl
from jax.experimental.pallas import tpu as pltpu
from jax.experimental.pallas import tpu_sc as plsc

B, N, IN_CH = 4, 4096, 3
DIM, DEPTH, K = 64, 4, 16
HIDDEN = 2 * DIM
KP1 = K + 1

RT = 256
PT = 512
TOT = B * N * K
PACK = 4
GW = 128

NC, NS = 2, 16
NW = NC * NS
PER_W = TOT // NW
CH = 128
NCH = PER_W // CH


def _ln(x, g, b, eps=1e-5):
    m = jnp.mean(x, axis=-1, keepdims=True)
    v = jnp.mean((x - m) * (x - m), axis=-1, keepdims=True)
    return (x - m) / jnp.sqrt(v + eps) * g + b



def _knn_body(xyz_ref, xyzt_ref, idx_ref):
    b = pl.program_id(0)
    xyz = xyz_ref[0]
    xyzt = xyzt_ref[0]
    rowsq = jnp.sum(xyz * xyz, axis=1, keepdims=True)
    colsq = jnp.sum(xyzt * xyzt, axis=0, keepdims=True)
    dot = jnp.dot(xyz, xyzt, preferred_element_type=jnp.float32)
    w = rowsq + colsq - 2.0 * dot
    col = lax.broadcasted_iota(jnp.int32, (RT, N), 1)
    inf = jnp.float32(jnp.inf)
    outs = []
    m = jnp.min(w, axis=1, keepdims=True)
    for k in range(KP1):
        eq = w == m
        if k > 0:
            outs.append(jnp.min(jnp.where(eq, col, N), axis=1, keepdims=True))
        if k < KP1 - 1:
            w = jnp.where(eq, inf, w)
            m = jnp.min(w, axis=1, keepdims=True)
    idx_ref[0] = jnp.concatenate(outs, axis=1) + b * N


def _knn(pts_pad, xyzt):
    bh = pts_pad.shape[0]
    return pl.pallas_call(
        _knn_body,
        grid=(bh, N // RT),
        in_specs=[
            pl.BlockSpec((1, RT, 8), lambda b, t: (b, t, 0)),
            pl.BlockSpec((1, 8, N), lambda b, t: (b, 0, 0)),
        ],
        out_specs=pl.BlockSpec((1, RT, K), lambda b, t: (b, t, 0)),
        out_shape=jax.ShapeDtypeStruct((bh, N, K), jnp.int32),
    )(pts_pad, xyzt)



def _stem_body(pts_ref, w1_ref, g1_ref, b1_ref, w2_ref, g2_ref, b2_ref,
               ln1g_ref, ln1b_ref, wa_ref, wb_ref, wd_ref,
               x_ref, a_ref, bt_ref):
    pts = pts_ref[0]
    x = jnp.dot(pts, w1_ref[...], preferred_element_type=jnp.float32)
    x = jnp.maximum(_ln(x, g1_ref[...], b1_ref[...]), 0.0)
    x = jnp.dot(x, w2_ref[...], preferred_element_type=jnp.float32)
    x = jnp.maximum(_ln(x, g2_ref[...], b2_ref[...]), 0.0)
    x_ref[0] = x
    xn = _ln(x, ln1g_ref[...], ln1b_ref[...])
    xyzw = jnp.dot(pts, wd_ref[...], preferred_element_type=jnp.float32)
    a_ref[0] = jnp.dot(xn, wa_ref[...], preferred_element_type=jnp.float32) - xyzw
    bt = jnp.dot(xn, wb_ref[...], preferred_element_type=jnp.float32) + xyzw
    bt_ref[0] = jnp.concatenate(
        [bt, jnp.zeros((PT, GW - DIM), jnp.float32)], axis=1)


def _stem(pts_pad, w1p, g1, b1, w2, g2, b2, ln1g, ln1b, wa, wb, wd):
    full = lambda s: pl.BlockSpec(s, lambda b, t: tuple(0 for _ in s))
    return pl.pallas_call(
        _stem_body,
        grid=(B, N // PT),
        in_specs=[
            pl.BlockSpec((1, PT, 8), lambda b, t: (b, t, 0)),
            full((8, DIM)), full((1, DIM)), full((1, DIM)),
            full((DIM, DIM)), full((1, DIM)), full((1, DIM)),
            full((1, DIM)), full((1, DIM)),
            full((DIM, DIM)), full((DIM, DIM)), full((8, DIM)),
        ],
        out_specs=[
            pl.BlockSpec((1, PT, DIM), lambda b, t: (b, t, 0)),
            pl.BlockSpec((1, PT, DIM), lambda b, t: (b, t, 0)),
            pl.BlockSpec((1, PT, GW), lambda b, t: (b, t, 0)),
        ],
        out_shape=[
            jax.ShapeDtypeStruct((B, N, DIM), jnp.float32),
            jax.ShapeDtypeStruct((B, N, DIM), jnp.float32),
            jax.ShapeDtypeStruct((B, N, GW), jnp.float32),
        ],
    )(pts_pad, w1p, g1, b1, w2, g2, b2, ln1g, ln1b, wa, wb, wd)



@functools.cache
def _make_sc_gather(tot, nrows):
    per_w = tot // NW
    nch = per_w // CH
    mesh = plsc.VectorSubcoreMesh(
        core_axis_name="c", subcore_axis_name="s",
        num_cores=NC, num_subcores=NS)

    nbuf = 4
    nloop = nch // nbuf

    @functools.partial(
        pl.kernel,
        mesh=mesh,
        out_type=jax.ShapeDtypeStruct((tot, GW), jnp.float32),
        scratch_types=(
            [pltpu.VMEM((CH,), jnp.int32)] * nbuf
            + [pltpu.VMEM((CH, GW), jnp.float32)] * nbuf
            + [pltpu.SemaphoreType.DMA] * (2 * nbuf)
        ),
    )
    def gather(table_hbm, idx_hbm, out_hbm, *bufs):
        iv = bufs[:nbuf]
        rv = bufs[nbuf:2 * nbuf]
        gs = bufs[2 * nbuf:3 * nbuf]
        ss = bufs[3 * nbuf:]
        wid = lax.axis_index("s") * NC + lax.axis_index("c")
        base = wid * per_w

        for b in range(nbuf):
            pltpu.sync_copy(idx_hbm.at[pl.ds(base + b * CH, CH)], iv[b])
            pltpu.async_copy(table_hbm.at[iv[b]], rv[b], gs[b])

        def body(cg, carry):
            off = base + cg * (nbuf * CH)
            for b in range(nbuf):
                pltpu.make_async_copy(table_hbm.at[iv[b]], rv[b],
                                      gs[b]).wait()
                pltpu.async_copy(rv[b], out_hbm.at[pl.ds(off + b * CH, CH)],
                                 ss[b])

            @pl.when(cg < nloop - 1)
            def _():
                noff = off + nbuf * CH
                for b in range(nbuf):
                    pltpu.sync_copy(
                        idx_hbm.at[pl.ds(noff + b * CH, CH)], iv[b])
                for b in range(nbuf):
                    pltpu.make_async_copy(
                        rv[b], out_hbm.at[pl.ds(off + b * CH, CH)],
                        ss[b]).wait()
                    pltpu.async_copy(table_hbm.at[iv[b]], rv[b], gs[b])

            return carry

        lax.fori_loop(0, nloop, body, 0)
        off_last = base + (nloop - 1) * (nbuf * CH)
        for b in range(nbuf):
            pltpu.make_async_copy(
                rv[b], out_hbm.at[pl.ds(off_last + b * CH, CH)],
                ss[b]).wait()

    return gather


def _sc_gather(table, gidx):
    return _make_sc_gather(gidx.shape[0], table.shape[0])(table, gidx)



def _edge_agg(a, g, w2big):
    g = g[:, :DIM]
    e = jnp.maximum(g.reshape(PT, K, DIM) + a[:, None, :], 0.0)
    kg = K // PACK
    parts = [e[:, s * kg:(s + 1) * kg, :].reshape(PT * kg, DIM)
             for s in range(PACK)]
    ep = jnp.concatenate(parts, axis=1)
    m = jnp.dot(ep, w2big, preferred_element_type=jnp.float32)
    m = jnp.maximum(m, 0.0)
    m = jnp.max(m.reshape(PT, kg, PACK * DIM), axis=1)
    r = m[:, :DIM]
    for s in range(1, PACK):
        r = jnp.maximum(r, m[:, s * DIM:(s + 1) * DIM])
    return r


def _block_body(x_ref, a_ref, g_ref, pts_ref,
                w2_ref, proj_ref, ln2g_ref, ln2b_ref, f1_ref, f2_ref,
                ln1g_ref, ln1b_ref, wa_ref, wb_ref, wd_ref,
                xo_ref, ao_ref, bo_ref):
    x = x_ref[0]
    agg = _edge_agg(a_ref[0], g_ref[0], w2_ref[...])
    x = x + jnp.dot(agg, proj_ref[...], preferred_element_type=jnp.float32)
    x2 = _ln(x, ln2g_ref[...], ln2b_ref[...])
    h = jnp.maximum(jnp.dot(x2, f1_ref[...], preferred_element_type=jnp.float32), 0.0)
    x = x + jnp.dot(h, f2_ref[...], preferred_element_type=jnp.float32)
    xo_ref[0] = x
    xn = _ln(x, ln1g_ref[...], ln1b_ref[...])
    xyzw = jnp.dot(pts_ref[0], wd_ref[...], preferred_element_type=jnp.float32)
    ao_ref[0] = jnp.dot(xn, wa_ref[...], preferred_element_type=jnp.float32) - xyzw
    bo = jnp.dot(xn, wb_ref[...], preferred_element_type=jnp.float32) + xyzw
    bo_ref[0] = jnp.concatenate(
        [bo, jnp.zeros((PT, GW - DIM), jnp.float32)], axis=1)


def _block(x, a, g, pts_pad, w2big, proj, ln2g, ln2b, f1, f2,
           ln1g, ln1b, wa, wb, wd):
    bh = x.shape[0]
    full = lambda s: pl.BlockSpec(s, lambda b, t: tuple(0 for _ in s))
    tile = lambda d: pl.BlockSpec((1, PT, d), lambda b, t: (b, t, 0))
    return pl.pallas_call(
        _block_body,
        grid=(bh, N // PT),
        in_specs=[
            tile(DIM), tile(DIM),
            pl.BlockSpec((1, PT * K, GW), lambda b, t: (b, t, 0)),
            tile(8),
            full((PACK * DIM, PACK * DIM)), full((DIM, DIM)),
            full((1, DIM)), full((1, DIM)),
            full((DIM, HIDDEN)), full((HIDDEN, DIM)),
            full((1, DIM)), full((1, DIM)),
            full((DIM, DIM)), full((DIM, DIM)), full((8, DIM)),
        ],
        out_specs=[tile(DIM), tile(DIM), tile(GW)],
        out_shape=[
            jax.ShapeDtypeStruct((bh, N, DIM), jnp.float32),
            jax.ShapeDtypeStruct((bh, N, DIM), jnp.float32),
            jax.ShapeDtypeStruct((bh, N, GW), jnp.float32),
        ],
    )(x, a, g, pts_pad, w2big, proj, ln2g, ln2b, f1, f2, ln1g, ln1b, wa, wb, wd)


def _final_body(bh, x_ref, a_ref, g_ref,
                w2_ref, proj_ref, ln2g_ref, ln2b_ref, f1_ref, f2_ref,
                ng_ref, nb_ref, out_ref):
    t = pl.program_id(1)
    x = x_ref[0]
    agg = _edge_agg(a_ref[0], g_ref[0], w2_ref[...])
    x = x + jnp.dot(agg, proj_ref[...], preferred_element_type=jnp.float32)
    x2 = _ln(x, ln2g_ref[...], ln2b_ref[...])
    h = jnp.maximum(jnp.dot(x2, f1_ref[...], preferred_element_type=jnp.float32), 0.0)
    x = x + jnp.dot(h, f2_ref[...], preferred_element_type=jnp.float32)
    b = pl.program_id(0)
    xl = _ln(x, ng_ref[...], nb_ref[...])
    s = jnp.sum(xl, axis=0, keepdims=True) * (1.0 / N)
    mx = jnp.max(xl, axis=0, keepdims=True)
    row = jnp.broadcast_to(
        jnp.concatenate([s, mx], axis=1), (bh, 2 * DIM))
    sel = lax.broadcasted_iota(jnp.int32, (bh, 1), 0) == b
    cur = out_ref[...]

    @pl.when(t == 0)
    def _():
        out_ref[...] = jnp.where(sel, row, cur)

    @pl.when(t > 0)
    def _():
        comb = jnp.concatenate(
            [cur[:, :DIM] + row[:, :DIM],
             jnp.maximum(cur[:, DIM:], row[:, DIM:])], axis=1)
        out_ref[...] = jnp.where(sel, comb, cur)


def _final(x, a, g, w2big, proj, ln2g, ln2b, f1, f2, ng, nb):
    bh = x.shape[0]
    full = lambda s: pl.BlockSpec(s, lambda b, t: tuple(0 for _ in s))
    tile = lambda d: pl.BlockSpec((1, PT, d), lambda b, t: (b, t, 0))
    return pl.pallas_call(
        functools.partial(_final_body, bh),
        grid=(bh, N // PT),
        in_specs=[
            tile(DIM), tile(DIM),
            pl.BlockSpec((1, PT * K, GW), lambda b, t: (b, t, 0)),
            full((PACK * DIM, PACK * DIM)), full((DIM, DIM)),
            full((1, DIM)), full((1, DIM)),
            full((DIM, HIDDEN)), full((HIDDEN, DIM)),
            full((1, DIM)), full((1, DIM)),
        ],
        out_specs=pl.BlockSpec((bh, 2 * DIM), lambda b, t: (0, 0)),
        out_shape=jax.ShapeDtypeStruct((bh, 2 * DIM), jnp.float32),
    )(x, a, g, w2big, proj, ln2g, ln2b, f1, f2, ng, nb)



def kernel(points, stem_w1, stem_ln1_g, stem_ln1_b, stem_w2, stem_ln2_g,
           stem_ln2_b, blk_ln1_g, blk_ln1_b, blk_msg_w1, blk_msg_w2,
           blk_proj_w, blk_ln2_g, blk_ln2_b, blk_ffn_w1, blk_ffn_w2,
           norm_g, norm_b):
    f32 = jnp.float32
    pts_pad = jnp.concatenate(
        [points, jnp.zeros((B, N, 8 - IN_CH), f32)], axis=-1)
    xyzt = jnp.transpose(pts_pad, (0, 2, 1))

    w_a = blk_msg_w1[:, :DIM, :]
    w_b = blk_msg_w1[:, DIM:2 * DIM, :]
    w_c = blk_msg_w1[:, 2 * DIM:3 * DIM, :]
    w_d = blk_msg_w1[:, 3 * DIM:, :]
    wa = w_a - w_c
    wb = w_b + w_c
    wd = jnp.concatenate(
        [w_d, jnp.zeros((DEPTH, 8 - IN_CH, DIM), f32)], axis=1)
    eye = jnp.eye(PACK, dtype=f32)
    w2big = jnp.einsum('pq,dij->dpiqj', eye, blk_msg_w2).reshape(
        DEPTH, PACK * DIM, PACK * DIM)
    r2 = lambda v: v.reshape(1, -1)

    stem_w1p = jnp.concatenate(
        [stem_w1, jnp.zeros((8 - IN_CH, DIM), f32)], axis=0)
    x, a, btab = _stem(pts_pad, stem_w1p, r2(stem_ln1_g), r2(stem_ln1_b),
                       stem_w2, r2(stem_ln2_g), r2(stem_ln2_b),
                       r2(blk_ln1_g[0]), r2(blk_ln1_b[0]),
                       wa[0], wb[0], wd[0])

    hb = B // 2
    xs = [x[:hb], x[hb:]]
    as_ = [a[:hb], a[hb:]]
    bts = [btab[:hb], btab[hb:]]
    gidx_h = [
        _knn(pts_pad[h * hb:(h + 1) * hb],
             xyzt[h * hb:(h + 1) * hb]).reshape(TOT // 2)
        for h in (0, 1)
    ]
    outs = [None, None]
    for i in range(DEPTH):
        gs = [
            _sc_gather(bts[h].reshape(hb * N, GW), gidx_h[h])
            .reshape(hb, N * K, GW)
            for h in (0, 1)
        ]
        for h in (0, 1):
            if i < DEPTH - 1:
                xs[h], as_[h], bts[h] = _block(
                    xs[h], as_[h], gs[h], pts_pad[h * hb:(h + 1) * hb],
                    w2big[i], blk_proj_w[i],
                    r2(blk_ln2_g[i]), r2(blk_ln2_b[i]),
                    blk_ffn_w1[i], blk_ffn_w2[i],
                    r2(blk_ln1_g[i + 1]), r2(blk_ln1_b[i + 1]),
                    wa[i + 1], wb[i + 1], wd[i + 1])
            else:
                outs[h] = _final(
                    xs[h], as_[h], gs[h], w2big[i], blk_proj_w[i],
                    r2(blk_ln2_g[i]), r2(blk_ln2_b[i]),
                    blk_ffn_w1[i], blk_ffn_w2[i],
                    r2(norm_g), r2(norm_b))
    return jnp.concatenate(outs, axis=0)

# --- scband reference (transcript-rebuilt; emitter-appended) ---
"""Pipeline reference for scband-point-mlpencoder-35098472743117 (READ-ONLY COPY).

The authoritative reference and input builder live on the scoring server;
editing this copy changes nothing except your own understanding.
"""

import jax, jax.numpy as jnp
import numpy as np

B, N, IN_CH = 4, 4096, 3
DIM, DEPTH, K = 64, 4, 16
HIDDEN = int(round(2.0 * DIM))


def layer_norm(x, g, b, eps=1e-5):
    m = jnp.mean(x, axis=-1, keepdims=True)
    v = jnp.var(x, axis=-1, keepdims=True)
    return (x - m) / jnp.sqrt(v + eps) * g + b


def index_points(x, idx):
    # x: (B, N, C), idx: (B, N, K) -> (B, N, K, C)
    return jax.vmap(lambda xb, ib: xb[ib])(x, idx)


def knn_idx(xyz, k):
    sq = jnp.sum(xyz * xyz, axis=-1)
    d2 = sq[:, :, None] + sq[:, None, :] - 2.0 * jnp.einsum('bnc,bmc->bnm', xyz, xyz)
    _, idx = jax.lax.top_k(-d2, k + 1)
    return idx[:, :, 1:]  # drop self


def setup_inputs(seed: int = 0) -> dict:
    key = jax.random.key(seed)
    ks = [jax.random.fold_in(key, i) for i in range(16)]

    def w(k, shape):
        fan_in = shape[-2]
        return (jax.random.normal(k, shape, dtype=jnp.float32) / np.sqrt(fan_in)).astype(jnp.float32)

    inp = {}
    inp['points'] = jax.random.normal(ks[0], (B, N, IN_CH), dtype=jnp.float32)
    inp['stem_w1'] = w(ks[1], (IN_CH, DIM))
    inp['stem_ln1_g'] = jnp.ones((DIM,), jnp.float32)
    inp['stem_ln1_b'] = jnp.zeros((DIM,), jnp.float32)
    inp['stem_w2'] = w(ks[2], (DIM, DIM))
    inp['stem_ln2_g'] = jnp.ones((DIM,), jnp.float32)
    inp['stem_ln2_b'] = jnp.zeros((DIM,), jnp.float32)
    inp['blk_ln1_g'] = jnp.ones((DEPTH, DIM), jnp.float32)
    inp['blk_ln1_b'] = jnp.zeros((DEPTH, DIM), jnp.float32)
    inp['blk_msg_w1'] = w(ks[3], (DEPTH, 3 * DIM + 3, DIM))
    inp['blk_msg_w2'] = w(ks[4], (DEPTH, DIM, DIM))
    inp['blk_proj_w'] = w(ks[5], (DEPTH, DIM, DIM))
    inp['blk_ln2_g'] = jnp.ones((DEPTH, DIM), jnp.float32)
    inp['blk_ln2_b'] = jnp.zeros((DEPTH, DIM), jnp.float32)
    inp['blk_ffn_w1'] = w(ks[6], (DEPTH, DIM, HIDDEN))
    inp['blk_ffn_w2'] = w(ks[7], (DEPTH, HIDDEN, DIM))
    inp['norm_g'] = jnp.ones((DIM,), jnp.float32)
    inp['norm_b'] = jnp.zeros((DIM,), jnp.float32)
    return inp


def reference(points, stem_w1, stem_ln1_g, stem_ln1_b, stem_w2, stem_ln2_g, stem_ln2_b,
              blk_ln1_g, blk_ln1_b, blk_msg_w1, blk_msg_w2, blk_proj_w,
              blk_ln2_g, blk_ln2_b, blk_ffn_w1, blk_ffn_w2, norm_g, norm_b):
    xyz = points[:, :, :3]
    idx = knn_idx(xyz, K)
    x = jax.nn.relu(layer_norm(points @ stem_w1, stem_ln1_g, stem_ln1_b))
    x = jax.nn.relu(layer_norm(x @ stem_w2, stem_ln2_g, stem_ln2_b))
    for i in range(DEPTH):
        xn = layer_norm(x, blk_ln1_g[i], blk_ln1_b[i])
        neigh_x = index_points(xn, idx)
        x_i = jnp.broadcast_to(xn[:, :, None, :], neigh_x.shape)
        neigh_xyz = index_points(xyz, idx)
        rel = neigh_xyz - xyz[:, :, None, :]
        msg_in = jnp.concatenate([x_i, neigh_x, neigh_x - x_i, rel], axis=-1)
        msg = jax.nn.relu(msg_in @ blk_msg_w1[i])
        msg = jax.nn.relu(msg @ blk_msg_w2[i])
        agg = jnp.max(msg, axis=2)
        x = x + agg @ blk_proj_w[i]
        x2 = layer_norm(x, blk_ln2_g[i], blk_ln2_b[i])
        x = x + jax.nn.relu(x2 @ blk_ffn_w1[i]) @ blk_ffn_w2[i]
    x = layer_norm(x, norm_g, norm_b)
    return jnp.concatenate([jnp.mean(x, axis=1), jnp.max(x, axis=1)], axis=1)

if __name__ == "__main__":
    import jax
    _d = setup_inputs()
    print(jax.jit(kernel)(*tuple(_d.values())))

</pallas_src>

<mosaic_0001>
#map = affine_map<(d0, d1) -> (0, 0)>
#map1 = affine_map<(d0, d1) -> (0)>
module attributes {stable_mosaic.version = 14 : i64} {
  func.func @gather(%arg0: i32, %arg1: i32, %arg2: memref<8192x128xf32, #tpu.memory_space<hbm>>, %arg3: memref<131072xi32, #tpu.memory_space<hbm>>, %arg4: memref<131072x128xf32, #tpu.memory_space<hbm>>, %arg5: memref<128xi32, #tpu.memory_space<vmem>>, %arg6: memref<128xi32, #tpu.memory_space<vmem>>, %arg7: memref<128xi32, #tpu.memory_space<vmem>>, %arg8: memref<128xi32, #tpu.memory_space<vmem>>, %arg9: memref<128x128xf32, #tpu.memory_space<vmem>>, %arg10: memref<128x128xf32, #tpu.memory_space<vmem>>, %arg11: memref<128x128xf32, #tpu.memory_space<vmem>>, %arg12: memref<128x128xf32, #tpu.memory_space<vmem>>, %arg13: memref<!tpu.dma_semaphore, #tpu.memory_space<semaphore_mem>>, %arg14: memref<!tpu.dma_semaphore, #tpu.memory_space<semaphore_mem>>, %arg15: memref<!tpu.dma_semaphore, #tpu.memory_space<semaphore_mem>>, %arg16: memref<!tpu.dma_semaphore, #tpu.memory_space<semaphore_mem>>, %arg17: memref<!tpu.dma_semaphore, #tpu.memory_space<semaphore_mem>>, %arg18: memref<!tpu.dma_semaphore, #tpu.memory_space<semaphore_mem>>, %arg19: memref<!tpu.dma_semaphore, #tpu.memory_space<semaphore_mem>>, %arg20: memref<!tpu.dma_semaphore, #tpu.memory_space<semaphore_mem>>) attributes {dimension_semantics = [#tpu.dimension_semantics<core_parallel>, #tpu.dimension_semantics<subcore_parallel>], iteration_bounds = array<i64: 2, 16>, scalar_prefetch = 0 : i64, scratch_operands = 16 : i64, tpu.core_type = #tpu.core_type<sc_vector_subcore>, window_params = [{transform_indices = #map}, {transform_indices = #map1}, {transform_indices = #map}]} {
    %mul3A = arith.constant 2 : i32
    %mul3A_0 = arith.muli %arg1, %mul3A : i32
    %add3A = arith.addi %mul3A_0, %arg0 : i32
    %mul3A_1 = arith.constant 4096 : i32
    %mul3A_2 = arith.muli %add3A, %mul3A_1 : i32
    %add3A_3 = arith.constant 0 : i32
    %add3A_4 = arith.addi %mul3A_2, %add3A_3 : i32
    "tpu.region"() ({
      %run_scoped3A = tpu.sem_alloc : memref<!tpu.dma_semaphore, #tpu.memory_space<semaphore_mem>>
      %dma_start3A_52 = tpu.memref_slice %arg3[%add3A_4] : memref<131072xi32, #tpu.memory_space<hbm>> -> memref<128xi32, #tpu.memory_space<hbm>>
      %dma_start3A_53 = tpu.memref_slice %arg3[%add3A_4] : memref<131072xi32, #tpu.memory_space<hbm>> -> memref<128xi32, #tpu.memory_space<hbm>>
      tpu.enqueue_dma source(%dma_start3A_53 : memref<128xi32, #tpu.memory_space<hbm>>) target(%arg5 : memref<128xi32, #tpu.memory_space<vmem>>) target_semaphore(%run_scoped3A : memref<!tpu.dma_semaphore, #tpu.memory_space<semaphore_mem>>)
      %dma_wait3A_54 = tpu.memref_slice %arg3[%add3A_4] : memref<131072xi32, #tpu.memory_space<hbm>> -> memref<128xi32, #tpu.memory_space<hbm>>
      %dma_wait3A_55 = tpu.memref_slice %arg3[%add3A_4] : memref<131072xi32, #tpu.memory_space<hbm>> -> memref<128xi32, #tpu.memory_space<hbm>>
      tpu.wait_dma2 semaphore(%run_scoped3A : memref<!tpu.dma_semaphore, #tpu.memory_space<semaphore_mem>>) src(%dma_wait3A_55 : memref<128xi32, #tpu.memory_space<hbm>>) dst(%arg5 : memref<128xi32, #tpu.memory_space<vmem>>)
      tpu.yield
    }) : () -> ()
    %dma_start3A = arith.constant 0 : i32
    %dma_start3A_5 = arith.constant 0 : i32
    %dma_start3A_6 = tpu.memref_slice %arg2[%dma_start3A, %dma_start3A_5] : memref<8192x128xf32, #tpu.memory_space<hbm>> -> memref<8192x128xf32, #tpu.memory_space<hbm>>
    tpu.enqueue_indirect_dma source(%dma_start3A_6 : memref<8192x128xf32, #tpu.memory_space<hbm>>) target(%arg9 : memref<128x128xf32, #tpu.memory_space<vmem>>) offsets(%arg5 : memref<128xi32, #tpu.memory_space<vmem>>) semaphore(%arg13 : memref<!tpu.dma_semaphore, #tpu.memory_space<semaphore_mem>>)
    %add3A_7 = arith.constant 128 : i32
    %add3A_8 = arith.addi %mul3A_2, %add3A_7 : i32
    "tpu.region"() ({
      %run_scoped3A = tpu.sem_alloc : memref<!tpu.dma_semaphore, #tpu.memory_space<semaphore_mem>>
      %dma_start3A_52 = tpu.memref_slice %arg3[%add3A_8] : memref<131072xi32, #tpu.memory_space<hbm>> -> memref<128xi32, #tpu.memory_space<hbm>>
      %dma_start3A_53 = tpu.memref_slice %arg3[%add3A_8] : memref<131072xi32, #tpu.memory_space<hbm>> -> memref<128xi32, #tpu.memory_space<hbm>>
      tpu.enqueue_dma source(%dma_start3A_53 : memref<128xi32, #tpu.memory_space<hbm>>) target(%arg6 : memref<128xi32, #tpu.memory_space<vmem>>) target_semaphore(%run_scoped3A : memref<!tpu.dma_semaphore, #tpu.memory_space<semaphore_mem>>)
      %dma_wait3A_54 = tpu.memref_slice %arg3[%add3A_8] : memref<131072xi32, #tpu.memory_space<hbm>> -> memref<128xi32, #tpu.memory_space<hbm>>
      %dma_wait3A_55 = tpu.memref_slice %arg3[%add3A_8] : memref<131072xi32, #tpu.memory_space<hbm>> -> memref<128xi32, #tpu.memory_space<hbm>>
      tpu.wait_dma2 semaphore(%run_scoped3A : memref<!tpu.dma_semaphore, #tpu.memory_space<semaphore_mem>>) src(%dma_wait3A_55 : memref<128xi32, #tpu.memory_space<hbm>>) dst(%arg6 : memref<128xi32, #tpu.memory_space<vmem>>)
      tpu.yield
    }) : () -> ()
    %dma_start3A_9 = arith.constant 0 : i32
    %dma_start3A_10 = arith.constant 0 : i32
    %dma_start3A_11 = tpu.memref_slice %arg2[%dma_start3A_9, %dma_start3A_10] : memref<8192x128xf32, #tpu.memory_space<hbm>> -> memref<8192x128xf32, #tpu.memory_space<hbm>>
    tpu.enqueue_indirect_dma source(%dma_start3A_11 : memref<8192x128xf32, #tpu.memory_space<hbm>>) target(%arg10 : memref<128x128xf32, #tpu.memory_space<vmem>>) offsets(%arg6 : memref<128xi32, #tpu.memory_space<vmem>>) semaphore(%arg14 : memref<!tpu.dma_semaphore, #tpu.memory_space<semaphore_mem>>)
    %add3A_12 = arith.constant 256 : i32
    %add3A_13 = arith.addi %mul3A_2, %add3A_12 : i32
    "tpu.region"() ({
      %run_scoped3A = tpu.sem_alloc : memref<!tpu.dma_semaphore, #tpu.memory_space<semaphore_mem>>
      %dma_start3A_52 = tpu.memref_slice %arg3[%add3A_13] : memref<131072xi32, #tpu.memory_space<hbm>> -> memref<128xi32, #tpu.memory_space<hbm>>
      %dma_start3A_53 = tpu.memref_slice %arg3[%add3A_13] : memref<131072xi32, #tpu.memory_space<hbm>> -> memref<128xi32, #tpu.memory_space<hbm>>
      tpu.enqueue_dma source(%dma_start3A_53 : memref<128xi32, #tpu.memory_space<hbm>>) target(%arg7 : memref<128xi32, #tpu.memory_space<vmem>>) target_semaphore(%run_scoped3A : memref<!tpu.dma_semaphore, #tpu.memory_space<semaphore_mem>>)
      %dma_wait3A_54 = tpu.memref_slice %arg3[%add3A_13] : memref<131072xi32, #tpu.memory_space<hbm>> -> memref<128xi32, #tpu.memory_space<hbm>>
      %dma_wait3A_55 = tpu.memref_slice %arg3[%add3A_13] : memref<131072xi32, #tpu.memory_space<hbm>> -> memref<128xi32, #tpu.memory_space<hbm>>
      tpu.wait_dma2 semaphore(%run_scoped3A : memref<!tpu.dma_semaphore, #tpu.memory_space<semaphore_mem>>) src(%dma_wait3A_55 : memref<128xi32, #tpu.memory_space<hbm>>) dst(%arg7 : memref<128xi32, #tpu.memory_space<vmem>>)
      tpu.yield
    }) : () -> ()
    %dma_start3A_14 = arith.constant 0 : i32
    %dma_start3A_15 = arith.constant 0 : i32
    %dma_start3A_16 = tpu.memref_slice %arg2[%dma_start3A_14, %dma_start3A_15] : memref<8192x128xf32, #tpu.memory_space<hbm>> -> memref<8192x128xf32, #tpu.memory_space<hbm>>
    tpu.enqueue_indirect_dma source(%dma_start3A_16 : memref<8192x128xf32, #tpu.memory_space<hbm>>) target(%arg11 : memref<128x128xf32, #tpu.memory_space<vmem>>) offsets(%arg7 : memref<128xi32, #tpu.memory_space<vmem>>) semaphore(%arg15 : memref<!tpu.dma_semaphore, #tpu.memory_space<semaphore_mem>>)
    %add3A_17 = arith.constant 384 : i32
    %add3A_18 = arith.addi %mul3A_2, %add3A_17 : i32
    "tpu.region"() ({
      %run_scoped3A = tpu.sem_alloc : memref<!tpu.dma_semaphore, #tpu.memory_space<semaphore_mem>>
      %dma_start3A_52 = tpu.memref_slice %arg3[%add3A_18] : memref<131072xi32, #tpu.memory_space<hbm>> -> memref<128xi32, #tpu.memory_space<hbm>>
      %dma_start3A_53 = tpu.memref_slice %arg3[%add3A_18] : memref<131072xi32, #tpu.memory_space<hbm>> -> memref<128xi32, #tpu.memory_space<hbm>>
      tpu.enqueue_dma source(%dma_start3A_53 : memref<128xi32, #tpu.memory_space<hbm>>) target(%arg8 : memref<128xi32, #tpu.memory_space<vmem>>) target_semaphore(%run_scoped3A : memref<!tpu.dma_semaphore, #tpu.memory_space<semaphore_mem>>)
      %dma_wait3A_54 = tpu.memref_slice %arg3[%add3A_18] : memref<131072xi32, #tpu.memory_space<hbm>> -> memref<128xi32, #tpu.memory_space<hbm>>
      %dma_wait3A_55 = tpu.memref_slice %arg3[%add3A_18] : memref<131072xi32, #tpu.memory_space<hbm>> -> memref<128xi32, #tpu.memory_space<hbm>>
      tpu.wait_dma2 semaphore(%run_scoped3A : memref<!tpu.dma_semaphore, #tpu.memory_space<semaphore_mem>>) src(%dma_wait3A_55 : memref<128xi32, #tpu.memory_space<hbm>>) dst(%arg8 : memref<128xi32, #tpu.memory_space<vmem>>)
      tpu.yield
    }) : () -> ()
    %dma_start3A_19 = arith.constant 0 : i32
    %dma_start3A_20 = arith.constant 0 : i32
    %dma_start3A_21 = tpu.memref_slice %arg2[%dma_start3A_19, %dma_start3A_20] : memref<8192x128xf32, #tpu.memory_space<hbm>> -> memref<8192x128xf32, #tpu.memory_space<hbm>>
    tpu.enqueue_indirect_dma source(%dma_start3A_21 : memref<8192x128xf32, #tpu.memory_space<hbm>>) target(%arg12 : memref<128x128xf32, #tpu.memory_space<vmem>>) offsets(%arg8 : memref<128xi32, #tpu.memory_space<vmem>>) semaphore(%arg16 : memref<!tpu.dma_semaphore, #tpu.memory_space<semaphore_mem>>)
    %scan3A = arith.constant 0 : i32
    %scan3A_22 = arith.constant 0 : i32
    %scan3A_23 = arith.constant 8 : i32
    %scan3A_24 = arith.addi %scan3A_22, %scan3A_23 : i32
    %scan3A_25 = arith.constant 1 : i32
    scf.for %scan3A_52 = %scan3A_22 to %scan3A_24 step %scan3A_25  : i32 {
      %mul3A_53 = arith.constant 512 : i32
      %mul3A_54 = arith.muli %scan3A_52, %mul3A_53 : i32
      %add3A_55 = arith.addi %mul3A_2, %mul3A_54 : i32
      %dma_wait3A_56 = arith.constant 0 : i32
      %dma_wait3A_57 = arith.constant 0 : i32
      %dma_wait3A_58 = tpu.memref_slice %arg2[%dma_wait3A_56, %dma_wait3A_57] : memref<8192x128xf32, #tpu.memory_space<hbm>> -> memref<8192x128xf32, #tpu.memory_space<hbm>>
      tpu.wait_indirect_dma semaphore(%arg13 : memref<!tpu.dma_semaphore, #tpu.memory_space<semaphore_mem>>) src(%dma_wait3A_58 : memref<8192x128xf32, #tpu.memory_space<hbm>>) dst(%arg9 : memref<128x128xf32, #tpu.memory_space<vmem>>)
      %add3A_59 = arith.constant 0 : i32
      %add3A_60 = arith.addi %add3A_55, %add3A_59 : i32
      %dma_start3A_61 = arith.constant 0 : i32
      %dma_start3A_62 = tpu.memref_slice %arg4[%add3A_60, %dma_start3A_61] : memref<131072x128xf32, #tpu.memory_space<hbm>> -> memref<128x128xf32, #tpu.memory_space<hbm>>
      %dma_start3A_63 = arith.constant 0 : i32
      %dma_start3A_64 = tpu.memref_slice %arg4[%add3A_60, %dma_start3A_63] : memref<131072x128xf32, #tpu.memory_space<hbm>> -> memref<128x128xf32, #tpu.memory_space<hbm>>
      tpu.enqueue_dma source(%arg9 : memref<128x128xf32, #tpu.memory_space<vmem>>) target(%dma_start3A_64 : memref<128x128xf32, #tpu.memory_space<hbm>>) target_semaphore(%arg17 : memref<!tpu.dma_semaphore, #tpu.memory_space<semaphore_mem>>)
      %dma_wait3A_65 = arith.constant 0 : i32
      %dma_wait3A_66 = arith.constant 0 : i32
      %dma_wait3A_67 = tpu.memref_slice %arg2[%dma_wait3A_65, %dma_wait3A_66] : memref<8192x128xf32, #tpu.memory_space<hbm>> -> memref<8192x128xf32, #tpu.memory_space<hbm>>
      tpu.wait_indirect_dma semaphore(%arg14 : memref<!tpu.dma_semaphore, #tpu.memory_space<semaphore_mem>>) src(%dma_wait3A_67 : memref<8192x128xf32, #tpu.memory_space<hbm>>) dst(%arg10 : memref<128x128xf32, #tpu.memory_space<vmem>>)
      %add3A_68 = arith.constant 128 : i32
      %add3A_69 = arith.addi %add3A_55, %add3A_68 : i32
      %dma_start3A_70 = arith.constant 0 : i32
      %dma_start3A_71 = tpu.memref_slice %arg4[%add3A_69, %dma_start3A_70] : memref<131072x128xf32, #tpu.memory_space<hbm>> -> memref<128x128xf32, #tpu.memory_space<hbm>>
      %dma_start3A_72 = arith.constant 0 : i32
      %dma_start3A_73 = tpu.memref_slice %arg4[%add3A_69, %dma_start3A_72] : memref<131072x128xf32, #tpu.memory_space<hbm>> -> memref<128x128xf32, #tpu.memory_space<hbm>>
      tpu.enqueue_dma source(%arg10 : memref<128x128xf32, #tpu.memory_space<vmem>>) target(%dma_start3A_73 : memref<128x128xf32, #tpu.memory_space<hbm>>) target_semaphore(%arg18 : memref<!tpu.dma_semaphore, #tpu.memory_space<semaphore_mem>>)
      %dma_wait3A_74 = arith.constant 0 : i32
      %dma_wait3A_75 = arith.constant 0 : i32
      %dma_wait3A_76 = tpu.memref_slice %arg2[%dma_wait3A_74, %dma_wait3A_75] : memref<8192x128xf32, #tpu.memory_space<hbm>> -> memref<8192x128xf32, #tpu.memory_space<hbm>>
      tpu.wait_indirect_dma semaphore(%arg15 : memref<!tpu.dma_semaphore, #tpu.memory_space<semaphore_mem>>) src(%dma_wait3A_76 : memref<8192x128xf32, #tpu.memory_space<hbm>>) dst(%arg11 : memref<128x128xf32, #tpu.memory_space<vmem>>)
      %add3A_77 = arith.constant 256 : i32
      %add3A_78 = arith.addi %add3A_55, %add3A_77 : i32
      %dma_start3A_79 = arith.constant 0 : i32
      %dma_start3A_80 = tpu.memref_slice %arg4[%add3A_78, %dma_start3A_79] : memref<131072x128xf32, #tpu.memory_space<hbm>> -> memref<128x128xf32, #tpu.memory_space<hbm>>
      %dma_start3A_81 = arith.constant 0 : i32
      %dma_start3A_82 = tpu.memref_slice %arg4[%add3A_78, %dma_start3A_81] : memref<131072x128xf32, #tpu.memory_space<hbm>> -> memref<128x128xf32, #tpu.memory_space<hbm>>
      tpu.enqueue_dma source(%arg11 : memref<128x128xf32, #tpu.memory_space<vmem>>) target(%dma_start3A_82 : memref<128x128xf32, #tpu.memory_space<hbm>>) target_semaphore(%arg19 : memref<!tpu.dma_semaphore, #tpu.memory_space<semaphore_mem>>)
      %dma_wait3A_83 = arith.constant 0 : i32
      %dma_wait3A_84 = arith.constant 0 : i32
      %dma_wait3A_85 = tpu.memref_slice %arg2[%dma_wait3A_83, %dma_wait3A_84] : memref<8192x128xf32, #tpu.memory_space<hbm>> -> memref<8192x128xf32, #tpu.memory_space<hbm>>
      tpu.wait_indirect_dma semaphore(%arg16 : memref<!tpu.dma_semaphore, #tpu.memory_space<semaphore_mem>>) src(%dma_wait3A_85 : memref<8192x128xf32, #tpu.memory_space<hbm>>) dst(%arg12 : memref<128x128xf32, #tpu.memory_space<vmem>>)
      %add3A_86 = arith.constant 384 : i32
      %add3A_87 = arith.addi %add3A_55, %add3A_86 : i32
      %dma_start3A_88 = arith.constant 0 : i32
      %dma_start3A_89 = tpu.memref_slice %arg4[%add3A_87, %dma_start3A_88] : memref<131072x128xf32, #tpu.memory_space<hbm>> -> memref<128x128xf32, #tpu.memory_space<hbm>>
      %dma_start3A_90 = arith.constant 0 : i32
      %dma_start3A_91 = tpu.memref_slice %arg4[%add3A_87, %dma_start3A_90] : memref<131072x128xf32, #tpu.memory_space<hbm>> -> memref<128x128xf32, #tpu.memory_space<hbm>>
      tpu.enqueue_dma source(%arg12 : memref<128x128xf32, #tpu.memory_space<vmem>>) target(%dma_start3A_91 : memref<128x128xf32, #tpu.memory_space<hbm>>) target_semaphore(%arg20 : memref<!tpu.dma_semaphore, #tpu.memory_space<semaphore_mem>>)
      %lt3A = arith.constant 7 : i32
      %lt3A_92 = arith.cmpi slt, %scan3A_52, %lt3A : i32
      %convert_element_type3A = arith.extui %lt3A_92 : i1 to i32
      %cond3A = arith.constant 0 : i32
      %cond3A_93 = arith.cmpi ne, %convert_element_type3A, %cond3A : i32
      scf.if %cond3A_93 {
        %add3A_94 = arith.constant 512 : i32
        %add3A_95 = arith.addi %add3A_55, %add3A_94 : i32
        %add3A_96 = arith.constant 0 : i32
        %add3A_97 = arith.addi %add3A_95, %add3A_96 : i32
        "tpu.region"() ({
          %run_scoped3A = tpu.sem_alloc : memref<!tpu.dma_semaphore, #tpu.memory_space<semaphore_mem>>
          %dma_start3A_140 = tpu.memref_slice %arg3[%add3A_97] : memref<131072xi32, #tpu.memory_space<hbm>> -> memref<128xi32, #tpu.memory_space<hbm>>
          %dma_start3A_141 = tpu.memref_slice %arg3[%add3A_97] : memref<131072xi32, #tpu.memory_space<hbm>> -> memref<128xi32, #tpu.memory_space<hbm>>
          tpu.enqueue_dma source(%dma_start3A_141 : memref<128xi32, #tpu.memory_space<hbm>>) target(%arg5 : memref<128xi32, #tpu.memory_space<vmem>>) target_semaphore(%run_scoped3A : memref<!tpu.dma_semaphore, #tpu.memory_space<semaphore_mem>>)
          %dma_wait3A_142 = tpu.memref_slice %arg3[%add3A_97] : memref<131072xi32, #tpu.memory_space<hbm>> -> memref<128xi32, #tpu.memory_space<hbm>>
          %dma_wait3A_143 = tpu.memref_slice %arg3[%add3A_97] : memref<131072xi32, #tpu.memory_space<hbm>> -> memref<128xi32, #tpu.memory_space<hbm>>
          tpu.wait_dma2 semaphore(%run_scoped3A : memref<!tpu.dma_semaphore, #tpu.memory_space<semaphore_mem>>) src(%dma_wait3A_143 : memref<128xi32, #tpu.memory_space<hbm>>) dst(%arg5 : memref<128xi32, #tpu.memory_space<vmem>>)
          tpu.yield
        }) : () -> ()
        %add3A_98 = arith.constant 128 : i32
        %add3A_99 = arith.addi %add3A_95, %add3A_98 : i32
        "tpu.region"() ({
          %run_scoped3A = tpu.sem_alloc : memref<!tpu.dma_semaphore, #tpu.memory_space<semaphore_mem>>
          %dma_start3A_140 = tpu.memref_slice %arg3[%add3A_99] : memref<131072xi32, #tpu.memory_space<hbm>> -> memref<128xi32, #tpu.memory_space<hbm>>
          %dma_start3A_141 = tpu.memref_slice %arg3[%add3A_99] : memref<131072xi32, #tpu.memory_space<hbm>> -> memref<128xi32, #tpu.memory_space<hbm>>
          tpu.enqueue_dma source(%dma_start3A_141 : memref<128xi32, #tpu.memory_space<hbm>>) target(%arg6 : memref<128xi32, #tpu.memory_space<vmem>>) target_semaphore(%run_scoped3A : memref<!tpu.dma_semaphore, #tpu.memory_space<semaphore_mem>>)
          %dma_wait3A_142 = tpu.memref_slice %arg3[%add3A_99] : memref<131072xi32, #tpu.memory_space<hbm>> -> memref<128xi32, #tpu.memory_space<hbm>>
          %dma_wait3A_143 = tpu.memref_slice %arg3[%add3A_99] : memref<131072xi32, #tpu.memory_space<hbm>> -> memref<128xi32, #tpu.memory_space<hbm>>
          tpu.wait_dma2 semaphore(%run_scoped3A : memref<!tpu.dma_semaphore, #tpu.memory_space<semaphore_mem>>) src(%dma_wait3A_143 : memref<128xi32, #tpu.memory_space<hbm>>) dst(%arg6 : memref<128xi32, #tpu.memory_space<vmem>>)
          tpu.yield
        }) : () -> ()
        %add3A_100 = arith.constant 256 : i32
        %add3A_101 = arith.addi %add3A_95, %add3A_100 : i32
        "tpu.region"() ({
          %run_scoped3A = tpu.sem_alloc : memref<!tpu.dma_semaphore, #tpu.memory_space<semaphore_mem>>
          %dma_start3A_140 = tpu.memref_slice %arg3[%add3A_101] : memref<131072xi32, #tpu.memory_space<hbm>> -> memref<128xi32, #tpu.memory_space<hbm>>
          %dma_start3A_141 = tpu.memref_slice %arg3[%add3A_101] : memref<131072xi32, #tpu.memory_space<hbm>> -> memref<128xi32, #tpu.memory_space<hbm>>
          tpu.enqueue_dma source(%dma_start3A_141 : memref<128xi32, #tpu.memory_space<hbm>>) target(%arg7 : memref<128xi32, #tpu.memory_space<vmem>>) target_semaphore(%run_scoped3A : memref<!tpu.dma_semaphore, #tpu.memory_space<semaphore_mem>>)
          %dma_wait3A_142 = tpu.memref_slice %arg3[%add3A_101] : memref<131072xi32, #tpu.memory_space<hbm>> -> memref<128xi32, #tpu.memory_space<hbm>>
          %dma_wait3A_143 = tpu.memref_slice %arg3[%add3A_101] : memref<131072xi32, #tpu.memory_space<hbm>> -> memref<128xi32, #tpu.memory_space<hbm>>
          tpu.wait_dma2 semaphore(%run_scoped3A : memref<!tpu.dma_semaphore, #tpu.memory_space<semaphore_mem>>) src(%dma_wait3A_143 : memref<128xi32, #tpu.memory_space<hbm>>) dst(%arg7 : memref<128xi32, #tpu.memory_space<vmem>>)
          tpu.yield
        }) : () -> ()
        %add3A_102 = arith.constant 384 : i32
        %add3A_103 = arith.addi %add3A_95, %add3A_102 : i32
        "tpu.region"() ({
          %run_scoped3A = tpu.sem_alloc : memref<!tpu.dma_semaphore, #tpu.memory_space<semaphore_mem>>
          %dma_start3A_140 = tpu.memref_slice %arg3[%add3A_103] : memref<131072xi32, #tpu.memory_space<hbm>> -> memref<128xi32, #tpu.memory_space<hbm>>
          %dma_start3A_141 = tpu.memref_slice %arg3[%add3A_103] : memref<131072xi32, #tpu.memory_space<hbm>> -> memref<128xi32, #tpu.memory_space<hbm>>
          tpu.enqueue_dma source(%dma_start3A_141 : memref<128xi32, #tpu.memory_space<hbm>>) target(%arg8 : memref<128xi32, #tpu.memory_space<vmem>>) target_semaphore(%run_scoped3A : memref<!tpu.dma_semaphore, #tpu.memory_space<semaphore_mem>>)
          %dma_wait3A_142 = tpu.memref_slice %arg3[%add3A_103] : memref<131072xi32, #tpu.memory_space<hbm>> -> memref<128xi32, #tpu.memory_space<hbm>>
          %dma_wait3A_143 = tpu.memref_slice %arg3[%add3A_103] : memref<131072xi32, #tpu.memory_space<hbm>> -> memref<128xi32, #tpu.memory_space<hbm>>
          tpu.wait_dma2 semaphore(%run_scoped3A : memref<!tpu.dma_semaphore, #tpu.memory_space<semaphore_mem>>) src(%dma_wait3A_143 : memref<128xi32, #tpu.memory_space<hbm>>) dst(%arg8 : memref<128xi32, #tpu.memory_space<vmem>>)
          tpu.yield
        }) : () -> ()
        %add3A_104 = arith.constant 0 : i32
        %add3A_105 = arith.addi %add3A_55, %add3A_104 : i32
        %dma_wait3A_106 = arith.constant 0 : i32
        %dma_wait3A_107 = tpu.memref_slice %arg4[%add3A_105, %dma_wait3A_106] : memref<131072x128xf32, #tpu.memory_space<hbm>> -> memref<128x128xf32, #tpu.memory_space<hbm>>
        %dma_wait3A_108 = arith.constant 0 : i32
        %dma_wait3A_109 = tpu.memref_slice %arg4[%add3A_105, %dma_wait3A_108] : memref<131072x128xf32, #tpu.memory_space<hbm>> -> memref<128x128xf32, #tpu.memory_space<hbm>>
        tpu.wait_dma2 semaphore(%arg17 : memref<!tpu.dma_semaphore, #tpu.memory_space<semaphore_mem>>) src(%arg9 : memref<128x128xf32, #tpu.memory_space<vmem>>) dst(%dma_wait3A_109 : memref<128x128xf32, #tpu.memory_space<hbm>>)
        %dma_start3A_110 = arith.constant 0 : i32
        %dma_start3A_111 = arith.constant 0 : i32
        %dma_start3A_112 = tpu.memref_slice %arg2[%dma_start3A_110, %dma_start3A_111] : memref<8192x128xf32, #tpu.memory_space<hbm>> -> memref<8192x128xf32, #tpu.memory_space<hbm>>
        tpu.enqueue_indirect_dma source(%dma_start3A_112 : memref<8192x128xf32, #tpu.memory_space<hbm>>) target(%arg9 : memref<128x128xf32, #tpu.memory_space<vmem>>) offsets(%arg5 : memref<128xi32, #tpu.memory_space<vmem>>) semaphore(%arg13 : memref<!tpu.dma_semaphore, #tpu.memory_space<semaphore_mem>>)
        %add3A_113 = arith.constant 128 : i32
        %add3A_114 = arith.addi %add3A_55, %add3A_113 : i32
        %dma_wait3A_115 = arith.constant 0 : i32
        %dma_wait3A_116 = tpu.memref_slice %arg4[%add3A_114, %dma_wait3A_115] : memref<131072x128xf32, #tpu.memory_space<hbm>> -> memref<128x128xf32, #tpu.memory_space<hbm>>
        %dma_wait3A_117 = arith.constant 0 : i32
        %dma_wait3A_118 = tpu.memref_slice %arg4[%add3A_114, %dma_wait3A_117] : memref<131072x128xf32, #tpu.memory_space<hbm>> -> memref<128x128xf32, #tpu.memory_space<hbm>>
        tpu.wait_dma2 semaphore(%arg18 : memref<!tpu.dma_semaphore, #tpu.memory_space<semaphore_mem>>) src(%arg10 : memref<128x128xf32, #tpu.memory_space<vmem>>) dst(%dma_wait3A_118 : memref<128x128xf32, #tpu.memory_space<hbm>>)
        %dma_start3A_119 = arith.constant 0 : i32
        %dma_start3A_120 = arith.constant 0 : i32
        %dma_start3A_121 = tpu.memref_slice %arg2[%dma_start3A_119, %dma_start3A_120] : memref<8192x128xf32, #tpu.memory_space<hbm>> -> memref<8192x128xf32, #tpu.memory_space<hbm>>
        tpu.enqueue_indirect_dma source(%dma_start3A_121 : memref<8192x128xf32, #tpu.memory_space<hbm>>) target(%arg10 : memref<128x128xf32, #tpu.memory_space<vmem>>) offsets(%arg6 : memref<128xi32, #tpu.memory_space<vmem>>) semaphore(%arg14 : memref<!tpu.dma_semaphore, #tpu.memory_space<semaphore_mem>>)
        %add3A_122 = arith.constant 256 : i32
        %add3A_123 = arith.addi %add3A_55, %add3A_122 : i32
        %dma_wait3A_124 = arith.constant 0 : i32
        %dma_wait3A_125 = tpu.memref_slice %arg4[%add3A_123, %dma_wait3A_124] : memref<131072x128xf32, #tpu.memory_space<hbm>> -> memref<128x128xf32, #tpu.memory_space<hbm>>
        %dma_wait3A_126 = arith.constant 0 : i32
        %dma_wait3A_127 = tpu.memref_slice %arg4[%add3A_123, %dma_wait3A_126] : memref<131072x128xf32, #tpu.memory_space<hbm>> -> memref<128x128xf32, #tpu.memory_space<hbm>>
        tpu.wait_dma2 semaphore(%arg19 : memref<!tpu.dma_semaphore, #tpu.memory_space<semaphore_mem>>) src(%arg11 : memref<128x128xf32, #tpu.memory_space<vmem>>) dst(%dma_wait3A_127 : memref<128x128xf32, #tpu.memory_space<hbm>>)
        %dma_start3A_128 = arith.constant 0 : i32
        %dma_start3A_129 = arith.constant 0 : i32
        %dma_start3A_130 = tpu.memref_slice %arg2[%dma_start3A_128, %dma_start3A_129] : memref<8192x128xf32, #tpu.memory_space<hbm>> -> memref<8192x128xf32, #tpu.memory_space<hbm>>
        tpu.enqueue_indirect_dma source(%dma_start3A_130 : memref<8192x128xf32, #tpu.memory_space<hbm>>) target(%arg11 : memref<128x128xf32, #tpu.memory_space<vmem>>) offsets(%arg7 : memref<128xi32, #tpu.memory_space<vmem>>) semaphore(%arg15 : memref<!tpu.dma_semaphore, #tpu.memory_space<semaphore_mem>>)
        %add3A_131 = arith.constant 384 : i32
        %add3A_132 = arith.addi %add3A_55, %add3A_131 : i32
        %dma_wait3A_133 = arith.constant 0 : i32
        %dma_wait3A_134 = tpu.memref_slice %arg4[%add3A_132, %dma_wait3A_133] : memref<131072x128xf32, #tpu.memory_space<hbm>> -> memref<128x128xf32, #tpu.memory_space<hbm>>
        %dma_wait3A_135 = arith.constant 0 : i32
        %dma_wait3A_136 = tpu.memref_slice %arg4[%add3A_132, %dma_wait3A_135] : memref<131072x128xf32, #tpu.memory_space<hbm>> -> memref<128x128xf32, #tpu.memory_space<hbm>>
        tpu.wait_dma2 semaphore(%arg20 : memref<!tpu.dma_semaphore, #tpu.memory_space<semaphore_mem>>) src(%arg12 : memref<128x128xf32, #tpu.memory_space<vmem>>) dst(%dma_wait3A_136 : memref<128x128xf32, #tpu.memory_space<hbm>>)
        %dma_start3A_137 = arith.constant 0 : i32
        %dma_start3A_138 = arith.constant 0 : i32
        %dma_start3A_139 = tpu.memref_slice %arg2[%dma_start3A_137, %dma_start3A_138] : memref<8192x128xf32, #tpu.memory_space<hbm>> -> memref<8192x128xf32, #tpu.memory_space<hbm>>
        tpu.enqueue_indirect_dma source(%dma_start3A_139 : memref<8192x128xf32, #tpu.memory_space<hbm>>) target(%arg12 : memref<128x128xf32, #tpu.memory_space<vmem>>) offsets(%arg8 : memref<128xi32, #tpu.memory_space<vmem>>) semaphore(%arg16 : memref<!tpu.dma_semaphore, #tpu.memory_space<semaphore_mem>>)
      } else {
      }
    }
    %scan3A_26 = arith.constant 8 : i32
    %add3A_27 = arith.constant 3584 : i32
    %add3A_28 = arith.addi %mul3A_2, %add3A_27 : i32
    %add3A_29 = arith.constant 0 : i32
    %add3A_30 = arith.addi %add3A_28, %add3A_29 : i32
    %dma_wait3A = arith.constant 0 : i32
    %dma_wait3A_31 = tpu.memref_slice %arg4[%add3A_30, %dma_wait3A] : memref<131072x128xf32, #tpu.memory_space<hbm>> -> memref<128x128xf32, #tpu.memory_space<hbm>>
    %dma_wait3A_32 = arith.constant 0 : i32
    %dma_wait3A_33 = tpu.memref_slice %arg4[%add3A_30, %dma_wait3A_32] : memref<131072x128xf32, #tpu.memory_space<hbm>> -> memref<128x128xf32, #tpu.memory_space<hbm>>
    tpu.wait_dma2 semaphore(%arg17 : memref<!tpu.dma_semaphore, #tpu.memory_space<semaphore_mem>>) src(%arg9 : memref<128x128xf32, #tpu.memory_space<vmem>>) dst(%dma_wait3A_33 : memref<128x128xf32, #tpu.memory_space<hbm>>)
    %add3A_34 = arith.constant 128 : i32
    %add3A_35 = arith.addi %add3A_28, %add3A_34 : i32
    %dma_wait3A_36 = arith.constant 0 : i32
    %dma_wait3A_37 = tpu.memref_slice %arg4[%add3A_35, %dma_wait3A_36] : memref<131072x128xf32, #tpu.memory_space<hbm>> -> memref<128x128xf32, #tpu.memory_space<hbm>>
    %dma_wait3A_38 = arith.constant 0 : i32
    %dma_wait3A_39 = tpu.memref_slice %arg4[%add3A_35, %dma_wait3A_38] : memref<131072x128xf32, #tpu.memory_space<hbm>> -> memref<128x128xf32, #tpu.memory_space<hbm>>
    tpu.wait_dma2 semaphore(%arg18 : memref<!tpu.dma_semaphore, #tpu.memory_space<semaphore_mem>>) src(%arg10 : memref<128x128xf32, #tpu.memory_space<vmem>>) dst(%dma_wait3A_39 : memref<128x128xf32, #tpu.memory_space<hbm>>)
    %add3A_40 = arith.constant 256 : i32
    %add3A_41 = arith.addi %add3A_28, %add3A_40 : i32
    %dma_wait3A_42 = arith.constant 0 : i32
    %dma_wait3A_43 = tpu.memref_slice %arg4[%add3A_41, %dma_wait3A_42] : memref<131072x128xf32, #tpu.memory_space<hbm>> -> memref<128x128xf32, #tpu.memory_space<hbm>>
    %dma_wait3A_44 = arith.constant 0 : i32
    %dma_wait3A_45 = tpu.memref_slice %arg4[%add3A_41, %dma_wait3A_44] : memref<131072x128xf32, #tpu.memory_space<hbm>> -> memref<128x128xf32, #tpu.memory_space<hbm>>
    tpu.wait_dma2 semaphore(%arg19 : memref<!tpu.dma_semaphore, #tpu.memory_space<semaphore_mem>>) src(%arg11 : memref<128x128xf32, #tpu.memory_space<vmem>>) dst(%dma_wait3A_45 : memref<128x128xf32, #tpu.memory_space<hbm>>)
    %add3A_46 = arith.constant 384 : i32
    %add3A_47 = arith.addi %add3A_28, %add3A_46 : i32
    %dma_wait3A_48 = arith.constant 0 : i32
    %dma_wait3A_49 = tpu.memref_slice %arg4[%add3A_47, %dma_wait3A_48] : memref<131072x128xf32, #tpu.memory_space<hbm>> -> memref<128x128xf32, #tpu.memory_space<hbm>>
    %dma_wait3A_50 = arith.constant 0 : i32
    %dma_wait3A_51 = tpu.memref_slice %arg4[%add3A_47, %dma_wait3A_50] : memref<131072x128xf32, #tpu.memory_space<hbm>> -> memref<128x128xf32, #tpu.memory_space<hbm>>
    tpu.wait_dma2 semaphore(%arg20 : memref<!tpu.dma_semaphore, #tpu.memory_space<semaphore_mem>>) src(%arg12 : memref<128x128xf32, #tpu.memory_space<vmem>>) dst(%dma_wait3A_51 : memref<128x128xf32, #tpu.memory_space<hbm>>)
    return
  }
}

#map = affine_map<(d0, d1) -> (0, 0)>
#map1 = affine_map<(d0, d1) -> (0)>
module attributes {stable_mosaic.version = 14 : i64} {
  func.func @gather(%arg0: i32, %arg1: i32, %arg2: memref<8192x128xf32, #tpu.memory_space<hbm>>, %arg3: memref<131072xi32, #tpu.memory_space<hbm>>, %arg4: memref<131072x128xf32, #tpu.memory_space<hbm>>, %arg5: memref<128xi32, #tpu.memory_space<vmem>>, %arg6: memref<128xi32, #tpu.memory_space<vmem>>, %arg7: memref<128xi32, #tpu.memory_space<vmem>>, %arg8: memref<128xi32, #tpu.memory_space<vmem>>, %arg9: memref<128x128xf32, #tpu.memory_space<vmem>>, %arg10: memref<128x128xf32, #tpu.memory_space<vmem>>, %arg11: memref<128x128xf32, #tpu.memory_space<vmem>>, %arg12: memref<128x128xf32, #tpu.memory_space<vmem>>, %arg13: memref<!tpu.dma_semaphore, #tpu.memory_space<semaphore_mem>>, %arg14: memref<!tpu.dma_semaphore, #tpu.memory_space<semaphore_mem>>, %arg15: memref<!tpu.dma_semaphore, #tpu.memory_space<semaphore_mem>>, %arg16: memref<!tpu.dma_semaphore, #tpu.memory_space<semaphore_mem>>, %arg17: memref<!tpu.dma_semaphore, #tpu.memory_space<semaphore_mem>>, %arg18: memref<!tpu.dma_semaphore, #tpu.memory_space<semaphore_mem>>, %arg19: memref<!tpu.dma_semaphore, #tpu.memory_space<semaphore_mem>>, %arg20: memref<!tpu.dma_semaphore, #tpu.memory_space<semaphore_mem>>) attributes {dimension_semantics = [#tpu.dimension_semantics<core_parallel>, #tpu.dimension_semantics<subcore_parallel>], iteration_bounds = array<i64: 2, 16>, scalar_prefetch = 0 : i64, scratch_operands = 16 : i64, tpu.core_type = #tpu.core_type<sc_vector_subcore>, window_params = [{transform_indices = #map}, {transform_indices = #map1}, {transform_indices = #map}]} {
    %mul3A = arith.constant 2 : i32
    %mul3A_0 = arith.muli %arg1, %mul3A : i32
    %add3A = arith.addi %mul3A_0, %arg0 : i32
    %mul3A_1 = arith.constant 4096 : i32
    %mul3A_2 = arith.muli %add3A, %mul3A_1 : i32
    %add3A_3 = arith.constant 0 : i32
    %add3A_4 = arith.addi %mul3A_2, %add3A_3 : i32
    "tpu.region"() ({
      %run_scoped3A = tpu.sem_alloc : memref<!tpu.dma_semaphore, #tpu.memory_space<semaphore_mem>>
      %dma_start3A_52 = tpu.memref_slice %arg3[%add3A_4] : memref<131072xi32, #tpu.memory_space<hbm>> -> memref<128xi32, #tpu.memory_space<hbm>>
      %dma_start3A_53 = tpu.memref_slice %arg3[%add3A_4] : memref<131072xi32, #tpu.memory_space<hbm>> -> memref<128xi32, #tpu.memory_space<hbm>>
      tpu.enqueue_dma source(%dma_start3A_53 : memref<128xi32, #tpu.memory_space<hbm>>) target(%arg5 : memref<128xi32, #tpu.memory_space<vmem>>) target_semaphore(%run_scoped3A : memref<!tpu.dma_semaphore, #tpu.memory_space<semaphore_mem>>)
      %dma_wait3A_54 = tpu.memref_slice %arg3[%add3A_4] : memref<131072xi32, #tpu.memory_space<hbm>> -> memref<128xi32, #tpu.memory_space<hbm>>
      %dma_wait3A_55 = tpu.memref_slice %arg3[%add3A_4] : memref<131072xi32, #tpu.memory_space<hbm>> -> memref<128xi32, #tpu.memory_space<hbm>>
      tpu.wait_dma2 semaphore(%run_scoped3A : memref<!tpu.dma_semaphore, #tpu.memory_space<semaphore_mem>>) src(%dma_wait3A_55 : memref<128xi32, #tpu.memory_space<hbm>>) dst(%arg5 : memref<128xi32, #tpu.memory_space<vmem>>)
      tpu.yield
    }) : () -> ()
    %dma_start3A = arith.constant 0 : i32
    %dma_start3A_5 = arith.constant 0 : i32
    %dma_start3A_6 = tpu.memref_slice %arg2[%dma_start3A, %dma_start3A_5] : memref<8192x128xf32, #tpu.memory_space<hbm>> -> memref<8192x128xf32, #tpu.memory_space<hbm>>
    tpu.enqueue_indirect_dma source(%dma_start3A_6 : memref<8192x128xf32, #tpu.memory_space<hbm>>) target(%arg9 : memref<128x128xf32, #tpu.memory_space<vmem>>) offsets(%arg5 : memref<128xi32, #tpu.memory_space<vmem>>) semaphore(%arg13 : memref<!tpu.dma_semaphore, #tpu.memory_space<semaphore_mem>>)
    %add3A_7 = arith.constant 128 : i32
    %add3A_8 = arith.addi %mul3A_2, %add3A_7 : i32
    "tpu.region"() ({
      %run_scoped3A = tpu.sem_alloc : memref<!tpu.dma_semaphore, #tpu.memory_space<semaphore_mem>>
      %dma_start3A_52 = tpu.memref_slice %arg3[%add3A_8] : memref<131072xi32, #tpu.memory_space<hbm>> -> memref<128xi32, #tpu.memory_space<hbm>>
      %dma_start3A_53 = tpu.memref_slice %arg3[%add3A_8] : memref<131072xi32, #tpu.memory_space<hbm>> -> memref<128xi32, #tpu.memory_space<hbm>>
      tpu.enqueue_dma source(%dma_start3A_53 : memref<128xi32, #tpu.memory_space<hbm>>) target(%arg6 : memref<128xi32, #tpu.memory_space<vmem>>) target_semaphore(%run_scoped3A : memref<!tpu.dma_semaphore, #tpu.memory_space<semaphore_mem>>)
      %dma_wait3A_54 = tpu.memref_slice %arg3[%add3A_8] : memref<131072xi32, #tpu.memory_space<hbm>> -> memref<128xi32, #tpu.memory_space<hbm>>
      %dma_wait3A_55 = tpu.memref_slice %arg3[%add3A_8] : memref<131072xi32, #tpu.memory_space<hbm>> -> memref<128xi32, #tpu.memory_space<hbm>>
      tpu.wait_dma2 semaphore(%run_scoped3A : memref<!tpu.dma_semaphore, #tpu.memory_space<semaphore_mem>>) src(%dma_wait3A_55 : memref<128xi32, #tpu.memory_space<hbm>>) dst(%arg6 : memref<128xi32, #tpu.memory_space<vmem>>)
      tpu.yield
    }) : () -> ()
    %dma_start3A_9 = arith.constant 0 : i32
    %dma_start3A_10 = arith.constant 0 : i32
    %dma_start3A_11 = tpu.memref_slice %arg2[%dma_start3A_9, %dma_start3A_10] : memref<8192x128xf32, #tpu.memory_space<hbm>> -> memref<8192x128xf32, #tpu.memory_space<hbm>>
    tpu.enqueue_indirect_dma source(%dma_start3A_11 : memref<8192x128xf32, #tpu.memory_space<hbm>>) target(%arg10 : memref<128x128xf32, #tpu.memory_space<vmem>>) offsets(%arg6 : memref<128xi32, #tpu.memory_space<vmem>>) semaphore(%arg14 : memref<!tpu.dma_semaphore, #tpu.memory_space<semaphore_mem>>)
    %add3A_12 = arith.constant 256 : i32
    %add3A_13 = arith.addi %mul3A_2, %add3A_12 : i32
    "tpu.region"() ({
      %run_scoped3A = tpu.sem_alloc : memref<!tpu.dma_semaphore, #tpu.memory_space<semaphore_mem>>
      %dma_start3A_52 = tpu.memref_slice %arg3[%add3A_13] : memref<131072xi32, #tpu.memory_space<hbm>> -> memref<128xi32, #tpu.memory_space<hbm>>
      %dma_start3A_53 = tpu.memref_slice %arg3[%add3A_13] : memref<131072xi32, #tpu.memory_space<hbm>> -> memref<128xi32, #tpu.memory_space<hbm>>
      tpu.enqueue_dma source(%dma_start3A_53 : memref<128xi32, #tpu.memory_space<hbm>>) target(%arg7 : memref<128xi32, #tpu.memory_space<vmem>>) target_semaphore(%run_scoped3A : memref<!tpu.dma_semaphore, #tpu.memory_space<semaphore_mem>>)
      %dma_wait3A_54 = tpu.memref_slice %arg3[%add3A_13] : memref<131072xi32, #tpu.memory_space<hbm>> -> memref<128xi32, #tpu.memory_space<hbm>>
      %dma_wait3A_55 = tpu.memref_slice %arg3[%add3A_13] : memref<131072xi32, #tpu.memory_space<hbm>> -> memref<128xi32, #tpu.memory_space<hbm>>
      tpu.wait_dma2 semaphore(%run_scoped3A : memref<!tpu.dma_semaphore, #tpu.memory_space<semaphore_mem>>) src(%dma_wait3A_55 : memref<128xi32, #tpu.memory_space<hbm>>) dst(%arg7 : memref<128xi32, #tpu.memory_space<vmem>>)
      tpu.yield
    }) : () -> ()
    %dma_start3A_14 = arith.constant 0 : i32
    %dma_start3A_15 = arith.constant 0 : i32
    %dma_start3A_16 = tpu.memref_slice %arg2[%dma_start3A_14, %dma_start3A_15] : memref<8192x128xf32, #tpu.memory_space<hbm>> -> memref<8192x128xf32, #tpu.memory_space<hbm>>
    tpu.enqueue_indirect_dma source(%dma_start3A_16 : memref<8192x128xf32, #tpu.memory_space<hbm>>) target(%arg11 : memref<128x128xf32, #tpu.memory_space<vmem>>) offsets(%arg7 : memref<128xi32, #tpu.memory_space<vmem>>) semaphore(%arg15 : memref<!tpu.dma_semaphore, #tpu.memory_space<semaphore_mem>>)
    %add3A_17 = arith.constant 384 : i32
    %add3A_18 = arith.addi %mul3A_2, %add3A_17 : i32
    "tpu.region"() ({
      %run_scoped3A = tpu.sem_alloc : memref<!tpu.dma_semaphore, #tpu.memory_space<semaphore_mem>>
      %dma_start3A_52 = tpu.memref_slice %arg3[%add3A_18] : memref<131072xi32, #tpu.memory_space<hbm>> -> memref<128xi32, #tpu.memory_space<hbm>>
      %dma_start3A_53 = tpu.memref_slice %arg3[%add3A_18] : memref<131072xi32, #tpu.memory_space<hbm>> -> memref<128xi32, #tpu.memory_space<hbm>>
      tpu.enqueue_dma source(%dma_start3A_53 : memref<128xi32, #tpu.memory_space<hbm>>) target(%arg8 : memref<128xi32, #tpu.memory_space<vmem>>) target_semaphore(%run_scoped3A : memref<!tpu.dma_semaphore, #tpu.memory_space<semaphore_mem>>)
      %dma_wait3A_54 = tpu.memref_slice %arg3[%add3A_18] : memref<131072xi32, #tpu.memory_space<hbm>> -> memref<128xi32, #tpu.memory_space<hbm>>
      %dma_wait3A_55 = tpu.memref_slice %arg3[%add3A_18] : memref<131072xi32, #tpu.memory_space<hbm>> -> memref<128xi32, #tpu.memory_space<hbm>>
      tpu.wait_dma2 semaphore(%run_scoped3A : memref<!tpu.dma_semaphore, #tpu.memory_space<semaphore_mem>>) src(%dma_wait3A_55 : memref<128xi32, #tpu.memory_space<hbm>>) dst(%arg8 : memref<128xi32, #tpu.memory_space<vmem>>)
      tpu.yield
    }) : () -> ()
    %dma_start3A_19 = arith.constant 0 : i32
    %dma_start3A_20 = arith.constant 0 : i32
    %dma_start3A_21 = tpu.memref_slice %arg2[%dma_start3A_19, %dma_start3A_20] : memref<8192x128xf32, #tpu.memory_space<hbm>> -> memref<8192x128xf32, #tpu.memory_space<hbm>>
    tpu.enqueue_indirect_dma source(%dma_start3A_21 : memref<8192x128xf32, #tpu.memory_space<hbm>>) target(%arg12 : memref<128x128xf32, #tpu.memory_space<vmem>>) offsets(%arg8 : memref<128xi32, #tpu.memory_space<vmem>>) semaphore(%arg16 : memref<!tpu.dma_semaphore, #tpu.memory_space<semaphore_mem>>)
    %scan3A = arith.constant 0 : i32
    %scan3A_22 = arith.constant 0 : i32
    %scan3A_23 = arith.constant 8 : i32
    %scan3A_24 = arith.addi %scan3A_22, %scan3A_23 : i32
    %scan3A_25 = arith.constant 1 : i32
    scf.for %scan3A_52 = %scan3A_22 to %scan3A_24 step %scan3A_25  : i32 {
      %mul3A_53 = arith.constant 512 : i32
      %mul3A_54 = arith.muli %scan3A_52, %mul3A_53 : i32
      %add3A_55 = arith.addi %mul3A_2, %mul3A_54 : i32
      %dma_wait3A_56 = arith.constant 0 : i32
      %dma_wait3A_57 = arith.constant 0 : i32
      %dma_wait3A_58 = tpu.memref_slice %arg2[%dma_wait3A_56, %dma_wait3A_57] : memref<8192x128xf32, #tpu.memory_space<hbm>> -> memref<8192x128xf32, #tpu.memory_space<hbm>>
      tpu.wait_indirect_dma semaphore(%arg13 : memref<!tpu.dma_semaphore, #tpu.memory_space<semaphore_mem>>) src(%dma_wait3A_58 : memref<8192x128xf32, #tpu.memory_space<hbm>>) dst(%arg9 : memref<128x128xf32, #tpu.memory_space<vmem>>)
      %add3A_59 = arith.constant 0 : i32
      %add3A_60 = arith.addi %add3A_55, %add3A_59 : i32
      %dma_start3A_61 = arith.constant 0 : i32
      %dma_start3A_62 = tpu.memref_slice %arg4[%add3A_60, %dma_start3A_61] : memref<131072x128xf32, #tpu.memory_space<hbm>> -> memref<128x128xf32, #tpu.memory_space<hbm>>
      %dma_start3A_63 = arith.constant 0 : i32
      %dma_start3A_64 = tpu.memref_slice %arg4[%add3A_60, %dma_start3A_63] : memref<131072x128xf32, #tpu.memory_space<hbm>> -> memref<128x128xf32, #tpu.memory_space<hbm>>
      tpu.enqueue_dma source(%arg9 : memref<128x128xf32, #tpu.memory_space<vmem>>) target(%dma_start3A_64 : memref<128x128xf32, #tpu.memory_space<hbm>>) target_semaphore(%arg17 : memref<!tpu.dma_semaphore, #tpu.memory_space<semaphore_mem>>)
      %dma_wait3A_65 = arith.constant 0 : i32
      %dma_wait3A_66 = arith.constant 0 : i32
      %dma_wait3A_67 = tpu.memref_slice %arg2[%dma_wait3A_65, %dma_wait3A_66] : memref<8192x128xf32, #tpu.memory_space<hbm>> -> memref<8192x128xf32, #tpu.memory_space<hbm>>
      tpu.wait_indirect_dma semaphore(%arg14 : memref<!tpu.dma_semaphore, #tpu.memory_space<semaphore_mem>>) src(%dma_wait3A_67 : memref<8192x128xf32, #tpu.memory_space<hbm>>) dst(%arg10 : memref<128x128xf32, #tpu.memory_space<vmem>>)
      %add3A_68 = arith.constant 128 : i32
      %add3A_69 = arith.addi %add3A_55, %add3A_68 : i32
      %dma_start3A_70 = arith.constant 0 : i32
      %dma_start3A_71 = tpu.memref_slice %arg4[%add3A_69, %dma_start3A_70] : memref<131072x128xf32, #tpu.memory_space<hbm>> -> memref<128x128xf32, #tpu.memory_space<hbm>>
      %dma_start3A_72 = arith.constant 0 : i32
      %dma_start3A_73 = tpu.memref_slice %arg4[%add3A_69, %dma_start3A_72] : memref<131072x128xf32, #tpu.memory_space<hbm>> -> memref<128x128xf32, #tpu.memory_space<hbm>>
      tpu.enqueue_dma source(%arg10 : memref<128x128xf32, #tpu.memory_space<vmem>>) target(%dma_start3A_73 : memref<128x128xf32, #tpu.memory_space<hbm>>) target_semaphore(%arg18 : memref<!tpu.dma_semaphore, #tpu.memory_space<semaphore_mem>>)
      %dma_wait3A_74 = arith.constant 0 : i32
      %dma_wait3A_75 = arith.constant 0 : i32
      %dma_wait3A_76 = tpu.memref_slice %arg2[%dma_wait3A_74, %dma_wait3A_75] : memref<8192x128xf32, #tpu.memory_space<hbm>> -> memref<8192x128xf32, #tpu.memory_space<hbm>>
      tpu.wait_indirect_dma semaphore(%arg15 : memref<!tpu.dma_semaphore, #tpu.memory_space<semaphore_mem>>) src(%dma_wait3A_76 : memref<8192x128xf32, #tpu.memory_space<hbm>>) dst(%arg11 : memref<128x128xf32, #tpu.memory_space<vmem>>)
      %add3A_77 = arith.constant 256 : i32
      %add3A_78 = arith.addi %add3A_55, %add3A_77 : i32
      %dma_start3A_79 = arith.constant 0 : i32
      %dma_start3A_80 = tpu.memref_slice %arg4[%add3A_78, %dma_start3A_79] : memref<131072x128xf32, #tpu.memory_space<hbm>> -> memref<128x128xf32, #tpu.memory_space<hbm>>
      %dma_start3A_81 = arith.constant 0 : i32
      %dma_start3A_82 = tpu.memref_slice %arg4[%add3A_78, %dma_start3A_81] : memref<131072x128xf32, #tpu.memory_space<hbm>> -> memref<128x128xf32, #tpu.memory_space<hbm>>
      tpu.enqueue_dma source(%arg11 : memref<128x128xf32, #tpu.memory_space<vmem>>) target(%dma_start3A_82 : memref<128x128xf32, #tpu.memory_space<hbm>>) target_semaphore(%arg19 : memref<!tpu.dma_semaphore, #tpu.memory_space<semaphore_mem>>)
      %dma_wait3A_83 = arith.constant 0 : i32
      %dma_wait3A_84 = arith.constant 0 : i32
      %dma_wait3A_85 = tpu.memref_slice %arg2[%dma_wait3A_83, %dma_wait3A_84] : memref<8192x128xf32, #tpu.memory_space<hbm>> -> memref<8192x128xf32, #tpu.memory_space<hbm>>
      tpu.wait_indirect_dma semaphore(%arg16 : memref<!tpu.dma_semaphore, #tpu.memory_space<semaphore_mem>>) src(%dma_wait3A_85 : memref<8192x128xf32, #tpu.memory_space<hbm>>) dst(%arg12 : memref<128x128xf32, #tpu.memory_space<vmem>>)
      %add3A_86 = arith.constant 384 : i32
      %add3A_87 = arith.addi %add3A_55, %add3A_86 : i32
      %dma_start3A_88 = arith.constant 0 : i32
      %dma_start3A_89 = tpu.memref_slice %arg4[%add3A_87, %dma_start3A_88] : memref<131072x128xf32, #tpu.memory_space<hbm>> -> memref<128x128xf32, #tpu.memory_space<hbm>>
      %dma_start3A_90 = arith.constant 0 : i32
      %dma_start3A_91 = tpu.memref_slice %arg4[%add3A_87, %dma_start3A_90] : memref<131072x128xf32, #tpu.memory_space<hbm>> -> memref<128x128xf32, #tpu.memory_space<hbm>>
      tpu.enqueue_dma source(%arg12 : memref<128x128xf32, #tpu.memory_space<vmem>>) target(%dma_start3A_91 : memref<128x128xf32, #tpu.memory_space<hbm>>) target_semaphore(%arg20 : memref<!tpu.dma_semaphore, #tpu.memory_space<semaphore_mem>>)
      %lt3A = arith.constant 7 : i32
      %lt3A_92 = arith.cmpi slt, %scan3A_52, %lt3A : i32
      %convert_element_type3A = arith.extui %lt3A_92 : i1 to i32
      %cond3A = arith.constant 0 : i32
      %cond3A_93 = arith.cmpi ne, %convert_element_type3A, %cond3A : i32
      scf.if %cond3A_93 {
        %add3A_94 = arith.constant 512 : i32
        %add3A_95 = arith.addi %add3A_55, %add3A_94 : i32
        %add3A_96 = arith.constant 0 : i32
        %add3A_97 = arith.addi %add3A_95, %add3A_96 : i32
        "tpu.region"() ({
          %run_scoped3A = tpu.sem_alloc : memref<!tpu.dma_semaphore, #tpu.memory_space<semaphore_mem>>
          %dma_start3A_140 = tpu.memref_slice %arg3[%add3A_97] : memref<131072xi32, #tpu.memory_space<hbm>> -> memref<128xi32, #tpu.memory_space<hbm>>
          %dma_start3A_141 = tpu.memref_slice %arg3[%add3A_97] : memref<131072xi32, #tpu.memory_space<hbm>> -> memref<128xi32, #tpu.memory_space<hbm>>
          tpu.enqueue_dma source(%dma_start3A_141 : memref<128xi32, #tpu.memory_space<hbm>>) target(%arg5 : memref<128xi32, #tpu.memory_space<vmem>>) target_semaphore(%run_scoped3A : memref<!tpu.dma_semaphore, #tpu.memory_space<semaphore_mem>>)
          %dma_wait3A_142 = tpu.memref_slice %arg3[%add3A_97] : memref<131072xi32, #tpu.memory_space<hbm>> -> memref<128xi32, #tpu.memory_space<hbm>>
          %dma_wait3A_143 = tpu.memref_slice %arg3[%add3A_97] : memref<131072xi32, #tpu.memory_space<hbm>> -> memref<128xi32, #tpu.memory_space<hbm>>
          tpu.wait_dma2 semaphore(%run_scoped3A : memref<!tpu.dma_semaphore, #tpu.memory_space<semaphore_mem>>) src(%dma_wait3A_143 : memref<128xi32, #tpu.memory_space<hbm>>) dst(%arg5 : memref<128xi32, #tpu.memory_space<vmem>>)
          tpu.yield
        }) : () -> ()
        %add3A_98 = arith.constant 128 : i32
        %add3A_99 = arith.addi %add3A_95, %add3A_98 : i32
        "tpu.region"() ({
          %run_scoped3A = tpu.sem_alloc : memref<!tpu.dma_semaphore, #tpu.memory_space<semaphore_mem>>
          %dma_start3A_140 = tpu.memref_slice %arg3[%add3A_99] : memref<131072xi32, #tpu.memory_space<hbm>> -> memref<128xi32, #tpu.memory_space<hbm>>
          %dma_start3A_141 = tpu.memref_slice %arg3[%add3A_99] : memref<131072xi32, #tpu.memory_space<hbm>> -> memref<128xi32, #tpu.memory_space<hbm>>
          tpu.enqueue_dma source(%dma_start3A_141 : memref<128xi32, #tpu.memory_space<hbm>>) target(%arg6 : memref<128xi32, #tpu.memory_space<vmem>>) target_semaphore(%run_scoped3A : memref<!tpu.dma_semaphore, #tpu.memory_space<semaphore_mem>>)
          %dma_wait3A_142 = tpu.memref_slice %arg3[%add3A_99] : memref<131072xi32, #tpu.memory_space<hbm>> -> memref<128xi32, #tpu.memory_space<hbm>>
          %dma_wait3A_143 = tpu.memref_slice %arg3[%add3A_99] : memref<131072xi32, #tpu.memory_space<hbm>> -> memref<128xi32, #tpu.memory_space<hbm>>
          tpu.wait_dma2 semaphore(%run_scoped3A : memref<!tpu.dma_semaphore, #tpu.memory_space<semaphore_mem>>) src(%dma_wait3A_143 : memref<128xi32, #tpu.memory_space<hbm>>) dst(%arg6 : memref<128xi32, #tpu.memory_space<vmem>>)
          tpu.yield
        }) : () -> ()
        %add3A_100 = arith.constant 256 : i32
        %add3A_101 = arith.addi %add3A_95, %add3A_100 : i32
        "tpu.region"() ({
          %run_scoped3A = tpu.sem_alloc : memref<!tpu.dma_semaphore, #tpu.memory_space<semaphore_mem>>
          %dma_start3A_140 = tpu.memref_slice %arg3[%add3A_101] : memref<131072xi32, #tpu.memory_space<hbm>> -> memref<128xi32, #tpu.memory_space<hbm>>
          %dma_start3A_141 = tpu.memref_slice %arg3[%add3A_101] : memref<131072xi32, #tpu.memory_space<hbm>> -> memref<128xi32, #tpu.memory_space<hbm>>
          tpu.enqueue_dma source(%dma_start3A_141 : memref<128xi32, #tpu.memory_space<hbm>>) target(%arg7 : memref<128xi32, #tpu.memory_space<vmem>>) target_semaphore(%run_scoped3A : memref<!tpu.dma_semaphore, #tpu.memory_space<semaphore_mem>>)
          %dma_wait3A_142 = tpu.memref_slice %arg3[%add3A_101] : memref<131072xi32, #tpu.memory_space<hbm>> -> memref<128xi32, #tpu.memory_space<hbm>>
          %dma_wait3A_143 = tpu.memref_slice %arg3[%add3A_101] : memref<131072xi32, #tpu.memory_space<hbm>> -> memref<128xi32, #tpu.memory_space<hbm>>
          tpu.wait_dma2 semaphore(%run_scoped3A : memref<!tpu.dma_semaphore, #tpu.memory_space<semaphore_mem>>) src(%dma_wait3A_143 : memref<128xi32, #tpu.memory_space<hbm>>) dst(%arg7 : memref<128xi32, #tpu.memory_space<vmem>>)
          tpu.yield
        }) : () -> ()
        %add3A_102 = arith.constant 384 : i32
        %add3A_103 = arith.addi %add3A_95, %add3A_102 : i32
        "tpu.region"() ({
          %run_scoped3A = tpu.sem_alloc : memref<!tpu.dma_semaphore, #tpu.memory_space<semaphore_mem>>
          %dma_start3A_140 = tpu.memref_slice %arg3[%add3A_103] : memref<131072xi32, #tpu.memory_space<hbm>> -> memref<128xi32, #tpu.memory_space<hbm>>
          %dma_start3A_141 = tpu.memref_slice %arg3[%add3A_103] : memref<131072xi32, #tpu.memory_space<hbm>> -> memref<128xi32, #tpu.memory_space<hbm>>
          tpu.enqueue_dma source(%dma_start3A_141 : memref<128xi32, #tpu.memory_space<hbm>>) target(%arg8 : memref<128xi32, #tpu.memory_space<vmem>>) target_semaphore(%run_scoped3A : memref<!tpu.dma_semaphore, #tpu.memory_space<semaphore_mem>>)
          %dma_wait3A_142 = tpu.memref_slice %arg3[%add3A_103] : memref<131072xi32, #tpu.memory_space<hbm>> -> memref<128xi32, #tpu.memory_space<hbm>>
          %dma_wait3A_143 = tpu.memref_slice %arg3[%add3A_103] : memref<131072xi32, #tpu.memory_space<hbm>> -> memref<128xi32, #tpu.memory_space<hbm>>
          tpu.wait_dma2 semaphore(%run_scoped3A : memref<!tpu.dma_semaphore, #tpu.memory_space<semaphore_mem>>) src(%dma_wait3A_143 : memref<128xi32, #tpu.memory_space<hbm>>) dst(%arg8 : memref<128xi32, #tpu.memory_space<vmem>>)
          tpu.yield
        }) : () -> ()
        %add3A_104 = arith.constant 0 : i32
        %add3A_105 = arith.addi %add3A_55, %add3A_104 : i32
        %dma_wait3A_106 = arith.constant 0 : i32
        %dma_wait3A_107 = tpu.memref_slice %arg4[%add3A_105, %dma_wait3A_106] : memref<131072x128xf32, #tpu.memory_space<hbm>> -> memref<128x128xf32, #tpu.memory_space<hbm>>
        %dma_wait3A_108 = arith.constant 0 : i32
        %dma_wait3A_109 = tpu.memref_slice %arg4[%add3A_105, %dma_wait3A_108] : memref<131072x128xf32, #tpu.memory_space<hbm>> -> memref<128x128xf32, #tpu.memory_space<hbm>>
        tpu.wait_dma2 semaphore(%arg17 : memref<!tpu.dma_semaphore, #tpu.memory_space<semaphore_mem>>) src(%arg9 : memref<128x128xf32, #tpu.memory_space<vmem>>) dst(%dma_wait3A_109 : memref<128x128xf32, #tpu.memory_space<hbm>>)
        %dma_start3A_110 = arith.constant 0 : i32
        %dma_start3A_111 = arith.constant 0 : i32
        %dma_start3A_112 = tpu.memref_slice %arg2[%dma_start3A_110, %dma_start3A_111] : memref<8192x128xf32, #tpu.memory_space<hbm>> -> memref<8192x128xf32, #tpu.memory_space<hbm>>
        tpu.enqueue_indirect_dma source(%dma_start3A_112 : memref<8192x128xf32, #tpu.memory_space<hbm>>) target(%arg9 : memref<128x128xf32, #tpu.memory_space<vmem>>) offsets(%arg5 : memref<128xi32, #tpu.memory_space<vmem>>) semaphore(%arg13 : memref<!tpu.dma_semaphore, #tpu.memory_space<semaphore_mem>>)
        %add3A_113 = arith.constant 128 : i32
        %add3A_114 = arith.addi %add3A_55, %add3A_113 : i32
        %dma_wait3A_115 = arith.constant 0 : i32
        %dma_wait3A_116 = tpu.memref_slice %arg4[%add3A_114, %dma_wait3A_115] : memref<131072x128xf32, #tpu.memory_space<hbm>> -> memref<128x128xf32, #tpu.memory_space<hbm>>
        %dma_wait3A_117 = arith.constant 0 : i32
        %dma_wait3A_118 = tpu.memref_slice %arg4[%add3A_114, %dma_wait3A_117] : memref<131072x128xf32, #tpu.memory_space<hbm>> -> memref<128x128xf32, #tpu.memory_space<hbm>>
        tpu.wait_dma2 semaphore(%arg18 : memref<!tpu.dma_semaphore, #tpu.memory_space<semaphore_mem>>) src(%arg10 : memref<128x128xf32, #tpu.memory_space<vmem>>) dst(%dma_wait3A_118 : memref<128x128xf32, #tpu.memory_space<hbm>>)
        %dma_start3A_119 = arith.constant 0 : i32
        %dma_start3A_120 = arith.constant 0 : i32
        %dma_start3A_121 = tpu.memref_slice %arg2[%dma_start3A_119, %dma_start3A_120] : memref<8192x128xf32, #tpu.memory_space<hbm>> -> memref<8192x128xf32, #tpu.memory_space<hbm>>
        tpu.enqueue_indirect_dma source(%dma_start3A_121 : memref<8192x128xf32, #tpu.memory_space<hbm>>) target(%arg10 : memref<128x128xf32, #tpu.memory_space<vmem>>) offsets(%arg6 : memref<128xi32, #tpu.memory_space<vmem>>) semaphore(%arg14 : memref<!tpu.dma_semaphore, #tpu.memory_space<semaphore_mem>>)
        %add3A_122 = arith.constant 256 : i32
        %add3A_123 = arith.addi %add3A_55, %add3A_122 : i32
        %dma_wait3A_124 = arith.constant 0 : i32
        %dma_wait3A_125 = tpu.memref_slice %arg4[%add3A_123, %dma_wait3A_124] : memref<131072x128xf32, #tpu.memory_space<hbm>> -> memref<128x128xf32, #tpu.memory_space<hbm>>
        %dma_wait3A_126 = arith.constant 0 : i32
        %dma_wait3A_127 = tpu.memref_slice %arg4[%add3A_123, %dma_wait3A_126] : memref<131072x128xf32, #tpu.memory_space<hbm>> -> memref<128x128xf32, #tpu.memory_space<hbm>>
        tpu.wait_dma2 semaphore(%arg19 : memref<!tpu.dma_semaphore, #tpu.memory_space<semaphore_mem>>) src(%arg11 : memref<128x128xf32, #tpu.memory_space<vmem>>) dst(%dma_wait3A_127 : memref<128x128xf32, #tpu.memory_space<hbm>>)
        %dma_start3A_128 = arith.constant 0 : i32
        %dma_start3A_129 = arith.constant 0 : i32
        %dma_start3A_130 = tpu.memref_slice %arg2[%dma_start3A_128, %dma_start3A_129] : memref<8192x128xf32, #tpu.memory_space<hbm>> -> memref<8192x128xf32, #tpu.memory_space<hbm>>
        tpu.enqueue_indirect_dma source(%dma_start3A_130 : memref<8192x128xf32, #tpu.memory_space<hbm>>) target(%arg11 : memref<128x128xf32, #tpu.memory_space<vmem>>) offsets(%arg7 : memref<128xi32, #tpu.memory_space<vmem>>) semaphore(%arg15 : memref<!tpu.dma_semaphore, #tpu.memory_space<semaphore_mem>>)
        %add3A_131 = arith.constant 384 : i32
        %add3A_132 = arith.addi %add3A_55, %add3A_131 : i32
        %dma_wait3A_133 = arith.constant 0 : i32
        %dma_wait3A_134 = tpu.memref_slice %arg4[%add3A_132, %dma_wait3A_133] : memref<131072x128xf32, #tpu.memory_space<hbm>> -> memref<128x128xf32, #tpu.memory_space<hbm>>
        %dma_wait3A_135 = arith.constant 0 : i32
        %dma_wait3A_136 = tpu.memref_slice %arg4[%add3A_132, %dma_wait3A_135] : memref<131072x128xf32, #tpu.memory_space<hbm>> -> memref<128x128xf32, #tpu.memory_space<hbm>>
        tpu.wait_dma2 semaphore(%arg20 : memref<!tpu.dma_semaphore, #tpu.memory_space<semaphore_mem>>) src(%arg12 : memref<128x128xf32, #tpu.memory_space<vmem>>) dst(%dma_wait3A_136 : memref<128x128xf32, #tpu.memory_space<hbm>>)
        %dma_start3A_137 = arith.constant 0 : i32
        %dma_start3A_138 = arith.constant 0 : i32
        %dma_start3A_139 = tpu.memref_slice %arg2[%dma_start3A_137, %dma_start3A_138] : memref<8192x128xf32, #tpu.memory_space<hbm>> -> memref<8192x128xf32, #tpu.memory_space<hbm>>
        tpu.enqueue_indirect_dma source(%dma_start3A_139 : memref<8192x128xf32, #tpu.memory_space<hbm>>) target(%arg12 : memref<128x128xf32, #tpu.memory_space<vmem>>) offsets(%arg8 : memref<128xi32, #tpu.memory_space<vmem>>) semaphore(%arg16 : memref<!tpu.dma_semaphore, #tpu.memory_space<semaphore_mem>>)
      } else {
      }
    }
    %scan3A_26 = arith.constant 8 : i32
    %add3A_27 = arith.constant 3584 : i32
    %add3A_28 = arith.addi %mul3A_2, %add3A_27 : i32
    %add3A_29 = arith.constant 0 : i32
    %add3A_30 = arith.addi %add3A_28, %add3A_29 : i32
    %dma_wait3A = arith.constant 0 : i32
    %dma_wait3A_31 = tpu.memref_slice %arg4[%add3A_30, %dma_wait3A] : memref<131072x128xf32, #tpu.memory_space<hbm>> -> memref<128x128xf32, #tpu.memory_space<hbm>>
    %dma_wait3A_32 = arith.constant 0 : i32
    %dma_wait3A_33 = tpu.memref_slice %arg4[%add3A_30, %dma_wait3A_32] : memref<131072x128xf32, #tpu.memory_space<hbm>> -> memref<128x128xf32, #tpu.memory_space<hbm>>
    tpu.wait_dma2 semaphore(%arg17 : memref<!tpu.dma_semaphore, #tpu.memory_space<semaphore_mem>>) src(%arg9 : memref<128x128xf32, #tpu.memory_space<vmem>>) dst(%dma_wait3A_33 : memref<128x128xf32, #tpu.memory_space<hbm>>)
    %add3A_34 = arith.constant 128 : i32
    %add3A_35 = arith.addi %add3A_28, %add3A_34 : i32
    %dma_wait3A_36 = arith.constant 0 : i32
    %dma_wait3A_37 = tpu.memref_slice %arg4[%add3A_35, %dma_wait3A_36] : memref<131072x128xf32, #tpu.memory_space<hbm>> -> memref<128x128xf32, #tpu.memory_space<hbm>>
    %dma_wait3A_38 = arith.constant 0 : i32
    %dma_wait3A_39 = tpu.memref_slice %arg4[%add3A_35, %dma_wait3A_38] : memref<131072x128xf32, #tpu.memory_space<hbm>> -> memref<128x128xf32, #tpu.memory_space<hbm>>
    tpu.wait_dma2 semaphore(%arg18 : memref<!tpu.dma_semaphore, #tpu.memory_space<semaphore_mem>>) src(%arg10 : memref<128x128xf32, #tpu.memory_space<vmem>>) dst(%dma_wait3A_39 : memref<128x128xf32, #tpu.memory_space<hbm>>)
    %add3A_40 = arith.constant 256 : i32
    %add3A_41 = arith.addi %add3A_28, %add3A_40 : i32
    %dma_wait3A_42 = arith.constant 0 : i32
    %dma_wait3A_43 = tpu.memref_slice %arg4[%add3A_41, %dma_wait3A_42] : memref<131072x128xf32, #tpu.memory_space<hbm>> -> memref<128x128xf32, #tpu.memory_space<hbm>>
    %dma_wait3A_44 = arith.constant 0 : i32
    %dma_wait3A_45 = tpu.memref_slice %arg4[%add3A_41, %dma_wait3A_44] : memref<131072x128xf32, #tpu.memory_space<hbm>> -> memref<128x128xf32, #tpu.memory_space<hbm>>
    tpu.wait_dma2 semaphore(%arg19 : memref<!tpu.dma_semaphore, #tpu.memory_space<semaphore_mem>>) src(%arg11 : memref<128x128xf32, #tpu.memory_space<vmem>>) dst(%dma_wait3A_45 : memref<128x128xf32, #tpu.memory_space<hbm>>)
    %add3A_46 = arith.constant 384 : i32
    %add3A_47 = arith.addi %add3A_28, %add3A_46 : i32
    %dma_wait3A_48 = arith.constant 0 : i32
    %dma_wait3A_49 = tpu.memref_slice %arg4[%add3A_47, %dma_wait3A_48] : memref<131072x128xf32, #tpu.memory_space<hbm>> -> memref<128x128xf32, #tpu.memory_space<hbm>>
    %dma_wait3A_50 = arith.constant 0 : i32
    %dma_wait3A_51 = tpu.memref_slice %arg4[%add3A_47, %dma_wait3A_50] : memref<131072x128xf32, #tpu.memory_space<hbm>> -> memref<128x128xf32, #tpu.memory_space<hbm>>
    tpu.wait_dma2 semaphore(%arg20 : memref<!tpu.dma_semaphore, #tpu.memory_space<semaphore_mem>>) src(%arg12 : memref<128x128xf32, #tpu.memory_space<vmem>>) dst(%dma_wait3A_51 : memref<128x128xf32, #tpu.memory_space<hbm>>)
    return
  }
}

#map = affine_map<(d0, d1) -> (0, 0)>
#map1 = affine_map<(d0, d1) -> (0)>
module attributes {stable_mosaic.version = 14 : i64} {
  func.func @gather(%arg0: i32, %arg1: i32, %arg2: memref<8192x128xf32, #tpu.memory_space<hbm>>, %arg3: memref<131072xi32, #tpu.memory_space<hbm>>, %arg4: memref<131072x128xf32, #tpu.memory_space<hbm>>, %arg5: memref<128xi32, #tpu.memory_space<vmem>>, %arg6: memref<128xi32, #tpu.memory_space<vmem>>, %arg7: memref<128xi32, #tpu.memory_space<vmem>>, %arg8: memref<128xi32, #tpu.memory_space<vmem>>, %arg9: memref<128x128xf32, #tpu.memory_space<vmem>>, %arg10: memref<128x128xf32, #tpu.memory_space<vmem>>, %arg11: memref<128x128xf32, #tpu.memory_space<vmem>>, %arg12: memref<128x128xf32, #tpu.memory_space<vmem>>, %arg13: memref<!tpu.dma_semaphore, #tpu.memory_space<semaphore_mem>>, %arg14: memref<!tpu.dma_semaphore, #tpu.memory_space<semaphore_mem>>, %arg15: memref<!tpu.dma_semaphore, #tpu.memory_space<semaphore_mem>>, %arg16: memref<!tpu.dma_semaphore, #tpu.memory_space<semaphore_mem>>, %arg17: memref<!tpu.dma_semaphore, #tpu.memory_space<semaphore_mem>>, %arg18: memref<!tpu.dma_semaphore, #tpu.memory_space<semaphore_mem>>, %arg19: memref<!tpu.dma_semaphore, #tpu.memory_space<semaphore_mem>>, %arg20: memref<!tpu.dma_semaphore, #tpu.memory_space<semaphore_mem>>) attributes {dimension_semantics = [#tpu.dimension_semantics<core_parallel>, #tpu.dimension_semantics<subcore_parallel>], iteration_bounds = array<i64: 2, 16>, scalar_prefetch = 0 : i64, scratch_operands = 16 : i64, tpu.core_type = #tpu.core_type<sc_vector_subcore>, window_params = [{transform_indices = #map}, {transform_indices = #map1}, {transform_indices = #map}]} {
    %mul3A = arith.constant 2 : i32
    %mul3A_0 = arith.muli %arg1, %mul3A : i32
    %add3A = arith.addi %mul3A_0, %arg0 : i32
    %mul3A_1 = arith.constant 4096 : i32
    %mul3A_2 = arith.muli %add3A, %mul3A_1 : i32
    %add3A_3 = arith.constant 0 : i32
    %add3A_4 = arith.addi %mul3A_2, %add3A_3 : i32
    "tpu.region"() ({
      %run_scoped3A = tpu.sem_alloc : memref<!tpu.dma_semaphore, #tpu.memory_space<semaphore_mem>>
      %dma_start3A_52 = tpu.memref_slice %arg3[%add3A_4] : memref<131072xi32, #tpu.memory_space<hbm>> -> memref<128xi32, #tpu.memory_space<hbm>>
      %dma_start3A_53 = tpu.memref_slice %arg3[%add3A_4] : memref<131072xi32, #tpu.memory_space<hbm>> -> memref<128xi32, #tpu.memory_space<hbm>>
      tpu.enqueue_dma source(%dma_start3A_53 : memref<128xi32, #tpu.memory_space<hbm>>) target(%arg5 : memref<128xi32, #tpu.memory_space<vmem>>) target_semaphore(%run_scoped3A : memref<!tpu.dma_semaphore, #tpu.memory_space<semaphore_mem>>)
      %dma_wait3A_54 = tpu.memref_slice %arg3[%add3A_4] : memref<131072xi32, #tpu.memory_space<hbm>> -> memref<128xi32, #tpu.memory_space<hbm>>
      %dma_wait3A_55 = tpu.memref_slice %arg3[%add3A_4] : memref<131072xi32, #tpu.memory_space<hbm>> -> memref<128xi32, #tpu.memory_space<hbm>>
      tpu.wait_dma2 semaphore(%run_scoped3A : memref<!tpu.dma_semaphore, #tpu.memory_space<semaphore_mem>>) src(%dma_wait3A_55 : memref<128xi32, #tpu.memory_space<hbm>>) dst(%arg5 : memref<128xi32, #tpu.memory_space<vmem>>)
      tpu.yield
    }) : () -> ()
    %dma_start3A = arith.constant 0 : i32
    %dma_start3A_5 = arith.constant 0 : i32
    %dma_start3A_6 = tpu.memref_slice %arg2[%dma_start3A, %dma_start3A_5] : memref<8192x128xf32, #tpu.memory_space<hbm>> -> memref<8192x128xf32, #tpu.memory_space<hbm>>
    tpu.enqueue_indirect_dma source(%dma_start3A_6 : memref<8192x128xf32, #tpu.memory_space<hbm>>) target(%arg9 : memref<128x128xf32, #tpu.memory_space<vmem>>) offsets(%arg5 : memref<128xi32, #tpu.memory_space<vmem>>) semaphore(%arg13 : memref<!tpu.dma_semaphore, #tpu.memory_space<semaphore_mem>>)
    %add3A_7 = arith.constant 128 : i32
    %add3A_8 = arith.addi %mul3A_2, %add3A_7 : i32
    "tpu.region"() ({
      %run_scoped3A = tpu.sem_alloc : memref<!tpu.dma_semaphore, #tpu.memory_space<semaphore_mem>>
      %dma_start3A_52 = tpu.memref_slice %arg3[%add3A_8] : memref<131072xi32, #tpu.memory_space<hbm>> -> memref<128xi32, #tpu.memory_space<hbm>>
      %dma_start3A_53 = tpu.memref_slice %arg3[%add3A_8] : memref<131072xi32, #tpu.memory_space<hbm>> -> memref<128xi32, #tpu.memory_space<hbm>>
      tpu.enqueue_dma source(%dma_start3A_53 : memref<128xi32, #tpu.memory_space<hbm>>) target(%arg6 : memref<128xi32, #tpu.memory_space<vmem>>) target_semaphore(%run_scoped3A : memref<!tpu.dma_semaphore, #tpu.memory_space<semaphore_mem>>)
      %dma_wait3A_54 = tpu.memref_slice %arg3[%add3A_8] : memref<131072xi32, #tpu.memory_space<hbm>> -> memref<128xi32, #tpu.memory_space<hbm>>
      %dma_wait3A_55 = tpu.memref_slice %arg3[%add3A_8] : memref<131072xi32, #tpu.memory_space<hbm>> -> memref<128xi32, #tpu.memory_space<hbm>>
      tpu.wait_dma2 semaphore(%run_scoped3A : memref<!tpu.dma_semaphore, #tpu.memory_space<semaphore_mem>>) src(%dma_wait3A_55 : memref<128xi32, #tpu.memory_space<hbm>>) dst(%arg6 : memref<128xi32, #tpu.memory_space<vmem>>)
      tpu.yield
    }) : () -> ()
    %dma_start3A_9 = arith.constant 0 : i32
    %dma_start3A_10 = arith.constant 0 : i32
    %dma_start3A_11 = tpu.memref_slice %arg2[%dma_start3A_9, %dma_start3A_10] : memref<8192x128xf32, #tpu.memory_space<hbm>> -> memref<8192x128xf32, #tpu.memory_space<hbm>>
    tpu.enqueue_indirect_dma source(%dma_start3A_11 : memref<8192x128xf32, #tpu.memory_space<hbm>>) target(%arg10 : memref<128x128xf32, #tpu.memory_space<vmem>>) offsets(%arg6 : memref<128xi32, #tpu.memory_space<vmem>>) semaphore(%arg14 : memref<!tpu.dma_semaphore, #tpu.memory_space<semaphore_mem>>)
    %add3A_12 = arith.constant 256 : i32
    %add3A_13 = arith.addi %mul3A_2, %add3A_12 : i32
    "tpu.region"() ({
      %run_scoped3A = tpu.sem_alloc : memref<!tpu.dma_semaphore, #tpu.memory_space<semaphore_mem>>
      %dma_start3A_52 = tpu.memref_slice %arg3[%add3A_13] : memref<131072xi32, #tpu.memory_space<hbm>> -> memref<128xi32, #tpu.memory_space<hbm>>
      %dma_start3A_53 = tpu.memref_slice %arg3[%add3A_13] : memref<131072xi32, #tpu.memory_space<hbm>> -> memref<128xi32, #tpu.memory_space<hbm>>
      tpu.enqueue_dma source(%dma_start3A_53 : memref<128xi32, #tpu.memory_space<hbm>>) target(%arg7 : memref<128xi32, #tpu.memory_space<vmem>>) target_semaphore(%run_scoped3A : memref<!tpu.dma_semaphore, #tpu.memory_space<semaphore_mem>>)
      %dma_wait3A_54 = tpu.memref_slice %arg3[%add3A_13] : memref<131072xi32, #tpu.memory_space<hbm>> -> memref<128xi32, #tpu.memory_space<hbm>>
      %dma_wait3A_55 = tpu.memref_slice %arg3[%add3A_13] : memref<131072xi32, #tpu.memory_space<hbm>> -> memref<128xi32, #tpu.memory_space<hbm>>
      tpu.wait_dma2 semaphore(%run_scoped3A : memref<!tpu.dma_semaphore, #tpu.memory_space<semaphore_mem>>) src(%dma_wait3A_55 : memref<128xi32, #tpu.memory_space<hbm>>) dst(%arg7 : memref<128xi32, #tpu.memory_space<vmem>>)
      tpu.yield
    }) : () -> ()
    %dma_start3A_14 = arith.constant 0 : i32
    %dma_start3A_15 = arith.constant 0 : i32
    %dma_start3A_16 = tpu.memref_slice %arg2[%dma_start3A_14, %dma_start3A_15] : memref<8192x128xf32, #tpu.memory_space<hbm>> -> memref<8192x128xf32, #tpu.memory_space<hbm>>
    tpu.enqueue_indirect_dma source(%dma_start3A_16 : memref<8192x128xf32, #tpu.memory_space<hbm>>) target(%arg11 : memref<128x128xf32, #tpu.memory_space<vmem>>) offsets(%arg7 : memref<128xi32, #tpu.memory_space<vmem>>) semaphore(%arg15 : memref<!tpu.dma_semaphore, #tpu.memory_space<semaphore_mem>>)
    %add3A_17 = arith.constant 384 : i32
    %add3A_18 = arith.addi %mul3A_2, %add3A_17 : i32
    "tpu.region"() ({
      %run_scoped3A = tpu.sem_alloc : memref<!tpu.dma_semaphore, #tpu.memory_space<semaphore_mem>>
      %dma_start3A_52 = tpu.memref_slice %arg3[%add3A_18] : memref<131072xi32, #tpu.memory_space<hbm>> -> memref<128xi32, #tpu.memory_space<hbm>>
      %dma_start3A_53 = tpu.memref_slice %arg3[%add3A_18] : memref<131072xi32, #tpu.memory_space<hbm>> -> memref<128xi32, #tpu.memory_space<hbm>>
      tpu.enqueue_dma source(%dma_start3A_53 : memref<128xi32, #tpu.memory_space<hbm>>) target(%arg8 : memref<128xi32, #tpu.memory_space<vmem>>) target_semaphore(%run_scoped3A : memref<!tpu.dma_semaphore, #tpu.memory_space<semaphore_mem>>)
      %dma_wait3A_54 = tpu.memref_slice %arg3[%add3A_18] : memref<131072xi32, #tpu.memory_space<hbm>> -> memref<128xi32, #tpu.memory_space<hbm>>
      %dma_wait3A_55 = tpu.memref_slice %arg3[%add3A_18] : memref<131072xi32, #tpu.memory_space<hbm>> -> memref<128xi32, #tpu.memory_space<hbm>>
      tpu.wait_dma2 semaphore(%run_scoped3A : memref<!tpu.dma_semaphore, #tpu.memory_space<semaphore_mem>>) src(%dma_wait3A_55 : memref<128xi32, #tpu.memory_space<hbm>>) dst(%arg8 : memref<128xi32, #tpu.memory_space<vmem>>)
      tpu.yield
    }) : () -> ()
    %dma_start3A_19 = arith.constant 0 : i32
    %dma_start3A_20 = arith.constant 0 : i32
    %dma_start3A_21 = tpu.memref_slice %arg2[%dma_start3A_19, %dma_start3A_20] : memref<8192x128xf32, #tpu.memory_space<hbm>> -> memref<8192x128xf32, #tpu.memory_space<hbm>>
    tpu.enqueue_indirect_dma source(%dma_start3A_21 : memref<8192x128xf32, #tpu.memory_space<hbm>>) target(%arg12 : memref<128x128xf32, #tpu.memory_space<vmem>>) offsets(%arg8 : memref<128xi32, #tpu.memory_space<vmem>>) semaphore(%arg16 : memref<!tpu.dma_semaphore, #tpu.memory_space<semaphore_mem>>)
    %scan3A = arith.constant 0 : i32
    %scan3A_22 = arith.constant 0 : i32
    %scan3A_23 = arith.constant 8 : i32
    %scan3A_24 = arith.addi %scan3A_22, %scan3A_23 : i32
    %scan3A_25 = arith.constant 1 : i32
    scf.for %scan3A_52 = %scan3A_22 to %scan3A_24 step %scan3A_25  : i32 {
      %mul3A_53 = arith.constant 512 : i32
      %mul3A_54 = arith.muli %scan3A_52, %mul3A_53 : i32
      %add3A_55 = arith.addi %mul3A_2, %mul3A_54 : i32
      %dma_wait3A_56 = arith.constant 0 : i32
      %dma_wait3A_57 = arith.constant 0 : i32
      %dma_wait3A_58 = tpu.memref_slice %arg2[%dma_wait3A_56, %dma_wait3A_57] : memref<8192x128xf32, #tpu.memory_space<hbm>> -> memref<8192x128xf32, #tpu.memory_space<hbm>>
      tpu.wait_indirect_dma semaphore(%arg13 : memref<!tpu.dma_semaphore, #tpu.memory_space<semaphore_mem>>) src(%dma_wait3A_58 : memref<8192x128xf32, #tpu.memory_space<hbm>>) dst(%arg9 : memref<128x128xf32, #tpu.memory_space<vmem>>)
      %add3A_59 = arith.constant 0 : i32
      %add3A_60 = arith.addi %add3A_55, %add3A_59 : i32
      %dma_start3A_61 = arith.constant 0 : i32
      %dma_start3A_62 = tpu.memref_slice %arg4[%add3A_60, %dma_start3A_61] : memref<131072x128xf32, #tpu.memory_space<hbm>> -> memref<128x128xf32, #tpu.memory_space<hbm>>
      %dma_start3A_63 = arith.constant 0 : i32
      %dma_start3A_64 = tpu.memref_slice %arg4[%add3A_60, %dma_start3A_63] : memref<131072x128xf32, #tpu.memory_space<hbm>> -> memref<128x128xf32, #tpu.memory_space<hbm>>
      tpu.enqueue_dma source(%arg9 : memref<128x128xf32, #tpu.memory_space<vmem>>) target(%dma_start3A_64 : memref<128x128xf32, #tpu.memory_space<hbm>>) target_semaphore(%arg17 : memref<!tpu.dma_semaphore, #tpu.memory_space<semaphore_mem>>)
      %dma_wait3A_65 = arith.constant 0 : i32
      %dma_wait3A_66 = arith.constant 0 : i32
      %dma_wait3A_67 = tpu.memref_slice %arg2[%dma_wait3A_65, %dma_wait3A_66] : memref<8192x128xf32, #tpu.memory_space<hbm>> -> memref<8192x128xf32, #tpu.memory_space<hbm>>
      tpu.wait_indirect_dma semaphore(%arg14 : memref<!tpu.dma_semaphore, #tpu.memory_space<semaphore_mem>>) src(%dma_wait3A_67 : memref<8192x128xf32, #tpu.memory_space<hbm>>) dst(%arg10 : memref<128x128xf32, #tpu.memory_space<vmem>>)
      %add3A_68 = arith.constant 128 : i32
      %add3A_69 = arith.addi %add3A_55, %add3A_68 : i32
      %dma_start3A_70 = arith.constant 0 : i32
      %dma_start3A_71 = tpu.memref_slice %arg4[%add3A_69, %dma_start3A_70] : memref<131072x128xf32, #tpu.memory_space<hbm>> -> memref<128x128xf32, #tpu.memory_space<hbm>>
      %dma_start3A_72 = arith.constant 0 : i32
      %dma_start3A_73 = tpu.memref_slice %arg4[%add3A_69, %dma_start3A_72] : memref<131072x128xf32, #tpu.memory_space<hbm>> -> memref<128x128xf32, #tpu.memory_space<hbm>>
      tpu.enqueue_dma source(%arg10 : memref<128x128xf32, #tpu.memory_space<vmem>>) target(%dma_start3A_73 : memref<128x128xf32, #tpu.memory_space<hbm>>) target_semaphore(%arg18 : memref<!tpu.dma_semaphore, #tpu.memory_space<semaphore_mem>>)
      %dma_wait3A_74 = arith.constant 0 : i32
      %dma_wait3A_75 = arith.constant 0 : i32
      %dma_wait3A_76 = tpu.memref_slice %arg2[%dma_wait3A_74, %dma_wait3A_75] : memref<8192x128xf32, #tpu.memory_space<hbm>> -> memref<8192x128xf32, #tpu.memory_space<hbm>>
      tpu.wait_indirect_dma semaphore(%arg15 : memref<!tpu.dma_semaphore, #tpu.memory_space<semaphore_mem>>) src(%dma_wait3A_76 : memref<8192x128xf32, #tpu.memory_space<hbm>>) dst(%arg11 : memref<128x128xf32, #tpu.memory_space<vmem>>)
      %add3A_77 = arith.constant 256 : i32
      %add3A_78 = arith.addi %add3A_55, %add3A_77 : i32
      %dma_start3A_79 = arith.constant 0 : i32
      %dma_start3A_80 = tpu.memref_slice %arg4[%add3A_78, %dma_start3A_79] : memref<131072x128xf32, #tpu.memory_space<hbm>> -> memref<128x128xf32, #tpu.memory_space<hbm>>
      %dma_start3A_81 = arith.constant 0 : i32
      %dma_start3A_82 = tpu.memref_slice %arg4[%add3A_78, %dma_start3A_81] : memref<131072x128xf32, #tpu.memory_space<hbm>> -> memref<128x128xf32, #tpu.memory_space<hbm>>
      tpu.enqueue_dma source(%arg11 : memref<128x128xf32, #tpu.memory_space<vmem>>) target(%dma_start3A_82 : memref<128x128xf32, #tpu.memory_space<hbm>>) target_semaphore(%arg19 : memref<!tpu.dma_semaphore, #tpu.memory_space<semaphore_mem>>)
      %dma_wait3A_83 = arith.constant 0 : i32
      %dma_wait3A_84 = arith.constant 0 : i32
      %dma_wait3A_85 = tpu.memref_slice %arg2[%dma_wait3A_83, %dma_wait3A_84] : memref<8192x128xf32, #tpu.memory_space<hbm>> -> memref<8192x128xf32, #tpu.memory_space<hbm>>
      tpu.wait_indirect_dma semaphore(%arg16 : memref<!tpu.dma_semaphore, #tpu.memory_space<semaphore_mem>>) src(%dma_wait3A_85 : memref<8192x128xf32, #tpu.memory_space<hbm>>) dst(%arg12 : memref<128x128xf32, #tpu.memory_space<vmem>>)
      %add3A_86 = arith.constant 384 : i32
      %add3A_87 = arith.addi %add3A_55, %add3A_86 : i32
      %dma_start3A_88 = arith.constant 0 : i32
      %dma_start3A_89 = tpu.memref_slice %arg4[%add3A_87, %dma_start3A_88] : memref<131072x128xf32, #tpu.memory_space<hbm>> -> memref<128x128xf32, #tpu.memory_space<hbm>>
      %dma_start3A_90 = arith.constant 0 : i32
      %dma_start3A_91 = tpu.memref_slice %arg4[%add3A_87, %dma_start3A_90] : memref<131072x128xf32, #tpu.memory_space<hbm>> -> memref<128x128xf32, #tpu.memory_space<hbm>>
      tpu.enqueue_dma source(%arg12 : memref<128x128xf32, #tpu.memory_space<vmem>>) target(%dma_start3A_91 : memref<128x128xf32, #tpu.memory_space<hbm>>) target_semaphore(%arg20 : memref<!tpu.dma_semaphore, #tpu.memory_space<semaphore_mem>>)
      %lt3A = arith.constant 7 : i32
      %lt3A_92 = arith.cmpi slt, %scan3A_52, %lt3A : i32
      %convert_element_type3A = arith.extui %lt3A_92 : i1 to i32
      %cond3A = arith.constant 0 : i32
      %cond3A_93 = arith.cmpi ne, %convert_element_type3A, %cond3A : i32
      scf.if %cond3A_93 {
        %add3A_94 = arith.constant 512 : i32
        %add3A_95 = arith.addi %add3A_55, %add3A_94 : i32
        %add3A_96 = arith.constant 0 : i32
        %add3A_97 = arith.addi %add3A_95, %add3A_96 : i32
        "tpu.region"() ({
          %run_scoped3A = tpu.sem_alloc : memref<!tpu.dma_semaphore, #tpu.memory_space<semaphore_mem>>
          %dma_start3A_140 = tpu.memref_slice %arg3[%add3A_97] : memref<131072xi32, #tpu.memory_space<hbm>> -> memref<128xi32, #tpu.memory_space<hbm>>
          %dma_start3A_141 = tpu.memref_slice %arg3[%add3A_97] : memref<131072xi32, #tpu.memory_space<hbm>> -> memref<128xi32, #tpu.memory_space<hbm>>
          tpu.enqueue_dma source(%dma_start3A_141 : memref<128xi32, #tpu.memory_space<hbm>>) target(%arg5 : memref<128xi32, #tpu.memory_space<vmem>>) target_semaphore(%run_scoped3A : memref<!tpu.dma_semaphore, #tpu.memory_space<semaphore_mem>>)
          %dma_wait3A_142 = tpu.memref_slice %arg3[%add3A_97] : memref<131072xi32, #tpu.memory_space<hbm>> -> memref<128xi32, #tpu.memory_space<hbm>>
          %dma_wait3A_143 = tpu.memref_slice %arg3[%add3A_97] : memref<131072xi32, #tpu.memory_space<hbm>> -> memref<128xi32, #tpu.memory_space<hbm>>
          tpu.wait_dma2 semaphore(%run_scoped3A : memref<!tpu.dma_semaphore, #tpu.memory_space<semaphore_mem>>) src(%dma_wait3A_143 : memref<128xi32, #tpu.memory_space<hbm>>) dst(%arg5 : memref<128xi32, #tpu.memory_space<vmem>>)
          tpu.yield
        }) : () -> ()
        %add3A_98 = arith.constant 128 : i32
        %add3A_99 = arith.addi %add3A_95, %add3A_98 : i32
        "tpu.region"() ({
          %run_scoped3A = tpu.sem_alloc : memref<!tpu.dma_semaphore, #tpu.memory_space<semaphore_mem>>
          %dma_start3A_140 = tpu.memref_slice %arg3[%add3A_99] : memref<131072xi32, #tpu.memory_space<hbm>> -> memref<128xi32, #tpu.memory_space<hbm>>
          %dma_start3A_141 = tpu.memref_slice %arg3[%add3A_99] : memref<131072xi32, #tpu.memory_space<hbm>> -> memref<128xi32, #tpu.memory_space<hbm>>
          tpu.enqueue_dma source(%dma_start3A_141 : memref<128xi32, #tpu.memory_space<hbm>>) target(%arg6 : memref<128xi32, #tpu.memory_space<vmem>>) target_semaphore(%run_scoped3A : memref<!tpu.dma_semaphore, #tpu.memory_space<semaphore_mem>>)
          %dma_wait3A_142 = tpu.memref_slice %arg3[%add3A_99] : memref<131072xi32, #tpu.memory_space<hbm>> -> memref<128xi32, #tpu.memory_space<hbm>>
          %dma_wait3A_143 = tpu.memref_slice %arg3[%add3A_99] : memref<131072xi32, #tpu.memory_space<hbm>> -> memref<128xi32, #tpu.memory_space<hbm>>
          tpu.wait_dma2 semaphore(%run_scoped3A : memref<!tpu.dma_semaphore, #tpu.memory_space<semaphore_mem>>) src(%dma_wait3A_143 : memref<128xi32, #tpu.memory_space<hbm>>) dst(%arg6 : memref<128xi32, #tpu.memory_space<vmem>>)
          tpu.yield
        }) : () -> ()
        %add3A_100 = arith.constant 256 : i32
        %add3A_101 = arith.addi %add3A_95, %add3A_100 : i32
        "tpu.region"() ({
          %run_scoped3A = tpu.sem_alloc : memref<!tpu.dma_semaphore, #tpu.memory_space<semaphore_mem>>
          %dma_start3A_140 = tpu.memref_slice %arg3[%add3A_101] : memref<131072xi32, #tpu.memory_space<hbm>> -> memref<128xi32, #tpu.memory_space<hbm>>
          %dma_start3A_141 = tpu.memref_slice %arg3[%add3A_101] : memref<131072xi32, #tpu.memory_space<hbm>> -> memref<128xi32, #tpu.memory_space<hbm>>
          tpu.enqueue_dma source(%dma_start3A_141 : memref<128xi32, #tpu.memory_space<hbm>>) target(%arg7 : memref<128xi32, #tpu.memory_space<vmem>>) target_semaphore(%run_scoped3A : memref<!tpu.dma_semaphore, #tpu.memory_space<semaphore_mem>>)
          %dma_wait3A_142 = tpu.memref_slice %arg3[%add3A_101] : memref<131072xi32, #tpu.memory_space<hbm>> -> memref<128xi32, #tpu.memory_space<hbm>>
          %dma_wait3A_143 = tpu.memref_slice %arg3[%add3A_101] : memref<131072xi32, #tpu.memory_space<hbm>> -> memref<128xi32, #tpu.memory_space<hbm>>
          tpu.wait_dma2 semaphore(%run_scoped3A : memref<!tpu.dma_semaphore, #tpu.memory_space<semaphore_mem>>) src(%dma_wait3A_143 : memref<128xi32, #tpu.memory_space<hbm>>) dst(%arg7 : memref<128xi32, #tpu.memory_space<vmem>>)
          tpu.yield
        }) : () -> ()
        %add3A_102 = arith.constant 384 : i32
        %add3A_103 = arith.addi %add3A_95, %add3A_102 : i32
        "tpu.region"() ({
          %run_scoped3A = tpu.sem_alloc : memref<!tpu.dma_semaphore, #tpu.memory_space<semaphore_mem>>
          %dma_start3A_140 = tpu.memref_slice %arg3[%add3A_103] : memref<131072xi32, #tpu.memory_space<hbm>> -> memref<128xi32, #tpu.memory_space<hbm>>
          %dma_start3A_141 = tpu.memref_slice %arg3[%add3A_103] : memref<131072xi32, #tpu.memory_space<hbm>> -> memref<128xi32, #tpu.memory_space<hbm>>
          tpu.enqueue_dma source(%dma_start3A_141 : memref<128xi32, #tpu.memory_space<hbm>>) target(%arg8 : memref<128xi32, #tpu.memory_space<vmem>>) target_semaphore(%run_scoped3A : memref<!tpu.dma_semaphore, #tpu.memory_space<semaphore_mem>>)
          %dma_wait3A_142 = tpu.memref_slice %arg3[%add3A_103] : memref<131072xi32, #tpu.memory_space<hbm>> -> memref<128xi32, #tpu.memory_space<hbm>>
          %dma_wait3A_143 = tpu.memref_slice %arg3[%add3A_103] : memref<131072xi32, #tpu.memory_space<hbm>> -> memref<128xi32, #tpu.memory_space<hbm>>
          tpu.wait_dma2 semaphore(%run_scoped3A : memref<!tpu.dma_semaphore, #tpu.memory_space<semaphore_mem>>) src(%dma_wait3A_143 : memref<128xi32, #tpu.memory_space<hbm>>) dst(%arg8 : memref<128xi32, #tpu.memory_space<vmem>>)
          tpu.yield
        }) : () -> ()
        %add3A_104 = arith.constant 0 : i32
        %add3A_105 = arith.addi %add3A_55, %add3A_104 : i32
        %dma_wait3A_106 = arith.constant 0 : i32
        %dma_wait3A_107 = tpu.memref_slice %arg4[%add3A_105, %dma_wait3A_106] : memref<131072x128xf32, #tpu.memory_space<hbm>> -> memref<128x128xf32, #tpu.memory_space<hbm>>
        %dma_wait3A_108 = arith.constant 0 : i32
        %dma_wait3A_109 = tpu.memref_slice %arg4[%add3A_105, %dma_wait3A_108] : memref<131072x128xf32, #tpu.memory_space<hbm>> -> memref<128x128xf32, #tpu.memory_space<hbm>>
        tpu.wait_dma2 semaphore(%arg17 : memref<!tpu.dma_semaphore, #tpu.memory_space<semaphore_mem>>) src(%arg9 : memref<128x128xf32, #tpu.memory_space<vmem>>) dst(%dma_wait3A_109 : memref<128x128xf32, #tpu.memory_space<hbm>>)
        %dma_start3A_110 = arith.constant 0 : i32
        %dma_start3A_111 = arith.constant 0 : i32
        %dma_start3A_112 = tpu.memref_slice %arg2[%dma_start3A_110, %dma_start3A_111] : memref<8192x128xf32, #tpu.memory_space<hbm>> -> memref<8192x128xf32, #tpu.memory_space<hbm>>
        tpu.enqueue_indirect_dma source(%dma_start3A_112 : memref<8192x128xf32, #tpu.memory_space<hbm>>) target(%arg9 : memref<128x128xf32, #tpu.memory_space<vmem>>) offsets(%arg5 : memref<128xi32, #tpu.memory_space<vmem>>) semaphore(%arg13 : memref<!tpu.dma_semaphore, #tpu.memory_space<semaphore_mem>>)
        %add3A_113 = arith.constant 128 : i32
        %add3A_114 = arith.addi %add3A_55, %add3A_113 : i32
        %dma_wait3A_115 = arith.constant 0 : i32
        %dma_wait3A_116 = tpu.memref_slice %arg4[%add3A_114, %dma_wait3A_115] : memref<131072x128xf32, #tpu.memory_space<hbm>> -> memref<128x128xf32, #tpu.memory_space<hbm>>
        %dma_wait3A_117 = arith.constant 0 : i32
        %dma_wait3A_118 = tpu.memref_slice %arg4[%add3A_114, %dma_wait3A_117] : memref<131072x128xf32, #tpu.memory_space<hbm>> -> memref<128x128xf32, #tpu.memory_space<hbm>>
        tpu.wait_dma2 semaphore(%arg18 : memref<!tpu.dma_semaphore, #tpu.memory_space<semaphore_mem>>) src(%arg10 : memref<128x128xf32, #tpu.memory_space<vmem>>) dst(%dma_wait3A_118 : memref<128x128xf32, #tpu.memory_space<hbm>>)
        %dma_start3A_119 = arith.constant 0 : i32
        %dma_start3A_120 = arith.constant 0 : i32
        %dma_start3A_121 = tpu.memref_slice %arg2[%dma_start3A_119, %dma_start3A_120] : memref<8192x128xf32, #tpu.memory_space<hbm>> -> memref<8192x128xf32, #tpu.memory_space<hbm>>
        tpu.enqueue_indirect_dma source(%dma_start3A_121 : memref<8192x128xf32, #tpu.memory_space<hbm>>) target(%arg10 : memref<128x128xf32, #tpu.memory_space<vmem>>) offsets(%arg6 : memref<128xi32, #tpu.memory_space<vmem>>) semaphore(%arg14 : memref<!tpu.dma_semaphore, #tpu.memory_space<semaphore_mem>>)
        %add3A_122 = arith.constant 256 : i32
        %add3A_123 = arith.addi %add3A_55, %add3A_122 : i32
        %dma_wait3A_124 = arith.constant 0 : i32
        %dma_wait3A_125 = tpu.memref_slice %arg4[%add3A_123, %dma_wait3A_124] : memref<131072x128xf32, #tpu.memory_space<hbm>> -> memref<128x128xf32, #tpu.memory_space<hbm>>
        %dma_wait3A_126 = arith.constant 0 : i32
        %dma_wait3A_127 = tpu.memref_slice %arg4[%add3A_123, %dma_wait3A_126] : memref<131072x128xf32, #tpu.memory_space<hbm>> -> memref<128x128xf32, #tpu.memory_space<hbm>>
        tpu.wait_dma2 semaphore(%arg19 : memref<!tpu.dma_semaphore, #tpu.memory_space<semaphore_mem>>) src(%arg11 : memref<128x128xf32, #tpu.memory_space<vmem>>) dst(%dma_wait3A_127 : memref<128x128xf32, #tpu.memory_space<hbm>>)
        %dma_start3A_128 = arith.constant 0 : i32
        %dma_start3A_129 = arith.constant 0 : i32
        %dma_start3A_130 = tpu.memref_slice %arg2[%dma_start3A_128, %dma_start3A_129] : memref<8192x128xf32, #tpu.memory_space<hbm>> -> memref<8192x128xf32, #tpu.memory_space<hbm>>
        tpu.enqueue_indirect_dma source(%dma_start3A_130 : memref<8192x128xf32, #tpu.memory_space<hbm>>) target(%arg11 : memref<128x128xf32, #tpu.memory_space<vmem>>) offsets(%arg7 : memref<128xi32, #tpu.memory_space<vmem>>) semaphore(%arg15 : memref<!tpu.dma_semaphore, #tpu.memory_space<semaphore_mem>>)
        %add3A_131 = arith.constant 384 : i32
        %add3A_132 = arith.addi %add3A_55, %add3A_131 : i32
        %dma_wait3A_133 = arith.constant 0 : i32
        %dma_wait3A_134 = tpu.memref_slice %arg4[%add3A_132, %dma_wait3A_133] : memref<131072x128xf32, #tpu.memory_space<hbm>> -> memref<128x128xf32, #tpu.memory_space<hbm>>
        %dma_wait3A_135 = arith.constant 0 : i32
        %dma_wait3A_136 = tpu.memref_slice %arg4[%add3A_132, %dma_wait3A_135] : memref<131072x128xf32, #tpu.memory_space<hbm>> -> memref<128x128xf32, #tpu.memory_space<hbm>>
        tpu.wait_dma2 semaphore(%arg20 : memref<!tpu.dma_semaphore, #tpu.memory_space<semaphore_mem>>) src(%arg12 : memref<128x128xf32, #tpu.memory_space<vmem>>) dst(%dma_wait3A_136 : memref<128x128xf32, #tpu.memory_space<hbm>>)
        %dma_start3A_137 = arith.constant 0 : i32
        %dma_start3A_138 = arith.constant 0 : i32
        %dma_start3A_139 = tpu.memref_slice %arg2[%dma_start3A_137, %dma_start3A_138] : memref<8192x128xf32, #tpu.memory_space<hbm>> -> memref<8192x128xf32, #tpu.memory_space<hbm>>
        tpu.enqueue_indirect_dma source(%dma_start3A_139 : memref<8192x128xf32, #tpu.memory_space<hbm>>) target(%arg12 : memref<128x128xf32, #tpu.memory_space<vmem>>) offsets(%arg8 : memref<128xi32, #tpu.memory_space<vmem>>) semaphore(%arg16 : memref<!tpu.dma_semaphore, #tpu.memory_space<semaphore_mem>>)
      } else {
      }
    }
    %scan3A_26 = arith.constant 8 : i32
    %add3A_27 = arith.constant 3584 : i32
    %add3A_28 = arith.addi %mul3A_2, %add3A_27 : i32
    %add3A_29 = arith.constant 0 : i32
    %add3A_30 = arith.addi %add3A_28, %add3A_29 : i32
    %dma_wait3A = arith.constant 0 : i32
    %dma_wait3A_31 = tpu.memref_slice %arg4[%add3A_30, %dma_wait3A] : memref<131072x128xf32, #tpu.memory_space<hbm>> -> memref<128x128xf32, #tpu.memory_space<hbm>>
    %dma_wait3A_32 = arith.constant 0 : i32
    %dma_wait3A_33 = tpu.memref_slice %arg4[%add3A_30, %dma_wait3A_32] : memref<131072x128xf32, #tpu.memory_space<hbm>> -> memref<128x128xf32, #tpu.memory_space<hbm>>
    tpu.wait_dma2 semaphore(%arg17 : memref<!tpu.dma_semaphore, #tpu.memory_space<semaphore_mem>>) src(%arg9 : memref<128x128xf32, #tpu.memory_space<vmem>>) dst(%dma_wait3A_33 : memref<128x128xf32, #tpu.memory_space<hbm>>)
    %add3A_34 = arith.constant 128 : i32
    %add3A_35 = arith.addi %add3A_28, %add3A_34 : i32
    %dma_wait3A_36 = arith.constant 0 : i32
    %dma_wait3A_37 = tpu.memref_slice %arg4[%add3A_35, %dma_wait3A_36] : memref<131072x128xf32, #tpu.memory_space<hbm>> -> memref<128x128xf32, #tpu.memory_space<hbm>>
    %dma_wait3A_38 = arith.constant 0 : i32
    %dma_wait3A_39 = tpu.memref_slice %arg4[%add3A_35, %dma_wait3A_38] : memref<131072x128xf32, #tpu.memory_space<hbm>> -> memref<128x128xf32, #tpu.memory_space<hbm>>
    tpu.wait_dma2 semaphore(%arg18 : memref<!tpu.dma_semaphore, #tpu.memory_space<semaphore_mem>>) src(%arg10 : memref<128x128xf32, #tpu.memory_space<vmem>>) dst(%dma_wait3A_39 : memref<128x128xf32, #tpu.memory_space<hbm>>)
    %add3A_40 = arith.constant 256 : i32
    %add3A_41 = arith.addi %add3A_28, %add3A_40 : i32
    %dma_wait3A_42 = arith.constant 0 : i32
    %dma_wait3A_43 = tpu.memref_slice %arg4[%add3A_41, %dma_wait3A_42] : memref<131072x128xf32, #tpu.memory_space<hbm>> -> memref<128x128xf32, #tpu.memory_space<hbm>>
    %dma_wait3A_44 = arith.constant 0 : i32
    %dma_wait3A_45 = tpu.memref_slice %arg4[%add3A_41, %dma_wait3A_44] : memref<131072x128xf32, #tpu.memory_space<hbm>> -> memref<128x128xf32, #tpu.memory_space<hbm>>
    tpu.wait_dma2 semaphore(%arg19 : memref<!tpu.dma_semaphore, #tpu.memory_space<semaphore_mem>>) src(%arg11 : memref<128x128xf32, #tpu.memory_space<vmem>>) dst(%dma_wait3A_45 : memref<128x128xf32, #tpu.memory_space<hbm>>)
    %add3A_46 = arith.constant 384 : i32
    %add3A_47 = arith.addi %add3A_28, %add3A_46 : i32
    %dma_wait3A_48 = arith.constant 0 : i32
    %dma_wait3A_49 = tpu.memref_slice %arg4[%add3A_47, %dma_wait3A_48] : memref<131072x128xf32, #tpu.memory_space<hbm>> -> memref<128x128xf32, #tpu.memory_space<hbm>>
    %dma_wait3A_50 = arith.constant 0 : i32
    %dma_wait3A_51 = tpu.memref_slice %arg4[%add3A_47, %dma_wait3A_50] : memref<131072x128xf32, #tpu.memory_space<hbm>> -> memref<128x128xf32, #tpu.memory_space<hbm>>
    tpu.wait_dma2 semaphore(%arg20 : memref<!tpu.dma_semaphore, #tpu.memory_space<semaphore_mem>>) src(%arg12 : memref<128x128xf32, #tpu.memory_space<vmem>>) dst(%dma_wait3A_51 : memref<128x128xf32, #tpu.memory_space<hbm>>)
    return
  }
}

#map = affine_map<(d0, d1) -> (0, 0)>
#map1 = affine_map<(d0, d1) -> (0)>
module attributes {stable_mosaic.version = 14 : i64} {
  func.func @gather(%arg0: i32, %arg1: i32, %arg2: memref<8192x128xf32, #tpu.memory_space<hbm>>, %arg3: memref<131072xi32, #tpu.memory_space<hbm>>, %arg4: memref<131072x128xf32, #tpu.memory_space<hbm>>, %arg5: memref<128xi32, #tpu.memory_space<vmem>>, %arg6: memref<128xi32, #tpu.memory_space<vmem>>, %arg7: memref<128xi32, #tpu.memory_space<vmem>>, %arg8: memref<128xi32, #tpu.memory_space<vmem>>, %arg9: memref<128x128xf32, #tpu.memory_space<vmem>>, %arg10: memref<128x128xf32, #tpu.memory_space<vmem>>, %arg11: memref<128x128xf32, #tpu.memory_space<vmem>>, %arg12: memref<128x128xf32, #tpu.memory_space<vmem>>, %arg13: memref<!tpu.dma_semaphore, #tpu.memory_space<semaphore_mem>>, %arg14: memref<!tpu.dma_semaphore, #tpu.memory_space<semaphore_mem>>, %arg15: memref<!tpu.dma_semaphore, #tpu.memory_space<semaphore_mem>>, %arg16: memref<!tpu.dma_semaphore, #tpu.memory_space<semaphore_mem>>, %arg17: memref<!tpu.dma_semaphore, #tpu.memory_space<semaphore_mem>>, %arg18: memref<!tpu.dma_semaphore, #tpu.memory_space<semaphore_mem>>, %arg19: memref<!tpu.dma_semaphore, #tpu.memory_space<semaphore_mem>>, %arg20: memref<!tpu.dma_semaphore, #tpu.memory_space<semaphore_mem>>) attributes {dimension_semantics = [#tpu.dimension_semantics<core_parallel>, #tpu.dimension_semantics<subcore_parallel>], iteration_bounds = array<i64: 2, 16>, scalar_prefetch = 0 : i64, scratch_operands = 16 : i64, tpu.core_type = #tpu.core_type<sc_vector_subcore>, window_params = [{transform_indices = #map}, {transform_indices = #map1}, {transform_indices = #map}]} {
    %mul3A = arith.constant 2 : i32
    %mul3A_0 = arith.muli %arg1, %mul3A : i32
    %add3A = arith.addi %mul3A_0, %arg0 : i32
    %mul3A_1 = arith.constant 4096 : i32
    %mul3A_2 = arith.muli %add3A, %mul3A_1 : i32
    %add3A_3 = arith.constant 0 : i32
    %add3A_4 = arith.addi %mul3A_2, %add3A_3 : i32
    "tpu.region"() ({
      %run_scoped3A = tpu.sem_alloc : memref<!tpu.dma_semaphore, #tpu.memory_space<semaphore_mem>>
      %dma_start3A_52 = tpu.memref_slice %arg3[%add3A_4] : memref<131072xi32, #tpu.memory_space<hbm>> -> memref<128xi32, #tpu.memory_space<hbm>>
      %dma_start3A_53 = tpu.memref_slice %arg3[%add3A_4] : memref<131072xi32, #tpu.memory_space<hbm>> -> memref<128xi32, #tpu.memory_space<hbm>>
      tpu.enqueue_dma source(%dma_start3A_53 : memref<128xi32, #tpu.memory_space<hbm>>) target(%arg5 : memref<128xi32, #tpu.memory_space<vmem>>) target_semaphore(%run_scoped3A : memref<!tpu.dma_semaphore, #tpu.memory_space<semaphore_mem>>)
      %dma_wait3A_54 = tpu.memref_slice %arg3[%add3A_4] : memref<131072xi32, #tpu.memory_space<hbm>> -> memref<128xi32, #tpu.memory_space<hbm>>
      %dma_wait3A_55 = tpu.memref_slice %arg3[%add3A_4] : memref<131072xi32, #tpu.memory_space<hbm>> -> memref<128xi32, #tpu.memory_space<hbm>>
      tpu.wait_dma2 semaphore(%run_scoped3A : memref<!tpu.dma_semaphore, #tpu.memory_space<semaphore_mem>>) src(%dma_wait3A_55 : memref<128xi32, #tpu.memory_space<hbm>>) dst(%arg5 : memref<128xi32, #tpu.memory_space<vmem>>)
      tpu.yield
    }) : () -> ()
    %dma_start3A = arith.constant 0 : i32
    %dma_start3A_5 = arith.constant 0 : i32
    %dma_start3A_6 = tpu.memref_slice %arg2[%dma_start3A, %dma_start3A_5] : memref<8192x128xf32, #tpu.memory_space<hbm>> -> memref<8192x128xf32, #tpu.memory_space<hbm>>
    tpu.enqueue_indirect_dma source(%dma_start3A_6 : memref<8192x128xf32, #tpu.memory_space<hbm>>) target(%arg9 : memref<128x128xf32, #tpu.memory_space<vmem>>) offsets(%arg5 : memref<128xi32, #tpu.memory_space<vmem>>) semaphore(%arg13 : memref<!tpu.dma_semaphore, #tpu.memory_space<semaphore_mem>>)
    %add3A_7 = arith.constant 128 : i32
    %add3A_8 = arith.addi %mul3A_2, %add3A_7 : i32
    "tpu.region"() ({
      %run_scoped3A = tpu.sem_alloc : memref<!tpu.dma_semaphore, #tpu.memory_space<semaphore_mem>>
      %dma_start3A_52 = tpu.memref_slice %arg3[%add3A_8] : memref<131072xi32, #tpu.memory_space<hbm>> -> memref<128xi32, #tpu.memory_space<hbm>>
      %dma_start3A_53 = tpu.memref_slice %arg3[%add3A_8] : memref<131072xi32, #tpu.memory_space<hbm>> -> memref<128xi32, #tpu.memory_space<hbm>>
      tpu.enqueue_dma source(%dma_start3A_53 : memref<128xi32, #tpu.memory_space<hbm>>) target(%arg6 : memref<128xi32, #tpu.memory_space<vmem>>) target_semaphore(%run_scoped3A : memref<!tpu.dma_semaphore, #tpu.memory_space<semaphore_mem>>)
      %dma_wait3A_54 = tpu.memref_slice %arg3[%add3A_8] : memref<131072xi32, #tpu.memory_space<hbm>> -> memref<128xi32, #tpu.memory_space<hbm>>
      %dma_wait3A_55 = tpu.memref_slice %arg3[%add3A_8] : memref<131072xi32, #tpu.memory_space<hbm>> -> memref<128xi32, #tpu.memory_space<hbm>>
      tpu.wait_dma2 semaphore(%run_scoped3A : memref<!tpu.dma_semaphore, #tpu.memory_space<semaphore_mem>>) src(%dma_wait3A_55 : memref<128xi32, #tpu.memory_space<hbm>>) dst(%arg6 : memref<128xi32, #tpu.memory_space<vmem>>)
      tpu.yield
    }) : () -> ()
    %dma_start3A_9 = arith.constant 0 : i32
    %dma_start3A_10 = arith.constant 0 : i32
    %dma_start3A_11 = tpu.memref_slice %arg2[%dma_start3A_9, %dma_start3A_10] : memref<8192x128xf32, #tpu.memory_space<hbm>> -> memref<8192x128xf32, #tpu.memory_space<hbm>>
    tpu.enqueue_indirect_dma source(%dma_start3A_11 : memref<8192x128xf32, #tpu.memory_space<hbm>>) target(%arg10 : memref<128x128xf32, #tpu.memory_space<vmem>>) offsets(%arg6 : memref<128xi32, #tpu.memory_space<vmem>>) semaphore(%arg14 : memref<!tpu.dma_semaphore, #tpu.memory_space<semaphore_mem>>)
    %add3A_12 = arith.constant 256 : i32
    %add3A_13 = arith.addi %mul3A_2, %add3A_12 : i32
    "tpu.region"() ({
      %run_scoped3A = tpu.sem_alloc : memref<!tpu.dma_semaphore, #tpu.memory_space<semaphore_mem>>
      %dma_start3A_52 = tpu.memref_slice %arg3[%add3A_13] : memref<131072xi32, #tpu.memory_space<hbm>> -> memref<128xi32, #tpu.memory_space<hbm>>
      %dma_start3A_53 = tpu.memref_slice %arg3[%add3A_13] : memref<131072xi32, #tpu.memory_space<hbm>> -> memref<128xi32, #tpu.memory_space<hbm>>
      tpu.enqueue_dma source(%dma_start3A_53 : memref<128xi32, #tpu.memory_space<hbm>>) target(%arg7 : memref<128xi32, #tpu.memory_space<vmem>>) target_semaphore(%run_scoped3A : memref<!tpu.dma_semaphore, #tpu.memory_space<semaphore_mem>>)
      %dma_wait3A_54 = tpu.memref_slice %arg3[%add3A_13] : memref<131072xi32, #tpu.memory_space<hbm>> -> memref<128xi32, #tpu.memory_space<hbm>>
      %dma_wait3A_55 = tpu.memref_slice %arg3[%add3A_13] : memref<131072xi32, #tpu.memory_space<hbm>> -> memref<128xi32, #tpu.memory_space<hbm>>
      tpu.wait_dma2 semaphore(%run_scoped3A : memref<!tpu.dma_semaphore, #tpu.memory_space<semaphore_mem>>) src(%dma_wait3A_55 : memref<128xi32, #tpu.memory_space<hbm>>) dst(%arg7 : memref<128xi32, #tpu.memory_space<vmem>>)
      tpu.yield
    }) : () -> ()
    %dma_start3A_14 = arith.constant 0 : i32
    %dma_start3A_15 = arith.constant 0 : i32
    %dma_start3A_16 = tpu.memref_slice %arg2[%dma_start3A_14, %dma_start3A_15] : memref<8192x128xf32, #tpu.memory_space<hbm>> -> memref<8192x128xf32, #tpu.memory_space<hbm>>
    tpu.enqueue_indirect_dma source(%dma_start3A_16 : memref<8192x128xf32, #tpu.memory_space<hbm>>) target(%arg11 : memref<128x128xf32, #tpu.memory_space<vmem>>) offsets(%arg7 : memref<128xi32, #tpu.memory_space<vmem>>) semaphore(%arg15 : memref<!tpu.dma_semaphore, #tpu.memory_space<semaphore_mem>>)
    %add3A_17 = arith.constant 384 : i32
    %add3A_18 = arith.addi %mul3A_2, %add3A_17 : i32
    "tpu.region"() ({
      %run_scoped3A = tpu.sem_alloc : memref<!tpu.dma_semaphore, #tpu.memory_space<semaphore_mem>>
      %dma_start3A_52 = tpu.memref_slice %arg3[%add3A_18] : memref<131072xi32, #tpu.memory_space<hbm>> -> memref<128xi32, #tpu.memory_space<hbm>>
      %dma_start3A_53 = tpu.memref_slice %arg3[%add3A_18] : memref<131072xi32, #tpu.memory_space<hbm>> -> memref<128xi32, #tpu.memory_space<hbm>>
      tpu.enqueue_dma source(%dma_start3A_53 : memref<128xi32, #tpu.memory_space<hbm>>) target(%arg8 : memref<128xi32, #tpu.memory_space<vmem>>) target_semaphore(%run_scoped3A : memref<!tpu.dma_semaphore, #tpu.memory_space<semaphore_mem>>)
      %dma_wait3A_54 = tpu.memref_slice %arg3[%add3A_18] : memref<131072xi32, #tpu.memory_space<hbm>> -> memref<128xi32, #tpu.memory_space<hbm>>
      %dma_wait3A_55 = tpu.memref_slice %arg3[%add3A_18] : memref<131072xi32, #tpu.memory_space<hbm>> -> memref<128xi32, #tpu.memory_space<hbm>>
      tpu.wait_dma2 semaphore(%run_scoped3A : memref<!tpu.dma_semaphore, #tpu.memory_space<semaphore_mem>>) src(%dma_wait3A_55 : memref<128xi32, #tpu.memory_space<hbm>>) dst(%arg8 : memref<128xi32, #tpu.memory_space<vmem>>)
      tpu.yield
    }) : () -> ()
    %dma_start3A_19 = arith.constant 0 : i32
    %dma_start3A_20 = arith.constant 0 : i32
    %dma_start3A_21 = tpu.memref_slice %arg2[%dma_start3A_19, %dma_start3A_20] : memref<8192x128xf32, #tpu.memory_space<hbm>> -> memref<8192x128xf32, #tpu.memory_space<hbm>>
    tpu.enqueue_indirect_dma source(%dma_start3A_21 : memref<8192x128xf32, #tpu.memory_space<hbm>>) target(%arg12 : memref<128x128xf32, #tpu.memory_space<vmem>>) offsets(%arg8 : memref<128xi32, #tpu.memory_space<vmem>>) semaphore(%arg16 : memref<!tpu.dma_semaphore, #tpu.memory_space<semaphore_mem>>)
    %scan3A = arith.constant 0 : i32
    %scan3A_22 = arith.constant 0 : i32
    %scan3A_23 = arith.constant 8 : i32
    %scan3A_24 = arith.addi %scan3A_22, %scan3A_23 : i32
    %scan3A_25 = arith.constant 1 : i32
    scf.for %scan3A_52 = %scan3A_22 to %scan3A_24 step %scan3A_25  : i32 {
      %mul3A_53 = arith.constant 512 : i32
      %mul3A_54 = arith.muli %scan3A_52, %mul3A_53 : i32
      %add3A_55 = arith.addi %mul3A_2, %mul3A_54 : i32
      %dma_wait3A_56 = arith.constant 0 : i32
      %dma_wait3A_57 = arith.constant 0 : i32
      %dma_wait3A_58 = tpu.memref_slice %arg2[%dma_wait3A_56, %dma_wait3A_57] : memref<8192x128xf32, #tpu.memory_space<hbm>> -> memref<8192x128xf32, #tpu.memory_space<hbm>>
      tpu.wait_indirect_dma semaphore(%arg13 : memref<!tpu.dma_semaphore, #tpu.memory_space<semaphore_mem>>) src(%dma_wait3A_58 : memref<8192x128xf32, #tpu.memory_space<hbm>>) dst(%arg9 : memref<128x128xf32, #tpu.memory_space<vmem>>)
      %add3A_59 = arith.constant 0 : i32
      %add3A_60 = arith.addi %add3A_55, %add3A_59 : i32
      %dma_start3A_61 = arith.constant 0 : i32
      %dma_start3A_62 = tpu.memref_slice %arg4[%add3A_60, %dma_start3A_61] : memref<131072x128xf32, #tpu.memory_space<hbm>> -> memref<128x128xf32, #tpu.memory_space<hbm>>
      %dma_start3A_63 = arith.constant 0 : i32
      %dma_start3A_64 = tpu.memref_slice %arg4[%add3A_60, %dma_start3A_63] : memref<131072x128xf32, #tpu.memory_space<hbm>> -> memref<128x128xf32, #tpu.memory_space<hbm>>
      tpu.enqueue_dma source(%arg9 : memref<128x128xf32, #tpu.memory_space<vmem>>) target(%dma_start3A_64 : memref<128x128xf32, #tpu.memory_space<hbm>>) target_semaphore(%arg17 : memref<!tpu.dma_semaphore, #tpu.memory_space<semaphore_mem>>)
      %dma_wait3A_65 = arith.constant 0 : i32
      %dma_wait3A_66 = arith.constant 0 : i32
      %dma_wait3A_67 = tpu.memref_slice %arg2[%dma_wait3A_65, %dma_wait3A_66] : memref<8192x128xf32, #tpu.memory_space<hbm>> -> memref<8192x128xf32, #tpu.memory_space<hbm>>
      tpu.wait_indirect_dma semaphore(%arg14 : memref<!tpu.dma_semaphore, #tpu.memory_space<semaphore_mem>>) src(%dma_wait3A_67 : memref<8192x128xf32, #tpu.memory_space<hbm>>) dst(%arg10 : memref<128x128xf32, #tpu.memory_space<vmem>>)
      %add3A_68 = arith.constant 128 : i32
      %add3A_69 = arith.addi %add3A_55, %add3A_68 : i32
      %dma_start3A_70 = arith.constant 0 : i32
      %dma_start3A_71 = tpu.memref_slice %arg4[%add3A_69, %dma_start3A_70] : memref<131072x128xf32, #tpu.memory_space<hbm>> -> memref<128x128xf32, #tpu.memory_space<hbm>>
      %dma_start3A_72 = arith.constant 0 : i32
      %dma_start3A_73 = tpu.memref_slice %arg4[%add3A_69, %dma_start3A_72] : memref<131072x128xf32, #tpu.memory_space<hbm>> -> memref<128x128xf32, #tpu.memory_space<hbm>>
      tpu.enqueue_dma source(%arg10 : memref<128x128xf32, #tpu.memory_space<vmem>>) target(%dma_start3A_73 : memref<128x128xf32, #tpu.memory_space<hbm>>) target_semaphore(%arg18 : memref<!tpu.dma_semaphore, #tpu.memory_space<semaphore_mem>>)
      %dma_wait3A_74 = arith.constant 0 : i32
      %dma_wait3A_75 = arith.constant 0 : i32
      %dma_wait3A_76 = tpu.memref_slice %arg2[%dma_wait3A_74, %dma_wait3A_75] : memref<8192x128xf32, #tpu.memory_space<hbm>> -> memref<8192x128xf32, #tpu.memory_space<hbm>>
      tpu.wait_indirect_dma semaphore(%arg15 : memref<!tpu.dma_semaphore, #tpu.memory_space<semaphore_mem>>) src(%dma_wait3A_76 : memref<8192x128xf32, #tpu.memory_space<hbm>>) dst(%arg11 : memref<128x128xf32, #tpu.memory_space<vmem>>)
      %add3A_77 = arith.constant 256 : i32
      %add3A_78 = arith.addi %add3A_55, %add3A_77 : i32
      %dma_start3A_79 = arith.constant 0 : i32
      %dma_start3A_80 = tpu.memref_slice %arg4[%add3A_78, %dma_start3A_79] : memref<131072x128xf32, #tpu.memory_space<hbm>> -> memref<128x128xf32, #tpu.memory_space<hbm>>
      %dma_start3A_81 = arith.constant 0 : i32
      %dma_start3A_82 = tpu.memref_slice %arg4[%add3A_78, %dma_start3A_81] : memref<131072x128xf32, #tpu.memory_space<hbm>> -> memref<128x128xf32, #tpu.memory_space<hbm>>
      tpu.enqueue_dma source(%arg11 : memref<128x128xf32, #tpu.memory_space<vmem>>) target(%dma_start3A_82 : memref<128x128xf32, #tpu.memory_space<hbm>>) target_semaphore(%arg19 : memref<!tpu.dma_semaphore, #tpu.memory_space<semaphore_mem>>)
      %dma_wait3A_83 = arith.constant 0 : i32
      %dma_wait3A_84 = arith.constant 0 : i32
      %dma_wait3A_85 = tpu.memref_slice %arg2[%dma_wait3A_83, %dma_wait3A_84] : memref<8192x128xf32, #tpu.memory_space<hbm>> -> memref<8192x128xf32, #tpu.memory_space<hbm>>
      tpu.wait_indirect_dma semaphore(%arg16 : memref<!tpu.dma_semaphore, #tpu.memory_space<semaphore_mem>>) src(%dma_wait3A_85 : memref<8192x128xf32, #tpu.memory_space<hbm>>) dst(%arg12 : memref<128x128xf32, #tpu.memory_space<vmem>>)
      %add3A_86 = arith.constant 384 : i32
      %add3A_87 = arith.addi %add3A_55, %add3A_86 : i32
      %dma_start3A_88 = arith.constant 0 : i32
      %dma_start3A_89 = tpu.memref_slice %arg4[%add3A_87, %dma_start3A_88] : memref<131072x128xf32, #tpu.memory_space<hbm>> -> memref<128x128xf32, #tpu.memory_space<hbm>>
      %dma_start3A_90 = arith.constant 0 : i32
      %dma_start3A_91 = tpu.memref_slice %arg4[%add3A_87, %dma_start3A_90] : memref<131072x128xf32, #tpu.memory_space<hbm>> -> memref<128x128xf32, #tpu.memory_space<hbm>>
      tpu.enqueue_dma source(%arg12 : memref<128x128xf32, #tpu.memory_space<vmem>>) target(%dma_start3A_91 : memref<128x128xf32, #tpu.memory_space<hbm>>) target_semaphore(%arg20 : memref<!tpu.dma_semaphore, #tpu.memory_space<semaphore_mem>>)
      %lt3A = arith.constant 7 : i32
      %lt3A_92 = arith.cmpi slt, %scan3A_52, %lt3A : i32
      %convert_element_type3A = arith.extui %lt3A_92 : i1 to i32
      %cond3A = arith.constant 0 : i32
      %cond3A_93 = arith.cmpi ne, %convert_element_type3A, %cond3A : i32
      scf.if %cond3A_93 {
        %add3A_94 = arith.constant 512 : i32
        %add3A_95 = arith.addi %add3A_55, %add3A_94 : i32
        %add3A_96 = arith.constant 0 : i32
        %add3A_97 = arith.addi %add3A_95, %add3A_96 : i32
        "tpu.region"() ({
          %run_scoped3A = tpu.sem_alloc : memref<!tpu.dma_semaphore, #tpu.memory_space<semaphore_mem>>
          %dma_start3A_140 = tpu.memref_slice %arg3[%add3A_97] : memref<131072xi32, #tpu.memory_space<hbm>> -> memref<128xi32, #tpu.memory_space<hbm>>
          %dma_start3A_141 = tpu.memref_slice %arg3[%add3A_97] : memref<131072xi32, #tpu.memory_space<hbm>> -> memref<128xi32, #tpu.memory_space<hbm>>
          tpu.enqueue_dma source(%dma_start3A_141 : memref<128xi32, #tpu.memory_space<hbm>>) target(%arg5 : memref<128xi32, #tpu.memory_space<vmem>>) target_semaphore(%run_scoped3A : memref<!tpu.dma_semaphore, #tpu.memory_space<semaphore_mem>>)
          %dma_wait3A_142 = tpu.memref_slice %arg3[%add3A_97] : memref<131072xi32, #tpu.memory_space<hbm>> -> memref<128xi32, #tpu.memory_space<hbm>>
          %dma_wait3A_143 = tpu.memref_slice %arg3[%add3A_97] : memref<131072xi32, #tpu.memory_space<hbm>> -> memref<128xi32, #tpu.memory_space<hbm>>
          tpu.wait_dma2 semaphore(%run_scoped3A : memref<!tpu.dma_semaphore, #tpu.memory_space<semaphore_mem>>) src(%dma_wait3A_143 : memref<128xi32, #tpu.memory_space<hbm>>) dst(%arg5 : memref<128xi32, #tpu.memory_space<vmem>>)
          tpu.yield
        }) : () -> ()
        %add3A_98 = arith.constant 128 : i32
        %add3A_99 = arith.addi %add3A_95, %add3A_98 : i32
        "tpu.region"() ({
          %run_scoped3A = tpu.sem_alloc : memref<!tpu.dma_semaphore, #tpu.memory_space<semaphore_mem>>
          %dma_start3A_140 = tpu.memref_slice %arg3[%add3A_99] : memref<131072xi32, #tpu.memory_space<hbm>> -> memref<128xi32, #tpu.memory_space<hbm>>
          %dma_start3A_141 = tpu.memref_slice %arg3[%add3A_99] : memref<131072xi32, #tpu.memory_space<hbm>> -> memref<128xi32, #tpu.memory_space<hbm>>
          tpu.enqueue_dma source(%dma_start3A_141 : memref<128xi32, #tpu.memory_space<hbm>>) target(%arg6 : memref<128xi32, #tpu.memory_space<vmem>>) target_semaphore(%run_scoped3A : memref<!tpu.dma_semaphore, #tpu.memory_space<semaphore_mem>>)
          %dma_wait3A_142 = tpu.memref_slice %arg3[%add3A_99] : memref<131072xi32, #tpu.memory_space<hbm>> -> memref<128xi32, #tpu.memory_space<hbm>>
          %dma_wait3A_143 = tpu.memref_slice %arg3[%add3A_99] : memref<131072xi32, #tpu.memory_space<hbm>> -> memref<128xi32, #tpu.memory_space<hbm>>
          tpu.wait_dma2 semaphore(%run_scoped3A : memref<!tpu.dma_semaphore, #tpu.memory_space<semaphore_mem>>) src(%dma_wait3A_143 : memref<128xi32, #tpu.memory_space<hbm>>) dst(%arg6 : memref<128xi32, #tpu.memory_space<vmem>>)
          tpu.yield
        }) : () -> ()
        %add3A_100 = arith.constant 256 : i32
        %add3A_101 = arith.addi %add3A_95, %add3A_100 : i32
        "tpu.region"() ({
          %run_scoped3A = tpu.sem_alloc : memref<!tpu.dma_semaphore, #tpu.memory_space<semaphore_mem>>
          %dma_start3A_140 = tpu.memref_slice %arg3[%add3A_101] : memref<131072xi32, #tpu.memory_space<hbm>> -> memref<128xi32, #tpu.memory_space<hbm>>
          %dma_start3A_141 = tpu.memref_slice %arg3[%add3A_101] : memref<131072xi32, #tpu.memory_space<hbm>> -> memref<128xi32, #tpu.memory_space<hbm>>
          tpu.enqueue_dma source(%dma_start3A_141 : memref<128xi32, #tpu.memory_space<hbm>>) target(%arg7 : memref<128xi32, #tpu.memory_space<vmem>>) target_semaphore(%run_scoped3A : memref<!tpu.dma_semaphore, #tpu.memory_space<semaphore_mem>>)
          %dma_wait3A_142 = tpu.memref_slice %arg3[%add3A_101] : memref<131072xi32, #tpu.memory_space<hbm>> -> memref<128xi32, #tpu.memory_space<hbm>>
          %dma_wait3A_143 = tpu.memref_slice %arg3[%add3A_101] : memref<131072xi32, #tpu.memory_space<hbm>> -> memref<128xi32, #tpu.memory_space<hbm>>
          tpu.wait_dma2 semaphore(%run_scoped3A : memref<!tpu.dma_semaphore, #tpu.memory_space<semaphore_mem>>) src(%dma_wait3A_143 : memref<128xi32, #tpu.memory_space<hbm>>) dst(%arg7 : memref<128xi32, #tpu.memory_space<vmem>>)
          tpu.yield
        }) : () -> ()
        %add3A_102 = arith.constant 384 : i32
        %add3A_103 = arith.addi %add3A_95, %add3A_102 : i32
        "tpu.region"() ({
          %run_scoped3A = tpu.sem_alloc : memref<!tpu.dma_semaphore, #tpu.memory_space<semaphore_mem>>
          %dma_start3A_140 = tpu.memref_slice %arg3[%add3A_103] : memref<131072xi32, #tpu.memory_space<hbm>> -> memref<128xi32, #tpu.memory_space<hbm>>
          %dma_start3A_141 = tpu.memref_slice %arg3[%add3A_103] : memref<131072xi32, #tpu.memory_space<hbm>> -> memref<128xi32, #tpu.memory_space<hbm>>
          tpu.enqueue_dma source(%dma_start3A_141 : memref<128xi32, #tpu.memory_space<hbm>>) target(%arg8 : memref<128xi32, #tpu.memory_space<vmem>>) target_semaphore(%run_scoped3A : memref<!tpu.dma_semaphore, #tpu.memory_space<semaphore_mem>>)
          %dma_wait3A_142 = tpu.memref_slice %arg3[%add3A_103] : memref<131072xi32, #tpu.memory_space<hbm>> -> memref<128xi32, #tpu.memory_space<hbm>>
          %dma_wait3A_143 = tpu.memref_slice %arg3[%add3A_103] : memref<131072xi32, #tpu.memory_space<hbm>> -> memref<128xi32, #tpu.memory_space<hbm>>
          tpu.wait_dma2 semaphore(%run_scoped3A : memref<!tpu.dma_semaphore, #tpu.memory_space<semaphore_mem>>) src(%dma_wait3A_143 : memref<128xi32, #tpu.memory_space<hbm>>) dst(%arg8 : memref<128xi32, #tpu.memory_space<vmem>>)
          tpu.yield
        }) : () -> ()
        %add3A_104 = arith.constant 0 : i32
        %add3A_105 = arith.addi %add3A_55, %add3A_104 : i32
        %dma_wait3A_106 = arith.constant 0 : i32
        %dma_wait3A_107 = tpu.memref_slice %arg4[%add3A_105, %dma_wait3A_106] : memref<131072x128xf32, #tpu.memory_space<hbm>> -> memref<128x128xf32, #tpu.memory_space<hbm>>
        %dma_wait3A_108 = arith.constant 0 : i32
        %dma_wait3A_109 = tpu.memref_slice %arg4[%add3A_105, %dma_wait3A_108] : memref<131072x128xf32, #tpu.memory_space<hbm>> -> memref<128x128xf32, #tpu.memory_space<hbm>>
        tpu.wait_dma2 semaphore(%arg17 : memref<!tpu.dma_semaphore, #tpu.memory_space<semaphore_mem>>) src(%arg9 : memref<128x128xf32, #tpu.memory_space<vmem>>) dst(%dma_wait3A_109 : memref<128x128xf32, #tpu.memory_space<hbm>>)
        %dma_start3A_110 = arith.constant 0 : i32
        %dma_start3A_111 = arith.constant 0 : i32
        %dma_start3A_112 = tpu.memref_slice %arg2[%dma_start3A_110, %dma_start3A_111] : memref<8192x128xf32, #tpu.memory_space<hbm>> -> memref<8192x128xf32, #tpu.memory_space<hbm>>
        tpu.enqueue_indirect_dma source(%dma_start3A_112 : memref<8192x128xf32, #tpu.memory_space<hbm>>) target(%arg9 : memref<128x128xf32, #tpu.memory_space<vmem>>) offsets(%arg5 : memref<128xi32, #tpu.memory_space<vmem>>) semaphore(%arg13 : memref<!tpu.dma_semaphore, #tpu.memory_space<semaphore_mem>>)
        %add3A_113 = arith.constant 128 : i32
        %add3A_114 = arith.addi %add3A_55, %add3A_113 : i32
        %dma_wait3A_115 = arith.constant 0 : i32
        %dma_wait3A_116 = tpu.memref_slice %arg4[%add3A_114, %dma_wait3A_115] : memref<131072x128xf32, #tpu.memory_space<hbm>> -> memref<128x128xf32, #tpu.memory_space<hbm>>
        %dma_wait3A_117 = arith.constant 0 : i32
        %dma_wait3A_118 = tpu.memref_slice %arg4[%add3A_114, %dma_wait3A_117] : memref<131072x128xf32, #tpu.memory_space<hbm>> -> memref<128x128xf32, #tpu.memory_space<hbm>>
        tpu.wait_dma2 semaphore(%arg18 : memref<!tpu.dma_semaphore, #tpu.memory_space<semaphore_mem>>) src(%arg10 : memref<128x128xf32, #tpu.memory_space<vmem>>) dst(%dma_wait3A_118 : memref<128x128xf32, #tpu.memory_space<hbm>>)
        %dma_start3A_119 = arith.constant 0 : i32
        %dma_start3A_120 = arith.constant 0 : i32
        %dma_start3A_121 = tpu.memref_slice %arg2[%dma_start3A_119, %dma_start3A_120] : memref<8192x128xf32, #tpu.memory_space<hbm>> -> memref<8192x128xf32, #tpu.memory_space<hbm>>
        tpu.enqueue_indirect_dma source(%dma_start3A_121 : memref<8192x128xf32, #tpu.memory_space<hbm>>) target(%arg10 : memref<128x128xf32, #tpu.memory_space<vmem>>) offsets(%arg6 : memref<128xi32, #tpu.memory_space<vmem>>) semaphore(%arg14 : memref<!tpu.dma_semaphore, #tpu.memory_space<semaphore_mem>>)
        %add3A_122 = arith.constant 256 : i32
        %add3A_123 = arith.addi %add3A_55, %add3A_122 : i32
        %dma_wait3A_124 = arith.constant 0 : i32
        %dma_wait3A_125 = tpu.memref_slice %arg4[%add3A_123, %dma_wait3A_124] : memref<131072x128xf32, #tpu.memory_space<hbm>> -> memref<128x128xf32, #tpu.memory_space<hbm>>
        %dma_wait3A_126 = arith.constant 0 : i32
        %dma_wait3A_127 = tpu.memref_slice %arg4[%add3A_123, %dma_wait3A_126] : memref<131072x128xf32, #tpu.memory_space<hbm>> -> memref<128x128xf32, #tpu.memory_space<hbm>>
        tpu.wait_dma2 semaphore(%arg19 : memref<!tpu.dma_semaphore, #tpu.memory_space<semaphore_mem>>) src(%arg11 : memref<128x128xf32, #tpu.memory_space<vmem>>) dst(%dma_wait3A_127 : memref<128x128xf32, #tpu.memory_space<hbm>>)
        %dma_start3A_128 = arith.constant 0 : i32
        %dma_start3A_129 = arith.constant 0 : i32
        %dma_start3A_130 = tpu.memref_slice %arg2[%dma_start3A_128, %dma_start3A_129] : memref<8192x128xf32, #tpu.memory_space<hbm>> -> memref<8192x128xf32, #tpu.memory_space<hbm>>
        tpu.enqueue_indirect_dma source(%dma_start3A_130 : memref<8192x128xf32, #tpu.memory_space<hbm>>) target(%arg11 : memref<128x128xf32, #tpu.memory_space<vmem>>) offsets(%arg7 : memref<128xi32, #tpu.memory_space<vmem>>) semaphore(%arg15 : memref<!tpu.dma_semaphore, #tpu.memory_space<semaphore_mem>>)
        %add3A_131 = arith.constant 384 : i32
        %add3A_132 = arith.addi %add3A_55, %add3A_131 : i32
        %dma_wait3A_133 = arith.constant 0 : i32
        %dma_wait3A_134 = tpu.memref_slice %arg4[%add3A_132, %dma_wait3A_133] : memref<131072x128xf32, #tpu.memory_space<hbm>> -> memref<128x128xf32, #tpu.memory_space<hbm>>
        %dma_wait3A_135 = arith.constant 0 : i32
        %dma_wait3A_136 = tpu.memref_slice %arg4[%add3A_132, %dma_wait3A_135] : memref<131072x128xf32, #tpu.memory_space<hbm>> -> memref<128x128xf32, #tpu.memory_space<hbm>>
        tpu.wait_dma2 semaphore(%arg20 : memref<!tpu.dma_semaphore, #tpu.memory_space<semaphore_mem>>) src(%arg12 : memref<128x128xf32, #tpu.memory_space<vmem>>) dst(%dma_wait3A_136 : memref<128x128xf32, #tpu.memory_space<hbm>>)
        %dma_start3A_137 = arith.constant 0 : i32
        %dma_start3A_138 = arith.constant 0 : i32
        %dma_start3A_139 = tpu.memref_slice %arg2[%dma_start3A_137, %dma_start3A_138] : memref<8192x128xf32, #tpu.memory_space<hbm>> -> memref<8192x128xf32, #tpu.memory_space<hbm>>
        tpu.enqueue_indirect_dma source(%dma_start3A_139 : memref<8192x128xf32, #tpu.memory_space<hbm>>) target(%arg12 : memref<128x128xf32, #tpu.memory_space<vmem>>) offsets(%arg8 : memref<128xi32, #tpu.memory_space<vmem>>) semaphore(%arg16 : memref<!tpu.dma_semaphore, #tpu.memory_space<semaphore_mem>>)
      } else {
      }
    }
    %scan3A_26 = arith.constant 8 : i32
    %add3A_27 = arith.constant 3584 : i32
    %add3A_28 = arith.addi %mul3A_2, %add3A_27 : i32
    %add3A_29 = arith.constant 0 : i32
    %add3A_30 = arith.addi %add3A_28, %add3A_29 : i32
    %dma_wait3A = arith.constant 0 : i32
    %dma_wait3A_31 = tpu.memref_slice %arg4[%add3A_30, %dma_wait3A] : memref<131072x128xf32, #tpu.memory_space<hbm>> -> memref<128x128xf32, #tpu.memory_space<hbm>>
    %dma_wait3A_32 = arith.constant 0 : i32
    %dma_wait3A_33 = tpu.memref_slice %arg4[%add3A_30, %dma_wait3A_32] : memref<131072x128xf32, #tpu.memory_space<hbm>> -> memref<128x128xf32, #tpu.memory_space<hbm>>
    tpu.wait_dma2 semaphore(%arg17 : memref<!tpu.dma_semaphore, #tpu.memory_space<semaphore_mem>>) src(%arg9 : memref<128x128xf32, #tpu.memory_space<vmem>>) dst(%dma_wait3A_33 : memref<128x128xf32, #tpu.memory_space<hbm>>)
    %add3A_34 = arith.constant 128 : i32
    %add3A_35 = arith.addi %add3A_28, %add3A_34 : i32
    %dma_wait3A_36 = arith.constant 0 : i32
    %dma_wait3A_37 = tpu.memref_slice %arg4[%add3A_35, %dma_wait3A_36] : memref<131072x128xf32, #tpu.memory_space<hbm>> -> memref<128x128xf32, #tpu.memory_space<hbm>>
    %dma_wait3A_38 = arith.constant 0 : i32
    %dma_wait3A_39 = tpu.memref_slice %arg4[%add3A_35, %dma_wait3A_38] : memref<131072x128xf32, #tpu.memory_space<hbm>> -> memref<128x128xf32, #tpu.memory_space<hbm>>
    tpu.wait_dma2 semaphore(%arg18 : memref<!tpu.dma_semaphore, #tpu.memory_space<semaphore_mem>>) src(%arg10 : memref<128x128xf32, #tpu.memory_space<vmem>>) dst(%dma_wait3A_39 : memref<128x128xf32, #tpu.memory_space<hbm>>)
    %add3A_40 = arith.constant 256 : i32
    %add3A_41 = arith.addi %add3A_28, %add3A_40 : i32
    %dma_wait3A_42 = arith.constant 0 : i32
    %dma_wait3A_43 = tpu.memref_slice %arg4[%add3A_41, %dma_wait3A_42] : memref<131072x128xf32, #tpu.memory_space<hbm>> -> memref<128x128xf32, #tpu.memory_space<hbm>>
    %dma_wait3A_44 = arith.constant 0 : i32
    %dma_wait3A_45 = tpu.memref_slice %arg4[%add3A_41, %dma_wait3A_44] : memref<131072x128xf32, #tpu.memory_space<hbm>> -> memref<128x128xf32, #tpu.memory_space<hbm>>
    tpu.wait_dma2 semaphore(%arg19 : memref<!tpu.dma_semaphore, #tpu.memory_space<semaphore_mem>>) src(%arg11 : memref<128x128xf32, #tpu.memory_space<vmem>>) dst(%dma_wait3A_45 : memref<128x128xf32, #tpu.memory_space<hbm>>)
    %add3A_46 = arith.constant 384 : i32
    %add3A_47 = arith.addi %add3A_28, %add3A_46 : i32
    %dma_wait3A_48 = arith.constant 0 : i32
    %dma_wait3A_49 = tpu.memref_slice %arg4[%add3A_47, %dma_wait3A_48] : memref<131072x128xf32, #tpu.memory_space<hbm>> -> memref<128x128xf32, #tpu.memory_space<hbm>>
    %dma_wait3A_50 = arith.constant 0 : i32
    %dma_wait3A_51 = tpu.memref_slice %arg4[%add3A_47, %dma_wait3A_50] : memref<131072x128xf32, #tpu.memory_space<hbm>> -> memref<128x128xf32, #tpu.memory_space<hbm>>
    tpu.wait_dma2 semaphore(%arg20 : memref<!tpu.dma_semaphore, #tpu.memory_space<semaphore_mem>>) src(%arg12 : memref<128x128xf32, #tpu.memory_space<vmem>>) dst(%dma_wait3A_51 : memref<128x128xf32, #tpu.memory_space<hbm>>)
    return
  }
}

#map = affine_map<(d0, d1) -> (0, 0)>
#map1 = affine_map<(d0, d1) -> (0)>
module attributes {stable_mosaic.version = 14 : i64} {
  func.func @gather(%arg0: i32, %arg1: i32, %arg2: memref<8192x128xf32, #tpu.memory_space<hbm>>, %arg3: memref<131072xi32, #tpu.memory_space<hbm>>, %arg4: memref<131072x128xf32, #tpu.memory_space<hbm>>, %arg5: memref<128xi32, #tpu.memory_space<vmem>>, %arg6: memref<128xi32, #tpu.memory_space<vmem>>, %arg7: memref<128xi32, #tpu.memory_space<vmem>>, %arg8: memref<128xi32, #tpu.memory_space<vmem>>, %arg9: memref<128x128xf32, #tpu.memory_space<vmem>>, %arg10: memref<128x128xf32, #tpu.memory_space<vmem>>, %arg11: memref<128x128xf32, #tpu.memory_space<vmem>>, %arg12: memref<128x128xf32, #tpu.memory_space<vmem>>, %arg13: memref<!tpu.dma_semaphore, #tpu.memory_space<semaphore_mem>>, %arg14: memref<!tpu.dma_semaphore, #tpu.memory_space<semaphore_mem>>, %arg15: memref<!tpu.dma_semaphore, #tpu.memory_space<semaphore_mem>>, %arg16: memref<!tpu.dma_semaphore, #tpu.memory_space<semaphore_mem>>, %arg17: memref<!tpu.dma_semaphore, #tpu.memory_space<semaphore_mem>>, %arg18: memref<!tpu.dma_semaphore, #tpu.memory_space<semaphore_mem>>, %arg19: memref<!tpu.dma_semaphore, #tpu.memory_space<semaphore_mem>>, %arg20: memref<!tpu.dma_semaphore, #tpu.memory_space<semaphore_mem>>) attributes {dimension_semantics = [#tpu.dimension_semantics<core_parallel>, #tpu.dimension_semantics<subcore_parallel>], iteration_bounds = array<i64: 2, 16>, scalar_prefetch = 0 : i64, scratch_operands = 16 : i64, tpu.core_type = #tpu.core_type<sc_vector_subcore>, window_params = [{transform_indices = #map}, {transform_indices = #map1}, {transform_indices = #map}]} {
    %mul3A = arith.constant 2 : i32
    %mul3A_0 = arith.muli %arg1, %mul3A : i32
    %add3A = arith.addi %mul3A_0, %arg0 : i32
    %mul3A_1 = arith.constant 4096 : i32
    %mul3A_2 = arith.muli %add3A, %mul3A_1 : i32
    %add3A_3 = arith.constant 0 : i32
    %add3A_4 = arith.addi %mul3A_2, %add3A_3 : i32
    "tpu.region"() ({
      %run_scoped3A = tpu.sem_alloc : memref<!tpu.dma_semaphore, #tpu.memory_space<semaphore_mem>>
      %dma_start3A_52 = tpu.memref_slice %arg3[%add3A_4] : memref<131072xi32, #tpu.memory_space<hbm>> -> memref<128xi32, #tpu.memory_space<hbm>>
      %dma_start3A_53 = tpu.memref_slice %arg3[%add3A_4] : memref<131072xi32, #tpu.memory_space<hbm>> -> memref<128xi32, #tpu.memory_space<hbm>>
      tpu.enqueue_dma source(%dma_start3A_53 : memref<128xi32, #tpu.memory_space<hbm>>) target(%arg5 : memref<128xi32, #tpu.memory_space<vmem>>) target_semaphore(%run_scoped3A : memref<!tpu.dma_semaphore, #tpu.memory_space<semaphore_mem>>)
      %dma_wait3A_54 = tpu.memref_slice %arg3[%add3A_4] : memref<131072xi32, #tpu.memory_space<hbm>> -> memref<128xi32, #tpu.memory_space<hbm>>
      %dma_wait3A_55 = tpu.memref_slice %arg3[%add3A_4] : memref<131072xi32, #tpu.memory_space<hbm>> -> memref<128xi32, #tpu.memory_space<hbm>>
      tpu.wait_dma2 semaphore(%run_scoped3A : memref<!tpu.dma_semaphore, #tpu.memory_space<semaphore_mem>>) src(%dma_wait3A_55 : memref<128xi32, #tpu.memory_space<hbm>>) dst(%arg5 : memref<128xi32, #tpu.memory_space<vmem>>)
      tpu.yield
    }) : () -> ()
    %dma_start3A = arith.constant 0 : i32
    %dma_start3A_5 = arith.constant 0 : i32
    %dma_start3A_6 = tpu.memref_slice %arg2[%dma_start3A, %dma_start3A_5] : memref<8192x128xf32, #tpu.memory_space<hbm>> -> memref<8192x128xf32, #tpu.memory_space<hbm>>
    tpu.enqueue_indirect_dma source(%dma_start3A_6 : memref<8192x128xf32, #tpu.memory_space<hbm>>) target(%arg9 : memref<128x128xf32, #tpu.memory_space<vmem>>) offsets(%arg5 : memref<128xi32, #tpu.memory_space<vmem>>) semaphore(%arg13 : memref<!tpu.dma_semaphore, #tpu.memory_space<semaphore_mem>>)
    %add3A_7 = arith.constant 128 : i32
    %add3A_8 = arith.addi %mul3A_2, %add3A_7 : i32
    "tpu.region"() ({
      %run_scoped3A = tpu.sem_alloc : memref<!tpu.dma_semaphore, #tpu.memory_space<semaphore_mem>>
      %dma_start3A_52 = tpu.memref_slice %arg3[%add3A_8] : memref<131072xi32, #tpu.memory_space<hbm>> -> memref<128xi32, #tpu.memory_space<hbm>>
      %dma_start3A_53 = tpu.memref_slice %arg3[%add3A_8] : memref<131072xi32, #tpu.memory_space<hbm>> -> memref<128xi32, #tpu.memory_space<hbm>>
      tpu.enqueue_dma source(%dma_start3A_53 : memref<128xi32, #tpu.memory_space<hbm>>) target(%arg6 : memref<128xi32, #tpu.memory_space<vmem>>) target_semaphore(%run_scoped3A : memref<!tpu.dma_semaphore, #tpu.memory_space<semaphore_mem>>)
      %dma_wait3A_54 = tpu.memref_slice %arg3[%add3A_8] : memref<131072xi32, #tpu.memory_space<hbm>> -> memref<128xi32, #tpu.memory_space<hbm>>
      %dma_wait3A_55 = tpu.memref_slice %arg3[%add3A_8] : memref<131072xi32, #tpu.memory_space<hbm>> -> memref<128xi32, #tpu.memory_space<hbm>>
      tpu.wait_dma2 semaphore(%run_scoped3A : memref<!tpu.dma_semaphore, #tpu.memory_space<semaphore_mem>>) src(%dma_wait3A_55 : memref<128xi32, #tpu.memory_space<hbm>>) dst(%arg6 : memref<128xi32, #tpu.memory_space<vmem>>)
      tpu.yield
    }) : () -> ()
    %dma_start3A_9 = arith.constant 0 : i32
    %dma_start3A_10 = arith.constant 0 : i32
    %dma_start3A_11 = tpu.memref_slice %arg2[%dma_start3A_9, %dma_start3A_10] : memref<8192x128xf32, #tpu.memory_space<hbm>> -> memref<8192x128xf32, #tpu.memory_space<hbm>>
    tpu.enqueue_indirect_dma source(%dma_start3A_11 : memref<8192x128xf32, #tpu.memory_space<hbm>>) target(%arg10 : memref<128x128xf32, #tpu.memory_space<vmem>>) offsets(%arg6 : memref<128xi32, #tpu.memory_space<vmem>>) semaphore(%arg14 : memref<!tpu.dma_semaphore, #tpu.memory_space<semaphore_mem>>)
    %add3A_12 = arith.constant 256 : i32
    %add3A_13 = arith.addi %mul3A_2, %add3A_12 : i32
    "tpu.region"() ({
      %run_scoped3A = tpu.sem_alloc : memref<!tpu.dma_semaphore, #tpu.memory_space<semaphore_mem>>
      %dma_start3A_52 = tpu.memref_slice %arg3[%add3A_13] : memref<131072xi32, #tpu.memory_space<hbm>> -> memref<128xi32, #tpu.memory_space<hbm>>
      %dma_start3A_53 = tpu.memref_slice %arg3[%add3A_13] : memref<131072xi32, #tpu.memory_space<hbm>> -> memref<128xi32, #tpu.memory_space<hbm>>
      tpu.enqueue_dma source(%dma_start3A_53 : memref<128xi32, #tpu.memory_space<hbm>>) target(%arg7 : memref<128xi32, #tpu.memory_space<vmem>>) target_semaphore(%run_scoped3A : memref<!tpu.dma_semaphore, #tpu.memory_space<semaphore_mem>>)
      %dma_wait3A_54 = tpu.memref_slice %arg3[%add3A_13] : memref<131072xi32, #tpu.memory_space<hbm>> -> memref<128xi32, #tpu.memory_space<hbm>>
      %dma_wait3A_55 = tpu.memref_slice %arg3[%add3A_13] : memref<131072xi32, #tpu.memory_space<hbm>> -> memref<128xi32, #tpu.memory_space<hbm>>
      tpu.wait_dma2 semaphore(%run_scoped3A : memref<!tpu.dma_semaphore, #tpu.memory_space<semaphore_mem>>) src(%dma_wait3A_55 : memref<128xi32, #tpu.memory_space<hbm>>) dst(%arg7 : memref<128xi32, #tpu.memory_space<vmem>>)
      tpu.yield
    }) : () -> ()
    %dma_start3A_14 = arith.constant 0 : i32
    %dma_start3A_15 = arith.constant 0 : i32
    %dma_start3A_16 = tpu.memref_slice %arg2[%dma_start3A_14, %dma_start3A_15] : memref<8192x128xf32, #tpu.memory_space<hbm>> -> memref<8192x128xf32, #tpu.memory_space<hbm>>
    tpu.enqueue_indirect_dma source(%dma_start3A_16 : memref<8192x128xf32, #tpu.memory_space<hbm>>) target(%arg11 : memref<128x128xf32, #tpu.memory_space<vmem>>) offsets(%arg7 : memref<128xi32, #tpu.memory_space<vmem>>) semaphore(%arg15 : memref<!tpu.dma_semaphore, #tpu.memory_space<semaphore_mem>>)
    %add3A_17 = arith.constant 384 : i32
    %add3A_18 = arith.addi %mul3A_2, %add3A_17 : i32
    "tpu.region"() ({
      %run_scoped3A = tpu.sem_alloc : memref<!tpu.dma_semaphore, #tpu.memory_space<semaphore_mem>>
      %dma_start3A_52 = tpu.memref_slice %arg3[%add3A_18] : memref<131072xi32, #tpu.memory_space<hbm>> -> memref<128xi32, #tpu.memory_space<hbm>>
      %dma_start3A_53 = tpu.memref_slice %arg3[%add3A_18] : memref<131072xi32, #tpu.memory_space<hbm>> -> memref<128xi32, #tpu.memory_space<hbm>>
      tpu.enqueue_dma source(%dma_start3A_53 : memref<128xi32, #tpu.memory_space<hbm>>) target(%arg8 : memref<128xi32, #tpu.memory_space<vmem>>) target_semaphore(%run_scoped3A : memref<!tpu.dma_semaphore, #tpu.memory_space<semaphore_mem>>)
      %dma_wait3A_54 = tpu.memref_slice %arg3[%add3A_18] : memref<131072xi32, #tpu.memory_space<hbm>> -> memref<128xi32, #tpu.memory_space<hbm>>
      %dma_wait3A_55 = tpu.memref_slice %arg3[%add3A_18] : memref<131072xi32, #tpu.memory_space<hbm>> -> memref<128xi32, #tpu.memory_space<hbm>>
      tpu.wait_dma2 semaphore(%run_scoped3A : memref<!tpu.dma_semaphore, #tpu.memory_space<semaphore_mem>>) src(%dma_wait3A_55 : memref<128xi32, #tpu.memory_space<hbm>>) dst(%arg8 : memref<128xi32, #tpu.memory_space<vmem>>)
      tpu.yield
    }) : () -> ()
    %dma_start3A_19 = arith.constant 0 : i32
    %dma_start3A_20 = arith.constant 0 : i32
    %dma_start3A_21 = tpu.memref_slice %arg2[%dma_start3A_19, %dma_start3A_20] : memref<8192x128xf32, #tpu.memory_space<hbm>> -> memref<8192x128xf32, #tpu.memory_space<hbm>>
    tpu.enqueue_indirect_dma source(%dma_start3A_21 : memref<8192x128xf32, #tpu.memory_space<hbm>>) target(%arg12 : memref<128x128xf32, #tpu.memory_space<vmem>>) offsets(%arg8 : memref<128xi32, #tpu.memory_space<vmem>>) semaphore(%arg16 : memref<!tpu.dma_semaphore, #tpu.memory_space<semaphore_mem>>)
    %scan3A = arith.constant 0 : i32
    %scan3A_22 = arith.constant 0 : i32
    %scan3A_23 = arith.constant 8 : i32
    %scan3A_24 = arith.addi %scan3A_22, %scan3A_23 : i32
    %scan3A_25 = arith.constant 1 : i32
    scf.for %scan3A_52 = %scan3A_22 to %scan3A_24 step %scan3A_25  : i32 {
      %mul3A_53 = arith.constant 512 : i32
      %mul3A_54 = arith.muli %scan3A_52, %mul3A_53 : i32
      %add3A_55 = arith.addi %mul3A_2, %mul3A_54 : i32
      %dma_wait3A_56 = arith.constant 0 : i32
      %dma_wait3A_57 = arith.constant 0 : i32
      %dma_wait3A_58 = tpu.memref_slice %arg2[%dma_wait3A_56, %dma_wait3A_57] : memref<8192x128xf32, #tpu.memory_space<hbm>> -> memref<8192x128xf32, #tpu.memory_space<hbm>>
      tpu.wait_indirect_dma semaphore(%arg13 : memref<!tpu.dma_semaphore, #tpu.memory_space<semaphore_mem>>) src(%dma_wait3A_58 : memref<8192x128xf32, #tpu.memory_space<hbm>>) dst(%arg9 : memref<128x128xf32, #tpu.memory_space<vmem>>)
      %add3A_59 = arith.constant 0 : i32
      %add3A_60 = arith.addi %add3A_55, %add3A_59 : i32
      %dma_start3A_61 = arith.constant 0 : i32
      %dma_start3A_62 = tpu.memref_slice %arg4[%add3A_60, %dma_start3A_61] : memref<131072x128xf32, #tpu.memory_space<hbm>> -> memref<128x128xf32, #tpu.memory_space<hbm>>
      %dma_start3A_63 = arith.constant 0 : i32
      %dma_start3A_64 = tpu.memref_slice %arg4[%add3A_60, %dma_start3A_63] : memref<131072x128xf32, #tpu.memory_space<hbm>> -> memref<128x128xf32, #tpu.memory_space<hbm>>
      tpu.enqueue_dma source(%arg9 : memref<128x128xf32, #tpu.memory_space<vmem>>) target(%dma_start3A_64 : memref<128x128xf32, #tpu.memory_space<hbm>>) target_semaphore(%arg17 : memref<!tpu.dma_semaphore, #tpu.memory_space<semaphore_mem>>)
      %dma_wait3A_65 = arith.constant 0 : i32
      %dma_wait3A_66 = arith.constant 0 : i32
      %dma_wait3A_67 = tpu.memref_slice %arg2[%dma_wait3A_65, %dma_wait3A_66] : memref<8192x128xf32, #tpu.memory_space<hbm>> -> memref<8192x128xf32, #tpu.memory_space<hbm>>
      tpu.wait_indirect_dma semaphore(%arg14 : memref<!tpu.dma_semaphore, #tpu.memory_space<semaphore_mem>>) src(%dma_wait3A_67 : memref<8192x128xf32, #tpu.memory_space<hbm>>) dst(%arg10 : memref<128x128xf32, #tpu.memory_space<vmem>>)
      %add3A_68 = arith.constant 128 : i32
      %add3A_69 = arith.addi %add3A_55, %add3A_68 : i32
      %dma_start3A_70 = arith.constant 0 : i32
      %dma_start3A_71 = tpu.memref_slice %arg4[%add3A_69, %dma_start3A_70] : memref<131072x128xf32, #tpu.memory_space<hbm>> -> memref<128x128xf32, #tpu.memory_space<hbm>>
      %dma_start3A_72 = arith.constant 0 : i32
      %dma_start3A_73 = tpu.memref_slice %arg4[%add3A_69, %dma_start3A_72] : memref<131072x128xf32, #tpu.memory_space<hbm>> -> memref<128x128xf32, #tpu.memory_space<hbm>>
      tpu.enqueue_dma source(%arg10 : memref<128x128xf32, #tpu.memory_space<vmem>>) target(%dma_start3A_73 : memref<128x128xf32, #tpu.memory_space<hbm>>) target_semaphore(%arg18 : memref<!tpu.dma_semaphore, #tpu.memory_space<semaphore_mem>>)
      %dma_wait3A_74 = arith.constant 0 : i32
      %dma_wait3A_75 = arith.constant 0 : i32
      %dma_wait3A_76 = tpu.memref_slice %arg2[%dma_wait3A_74, %dma_wait3A_75] : memref<8192x128xf32, #tpu.memory_space<hbm>> -> memref<8192x128xf32, #tpu.memory_space<hbm>>
      tpu.wait_indirect_dma semaphore(%arg15 : memref<!tpu.dma_semaphore, #tpu.memory_space<semaphore_mem>>) src(%dma_wait3A_76 : memref<8192x128xf32, #tpu.memory_space<hbm>>) dst(%arg11 : memref<128x128xf32, #tpu.memory_space<vmem>>)
      %add3A_77 = arith.constant 256 : i32
      %add3A_78 = arith.addi %add3A_55, %add3A_77 : i32
      %dma_start3A_79 = arith.constant 0 : i32
      %dma_start3A_80 = tpu.memref_slice %arg4[%add3A_78, %dma_start3A_79] : memref<131072x128xf32, #tpu.memory_space<hbm>> -> memref<128x128xf32, #tpu.memory_space<hbm>>
      %dma_start3A_81 = arith.constant 0 : i32
      %dma_start3A_82 = tpu.memref_slice %arg4[%add3A_78, %dma_start3A_81] : memref<131072x128xf32, #tpu.memory_space<hbm>> -> memref<128x128xf32, #tpu.memory_space<hbm>>
      tpu.enqueue_dma source(%arg11 : memref<128x128xf32, #tpu.memory_space<vmem>>) target(%dma_start3A_82 : memref<128x128xf32, #tpu.memory_space<hbm>>) target_semaphore(%arg19 : memref<!tpu.dma_semaphore, #tpu.memory_space<semaphore_mem>>)
      %dma_wait3A_83 = arith.constant 0 : i32
      %dma_wait3A_84 = arith.constant 0 : i32
      %dma_wait3A_85 = tpu.memref_slice %arg2[%dma_wait3A_83, %dma_wait3A_84] : memref<8192x128xf32, #tpu.memory_space<hbm>> -> memref<8192x128xf32, #tpu.memory_space<hbm>>
      tpu.wait_indirect_dma semaphore(%arg16 : memref<!tpu.dma_semaphore, #tpu.memory_space<semaphore_mem>>) src(%dma_wait3A_85 : memref<8192x128xf32, #tpu.memory_space<hbm>>) dst(%arg12 : memref<128x128xf32, #tpu.memory_space<vmem>>)
      %add3A_86 = arith.constant 384 : i32
      %add3A_87 = arith.addi %add3A_55, %add3A_86 : i32
      %dma_start3A_88 = arith.constant 0 : i32
      %dma_start3A_89 = tpu.memref_slice %arg4[%add3A_87, %dma_start3A_88] : memref<131072x128xf32, #tpu.memory_space<hbm>> -> memref<128x128xf32, #tpu.memory_space<hbm>>
      %dma_start3A_90 = arith.constant 0 : i32
      %dma_start3A_91 = tpu.memref_slice %arg4[%add3A_87, %dma_start3A_90] : memref<131072x128xf32, #tpu.memory_space<hbm>> -> memref<128x128xf32, #tpu.memory_space<hbm>>
      tpu.enqueue_dma source(%arg12 : memref<128x128xf32, #tpu.memory_space<vmem>>) target(%dma_start3A_91 : memref<128x128xf32, #tpu.memory_space<hbm>>) target_semaphore(%arg20 : memref<!tpu.dma_semaphore, #tpu.memory_space<semaphore_mem>>)
      %lt3A = arith.constant 7 : i32
      %lt3A_92 = arith.cmpi slt, %scan3A_52, %lt3A : i32
      %convert_element_type3A = arith.extui %lt3A_92 : i1 to i32
      %cond3A = arith.constant 0 : i32
      %cond3A_93 = arith.cmpi ne, %convert_element_type3A, %cond3A : i32
      scf.if %cond3A_93 {
        %add3A_94 = arith.constant 512 : i32
        %add3A_95 = arith.addi %add3A_55, %add3A_94 : i32
        %add3A_96 = arith.constant 0 : i32
        %add3A_97 = arith.addi %add3A_95, %add3A_96 : i32
        "tpu.region"() ({
          %run_scoped3A = tpu.sem_alloc : memref<!tpu.dma_semaphore, #tpu.memory_space<semaphore_mem>>
          %dma_start3A_140 = tpu.memref_slice %arg3[%add3A_97] : memref<131072xi32, #tpu.memory_space<hbm>> -> memref<128xi32, #tpu.memory_space<hbm>>
          %dma_start3A_141 = tpu.memref_slice %arg3[%add3A_97] : memref<131072xi32, #tpu.memory_space<hbm>> -> memref<128xi32, #tpu.memory_space<hbm>>
          tpu.enqueue_dma source(%dma_start3A_141 : memref<128xi32, #tpu.memory_space<hbm>>) target(%arg5 : memref<128xi32, #tpu.memory_space<vmem>>) target_semaphore(%run_scoped3A : memref<!tpu.dma_semaphore, #tpu.memory_space<semaphore_mem>>)
          %dma_wait3A_142 = tpu.memref_slice %arg3[%add3A_97] : memref<131072xi32, #tpu.memory_space<hbm>> -> memref<128xi32, #tpu.memory_space<hbm>>
          %dma_wait3A_143 = tpu.memref_slice %arg3[%add3A_97] : memref<131072xi32, #tpu.memory_space<hbm>> -> memref<128xi32, #tpu.memory_space<hbm>>
          tpu.wait_dma2 semaphore(%run_scoped3A : memref<!tpu.dma_semaphore, #tpu.memory_space<semaphore_mem>>) src(%dma_wait3A_143 : memref<128xi32, #tpu.memory_space<hbm>>) dst(%arg5 : memref<128xi32, #tpu.memory_space<vmem>>)
          tpu.yield
        }) : () -> ()
        %add3A_98 = arith.constant 128 : i32
        %add3A_99 = arith.addi %add3A_95, %add3A_98 : i32
        "tpu.region"() ({
          %run_scoped3A = tpu.sem_alloc : memref<!tpu.dma_semaphore, #tpu.memory_space<semaphore_mem>>
          %dma_start3A_140 = tpu.memref_slice %arg3[%add3A_99] : memref<131072xi32, #tpu.memory_space<hbm>> -> memref<128xi32, #tpu.memory_space<hbm>>
          %dma_start3A_141 = tpu.memref_slice %arg3[%add3A_99] : memref<131072xi32, #tpu.memory_space<hbm>> -> memref<128xi32, #tpu.memory_space<hbm>>
          tpu.enqueue_dma source(%dma_start3A_141 : memref<128xi32, #tpu.memory_space<hbm>>) target(%arg6 : memref<128xi32, #tpu.memory_space<vmem>>) target_semaphore(%run_scoped3A : memref<!tpu.dma_semaphore, #tpu.memory_space<semaphore_mem>>)
          %dma_wait3A_142 = tpu.memref_slice %arg3[%add3A_99] : memref<131072xi32, #tpu.memory_space<hbm>> -> memref<128xi32, #tpu.memory_space<hbm>>
          %dma_wait3A_143 = tpu.memref_slice %arg3[%add3A_99] : memref<131072xi32, #tpu.memory_space<hbm>> -> memref<128xi32, #tpu.memory_space<hbm>>
          tpu.wait_dma2 semaphore(%run_scoped3A : memref<!tpu.dma_semaphore, #tpu.memory_space<semaphore_mem>>) src(%dma_wait3A_143 : memref<128xi32, #tpu.memory_space<hbm>>) dst(%arg6 : memref<128xi32, #tpu.memory_space<vmem>>)
          tpu.yield
        }) : () -> ()
        %add3A_100 = arith.constant 256 : i32
        %add3A_101 = arith.addi %add3A_95, %add3A_100 : i32
        "tpu.region"() ({
          %run_scoped3A = tpu.sem_alloc : memref<!tpu.dma_semaphore, #tpu.memory_space<semaphore_mem>>
          %dma_start3A_140 = tpu.memref_slice %arg3[%add3A_101] : memref<131072xi32, #tpu.memory_space<hbm>> -> memref<128xi32, #tpu.memory_space<hbm>>
          %dma_start3A_141 = tpu.memref_slice %arg3[%add3A_101] : memref<131072xi32, #tpu.memory_space<hbm>> -> memref<128xi32, #tpu.memory_space<hbm>>
          tpu.enqueue_dma source(%dma_start3A_141 : memref<128xi32, #tpu.memory_space<hbm>>) target(%arg7 : memref<128xi32, #tpu.memory_space<vmem>>) target_semaphore(%run_scoped3A : memref<!tpu.dma_semaphore, #tpu.memory_space<semaphore_mem>>)
          %dma_wait3A_142 = tpu.memref_slice %arg3[%add3A_101] : memref<131072xi32, #tpu.memory_space<hbm>> -> memref<128xi32, #tpu.memory_space<hbm>>
          %dma_wait3A_143 = tpu.memref_slice %arg3[%add3A_101] : memref<131072xi32, #tpu.memory_space<hbm>> -> memref<128xi32, #tpu.memory_space<hbm>>
          tpu.wait_dma2 semaphore(%run_scoped3A : memref<!tpu.dma_semaphore, #tpu.memory_space<semaphore_mem>>) src(%dma_wait3A_143 : memref<128xi32, #tpu.memory_space<hbm>>) dst(%arg7 : memref<128xi32, #tpu.memory_space<vmem>>)
          tpu.yield
        }) : () -> ()
        %add3A_102 = arith.constant 384 : i32
        %add3A_103 = arith.addi %add3A_95, %add3A_102 : i32
        "tpu.region"() ({
          %run_scoped3A = tpu.sem_alloc : memref<!tpu.dma_semaphore, #tpu.memory_space<semaphore_mem>>
          %dma_start3A_140 = tpu.memref_slice %arg3[%add3A_103] : memref<131072xi32, #tpu.memory_space<hbm>> -> memref<128xi32, #tpu.memory_space<hbm>>
          %dma_start3A_141 = tpu.memref_slice %arg3[%add3A_103] : memref<131072xi32, #tpu.memory_space<hbm>> -> memref<128xi32, #tpu.memory_space<hbm>>
          tpu.enqueue_dma source(%dma_start3A_141 : memref<128xi32, #tpu.memory_space<hbm>>) target(%arg8 : memref<128xi32, #tpu.memory_space<vmem>>) target_semaphore(%run_scoped3A : memref<!tpu.dma_semaphore, #tpu.memory_space<semaphore_mem>>)
          %dma_wait3A_142 = tpu.memref_slice %arg3[%add3A_103] : memref<131072xi32, #tpu.memory_space<hbm>> -> memref<128xi32, #tpu.memory_space<hbm>>
          %dma_wait3A_143 = tpu.memref_slice %arg3[%add3A_103] : memref<131072xi32, #tpu.memory_space<hbm>> -> memref<128xi32, #tpu.memory_space<hbm>>
          tpu.wait_dma2 semaphore(%run_scoped3A : memref<!tpu.dma_semaphore, #tpu.memory_space<semaphore_mem>>) src(%dma_wait3A_143 : memref<128xi32, #tpu.memory_space<hbm>>) dst(%arg8 : memref<128xi32, #tpu.memory_space<vmem>>)
          tpu.yield
        }) : () -> ()
        %add3A_104 = arith.constant 0 : i32
        %add3A_105 = arith.addi %add3A_55, %add3A_104 : i32
        %dma_wait3A_106 = arith.constant 0 : i32
        %dma_wait3A_107 = tpu.memref_slice %arg4[%add3A_105, %dma_wait3A_106] : memref<131072x128xf32, #tpu.memory_space<hbm>> -> memref<128x128xf32, #tpu.memory_space<hbm>>
        %dma_wait3A_108 = arith.constant 0 : i32
        %dma_wait3A_109 = tpu.memref_slice %arg4[%add3A_105, %dma_wait3A_108] : memref<131072x128xf32, #tpu.memory_space<hbm>> -> memref<128x128xf32, #tpu.memory_space<hbm>>
        tpu.wait_dma2 semaphore(%arg17 : memref<!tpu.dma_semaphore, #tpu.memory_space<semaphore_mem>>) src(%arg9 : memref<128x128xf32, #tpu.memory_space<vmem>>) dst(%dma_wait3A_109 : memref<128x128xf32, #tpu.memory_space<hbm>>)
        %dma_start3A_110 = arith.constant 0 : i32
        %dma_start3A_111 = arith.constant 0 : i32
        %dma_start3A_112 = tpu.memref_slice %arg2[%dma_start3A_110, %dma_start3A_111] : memref<8192x128xf32, #tpu.memory_space<hbm>> -> memref<8192x128xf32, #tpu.memory_space<hbm>>
        tpu.enqueue_indirect_dma source(%dma_start3A_112 : memref<8192x128xf32, #tpu.memory_space<hbm>>) target(%arg9 : memref<128x128xf32, #tpu.memory_space<vmem>>) offsets(%arg5 : memref<128xi32, #tpu.memory_space<vmem>>) semaphore(%arg13 : memref<!tpu.dma_semaphore, #tpu.memory_space<semaphore_mem>>)
        %add3A_113 = arith.constant 128 : i32
        %add3A_114 = arith.addi %add3A_55, %add3A_113 : i32
        %dma_wait3A_115 = arith.constant 0 : i32
        %dma_wait3A_116 = tpu.memref_slice %arg4[%add3A_114, %dma_wait3A_115] : memref<131072x128xf32, #tpu.memory_space<hbm>> -> memref<128x128xf32, #tpu.memory_space<hbm>>
        %dma_wait3A_117 = arith.constant 0 : i32
        %dma_wait3A_118 = tpu.memref_slice %arg4[%add3A_114, %dma_wait3A_117] : memref<131072x128xf32, #tpu.memory_space<hbm>> -> memref<128x128xf32, #tpu.memory_space<hbm>>
        tpu.wait_dma2 semaphore(%arg18 : memref<!tpu.dma_semaphore, #tpu.memory_space<semaphore_mem>>) src(%arg10 : memref<128x128xf32, #tpu.memory_space<vmem>>) dst(%dma_wait3A_118 : memref<128x128xf32, #tpu.memory_space<hbm>>)
        %dma_start3A_119 = arith.constant 0 : i32
        %dma_start3A_120 = arith.constant 0 : i32
        %dma_start3A_121 = tpu.memref_slice %arg2[%dma_start3A_119, %dma_start3A_120] : memref<8192x128xf32, #tpu.memory_space<hbm>> -> memref<8192x128xf32, #tpu.memory_space<hbm>>
        tpu.enqueue_indirect_dma source(%dma_start3A_121 : memref<8192x128xf32, #tpu.memory_space<hbm>>) target(%arg10 : memref<128x128xf32, #tpu.memory_space<vmem>>) offsets(%arg6 : memref<128xi32, #tpu.memory_space<vmem>>) semaphore(%arg14 : memref<!tpu.dma_semaphore, #tpu.memory_space<semaphore_mem>>)
        %add3A_122 = arith.constant 256 : i32
        %add3A_123 = arith.addi %add3A_55, %add3A_122 : i32
        %dma_wait3A_124 = arith.constant 0 : i32
        %dma_wait3A_125 = tpu.memref_slice %arg4[%add3A_123, %dma_wait3A_124] : memref<131072x128xf32, #tpu.memory_space<hbm>> -> memref<128x128xf32, #tpu.memory_space<hbm>>
        %dma_wait3A_126 = arith.constant 0 : i32
        %dma_wait3A_127 = tpu.memref_slice %arg4[%add3A_123, %dma_wait3A_126] : memref<131072x128xf32, #tpu.memory_space<hbm>> -> memref<128x128xf32, #tpu.memory_space<hbm>>
        tpu.wait_dma2 semaphore(%arg19 : memref<!tpu.dma_semaphore, #tpu.memory_space<semaphore_mem>>) src(%arg11 : memref<128x128xf32, #tpu.memory_space<vmem>>) dst(%dma_wait3A_127 : memref<128x128xf32, #tpu.memory_space<hbm>>)
        %dma_start3A_128 = arith.constant 0 : i32
        %dma_start3A_129 = arith.constant 0 : i32
        %dma_start3A_130 = tpu.memref_slice %arg2[%dma_start3A_128, %dma_start3A_129] : memref<8192x128xf32, #tpu.memory_space<hbm>> -> memref<8192x128xf32, #tpu.memory_space<hbm>>
        tpu.enqueue_indirect_dma source(%dma_start3A_130 : memref<8192x128xf32, #tpu.memory_space<hbm>>) target(%arg11 : memref<128x128xf32, #tpu.memory_space<vmem>>) offsets(%arg7 : memref<128xi32, #tpu.memory_space<vmem>>) semaphore(%arg15 : memref<!tpu.dma_semaphore, #tpu.memory_space<semaphore_mem>>)
        %add3A_131 = arith.constant 384 : i32
        %add3A_132 = arith.addi %add3A_55, %add3A_131 : i32
        %dma_wait3A_133 = arith.constant 0 : i32
        %dma_wait3A_134 = tpu.memref_slice %arg4[%add3A_132, %dma_wait3A_133] : memref<131072x128xf32, #tpu.memory_space<hbm>> -> memref<128x128xf32, #tpu.memory_space<hbm>>
        %dma_wait3A_135 = arith.constant 0 : i32
        %dma_wait3A_136 = tpu.memref_slice %arg4[%add3A_132, %dma_wait3A_135] : memref<131072x128xf32, #tpu.memory_space<hbm>> -> memref<128x128xf32, #tpu.memory_space<hbm>>
        tpu.wait_dma2 semaphore(%arg20 : memref<!tpu.dma_semaphore, #tpu.memory_space<semaphore_mem>>) src(%arg12 : memref<128x128xf32, #tpu.memory_space<vmem>>) dst(%dma_wait3A_136 : memref<128x128xf32, #tpu.memory_space<hbm>>)
        %dma_start3A_137 = arith.constant 0 : i32
        %dma_start3A_138 = arith.constant 0 : i32
        %dma_start3A_139 = tpu.memref_slice %arg2[%dma_start3A_137, %dma_start3A_138] : memref<8192x128xf32, #tpu.memory_space<hbm>> -> memref<8192x128xf32, #tpu.memory_space<hbm>>
        tpu.enqueue_indirect_dma source(%dma_start3A_139 : memref<8192x128xf32, #tpu.memory_space<hbm>>) target(%arg12 : memref<128x128xf32, #tpu.memory_space<vmem>>) offsets(%arg8 : memref<128xi32, #tpu.memory_space<vmem>>) semaphore(%arg16 : memref<!tpu.dma_semaphore, #tpu.memory_space<semaphore_mem>>)
      } else {
      }
    }
    %scan3A_26 = arith.constant 8 : i32
    %add3A_27 = arith.constant 3584 : i32
    %add3A_28 = arith.addi %mul3A_2, %add3A_27 : i32
    %add3A_29 = arith.constant 0 : i32
    %add3A_30 = arith.addi %add3A_28, %add3A_29 : i32
    %dma_wait3A = arith.constant 0 : i32
    %dma_wait3A_31 = tpu.memref_slice %arg4[%add3A_30, %dma_wait3A] : memref<131072x128xf32, #tpu.memory_space<hbm>> -> memref<128x128xf32, #tpu.memory_space<hbm>>
    %dma_wait3A_32 = arith.constant 0 : i32
    %dma_wait3A_33 = tpu.memref_slice %arg4[%add3A_30, %dma_wait3A_32] : memref<131072x128xf32, #tpu.memory_space<hbm>> -> memref<128x128xf32, #tpu.memory_space<hbm>>
    tpu.wait_dma2 semaphore(%arg17 : memref<!tpu.dma_semaphore, #tpu.memory_space<semaphore_mem>>) src(%arg9 : memref<128x128xf32, #tpu.memory_space<vmem>>) dst(%dma_wait3A_33 : memref<128x128xf32, #tpu.memory_space<hbm>>)
    %add3A_34 = arith.constant 128 : i32
    %add3A_35 = arith.addi %add3A_28, %add3A_34 : i32
    %dma_wait3A_36 = arith.constant 0 : i32
    %dma_wait3A_37 = tpu.memref_slice %arg4[%add3A_35, %dma_wait3A_36] : memref<131072x128xf32, #tpu.memory_space<hbm>> -> memref<128x128xf32, #tpu.memory_space<hbm>>
    %dma_wait3A_38 = arith.constant 0 : i32
    %dma_wait3A_39 = tpu.memref_slice %arg4[%add3A_35, %dma_wait3A_38] : memref<131072x128xf32, #tpu.memory_space<hbm>> -> memref<128x128xf32, #tpu.memory_space<hbm>>
    tpu.wait_dma2 semaphore(%arg18 : memref<!tpu.dma_semaphore, #tpu.memory_space<semaphore_mem>>) src(%arg10 : memref<128x128xf32, #tpu.memory_space<vmem>>) dst(%dma_wait3A_39 : memref<128x128xf32, #tpu.memory_space<hbm>>)
    %add3A_40 = arith.constant 256 : i32
    %add3A_41 = arith.addi %add3A_28, %add3A_40 : i32
    %dma_wait3A_42 = arith.constant 0 : i32
    %dma_wait3A_43 = tpu.memref_slice %arg4[%add3A_41, %dma_wait3A_42] : memref<131072x128xf32, #tpu.memory_space<hbm>> -> memref<128x128xf32, #tpu.memory_space<hbm>>
    %dma_wait3A_44 = arith.constant 0 : i32
    %dma_wait3A_45 = tpu.memref_slice %arg4[%add3A_41, %dma_wait3A_44] : memref<131072x128xf32, #tpu.memory_space<hbm>> -> memref<128x128xf32, #tpu.memory_space<hbm>>
    tpu.wait_dma2 semaphore(%arg19 : memref<!tpu.dma_semaphore, #tpu.memory_space<semaphore_mem>>) src(%arg11 : memref<128x128xf32, #tpu.memory_space<vmem>>) dst(%dma_wait3A_45 : memref<128x128xf32, #tpu.memory_space<hbm>>)
    %add3A_46 = arith.constant 384 : i32
    %add3A_47 = arith.addi %add3A_28, %add3A_46 : i32
    %dma_wait3A_48 = arith.constant 0 : i32
    %dma_wait3A_49 = tpu.memref_slice %arg4[%add3A_47, %dma_wait3A_48] : memref<131072x128xf32, #tpu.memory_space<hbm>> -> memref<128x128xf32, #tpu.memory_space<hbm>>
    %dma_wait3A_50 = arith.constant 0 : i32
    %dma_wait3A_51 = tpu.memref_slice %arg4[%add3A_47, %dma_wait3A_50] : memref<131072x128xf32, #tpu.memory_space<hbm>> -> memref<128x128xf32, #tpu.memory_space<hbm>>
    tpu.wait_dma2 semaphore(%arg20 : memref<!tpu.dma_semaphore, #tpu.memory_space<semaphore_mem>>) src(%arg12 : memref<128x128xf32, #tpu.memory_space<vmem>>) dst(%dma_wait3A_51 : memref<128x128xf32, #tpu.memory_space<hbm>>)
    return
  }
}

#map = affine_map<(d0, d1) -> (0, 0)>
#map1 = affine_map<(d0, d1) -> (0)>
module attributes {stable_mosaic.version = 14 : i64} {
  func.func @gather(%arg0: i32, %arg1: i32, %arg2: memref<8192x128xf32, #tpu.memory_space<hbm>>, %arg3: memref<131072xi32, #tpu.memory_space<hbm>>, %arg4: memref<131072x128xf32, #tpu.memory_space<hbm>>, %arg5: memref<128xi32, #tpu.memory_space<vmem>>, %arg6: memref<128xi32, #tpu.memory_space<vmem>>, %arg7: memref<128xi32, #tpu.memory_space<vmem>>, %arg8: memref<128xi32, #tpu.memory_space<vmem>>, %arg9: memref<128x128xf32, #tpu.memory_space<vmem>>, %arg10: memref<128x128xf32, #tpu.memory_space<vmem>>, %arg11: memref<128x128xf32, #tpu.memory_space<vmem>>, %arg12: memref<128x128xf32, #tpu.memory_space<vmem>>, %arg13: memref<!tpu.dma_semaphore, #tpu.memory_space<semaphore_mem>>, %arg14: memref<!tpu.dma_semaphore, #tpu.memory_space<semaphore_mem>>, %arg15: memref<!tpu.dma_semaphore, #tpu.memory_space<semaphore_mem>>, %arg16: memref<!tpu.dma_semaphore, #tpu.memory_space<semaphore_mem>>, %arg17: memref<!tpu.dma_semaphore, #tpu.memory_space<semaphore_mem>>, %arg18: memref<!tpu.dma_semaphore, #tpu.memory_space<semaphore_mem>>, %arg19: memref<!tpu.dma_semaphore, #tpu.memory_space<semaphore_mem>>, %arg20: memref<!tpu.dma_semaphore, #tpu.memory_space<semaphore_mem>>) attributes {dimension_semantics = [#tpu.dimension_semantics<core_parallel>, #tpu.dimension_semantics<subcore_parallel>], iteration_bounds = array<i64: 2, 16>, scalar_prefetch = 0 : i64, scratch_operands = 16 : i64, tpu.core_type = #tpu.core_type<sc_vector_subcore>, window_params = [{transform_indices = #map}, {transform_indices = #map1}, {transform_indices = #map}]} {
    %mul3A = arith.constant 2 : i32
    %mul3A_0 = arith.muli %arg1, %mul3A : i32
    %add3A = arith.addi %mul3A_0, %arg0 : i32
    %mul3A_1 = arith.constant 4096 : i32
    %mul3A_2 = arith.muli %add3A, %mul3A_1 : i32
    %add3A_3 = arith.constant 0 : i32
    %add3A_4 = arith.addi %mul3A_2, %add3A_3 : i32
    "tpu.region"() ({
      %run_scoped3A = tpu.sem_alloc : memref<!tpu.dma_semaphore, #tpu.memory_space<semaphore_mem>>
      %dma_start3A_52 = tpu.memref_slice %arg3[%add3A_4] : memref<131072xi32, #tpu.memory_space<hbm>> -> memref<128xi32, #tpu.memory_space<hbm>>
      %dma_start3A_53 = tpu.memref_slice %arg3[%add3A_4] : memref<131072xi32, #tpu.memory_space<hbm>> -> memref<128xi32, #tpu.memory_space<hbm>>
      tpu.enqueue_dma source(%dma_start3A_53 : memref<128xi32, #tpu.memory_space<hbm>>) target(%arg5 : memref<128xi32, #tpu.memory_space<vmem>>) target_semaphore(%run_scoped3A : memref<!tpu.dma_semaphore, #tpu.memory_space<semaphore_mem>>)
      %dma_wait3A_54 = tpu.memref_slice %arg3[%add3A_4] : memref<131072xi32, #tpu.memory_space<hbm>> -> memref<128xi32, #tpu.memory_space<hbm>>
      %dma_wait3A_55 = tpu.memref_slice %arg3[%add3A_4] : memref<131072xi32, #tpu.memory_space<hbm>> -> memref<128xi32, #tpu.memory_space<hbm>>
      tpu.wait_dma2 semaphore(%run_scoped3A : memref<!tpu.dma_semaphore, #tpu.memory_space<semaphore_mem>>) src(%dma_wait3A_55 : memref<128xi32, #tpu.memory_space<hbm>>) dst(%arg5 : memref<128xi32, #tpu.memory_space<vmem>>)
      tpu.yield
    }) : () -> ()
    %dma_start3A = arith.constant 0 : i32
    %dma_start3A_5 = arith.constant 0 : i32
    %dma_start3A_6 = tpu.memref_slice %arg2[%dma_start3A, %dma_start3A_5] : memref<8192x128xf32, #tpu.memory_space<hbm>> -> memref<8192x128xf32, #tpu.memory_space<hbm>>
    tpu.enqueue_indirect_dma source(%dma_start3A_6 : memref<8192x128xf32, #tpu.memory_space<hbm>>) target(%arg9 : memref<128x128xf32, #tpu.memory_space<vmem>>) offsets(%arg5 : memref<128xi32, #tpu.memory_space<vmem>>) semaphore(%arg13 : memref<!tpu.dma_semaphore, #tpu.memory_space<semaphore_mem>>)
    %add3A_7 = arith.constant 128 : i32
    %add3A_8 = arith.addi %mul3A_2, %add3A_7 : i32
    "tpu.region"() ({
      %run_scoped3A = tpu.sem_alloc : memref<!tpu.dma_semaphore, #tpu.memory_space<semaphore_mem>>
      %dma_start3A_52 = tpu.memref_slice %arg3[%add3A_8] : memref<131072xi32, #tpu.memory_space<hbm>> -> memref<128xi32, #tpu.memory_space<hbm>>
      %dma_start3A_53 = tpu.memref_slice %arg3[%add3A_8] : memref<131072xi32, #tpu.memory_space<hbm>> -> memref<128xi32, #tpu.memory_space<hbm>>
      tpu.enqueue_dma source(%dma_start3A_53 : memref<128xi32, #tpu.memory_space<hbm>>) target(%arg6 : memref<128xi32, #tpu.memory_space<vmem>>) target_semaphore(%run_scoped3A : memref<!tpu.dma_semaphore, #tpu.memory_space<semaphore_mem>>)
      %dma_wait3A_54 = tpu.memref_slice %arg3[%add3A_8] : memref<131072xi32, #tpu.memory_space<hbm>> -> memref<128xi32, #tpu.memory_space<hbm>>
      %dma_wait3A_55 = tpu.memref_slice %arg3[%add3A_8] : memref<131072xi32, #tpu.memory_space<hbm>> -> memref<128xi32, #tpu.memory_space<hbm>>
      tpu.wait_dma2 semaphore(%run_scoped3A : memref<!tpu.dma_semaphore, #tpu.memory_space<semaphore_mem>>) src(%dma_wait3A_55 : memref<128xi32, #tpu.memory_space<hbm>>) dst(%arg6 : memref<128xi32, #tpu.memory_space<vmem>>)
      tpu.yield
    }) : () -> ()
    %dma_start3A_9 = arith.constant 0 : i32
    %dma_start3A_10 = arith.constant 0 : i32
    %dma_start3A_11 = tpu.memref_slice %arg2[%dma_start3A_9, %dma_start3A_10] : memref<8192x128xf32, #tpu.memory_space<hbm>> -> memref<8192x128xf32, #tpu.memory_space<hbm>>
    tpu.enqueue_indirect_dma source(%dma_start3A_11 : memref<8192x128xf32, #tpu.memory_space<hbm>>) target(%arg10 : memref<128x128xf32, #tpu.memory_space<vmem>>) offsets(%arg6 : memref<128xi32, #tpu.memory_space<vmem>>) semaphore(%arg14 : memref<!tpu.dma_semaphore, #tpu.memory_space<semaphore_mem>>)
    %add3A_12 = arith.constant 256 : i32
    %add3A_13 = arith.addi %mul3A_2, %add3A_12 : i32
    "tpu.region"() ({
      %run_scoped3A = tpu.sem_alloc : memref<!tpu.dma_semaphore, #tpu.memory_space<semaphore_mem>>
      %dma_start3A_52 = tpu.memref_slice %arg3[%add3A_13] : memref<131072xi32, #tpu.memory_space<hbm>> -> memref<128xi32, #tpu.memory_space<hbm>>
      %dma_start3A_53 = tpu.memref_slice %arg3[%add3A_13] : memref<131072xi32, #tpu.memory_space<hbm>> -> memref<128xi32, #tpu.memory_space<hbm>>
      tpu.enqueue_dma source(%dma_start3A_53 : memref<128xi32, #tpu.memory_space<hbm>>) target(%arg7 : memref<128xi32, #tpu.memory_space<vmem>>) target_semaphore(%run_scoped3A : memref<!tpu.dma_semaphore, #tpu.memory_space<semaphore_mem>>)
      %dma_wait3A_54 = tpu.memref_slice %arg3[%add3A_13] : memref<131072xi32, #tpu.memory_space<hbm>> -> memref<128xi32, #tpu.memory_space<hbm>>
      %dma_wait3A_55 = tpu.memref_slice %arg3[%add3A_13] : memref<131072xi32, #tpu.memory_space<hbm>> -> memref<128xi32, #tpu.memory_space<hbm>>
      tpu.wait_dma2 semaphore(%run_scoped3A : memref<!tpu.dma_semaphore, #tpu.memory_space<semaphore_mem>>) src(%dma_wait3A_55 : memref<128xi32, #tpu.memory_space<hbm>>) dst(%arg7 : memref<128xi32, #tpu.memory_space<vmem>>)
      tpu.yield
    }) : () -> ()
    %dma_start3A_14 = arith.constant 0 : i32
    %dma_start3A_15 = arith.constant 0 : i32
    %dma_start3A_16 = tpu.memref_slice %arg2[%dma_start3A_14, %dma_start3A_15] : memref<8192x128xf32, #tpu.memory_space<hbm>> -> memref<8192x128xf32, #tpu.memory_space<hbm>>
    tpu.enqueue_indirect_dma source(%dma_start3A_16 : memref<8192x128xf32, #tpu.memory_space<hbm>>) target(%arg11 : memref<128x128xf32, #tpu.memory_space<vmem>>) offsets(%arg7 : memref<128xi32, #tpu.memory_space<vmem>>) semaphore(%arg15 : memref<!tpu.dma_semaphore, #tpu.memory_space<semaphore_mem>>)
    %add3A_17 = arith.constant 384 : i32
    %add3A_18 = arith.addi %mul3A_2, %add3A_17 : i32
    "tpu.region"() ({
      %run_scoped3A = tpu.sem_alloc : memref<!tpu.dma_semaphore, #tpu.memory_space<semaphore_mem>>
      %dma_start3A_52 = tpu.memref_slice %arg3[%add3A_18] : memref<131072xi32, #tpu.memory_space<hbm>> -> memref<128xi32, #tpu.memory_space<hbm>>
      %dma_start3A_53 = tpu.memref_slice %arg3[%add3A_18] : memref<131072xi32, #tpu.memory_space<hbm>> -> memref<128xi32, #tpu.memory_space<hbm>>
      tpu.enqueue_dma source(%dma_start3A_53 : memref<128xi32, #tpu.memory_space<hbm>>) target(%arg8 : memref<128xi32, #tpu.memory_space<vmem>>) target_semaphore(%run_scoped3A : memref<!tpu.dma_semaphore, #tpu.memory_space<semaphore_mem>>)
      %dma_wait3A_54 = tpu.memref_slice %arg3[%add3A_18] : memref<131072xi32, #tpu.memory_space<hbm>> -> memref<128xi32, #tpu.memory_space<hbm>>
      %dma_wait3A_55 = tpu.memref_slice %arg3[%add3A_18] : memref<131072xi32, #tpu.memory_space<hbm>> -> memref<128xi32, #tpu.memory_space<hbm>>
      tpu.wait_dma2 semaphore(%run_scoped3A : memref<!tpu.dma_semaphore, #tpu.memory_space<semaphore_mem>>) src(%dma_wait3A_55 : memref<128xi32, #tpu.memory_space<hbm>>) dst(%arg8 : memref<128xi32, #tpu.memory_space<vmem>>)
      tpu.yield
    }) : () -> ()
    %dma_start3A_19 = arith.constant 0 : i32
    %dma_start3A_20 = arith.constant 0 : i32
    %dma_start3A_21 = tpu.memref_slice %arg2[%dma_start3A_19, %dma_start3A_20] : memref<8192x128xf32, #tpu.memory_space<hbm>> -> memref<8192x128xf32, #tpu.memory_space<hbm>>
    tpu.enqueue_indirect_dma source(%dma_start3A_21 : memref<8192x128xf32, #tpu.memory_space<hbm>>) target(%arg12 : memref<128x128xf32, #tpu.memory_space<vmem>>) offsets(%arg8 : memref<128xi32, #tpu.memory_space<vmem>>) semaphore(%arg16 : memref<!tpu.dma_semaphore, #tpu.memory_space<semaphore_mem>>)
    %scan3A = arith.constant 0 : i32
    %scan3A_22 = arith.constant 0 : i32
    %scan3A_23 = arith.constant 8 : i32
    %scan3A_24 = arith.addi %scan3A_22, %scan3A_23 : i32
    %scan3A_25 = arith.constant 1 : i32
    scf.for %scan3A_52 = %scan3A_22 to %scan3A_24 step %scan3A_25  : i32 {
      %mul3A_53 = arith.constant 512 : i32
      %mul3A_54 = arith.muli %scan3A_52, %mul3A_53 : i32
      %add3A_55 = arith.addi %mul3A_2, %mul3A_54 : i32
      %dma_wait3A_56 = arith.constant 0 : i32
      %dma_wait3A_57 = arith.constant 0 : i32
      %dma_wait3A_58 = tpu.memref_slice %arg2[%dma_wait3A_56, %dma_wait3A_57] : memref<8192x128xf32, #tpu.memory_space<hbm>> -> memref<8192x128xf32, #tpu.memory_space<hbm>>
      tpu.wait_indirect_dma semaphore(%arg13 : memref<!tpu.dma_semaphore, #tpu.memory_space<semaphore_mem>>) src(%dma_wait3A_58 : memref<8192x128xf32, #tpu.memory_space<hbm>>) dst(%arg9 : memref<128x128xf32, #tpu.memory_space<vmem>>)
      %add3A_59 = arith.constant 0 : i32
      %add3A_60 = arith.addi %add3A_55, %add3A_59 : i32
      %dma_start3A_61 = arith.constant 0 : i32
      %dma_start3A_62 = tpu.memref_slice %arg4[%add3A_60, %dma_start3A_61] : memref<131072x128xf32, #tpu.memory_space<hbm>> -> memref<128x128xf32, #tpu.memory_space<hbm>>
      %dma_start3A_63 = arith.constant 0 : i32
      %dma_start3A_64 = tpu.memref_slice %arg4[%add3A_60, %dma_start3A_63] : memref<131072x128xf32, #tpu.memory_space<hbm>> -> memref<128x128xf32, #tpu.memory_space<hbm>>
      tpu.enqueue_dma source(%arg9 : memref<128x128xf32, #tpu.memory_space<vmem>>) target(%dma_start3A_64 : memref<128x128xf32, #tpu.memory_space<hbm>>) target_semaphore(%arg17 : memref<!tpu.dma_semaphore, #tpu.memory_space<semaphore_mem>>)
      %dma_wait3A_65 = arith.constant 0 : i32
      %dma_wait3A_66 = arith.constant 0 : i32
      %dma_wait3A_67 = tpu.memref_slice %arg2[%dma_wait3A_65, %dma_wait3A_66] : memref<8192x128xf32, #tpu.memory_space<hbm>> -> memref<8192x128xf32, #tpu.memory_space<hbm>>
      tpu.wait_indirect_dma semaphore(%arg14 : memref<!tpu.dma_semaphore, #tpu.memory_space<semaphore_mem>>) src(%dma_wait3A_67 : memref<8192x128xf32, #tpu.memory_space<hbm>>) dst(%arg10 : memref<128x128xf32, #tpu.memory_space<vmem>>)
      %add3A_68 = arith.constant 128 : i32
      %add3A_69 = arith.addi %add3A_55, %add3A_68 : i32
      %dma_start3A_70 = arith.constant 0 : i32
      %dma_start3A_71 = tpu.memref_slice %arg4[%add3A_69, %dma_start3A_70] : memref<131072x128xf32, #tpu.memory_space<hbm>> -> memref<128x128xf32, #tpu.memory_space<hbm>>
      %dma_start3A_72 = arith.constant 0 : i32
      %dma_start3A_73 = tpu.memref_slice %arg4[%add3A_69, %dma_start3A_72] : memref<131072x128xf32, #tpu.memory_space<hbm>> -> memref<128x128xf32, #tpu.memory_space<hbm>>
      tpu.enqueue_dma source(%arg10 : memref<128x128xf32, #tpu.memory_space<vmem>>) target(%dma_start3A_73 : memref<128x128xf32, #tpu.memory_space<hbm>>) target_semaphore(%arg18 : memref<!tpu.dma_semaphore, #tpu.memory_space<semaphore_mem>>)
      %dma_wait3A_74 = arith.constant 0 : i32
      %dma_wait3A_75 = arith.constant 0 : i32
      %dma_wait3A_76 = tpu.memref_slice %arg2[%dma_wait3A_74, %dma_wait3A_75] : memref<8192x128xf32, #tpu.memory_space<hbm>> -> memref<8192x128xf32, #tpu.memory_space<hbm>>
      tpu.wait_indirect_dma semaphore(%arg15 : memref<!tpu.dma_semaphore, #tpu.memory_space<semaphore_mem>>) src(%dma_wait3A_76 : memref<8192x128xf32, #tpu.memory_space<hbm>>) dst(%arg11 : memref<128x128xf32, #tpu.memory_space<vmem>>)
      %add3A_77 = arith.constant 256 : i32
      %add3A_78 = arith.addi %add3A_55, %add3A_77 : i32
      %dma_start3A_79 = arith.constant 0 : i32
      %dma_start3A_80 = tpu.memref_slice %arg4[%add3A_78, %dma_start3A_79] : memref<131072x128xf32, #tpu.memory_space<hbm>> -> memref<128x128xf32, #tpu.memory_space<hbm>>
      %dma_start3A_81 = arith.constant 0 : i32
      %dma_start3A_82 = tpu.memref_slice %arg4[%add3A_78, %dma_start3A_81] : memref<131072x128xf32, #tpu.memory_space<hbm>> -> memref<128x128xf32, #tpu.memory_space<hbm>>
      tpu.enqueue_dma source(%arg11 : memref<128x128xf32, #tpu.memory_space<vmem>>) target(%dma_start3A_82 : memref<128x128xf32, #tpu.memory_space<hbm>>) target_semaphore(%arg19 : memref<!tpu.dma_semaphore, #tpu.memory_space<semaphore_mem>>)
      %dma_wait3A_83 = arith.constant 0 : i32
      %dma_wait3A_84 = arith.constant 0 : i32
      %dma_wait3A_85 = tpu.memref_slice %arg2[%dma_wait3A_83, %dma_wait3A_84] : memref<8192x128xf32, #tpu.memory_space<hbm>> -> memref<8192x128xf32, #tpu.memory_space<hbm>>
      tpu.wait_indirect_dma semaphore(%arg16 : memref<!tpu.dma_semaphore, #tpu.memory_space<semaphore_mem>>) src(%dma_wait3A_85 : memref<8192x128xf32, #tpu.memory_space<hbm>>) dst(%arg12 : memref<128x128xf32, #tpu.memory_space<vmem>>)
      %add3A_86 = arith.constant 384 : i32
      %add3A_87 = arith.addi %add3A_55, %add3A_86 : i32
      %dma_start3A_88 = arith.constant 0 : i32
      %dma_start3A_89 = tpu.memref_slice %arg4[%add3A_87, %dma_start3A_88] : memref<131072x128xf32, #tpu.memory_space<hbm>> -> memref<128x128xf32, #tpu.memory_space<hbm>>
      %dma_start3A_90 = arith.constant 0 : i32
      %dma_start3A_91 = tpu.memref_slice %arg4[%add3A_87, %dma_start3A_90] : memref<131072x128xf32, #tpu.memory_space<hbm>> -> memref<128x128xf32, #tpu.memory_space<hbm>>
      tpu.enqueue_dma source(%arg12 : memref<128x128xf32, #tpu.memory_space<vmem>>) target(%dma_start3A_91 : memref<128x128xf32, #tpu.memory_space<hbm>>) target_semaphore(%arg20 : memref<!tpu.dma_semaphore, #tpu.memory_space<semaphore_mem>>)
      %lt3A = arith.constant 7 : i32
      %lt3A_92 = arith.cmpi slt, %scan3A_52, %lt3A : i32
      %convert_element_type3A = arith.extui %lt3A_92 : i1 to i32
      %cond3A = arith.constant 0 : i32
      %cond3A_93 = arith.cmpi ne, %convert_element_type3A, %cond3A : i32
      scf.if %cond3A_93 {
        %add3A_94 = arith.constant 512 : i32
        %add3A_95 = arith.addi %add3A_55, %add3A_94 : i32
        %add3A_96 = arith.constant 0 : i32
        %add3A_97 = arith.addi %add3A_95, %add3A_96 : i32
        "tpu.region"() ({
          %run_scoped3A = tpu.sem_alloc : memref<!tpu.dma_semaphore, #tpu.memory_space<semaphore_mem>>
          %dma_start3A_140 = tpu.memref_slice %arg3[%add3A_97] : memref<131072xi32, #tpu.memory_space<hbm>> -> memref<128xi32, #tpu.memory_space<hbm>>
          %dma_start3A_141 = tpu.memref_slice %arg3[%add3A_97] : memref<131072xi32, #tpu.memory_space<hbm>> -> memref<128xi32, #tpu.memory_space<hbm>>
          tpu.enqueue_dma source(%dma_start3A_141 : memref<128xi32, #tpu.memory_space<hbm>>) target(%arg5 : memref<128xi32, #tpu.memory_space<vmem>>) target_semaphore(%run_scoped3A : memref<!tpu.dma_semaphore, #tpu.memory_space<semaphore_mem>>)
          %dma_wait3A_142 = tpu.memref_slice %arg3[%add3A_97] : memref<131072xi32, #tpu.memory_space<hbm>> -> memref<128xi32, #tpu.memory_space<hbm>>
          %dma_wait3A_143 = tpu.memref_slice %arg3[%add3A_97] : memref<131072xi32, #tpu.memory_space<hbm>> -> memref<128xi32, #tpu.memory_space<hbm>>
          tpu.wait_dma2 semaphore(%run_scoped3A : memref<!tpu.dma_semaphore, #tpu.memory_space<semaphore_mem>>) src(%dma_wait3A_143 : memref<128xi32, #tpu.memory_space<hbm>>) dst(%arg5 : memref<128xi32, #tpu.memory_space<vmem>>)
          tpu.yield
        }) : () -> ()
        %add3A_98 = arith.constant 128 : i32
        %add3A_99 = arith.addi %add3A_95, %add3A_98 : i32
        "tpu.region"() ({
          %run_scoped3A = tpu.sem_alloc : memref<!tpu.dma_semaphore, #tpu.memory_space<semaphore_mem>>
          %dma_start3A_140 = tpu.memref_slice %arg3[%add3A_99] : memref<131072xi32, #tpu.memory_space<hbm>> -> memref<128xi32, #tpu.memory_space<hbm>>
          %dma_start3A_141 = tpu.memref_slice %arg3[%add3A_99] : memref<131072xi32, #tpu.memory_space<hbm>> -> memref<128xi32, #tpu.memory_space<hbm>>
          tpu.enqueue_dma source(%dma_start3A_141 : memref<128xi32, #tpu.memory_space<hbm>>) target(%arg6 : memref<128xi32, #tpu.memory_space<vmem>>) target_semaphore(%run_scoped3A : memref<!tpu.dma_semaphore, #tpu.memory_space<semaphore_mem>>)
          %dma_wait3A_142 = tpu.memref_slice %arg3[%add3A_99] : memref<131072xi32, #tpu.memory_space<hbm>> -> memref<128xi32, #tpu.memory_space<hbm>>
          %dma_wait3A_143 = tpu.memref_slice %arg3[%add3A_99] : memref<131072xi32, #tpu.memory_space<hbm>> -> memref<128xi32, #tpu.memory_space<hbm>>
          tpu.wait_dma2 semaphore(%run_scoped3A : memref<!tpu.dma_semaphore, #tpu.memory_space<semaphore_mem>>) src(%dma_wait3A_143 : memref<128xi32, #tpu.memory_space<hbm>>) dst(%arg6 : memref<128xi32, #tpu.memory_space<vmem>>)
          tpu.yield
        }) : () -> ()
        %add3A_100 = arith.constant 256 : i32
        %add3A_101 = arith.addi %add3A_95, %add3A_100 : i32
        "tpu.region"() ({
          %run_scoped3A = tpu.sem_alloc : memref<!tpu.dma_semaphore, #tpu.memory_space<semaphore_mem>>
          %dma_start3A_140 = tpu.memref_slice %arg3[%add3A_101] : memref<131072xi32, #tpu.memory_space<hbm>> -> memref<128xi32, #tpu.memory_space<hbm>>
          %dma_start3A_141 = tpu.memref_slice %arg3[%add3A_101] : memref<131072xi32, #tpu.memory_space<hbm>> -> memref<128xi32, #tpu.memory_space<hbm>>
          tpu.enqueue_dma source(%dma_start3A_141 : memref<128xi32, #tpu.memory_space<hbm>>) target(%arg7 : memref<128xi32, #tpu.memory_space<vmem>>) target_semaphore(%run_scoped3A : memref<!tpu.dma_semaphore, #tpu.memory_space<semaphore_mem>>)
          %dma_wait3A_142 = tpu.memref_slice %arg3[%add3A_101] : memref<131072xi32, #tpu.memory_space<hbm>> -> memref<128xi32, #tpu.memory_space<hbm>>
          %dma_wait3A_143 = tpu.memref_slice %arg3[%add3A_101] : memref<131072xi32, #tpu.memory_space<hbm>> -> memref<128xi32, #tpu.memory_space<hbm>>
          tpu.wait_dma2 semaphore(%run_scoped3A : memref<!tpu.dma_semaphore, #tpu.memory_space<semaphore_mem>>) src(%dma_wait3A_143 : memref<128xi32, #tpu.memory_space<hbm>>) dst(%arg7 : memref<128xi32, #tpu.memory_space<vmem>>)
          tpu.yield
        }) : () -> ()
        %add3A_102 = arith.constant 384 : i32
        %add3A_103 = arith.addi %add3A_95, %add3A_102 : i32
        "tpu.region"() ({
          %run_scoped3A = tpu.sem_alloc : memref<!tpu.dma_semaphore, #tpu.memory_space<semaphore_mem>>
          %dma_start3A_140 = tpu.memref_slice %arg3[%add3A_103] : memref<131072xi32, #tpu.memory_space<hbm>> -> memref<128xi32, #tpu.memory_space<hbm>>
          %dma_start3A_141 = tpu.memref_slice %arg3[%add3A_103] : memref<131072xi32, #tpu.memory_space<hbm>> -> memref<128xi32, #tpu.memory_space<hbm>>
          tpu.enqueue_dma source(%dma_start3A_141 : memref<128xi32, #tpu.memory_space<hbm>>) target(%arg8 : memref<128xi32, #tpu.memory_space<vmem>>) target_semaphore(%run_scoped3A : memref<!tpu.dma_semaphore, #tpu.memory_space<semaphore_mem>>)
          %dma_wait3A_142 = tpu.memref_slice %arg3[%add3A_103] : memref<131072xi32, #tpu.memory_space<hbm>> -> memref<128xi32, #tpu.memory_space<hbm>>
          %dma_wait3A_143 = tpu.memref_slice %arg3[%add3A_103] : memref<131072xi32, #tpu.memory_space<hbm>> -> memref<128xi32, #tpu.memory_space<hbm>>
          tpu.wait_dma2 semaphore(%run_scoped3A : memref<!tpu.dma_semaphore, #tpu.memory_space<semaphore_mem>>) src(%dma_wait3A_143 : memref<128xi32, #tpu.memory_space<hbm>>) dst(%arg8 : memref<128xi32, #tpu.memory_space<vmem>>)
          tpu.yield
        }) : () -> ()
        %add3A_104 = arith.constant 0 : i32
        %add3A_105 = arith.addi %add3A_55, %add3A_104 : i32
        %dma_wait3A_106 = arith.constant 0 : i32
        %dma_wait3A_107 = tpu.memref_slice %arg4[%add3A_105, %dma_wait3A_106] : memref<131072x128xf32, #tpu.memory_space<hbm>> -> memref<128x128xf32, #tpu.memory_space<hbm>>
        %dma_wait3A_108 = arith.constant 0 : i32
        %dma_wait3A_109 = tpu.memref_slice %arg4[%add3A_105, %dma_wait3A_108] : memref<131072x128xf32, #tpu.memory_space<hbm>> -> memref<128x128xf32, #tpu.memory_space<hbm>>
        tpu.wait_dma2 semaphore(%arg17 : memref<!tpu.dma_semaphore, #tpu.memory_space<semaphore_mem>>) src(%arg9 : memref<128x128xf32, #tpu.memory_space<vmem>>) dst(%dma_wait3A_109 : memref<128x128xf32, #tpu.memory_space<hbm>>)
        %dma_start3A_110 = arith.constant 0 : i32
        %dma_start3A_111 = arith.constant 0 : i32
        %dma_start3A_112 = tpu.memref_slice %arg2[%dma_start3A_110, %dma_start3A_111] : memref<8192x128xf32, #tpu.memory_space<hbm>> -> memref<8192x128xf32, #tpu.memory_space<hbm>>
        tpu.enqueue_indirect_dma source(%dma_start3A_112 : memref<8192x128xf32, #tpu.memory_space<hbm>>) target(%arg9 : memref<128x128xf32, #tpu.memory_space<vmem>>) offsets(%arg5 : memref<128xi32, #tpu.memory_space<vmem>>) semaphore(%arg13 : memref<!tpu.dma_semaphore, #tpu.memory_space<semaphore_mem>>)
        %add3A_113 = arith.constant 128 : i32
        %add3A_114 = arith.addi %add3A_55, %add3A_113 : i32
        %dma_wait3A_115 = arith.constant 0 : i32
        %dma_wait3A_116 = tpu.memref_slice %arg4[%add3A_114, %dma_wait3A_115] : memref<131072x128xf32, #tpu.memory_space<hbm>> -> memref<128x128xf32, #tpu.memory_space<hbm>>
        %dma_wait3A_117 = arith.constant 0 : i32
        %dma_wait3A_118 = tpu.memref_slice %arg4[%add3A_114, %dma_wait3A_117] : memref<131072x128xf32, #tpu.memory_space<hbm>> -> memref<128x128xf32, #tpu.memory_space<hbm>>
        tpu.wait_dma2 semaphore(%arg18 : memref<!tpu.dma_semaphore, #tpu.memory_space<semaphore_mem>>) src(%arg10 : memref<128x128xf32, #tpu.memory_space<vmem>>) dst(%dma_wait3A_118 : memref<128x128xf32, #tpu.memory_space<hbm>>)
        %dma_start3A_119 = arith.constant 0 : i32
        %dma_start3A_120 = arith.constant 0 : i32
        %dma_start3A_121 = tpu.memref_slice %arg2[%dma_start3A_119, %dma_start3A_120] : memref<8192x128xf32, #tpu.memory_space<hbm>> -> memref<8192x128xf32, #tpu.memory_space<hbm>>
        tpu.enqueue_indirect_dma source(%dma_start3A_121 : memref<8192x128xf32, #tpu.memory_space<hbm>>) target(%arg10 : memref<128x128xf32, #tpu.memory_space<vmem>>) offsets(%arg6 : memref<128xi32, #tpu.memory_space<vmem>>) semaphore(%arg14 : memref<!tpu.dma_semaphore, #tpu.memory_space<semaphore_mem>>)
        %add3A_122 = arith.constant 256 : i32
        %add3A_123 = arith.addi %add3A_55, %add3A_122 : i32
        %dma_wait3A_124 = arith.constant 0 : i32
        %dma_wait3A_125 = tpu.memref_slice %arg4[%add3A_123, %dma_wait3A_124] : memref<131072x128xf32, #tpu.memory_space<hbm>> -> memref<128x128xf32, #tpu.memory_space<hbm>>
        %dma_wait3A_126 = arith.constant 0 : i32
        %dma_wait3A_127 = tpu.memref_slice %arg4[%add3A_123, %dma_wait3A_126] : memref<131072x128xf32, #tpu.memory_space<hbm>> -> memref<128x128xf32, #tpu.memory_space<hbm>>
        tpu.wait_dma2 semaphore(%arg19 : memref<!tpu.dma_semaphore, #tpu.memory_space<semaphore_mem>>) src(%arg11 : memref<128x128xf32, #tpu.memory_space<vmem>>) dst(%dma_wait3A_127 : memref<128x128xf32, #tpu.memory_space<hbm>>)
        %dma_start3A_128 = arith.constant 0 : i32
        %dma_start3A_129 = arith.constant 0 : i32
        %dma_start3A_130 = tpu.memref_slice %arg2[%dma_start3A_128, %dma_start3A_129] : memref<8192x128xf32, #tpu.memory_space<hbm>> -> memref<8192x128xf32, #tpu.memory_space<hbm>>
        tpu.enqueue_indirect_dma source(%dma_start3A_130 : memref<8192x128xf32, #tpu.memory_space<hbm>>) target(%arg11 : memref<128x128xf32, #tpu.memory_space<vmem>>) offsets(%arg7 : memref<128xi32, #tpu.memory_space<vmem>>) semaphore(%arg15 : memref<!tpu.dma_semaphore, #tpu.memory_space<semaphore_mem>>)
        %add3A_131 = arith.constant 384 : i32
        %add3A_132 = arith.addi %add3A_55, %add3A_131 : i32
        %dma_wait3A_133 = arith.constant 0 : i32
        %dma_wait3A_134 = tpu.memref_slice %arg4[%add3A_132, %dma_wait3A_133] : memref<131072x128xf32, #tpu.memory_space<hbm>> -> memref<128x128xf32, #tpu.memory_space<hbm>>
        %dma_wait3A_135 = arith.constant 0 : i32
        %dma_wait3A_136 = tpu.memref_slice %arg4[%add3A_132, %dma_wait3A_135] : memref<131072x128xf32, #tpu.memory_space<hbm>> -> memref<128x128xf32, #tpu.memory_space<hbm>>
        tpu.wait_dma2 semaphore(%arg20 : memref<!tpu.dma_semaphore, #tpu.memory_space<semaphore_mem>>) src(%arg12 : memref<128x128xf32, #tpu.memory_space<vmem>>) dst(%dma_wait3A_136 : memref<128x128xf32, #tpu.memory_space<hbm>>)
        %dma_start3A_137 = arith.constant 0 : i32
        %dma_start3A_138 = arith.constant 0 : i32
        %dma_start3A_139 = tpu.memref_slice %arg2[%dma_start3A_137, %dma_start3A_138] : memref<8192x128xf32, #tpu.memory_space<hbm>> -> memref<8192x128xf32, #tpu.memory_space<hbm>>
        tpu.enqueue_indirect_dma source(%dma_start3A_139 : memref<8192x128xf32, #tpu.memory_space<hbm>>) target(%arg12 : memref<128x128xf32, #tpu.memory_space<vmem>>) offsets(%arg8 : memref<128xi32, #tpu.memory_space<vmem>>) semaphore(%arg16 : memref<!tpu.dma_semaphore, #tpu.memory_space<semaphore_mem>>)
      } else {
      }
    }
    %scan3A_26 = arith.constant 8 : i32
    %add3A_27 = arith.constant 3584 : i32
    %add3A_28 = arith.addi %mul3A_2, %add3A_27 : i32
    %add3A_29 = arith.constant 0 : i32
    %add3A_30 = arith.addi %add3A_28, %add3A_29 : i32
    %dma_wait3A = arith.constant 0 : i32
    %dma_wait3A_31 = tpu.memref_slice %arg4[%add3A_30, %dma_wait3A] : memref<131072x128xf32, #tpu.memory_space<hbm>> -> memref<128x128xf32, #tpu.memory_space<hbm>>
    %dma_wait3A_32 = arith.constant 0 : i32
    %dma_wait3A_33 = tpu.memref_slice %arg4[%add3A_30, %dma_wait3A_32] : memref<131072x128xf32, #tpu.memory_space<hbm>> -> memref<128x128xf32, #tpu.memory_space<hbm>>
    tpu.wait_dma2 semaphore(%arg17 : memref<!tpu.dma_semaphore, #tpu.memory_space<semaphore_mem>>) src(%arg9 : memref<128x128xf32, #tpu.memory_space<vmem>>) dst(%dma_wait3A_33 : memref<128x128xf32, #tpu.memory_space<hbm>>)
    %add3A_34 = arith.constant 128 : i32
    %add3A_35 = arith.addi %add3A_28, %add3A_34 : i32
    %dma_wait3A_36 = arith.constant 0 : i32
    %dma_wait3A_37 = tpu.memref_slice %arg4[%add3A_35, %dma_wait3A_36] : memref<131072x128xf32, #tpu.memory_space<hbm>> -> memref<128x128xf32, #tpu.memory_space<hbm>>
    %dma_wait3A_38 = arith.constant 0 : i32
    %dma_wait3A_39 = tpu.memref_slice %arg4[%add3A_35, %dma_wait3A_38] : memref<131072x128xf32, #tpu.memory_space<hbm>> -> memref<128x128xf32, #tpu.memory_space<hbm>>
    tpu.wait_dma2 semaphore(%arg18 : memref<!tpu.dma_semaphore, #tpu.memory_space<semaphore_mem>>) src(%arg10 : memref<128x128xf32, #tpu.memory_space<vmem>>) dst(%dma_wait3A_39 : memref<128x128xf32, #tpu.memory_space<hbm>>)
    %add3A_40 = arith.constant 256 : i32
    %add3A_41 = arith.addi %add3A_28, %add3A_40 : i32
    %dma_wait3A_42 = arith.constant 0 : i32
    %dma_wait3A_43 = tpu.memref_slice %arg4[%add3A_41, %dma_wait3A_42] : memref<131072x128xf32, #tpu.memory_space<hbm>> -> memref<128x128xf32, #tpu.memory_space<hbm>>
    %dma_wait3A_44 = arith.constant 0 : i32
    %dma_wait3A_45 = tpu.memref_slice %arg4[%add3A_41, %dma_wait3A_44] : memref<131072x128xf32, #tpu.memory_space<hbm>> -> memref<128x128xf32, #tpu.memory_space<hbm>>
    tpu.wait_dma2 semaphore(%arg19 : memref<!tpu.dma_semaphore, #tpu.memory_space<semaphore_mem>>) src(%arg11 : memref<128x128xf32, #tpu.memory_space<vmem>>) dst(%dma_wait3A_45 : memref<128x128xf32, #tpu.memory_space<hbm>>)
    %add3A_46 = arith.constant 384 : i32
    %add3A_47 = arith.addi %add3A_28, %add3A_46 : i32
    %dma_wait3A_48 = arith.constant 0 : i32
    %dma_wait3A_49 = tpu.memref_slice %arg4[%add3A_47, %dma_wait3A_48] : memref<131072x128xf32, #tpu.memory_space<hbm>> -> memref<128x128xf32, #tpu.memory_space<hbm>>
    %dma_wait3A_50 = arith.constant 0 : i32
    %dma_wait3A_51 = tpu.memref_slice %arg4[%add3A_47, %dma_wait3A_50] : memref<131072x128xf32, #tpu.memory_space<hbm>> -> memref<128x128xf32, #tpu.memory_space<hbm>>
    tpu.wait_dma2 semaphore(%arg20 : memref<!tpu.dma_semaphore, #tpu.memory_space<semaphore_mem>>) src(%arg12 : memref<128x128xf32, #tpu.memory_space<vmem>>) dst(%dma_wait3A_51 : memref<128x128xf32, #tpu.memory_space<hbm>>)
    return
  }
}

#map = affine_map<(d0, d1) -> (0, 0)>
#map1 = affine_map<(d0, d1) -> (0)>
module attributes {stable_mosaic.version = 14 : i64} {
  func.func @gather(%arg0: i32, %arg1: i32, %arg2: memref<8192x128xf32, #tpu.memory_space<hbm>>, %arg3: memref<131072xi32, #tpu.memory_space<hbm>>, %arg4: memref<131072x128xf32, #tpu.memory_space<hbm>>, %arg5: memref<128xi32, #tpu.memory_space<vmem>>, %arg6: memref<128xi32, #tpu.memory_space<vmem>>, %arg7: memref<128xi32, #tpu.memory_space<vmem>>, %arg8: memref<128xi32, #tpu.memory_space<vmem>>, %arg9: memref<128x128xf32, #tpu.memory_space<vmem>>, %arg10: memref<128x128xf32, #tpu.memory_space<vmem>>, %arg11: memref<128x128xf32, #tpu.memory_space<vmem>>, %arg12: memref<128x128xf32, #tpu.memory_space<vmem>>, %arg13: memref<!tpu.dma_semaphore, #tpu.memory_space<semaphore_mem>>, %arg14: memref<!tpu.dma_semaphore, #tpu.memory_space<semaphore_mem>>, %arg15: memref<!tpu.dma_semaphore, #tpu.memory_space<semaphore_mem>>, %arg16: memref<!tpu.dma_semaphore, #tpu.memory_space<semaphore_mem>>, %arg17: memref<!tpu.dma_semaphore, #tpu.memory_space<semaphore_mem>>, %arg18: memref<!tpu.dma_semaphore, #tpu.memory_space<semaphore_mem>>, %arg19: memref<!tpu.dma_semaphore, #tpu.memory_space<semaphore_mem>>, %arg20: memref<!tpu.dma_semaphore, #tpu.memory_space<semaphore_mem>>) attributes {dimension_semantics = [#tpu.dimension_semantics<core_parallel>, #tpu.dimension_semantics<subcore_parallel>], iteration_bounds = array<i64: 2, 16>, scalar_prefetch = 0 : i64, scratch_operands = 16 : i64, tpu.core_type = #tpu.core_type<sc_vector_subcore>, window_params = [{transform_indices = #map}, {transform_indices = #map1}, {transform_indices = #map}]} {
    %mul3A = arith.constant 2 : i32
    %mul3A_0 = arith.muli %arg1, %mul3A : i32
    %add3A = arith.addi %mul3A_0, %arg0 : i32
    %mul3A_1 = arith.constant 4096 : i32
    %mul3A_2 = arith.muli %add3A, %mul3A_1 : i32
    %add3A_3 = arith.constant 0 : i32
    %add3A_4 = arith.addi %mul3A_2, %add3A_3 : i32
    "tpu.region"() ({
      %run_scoped3A = tpu.sem_alloc : memref<!tpu.dma_semaphore, #tpu.memory_space<semaphore_mem>>
      %dma_start3A_52 = tpu.memref_slice %arg3[%add3A_4] : memref<131072xi32, #tpu.memory_space<hbm>> -> memref<128xi32, #tpu.memory_space<hbm>>
      %dma_start3A_53 = tpu.memref_slice %arg3[%add3A_4] : memref<131072xi32, #tpu.memory_space<hbm>> -> memref<128xi32, #tpu.memory_space<hbm>>
      tpu.enqueue_dma source(%dma_start3A_53 : memref<128xi32, #tpu.memory_space<hbm>>) target(%arg5 : memref<128xi32, #tpu.memory_space<vmem>>) target_semaphore(%run_scoped3A : memref<!tpu.dma_semaphore, #tpu.memory_space<semaphore_mem>>)
      %dma_wait3A_54 = tpu.memref_slice %arg3[%add3A_4] : memref<131072xi32, #tpu.memory_space<hbm>> -> memref<128xi32, #tpu.memory_space<hbm>>
      %dma_wait3A_55 = tpu.memref_slice %arg3[%add3A_4] : memref<131072xi32, #tpu.memory_space<hbm>> -> memref<128xi32, #tpu.memory_space<hbm>>
      tpu.wait_dma2 semaphore(%run_scoped3A : memref<!tpu.dma_semaphore, #tpu.memory_space<semaphore_mem>>) src(%dma_wait3A_55 : memref<128xi32, #tpu.memory_space<hbm>>) dst(%arg5 : memref<128xi32, #tpu.memory_space<vmem>>)
      tpu.yield
    }) : () -> ()
    %dma_start3A = arith.constant 0 : i32
    %dma_start3A_5 = arith.constant 0 : i32
    %dma_start3A_6 = tpu.memref_slice %arg2[%dma_start3A, %dma_start3A_5] : memref<8192x128xf32, #tpu.memory_space<hbm>> -> memref<8192x128xf32, #tpu.memory_space<hbm>>
    tpu.enqueue_indirect_dma source(%dma_start3A_6 : memref<8192x128xf32, #tpu.memory_space<hbm>>) target(%arg9 : memref<128x128xf32, #tpu.memory_space<vmem>>) offsets(%arg5 : memref<128xi32, #tpu.memory_space<vmem>>) semaphore(%arg13 : memref<!tpu.dma_semaphore, #tpu.memory_space<semaphore_mem>>)
    %add3A_7 = arith.constant 128 : i32
    %add3A_8 = arith.addi %mul3A_2, %add3A_7 : i32
    "tpu.region"() ({
      %run_scoped3A = tpu.sem_alloc : memref<!tpu.dma_semaphore, #tpu.memory_space<semaphore_mem>>
      %dma_start3A_52 = tpu.memref_slice %arg3[%add3A_8] : memref<131072xi32, #tpu.memory_space<hbm>> -> memref<128xi32, #tpu.memory_space<hbm>>
      %dma_start3A_53 = tpu.memref_slice %arg3[%add3A_8] : memref<131072xi32, #tpu.memory_space<hbm>> -> memref<128xi32, #tpu.memory_space<hbm>>
      tpu.enqueue_dma source(%dma_start3A_53 : memref<128xi32, #tpu.memory_space<hbm>>) target(%arg6 : memref<128xi32, #tpu.memory_space<vmem>>) target_semaphore(%run_scoped3A : memref<!tpu.dma_semaphore, #tpu.memory_space<semaphore_mem>>)
      %dma_wait3A_54 = tpu.memref_slice %arg3[%add3A_8] : memref<131072xi32, #tpu.memory_space<hbm>> -> memref<128xi32, #tpu.memory_space<hbm>>
      %dma_wait3A_55 = tpu.memref_slice %arg3[%add3A_8] : memref<131072xi32, #tpu.memory_space<hbm>> -> memref<128xi32, #tpu.memory_space<hbm>>
      tpu.wait_dma2 semaphore(%run_scoped3A : memref<!tpu.dma_semaphore, #tpu.memory_space<semaphore_mem>>) src(%dma_wait3A_55 : memref<128xi32, #tpu.memory_space<hbm>>) dst(%arg6 : memref<128xi32, #tpu.memory_space<vmem>>)
      tpu.yield
    }) : () -> ()
    %dma_start3A_9 = arith.constant 0 : i32
    %dma_start3A_10 = arith.constant 0 : i32
    %dma_start3A_11 = tpu.memref_slice %arg2[%dma_start3A_9, %dma_start3A_10] : memref<8192x128xf32, #tpu.memory_space<hbm>> -> memref<8192x128xf32, #tpu.memory_space<hbm>>
    tpu.enqueue_indirect_dma source(%dma_start3A_11 : memref<8192x128xf32, #tpu.memory_space<hbm>>) target(%arg10 : memref<128x128xf32, #tpu.memory_space<vmem>>) offsets(%arg6 : memref<128xi32, #tpu.memory_space<vmem>>) semaphore(%arg14 : memref<!tpu.dma_semaphore, #tpu.memory_space<semaphore_mem>>)
    %add3A_12 = arith.constant 256 : i32
    %add3A_13 = arith.addi %mul3A_2, %add3A_12 : i32
    "tpu.region"() ({
      %run_scoped3A = tpu.sem_alloc : memref<!tpu.dma_semaphore, #tpu.memory_space<semaphore_mem>>
      %dma_start3A_52 = tpu.memref_slice %arg3[%add3A_13] : memref<131072xi32, #tpu.memory_space<hbm>> -> memref<128xi32, #tpu.memory_space<hbm>>
      %dma_start3A_53 = tpu.memref_slice %arg3[%add3A_13] : memref<131072xi32, #tpu.memory_space<hbm>> -> memref<128xi32, #tpu.memory_space<hbm>>
      tpu.enqueue_dma source(%dma_start3A_53 : memref<128xi32, #tpu.memory_space<hbm>>) target(%arg7 : memref<128xi32, #tpu.memory_space<vmem>>) target_semaphore(%run_scoped3A : memref<!tpu.dma_semaphore, #tpu.memory_space<semaphore_mem>>)
      %dma_wait3A_54 = tpu.memref_slice %arg3[%add3A_13] : memref<131072xi32, #tpu.memory_space<hbm>> -> memref<128xi32, #tpu.memory_space<hbm>>
      %dma_wait3A_55 = tpu.memref_slice %arg3[%add3A_13] : memref<131072xi32, #tpu.memory_space<hbm>> -> memref<128xi32, #tpu.memory_space<hbm>>
      tpu.wait_dma2 semaphore(%run_scoped3A : memref<!tpu.dma_semaphore, #tpu.memory_space<semaphore_mem>>) src(%dma_wait3A_55 : memref<128xi32, #tpu.memory_space<hbm>>) dst(%arg7 : memref<128xi32, #tpu.memory_space<vmem>>)
      tpu.yield
    }) : () -> ()
    %dma_start3A_14 = arith.constant 0 : i32
    %dma_start3A_15 = arith.constant 0 : i32
    %dma_start3A_16 = tpu.memref_slice %arg2[%dma_start3A_14, %dma_start3A_15] : memref<8192x128xf32, #tpu.memory_space<hbm>> -> memref<8192x128xf32, #tpu.memory_space<hbm>>
    tpu.enqueue_indirect_dma source(%dma_start3A_16 : memref<8192x128xf32, #tpu.memory_space<hbm>>) target(%arg11 : memref<128x128xf32, #tpu.memory_space<vmem>>) offsets(%arg7 : memref<128xi32, #tpu.memory_space<vmem>>) semaphore(%arg15 : memref<!tpu.dma_semaphore, #tpu.memory_space<semaphore_mem>>)
    %add3A_17 = arith.constant 384 : i32
    %add3A_18 = arith.addi %mul3A_2, %add3A_17 : i32
    "tpu.region"() ({
      %run_scoped3A = tpu.sem_alloc : memref<!tpu.dma_semaphore, #tpu.memory_space<semaphore_mem>>
      %dma_start3A_52 = tpu.memref_slice %arg3[%add3A_18] : memref<131072xi32, #tpu.memory_space<hbm>> -> memref<128xi32, #tpu.memory_space<hbm>>
      %dma_start3A_53 = tpu.memref_slice %arg3[%add3A_18] : memref<131072xi32, #tpu.memory_space<hbm>> -> memref<128xi32, #tpu.memory_space<hbm>>
      tpu.enqueue_dma source(%dma_start3A_53 : memref<128xi32, #tpu.memory_space<hbm>>) target(%arg8 : memref<128xi32, #tpu.memory_space<vmem>>) target_semaphore(%run_scoped3A : memref<!tpu.dma_semaphore, #tpu.memory_space<semaphore_mem>>)
      %dma_wait3A_54 = tpu.memref_slice %arg3[%add3A_18] : memref<131072xi32, #tpu.memory_space<hbm>> -> memref<128xi32, #tpu.memory_space<hbm>>
      %dma_wait3A_55 = tpu.memref_slice %arg3[%add3A_18] : memref<131072xi32, #tpu.memory_space<hbm>> -> memref<128xi32, #tpu.memory_space<hbm>>
      tpu.wait_dma2 semaphore(%run_scoped3A : memref<!tpu.dma_semaphore, #tpu.memory_space<semaphore_mem>>) src(%dma_wait3A_55 : memref<128xi32, #tpu.memory_space<hbm>>) dst(%arg8 : memref<128xi32, #tpu.memory_space<vmem>>)
      tpu.yield
    }) : () -> ()
    %dma_start3A_19 = arith.constant 0 : i32
    %dma_start3A_20 = arith.constant 0 : i32
    %dma_start3A_21 = tpu.memref_slice %arg2[%dma_start3A_19, %dma_start3A_20] : memref<8192x128xf32, #tpu.memory_space<hbm>> -> memref<8192x128xf32, #tpu.memory_space<hbm>>
    tpu.enqueue_indirect_dma source(%dma_start3A_21 : memref<8192x128xf32, #tpu.memory_space<hbm>>) target(%arg12 : memref<128x128xf32, #tpu.memory_space<vmem>>) offsets(%arg8 : memref<128xi32, #tpu.memory_space<vmem>>) semaphore(%arg16 : memref<!tpu.dma_semaphore, #tpu.memory_space<semaphore_mem>>)
    %scan3A = arith.constant 0 : i32
    %scan3A_22 = arith.constant 0 : i32
    %scan3A_23 = arith.constant 8 : i32
    %scan3A_24 = arith.addi %scan3A_22, %scan3A_23 : i32
    %scan3A_25 = arith.constant 1 : i32
    scf.for %scan3A_52 = %scan3A_22 to %scan3A_24 step %scan3A_25  : i32 {
      %mul3A_53 = arith.constant 512 : i32
      %mul3A_54 = arith.muli %scan3A_52, %mul3A_53 : i32
      %add3A_55 = arith.addi %mul3A_2, %mul3A_54 : i32
      %dma_wait3A_56 = arith.constant 0 : i32
      %dma_wait3A_57 = arith.constant 0 : i32
      %dma_wait3A_58 = tpu.memref_slice %arg2[%dma_wait3A_56, %dma_wait3A_57] : memref<8192x128xf32, #tpu.memory_space<hbm>> -> memref<8192x128xf32, #tpu.memory_space<hbm>>
      tpu.wait_indirect_dma semaphore(%arg13 : memref<!tpu.dma_semaphore, #tpu.memory_space<semaphore_mem>>) src(%dma_wait3A_58 : memref<8192x128xf32, #tpu.memory_space<hbm>>) dst(%arg9 : memref<128x128xf32, #tpu.memory_space<vmem>>)
      %add3A_59 = arith.constant 0 : i32
      %add3A_60 = arith.addi %add3A_55, %add3A_59 : i32
      %dma_start3A_61 = arith.constant 0 : i32
      %dma_start3A_62 = tpu.memref_slice %arg4[%add3A_60, %dma_start3A_61] : memref<131072x128xf32, #tpu.memory_space<hbm>> -> memref<128x128xf32, #tpu.memory_space<hbm>>
      %dma_start3A_63 = arith.constant 0 : i32
      %dma_start3A_64 = tpu.memref_slice %arg4[%add3A_60, %dma_start3A_63] : memref<131072x128xf32, #tpu.memory_space<hbm>> -> memref<128x128xf32, #tpu.memory_space<hbm>>
      tpu.enqueue_dma source(%arg9 : memref<128x128xf32, #tpu.memory_space<vmem>>) target(%dma_start3A_64 : memref<128x128xf32, #tpu.memory_space<hbm>>) target_semaphore(%arg17 : memref<!tpu.dma_semaphore, #tpu.memory_space<semaphore_mem>>)
      %dma_wait3A_65 = arith.constant 0 : i32
      %dma_wait3A_66 = arith.constant 0 : i32
      %dma_wait3A_67 = tpu.memref_slice %arg2[%dma_wait3A_65, %dma_wait3A_66] : memref<8192x128xf32, #tpu.memory_space<hbm>> -> memref<8192x128xf32, #tpu.memory_space<hbm>>
      tpu.wait_indirect_dma semaphore(%arg14 : memref<!tpu.dma_semaphore, #tpu.memory_space<semaphore_mem>>) src(%dma_wait3A_67 : memref<8192x128xf32, #tpu.memory_space<hbm>>) dst(%arg10 : memref<128x128xf32, #tpu.memory_space<vmem>>)
      %add3A_68 = arith.constant 128 : i32
      %add3A_69 = arith.addi %add3A_55, %add3A_68 : i32
      %dma_start3A_70 = arith.constant 0 : i32
      %dma_start3A_71 = tpu.memref_slice %arg4[%add3A_69, %dma_start3A_70] : memref<131072x128xf32, #tpu.memory_space<hbm>> -> memref<128x128xf32, #tpu.memory_space<hbm>>
      %dma_start3A_72 = arith.constant 0 : i32
      %dma_start3A_73 = tpu.memref_slice %arg4[%add3A_69, %dma_start3A_72] : memref<131072x128xf32, #tpu.memory_space<hbm>> -> memref<128x128xf32, #tpu.memory_space<hbm>>
      tpu.enqueue_dma source(%arg10 : memref<128x128xf32, #tpu.memory_space<vmem>>) target(%dma_start3A_73 : memref<128x128xf32, #tpu.memory_space<hbm>>) target_semaphore(%arg18 : memref<!tpu.dma_semaphore, #tpu.memory_space<semaphore_mem>>)
      %dma_wait3A_74 = arith.constant 0 : i32
      %dma_wait3A_75 = arith.constant 0 : i32
      %dma_wait3A_76 = tpu.memref_slice %arg2[%dma_wait3A_74, %dma_wait3A_75] : memref<8192x128xf32, #tpu.memory_space<hbm>> -> memref<8192x128xf32, #tpu.memory_space<hbm>>
      tpu.wait_indirect_dma semaphore(%arg15 : memref<!tpu.dma_semaphore, #tpu.memory_space<semaphore_mem>>) src(%dma_wait3A_76 : memref<8192x128xf32, #tpu.memory_space<hbm>>) dst(%arg11 : memref<128x128xf32, #tpu.memory_space<vmem>>)
      %add3A_77 = arith.constant 256 : i32
      %add3A_78 = arith.addi %add3A_55, %add3A_77 : i32
      %dma_start3A_79 = arith.constant 0 : i32
      %dma_start3A_80 = tpu.memref_slice %arg4[%add3A_78, %dma_start3A_79] : memref<131072x128xf32, #tpu.memory_space<hbm>> -> memref<128x128xf32, #tpu.memory_space<hbm>>
      %dma_start3A_81 = arith.constant 0 : i32
      %dma_start3A_82 = tpu.memref_slice %arg4[%add3A_78, %dma_start3A_81] : memref<131072x128xf32, #tpu.memory_space<hbm>> -> memref<128x128xf32, #tpu.memory_space<hbm>>
      tpu.enqueue_dma source(%arg11 : memref<128x128xf32, #tpu.memory_space<vmem>>) target(%dma_start3A_82 : memref<128x128xf32, #tpu.memory_space<hbm>>) target_semaphore(%arg19 : memref<!tpu.dma_semaphore, #tpu.memory_space<semaphore_mem>>)
      %dma_wait3A_83 = arith.constant 0 : i32
      %dma_wait3A_84 = arith.constant 0 : i32
      %dma_wait3A_85 = tpu.memref_slice %arg2[%dma_wait3A_83, %dma_wait3A_84] : memref<8192x128xf32, #tpu.memory_space<hbm>> -> memref<8192x128xf32, #tpu.memory_space<hbm>>
      tpu.wait_indirect_dma semaphore(%arg16 : memref<!tpu.dma_semaphore, #tpu.memory_space<semaphore_mem>>) src(%dma_wait3A_85 : memref<8192x128xf32, #tpu.memory_space<hbm>>) dst(%arg12 : memref<128x128xf32, #tpu.memory_space<vmem>>)
      %add3A_86 = arith.constant 384 : i32
      %add3A_87 = arith.addi %add3A_55, %add3A_86 : i32
      %dma_start3A_88 = arith.constant 0 : i32
      %dma_start3A_89 = tpu.memref_slice %arg4[%add3A_87, %dma_start3A_88] : memref<131072x128xf32, #tpu.memory_space<hbm>> -> memref<128x128xf32, #tpu.memory_space<hbm>>
      %dma_start3A_90 = arith.constant 0 : i32
      %dma_start3A_91 = tpu.memref_slice %arg4[%add3A_87, %dma_start3A_90] : memref<131072x128xf32, #tpu.memory_space<hbm>> -> memref<128x128xf32, #tpu.memory_space<hbm>>
      tpu.enqueue_dma source(%arg12 : memref<128x128xf32, #tpu.memory_space<vmem>>) target(%dma_start3A_91 : memref<128x128xf32, #tpu.memory_space<hbm>>) target_semaphore(%arg20 : memref<!tpu.dma_semaphore, #tpu.memory_space<semaphore_mem>>)
      %lt3A = arith.constant 7 : i32
      %lt3A_92 = arith.cmpi slt, %scan3A_52, %lt3A : i32
      %convert_element_type3A = arith.extui %lt3A_92 : i1 to i32
      %cond3A = arith.constant 0 : i32
      %cond3A_93 = arith.cmpi ne, %convert_element_type3A, %cond3A : i32
      scf.if %cond3A_93 {
        %add3A_94 = arith.constant 512 : i32
        %add3A_95 = arith.addi %add3A_55, %add3A_94 : i32
        %add3A_96 = arith.constant 0 : i32
        %add3A_97 = arith.addi %add3A_95, %add3A_96 : i32
        "tpu.region"() ({
          %run_scoped3A = tpu.sem_alloc : memref<!tpu.dma_semaphore, #tpu.memory_space<semaphore_mem>>
          %dma_start3A_140 = tpu.memref_slice %arg3[%add3A_97] : memref<131072xi32, #tpu.memory_space<hbm>> -> memref<128xi32, #tpu.memory_space<hbm>>
          %dma_start3A_141 = tpu.memref_slice %arg3[%add3A_97] : memref<131072xi32, #tpu.memory_space<hbm>> -> memref<128xi32, #tpu.memory_space<hbm>>
          tpu.enqueue_dma source(%dma_start3A_141 : memref<128xi32, #tpu.memory_space<hbm>>) target(%arg5 : memref<128xi32, #tpu.memory_space<vmem>>) target_semaphore(%run_scoped3A : memref<!tpu.dma_semaphore, #tpu.memory_space<semaphore_mem>>)
          %dma_wait3A_142 = tpu.memref_slice %arg3[%add3A_97] : memref<131072xi32, #tpu.memory_space<hbm>> -> memref<128xi32, #tpu.memory_space<hbm>>
          %dma_wait3A_143 = tpu.memref_slice %arg3[%add3A_97] : memref<131072xi32, #tpu.memory_space<hbm>> -> memref<128xi32, #tpu.memory_space<hbm>>
          tpu.wait_dma2 semaphore(%run_scoped3A : memref<!tpu.dma_semaphore, #tpu.memory_space<semaphore_mem>>) src(%dma_wait3A_143 : memref<128xi32, #tpu.memory_space<hbm>>) dst(%arg5 : memref<128xi32, #tpu.memory_space<vmem>>)
          tpu.yield
        }) : () -> ()
        %add3A_98 = arith.constant 128 : i32
        %add3A_99 = arith.addi %add3A_95, %add3A_98 : i32
        "tpu.region"() ({
          %run_scoped3A = tpu.sem_alloc : memref<!tpu.dma_semaphore, #tpu.memory_space<semaphore_mem>>
          %dma_start3A_140 = tpu.memref_slice %arg3[%add3A_99] : memref<131072xi32, #tpu.memory_space<hbm>> -> memref<128xi32, #tpu.memory_space<hbm>>
          %dma_start3A_141 = tpu.memref_slice %arg3[%add3A_99] : memref<131072xi32, #tpu.memory_space<hbm>> -> memref<128xi32, #tpu.memory_space<hbm>>
          tpu.enqueue_dma source(%dma_start3A_141 : memref<128xi32, #tpu.memory_space<hbm>>) target(%arg6 : memref<128xi32, #tpu.memory_space<vmem>>) target_semaphore(%run_scoped3A : memref<!tpu.dma_semaphore, #tpu.memory_space<semaphore_mem>>)
          %dma_wait3A_142 = tpu.memref_slice %arg3[%add3A_99] : memref<131072xi32, #tpu.memory_space<hbm>> -> memref<128xi32, #tpu.memory_space<hbm>>
          %dma_wait3A_143 = tpu.memref_slice %arg3[%add3A_99] : memref<131072xi32, #tpu.memory_space<hbm>> -> memref<128xi32, #tpu.memory_space<hbm>>
          tpu.wait_dma2 semaphore(%run_scoped3A : memref<!tpu.dma_semaphore, #tpu.memory_space<semaphore_mem>>) src(%dma_wait3A_143 : memref<128xi32, #tpu.memory_space<hbm>>) dst(%arg6 : memref<128xi32, #tpu.memory_space<vmem>>)
          tpu.yield
        }) : () -> ()
        %add3A_100 = arith.constant 256 : i32
        %add3A_101 = arith.addi %add3A_95, %add3A_100 : i32
        "tpu.region"() ({
          %run_scoped3A = tpu.sem_alloc : memref<!tpu.dma_semaphore, #tpu.memory_space<semaphore_mem>>
          %dma_start3A_140 = tpu.memref_slice %arg3[%add3A_101] : memref<131072xi32, #tpu.memory_space<hbm>> -> memref<128xi32, #tpu.memory_space<hbm>>
          %dma_start3A_141 = tpu.memref_slice %arg3[%add3A_101] : memref<131072xi32, #tpu.memory_space<hbm>> -> memref<128xi32, #tpu.memory_space<hbm>>
          tpu.enqueue_dma source(%dma_start3A_141 : memref<128xi32, #tpu.memory_space<hbm>>) target(%arg7 : memref<128xi32, #tpu.memory_space<vmem>>) target_semaphore(%run_scoped3A : memref<!tpu.dma_semaphore, #tpu.memory_space<semaphore_mem>>)
          %dma_wait3A_142 = tpu.memref_slice %arg3[%add3A_101] : memref<131072xi32, #tpu.memory_space<hbm>> -> memref<128xi32, #tpu.memory_space<hbm>>
          %dma_wait3A_143 = tpu.memref_slice %arg3[%add3A_101] : memref<131072xi32, #tpu.memory_space<hbm>> -> memref<128xi32, #tpu.memory_space<hbm>>
          tpu.wait_dma2 semaphore(%run_scoped3A : memref<!tpu.dma_semaphore, #tpu.memory_space<semaphore_mem>>) src(%dma_wait3A_143 : memref<128xi32, #tpu.memory_space<hbm>>) dst(%arg7 : memref<128xi32, #tpu.memory_space<vmem>>)
          tpu.yield
        }) : () -> ()
        %add3A_102 = arith.constant 384 : i32
        %add3A_103 = arith.addi %add3A_95, %add3A_102 : i32
        "tpu.region"() ({
          %run_scoped3A = tpu.sem_alloc : memref<!tpu.dma_semaphore, #tpu.memory_space<semaphore_mem>>
          %dma_start3A_140 = tpu.memref_slice %arg3[%add3A_103] : memref<131072xi32, #tpu.memory_space<hbm>> -> memref<128xi32, #tpu.memory_space<hbm>>
          %dma_start3A_141 = tpu.memref_slice %arg3[%add3A_103] : memref<131072xi32, #tpu.memory_space<hbm>> -> memref<128xi32, #tpu.memory_space<hbm>>
          tpu.enqueue_dma source(%dma_start3A_141 : memref<128xi32, #tpu.memory_space<hbm>>) target(%arg8 : memref<128xi32, #tpu.memory_space<vmem>>) target_semaphore(%run_scoped3A : memref<!tpu.dma_semaphore, #tpu.memory_space<semaphore_mem>>)
          %dma_wait3A_142 = tpu.memref_slice %arg3[%add3A_103] : memref<131072xi32, #tpu.memory_space<hbm>> -> memref<128xi32, #tpu.memory_space<hbm>>
          %dma_wait3A_143 = tpu.memref_slice %arg3[%add3A_103] : memref<131072xi32, #tpu.memory_space<hbm>> -> memref<128xi32, #tpu.memory_space<hbm>>
          tpu.wait_dma2 semaphore(%run_scoped3A : memref<!tpu.dma_semaphore, #tpu.memory_space<semaphore_mem>>) src(%dma_wait3A_143 : memref<128xi32, #tpu.memory_space<hbm>>) dst(%arg8 : memref<128xi32, #tpu.memory_space<vmem>>)
          tpu.yield
        }) : () -> ()
        %add3A_104 = arith.constant 0 : i32
        %add3A_105 = arith.addi %add3A_55, %add3A_104 : i32
        %dma_wait3A_106 = arith.constant 0 : i32
        %dma_wait3A_107 = tpu.memref_slice %arg4[%add3A_105, %dma_wait3A_106] : memref<131072x128xf32, #tpu.memory_space<hbm>> -> memref<128x128xf32, #tpu.memory_space<hbm>>
        %dma_wait3A_108 = arith.constant 0 : i32
        %dma_wait3A_109 = tpu.memref_slice %arg4[%add3A_105, %dma_wait3A_108] : memref<131072x128xf32, #tpu.memory_space<hbm>> -> memref<128x128xf32, #tpu.memory_space<hbm>>
        tpu.wait_dma2 semaphore(%arg17 : memref<!tpu.dma_semaphore, #tpu.memory_space<semaphore_mem>>) src(%arg9 : memref<128x128xf32, #tpu.memory_space<vmem>>) dst(%dma_wait3A_109 : memref<128x128xf32, #tpu.memory_space<hbm>>)
        %dma_start3A_110 = arith.constant 0 : i32
        %dma_start3A_111 = arith.constant 0 : i32
        %dma_start3A_112 = tpu.memref_slice %arg2[%dma_start3A_110, %dma_start3A_111] : memref<8192x128xf32, #tpu.memory_space<hbm>> -> memref<8192x128xf32, #tpu.memory_space<hbm>>
        tpu.enqueue_indirect_dma source(%dma_start3A_112 : memref<8192x128xf32, #tpu.memory_space<hbm>>) target(%arg9 : memref<128x128xf32, #tpu.memory_space<vmem>>) offsets(%arg5 : memref<128xi32, #tpu.memory_space<vmem>>) semaphore(%arg13 : memref<!tpu.dma_semaphore, #tpu.memory_space<semaphore_mem>>)
        %add3A_113 = arith.constant 128 : i32
        %add3A_114 = arith.addi %add3A_55, %add3A_113 : i32
        %dma_wait3A_115 = arith.constant 0 : i32
        %dma_wait3A_116 = tpu.memref_slice %arg4[%add3A_114, %dma_wait3A_115] : memref<131072x128xf32, #tpu.memory_space<hbm>> -> memref<128x128xf32, #tpu.memory_space<hbm>>
        %dma_wait3A_117 = arith.constant 0 : i32
        %dma_wait3A_118 = tpu.memref_slice %arg4[%add3A_114, %dma_wait3A_117] : memref<131072x128xf32, #tpu.memory_space<hbm>> -> memref<128x128xf32, #tpu.memory_space<hbm>>
        tpu.wait_dma2 semaphore(%arg18 : memref<!tpu.dma_semaphore, #tpu.memory_space<semaphore_mem>>) src(%arg10 : memref<128x128xf32, #tpu.memory_space<vmem>>) dst(%dma_wait3A_118 : memref<128x128xf32, #tpu.memory_space<hbm>>)
        %dma_start3A_119 = arith.constant 0 : i32
        %dma_start3A_120 = arith.constant 0 : i32
        %dma_start3A_121 = tpu.memref_slice %arg2[%dma_start3A_119, %dma_start3A_120] : memref<8192x128xf32, #tpu.memory_space<hbm>> -> memref<8192x128xf32, #tpu.memory_space<hbm>>
        tpu.enqueue_indirect_dma source(%dma_start3A_121 : memref<8192x128xf32, #tpu.memory_space<hbm>>) target(%arg10 : memref<128x128xf32, #tpu.memory_space<vmem>>) offsets(%arg6 : memref<128xi32, #tpu.memory_space<vmem>>) semaphore(%arg14 : memref<!tpu.dma_semaphore, #tpu.memory_space<semaphore_mem>>)
        %add3A_122 = arith.constant 256 : i32
        %add3A_123 = arith.addi %add3A_55, %add3A_122 : i32
        %dma_wait3A_124 = arith.constant 0 : i32
        %dma_wait3A_125 = tpu.memref_slice %arg4[%add3A_123, %dma_wait3A_124] : memref<131072x128xf32, #tpu.memory_space<hbm>> -> memref<128x128xf32, #tpu.memory_space<hbm>>
        %dma_wait3A_126 = arith.constant 0 : i32
        %dma_wait3A_127 = tpu.memref_slice %arg4[%add3A_123, %dma_wait3A_126] : memref<131072x128xf32, #tpu.memory_space<hbm>> -> memref<128x128xf32, #tpu.memory_space<hbm>>
        tpu.wait_dma2 semaphore(%arg19 : memref<!tpu.dma_semaphore, #tpu.memory_space<semaphore_mem>>) src(%arg11 : memref<128x128xf32, #tpu.memory_space<vmem>>) dst(%dma_wait3A_127 : memref<128x128xf32, #tpu.memory_space<hbm>>)
        %dma_start3A_128 = arith.constant 0 : i32
        %dma_start3A_129 = arith.constant 0 : i32
        %dma_start3A_130 = tpu.memref_slice %arg2[%dma_start3A_128, %dma_start3A_129] : memref<8192x128xf32, #tpu.memory_space<hbm>> -> memref<8192x128xf32, #tpu.memory_space<hbm>>
        tpu.enqueue_indirect_dma source(%dma_start3A_130 : memref<8192x128xf32, #tpu.memory_space<hbm>>) target(%arg11 : memref<128x128xf32, #tpu.memory_space<vmem>>) offsets(%arg7 : memref<128xi32, #tpu.memory_space<vmem>>) semaphore(%arg15 : memref<!tpu.dma_semaphore, #tpu.memory_space<semaphore_mem>>)
        %add3A_131 = arith.constant 384 : i32
        %add3A_132 = arith.addi %add3A_55, %add3A_131 : i32
        %dma_wait3A_133 = arith.constant 0 : i32
        %dma_wait3A_134 = tpu.memref_slice %arg4[%add3A_132, %dma_wait3A_133] : memref<131072x128xf32, #tpu.memory_space<hbm>> -> memref<128x128xf32, #tpu.memory_space<hbm>>
        %dma_wait3A_135 = arith.constant 0 : i32
        %dma_wait3A_136 = tpu.memref_slice %arg4[%add3A_132, %dma_wait3A_135] : memref<131072x128xf32, #tpu.memory_space<hbm>> -> memref<128x128xf32, #tpu.memory_space<hbm>>
        tpu.wait_dma2 semaphore(%arg20 : memref<!tpu.dma_semaphore, #tpu.memory_space<semaphore_mem>>) src(%arg12 : memref<128x128xf32, #tpu.memory_space<vmem>>) dst(%dma_wait3A_136 : memref<128x128xf32, #tpu.memory_space<hbm>>)
        %dma_start3A_137 = arith.constant 0 : i32
        %dma_start3A_138 = arith.constant 0 : i32
        %dma_start3A_139 = tpu.memref_slice %arg2[%dma_start3A_137, %dma_start3A_138] : memref<8192x128xf32, #tpu.memory_space<hbm>> -> memref<8192x128xf32, #tpu.memory_space<hbm>>
        tpu.enqueue_indirect_dma source(%dma_start3A_139 : memref<8192x128xf32, #tpu.memory_space<hbm>>) target(%arg12 : memref<128x128xf32, #tpu.memory_space<vmem>>) offsets(%arg8 : memref<128xi32, #tpu.memory_space<vmem>>) semaphore(%arg16 : memref<!tpu.dma_semaphore, #tpu.memory_space<semaphore_mem>>)
      } else {
      }
    }
    %scan3A_26 = arith.constant 8 : i32
    %add3A_27 = arith.constant 3584 : i32
    %add3A_28 = arith.addi %mul3A_2, %add3A_27 : i32
    %add3A_29 = arith.constant 0 : i32
    %add3A_30 = arith.addi %add3A_28, %add3A_29 : i32
    %dma_wait3A = arith.constant 0 : i32
    %dma_wait3A_31 = tpu.memref_slice %arg4[%add3A_30, %dma_wait3A] : memref<131072x128xf32, #tpu.memory_space<hbm>> -> memref<128x128xf32, #tpu.memory_space<hbm>>
    %dma_wait3A_32 = arith.constant 0 : i32
    %dma_wait3A_33 = tpu.memref_slice %arg4[%add3A_30, %dma_wait3A_32] : memref<131072x128xf32, #tpu.memory_space<hbm>> -> memref<128x128xf32, #tpu.memory_space<hbm>>
    tpu.wait_dma2 semaphore(%arg17 : memref<!tpu.dma_semaphore, #tpu.memory_space<semaphore_mem>>) src(%arg9 : memref<128x128xf32, #tpu.memory_space<vmem>>) dst(%dma_wait3A_33 : memref<128x128xf32, #tpu.memory_space<hbm>>)
    %add3A_34 = arith.constant 128 : i32
    %add3A_35 = arith.addi %add3A_28, %add3A_34 : i32
    %dma_wait3A_36 = arith.constant 0 : i32
    %dma_wait3A_37 = tpu.memref_slice %arg4[%add3A_35, %dma_wait3A_36] : memref<131072x128xf32, #tpu.memory_space<hbm>> -> memref<128x128xf32, #tpu.memory_space<hbm>>
    %dma_wait3A_38 = arith.constant 0 : i32
    %dma_wait3A_39 = tpu.memref_slice %arg4[%add3A_35, %dma_wait3A_38] : memref<131072x128xf32, #tpu.memory_space<hbm>> -> memref<128x128xf32, #tpu.memory_space<hbm>>
    tpu.wait_dma2 semaphore(%arg18 : memref<!tpu.dma_semaphore, #tpu.memory_space<semaphore_mem>>) src(%arg10 : memref<128x128xf32, #tpu.memory_space<vmem>>) dst(%dma_wait3A_39 : memref<128x128xf32, #tpu.memory_space<hbm>>)
    %add3A_40 = arith.constant 256 : i32
    %add3A_41 = arith.addi %add3A_28, %add3A_40 : i32
    %dma_wait3A_42 = arith.constant 0 : i32
    %dma_wait3A_43 = tpu.memref_slice %arg4[%add3A_41, %dma_wait3A_42] : memref<131072x128xf32, #tpu.memory_space<hbm>> -> memref<128x128xf32, #tpu.memory_space<hbm>>
    %dma_wait3A_44 = arith.constant 0 : i32
    %dma_wait3A_45 = tpu.memref_slice %arg4[%add3A_41, %dma_wait3A_44] : memref<131072x128xf32, #tpu.memory_space<hbm>> -> memref<128x128xf32, #tpu.memory_space<hbm>>
    tpu.wait_dma2 semaphore(%arg19 : memref<!tpu.dma_semaphore, #tpu.memory_space<semaphore_mem>>) src(%arg11 : memref<128x128xf32, #tpu.memory_space<vmem>>) dst(%dma_wait3A_45 : memref<128x128xf32, #tpu.memory_space<hbm>>)
    %add3A_46 = arith.constant 384 : i32
    %add3A_47 = arith.addi %add3A_28, %add3A_46 : i32
    %dma_wait3A_48 = arith.constant 0 : i32
    %dma_wait3A_49 = tpu.memref_slice %arg4[%add3A_47, %dma_wait3A_48] : memref<131072x128xf32, #tpu.memory_space<hbm>> -> memref<128x128xf32, #tpu.memory_space<hbm>>
    %dma_wait3A_50 = arith.constant 0 : i32
    %dma_wait3A_51 = tpu.memref_slice %arg4[%add3A_47, %dma_wait3A_50] : memref<131072x128xf32, #tpu.memory_space<hbm>> -> memref<128x128xf32, #tpu.memory_space<hbm>>
    tpu.wait_dma2 semaphore(%arg20 : memref<!tpu.dma_semaphore, #tpu.memory_space<semaphore_mem>>) src(%arg12 : memref<128x128xf32, #tpu.memory_space<vmem>>) dst(%dma_wait3A_51 : memref<128x128xf32, #tpu.memory_space<hbm>>)
    return
  }
}

#map = affine_map<(d0, d1) -> (0, 0)>
#map1 = affine_map<(d0, d1) -> (0)>
module attributes {stable_mosaic.version = 14 : i64} {
  func.func @gather(%arg0: i32, %arg1: i32, %arg2: memref<8192x128xf32, #tpu.memory_space<hbm>>, %arg3: memref<131072xi32, #tpu.memory_space<hbm>>, %arg4: memref<131072x128xf32, #tpu.memory_space<hbm>>, %arg5: memref<128xi32, #tpu.memory_space<vmem>>, %arg6: memref<128xi32, #tpu.memory_space<vmem>>, %arg7: memref<128xi32, #tpu.memory_space<vmem>>, %arg8: memref<128xi32, #tpu.memory_space<vmem>>, %arg9: memref<128x128xf32, #tpu.memory_space<vmem>>, %arg10: memref<128x128xf32, #tpu.memory_space<vmem>>, %arg11: memref<128x128xf32, #tpu.memory_space<vmem>>, %arg12: memref<128x128xf32, #tpu.memory_space<vmem>>, %arg13: memref<!tpu.dma_semaphore, #tpu.memory_space<semaphore_mem>>, %arg14: memref<!tpu.dma_semaphore, #tpu.memory_space<semaphore_mem>>, %arg15: memref<!tpu.dma_semaphore, #tpu.memory_space<semaphore_mem>>, %arg16: memref<!tpu.dma_semaphore, #tpu.memory_space<semaphore_mem>>, %arg17: memref<!tpu.dma_semaphore, #tpu.memory_space<semaphore_mem>>, %arg18: memref<!tpu.dma_semaphore, #tpu.memory_space<semaphore_mem>>, %arg19: memref<!tpu.dma_semaphore, #tpu.memory_space<semaphore_mem>>, %arg20: memref<!tpu.dma_semaphore, #tpu.memory_space<semaphore_mem>>) attributes {dimension_semantics = [#tpu.dimension_semantics<core_parallel>, #tpu.dimension_semantics<subcore_parallel>], iteration_bounds = array<i64: 2, 16>, scalar_prefetch = 0 : i64, scratch_operands = 16 : i64, tpu.core_type = #tpu.core_type<sc_vector_subcore>, window_params = [{transform_indices = #map}, {transform_indices = #map1}, {transform_indices = #map}]} {
    %mul3A = arith.constant 2 : i32
    %mul3A_0 = arith.muli %arg1, %mul3A : i32
    %add3A = arith.addi %mul3A_0, %arg0 : i32
    %mul3A_1 = arith.constant 4096 : i32
    %mul3A_2 = arith.muli %add3A, %mul3A_1 : i32
    %add3A_3 = arith.constant 0 : i32
    %add3A_4 = arith.addi %mul3A_2, %add3A_3 : i32
    "tpu.region"() ({
      %run_scoped3A = tpu.sem_alloc : memref<!tpu.dma_semaphore, #tpu.memory_space<semaphore_mem>>
      %dma_start3A_52 = tpu.memref_slice %arg3[%add3A_4] : memref<131072xi32, #tpu.memory_space<hbm>> -> memref<128xi32, #tpu.memory_space<hbm>>
      %dma_start3A_53 = tpu.memref_slice %arg3[%add3A_4] : memref<131072xi32, #tpu.memory_space<hbm>> -> memref<128xi32, #tpu.memory_space<hbm>>
      tpu.enqueue_dma source(%dma_start3A_53 : memref<128xi32, #tpu.memory_space<hbm>>) target(%arg5 : memref<128xi32, #tpu.memory_space<vmem>>) target_semaphore(%run_scoped3A : memref<!tpu.dma_semaphore, #tpu.memory_space<semaphore_mem>>)
      %dma_wait3A_54 = tpu.memref_slice %arg3[%add3A_4] : memref<131072xi32, #tpu.memory_space<hbm>> -> memref<128xi32, #tpu.memory_space<hbm>>
      %dma_wait3A_55 = tpu.memref_slice %arg3[%add3A_4] : memref<131072xi32, #tpu.memory_space<hbm>> -> memref<128xi32, #tpu.memory_space<hbm>>
      tpu.wait_dma2 semaphore(%run_scoped3A : memref<!tpu.dma_semaphore, #tpu.memory_space<semaphore_mem>>) src(%dma_wait3A_55 : memref<128xi32, #tpu.memory_space<hbm>>) dst(%arg5 : memref<128xi32, #tpu.memory_space<vmem>>)
      tpu.yield
    }) : () -> ()
    %dma_start3A = arith.constant 0 : i32
    %dma_start3A_5 = arith.constant 0 : i32
    %dma_start3A_6 = tpu.memref_slice %arg2[%dma_start3A, %dma_start3A_5] : memref<8192x128xf32, #tpu.memory_space<hbm>> -> memref<8192x128xf32, #tpu.memory_space<hbm>>
    tpu.enqueue_indirect_dma source(%dma_start3A_6 : memref<8192x128xf32, #tpu.memory_space<hbm>>) target(%arg9 : memref<128x128xf32, #tpu.memory_space<vmem>>) offsets(%arg5 : memref<128xi32, #tpu.memory_space<vmem>>) semaphore(%arg13 : memref<!tpu.dma_semaphore, #tpu.memory_space<semaphore_mem>>)
    %add3A_7 = arith.constant 128 : i32
    %add3A_8 = arith.addi %mul3A_2, %add3A_7 : i32
    "tpu.region"() ({
      %run_scoped3A = tpu.sem_alloc : memref<!tpu.dma_semaphore, #tpu.memory_space<semaphore_mem>>
      %dma_start3A_52 = tpu.memref_slice %arg3[%add3A_8] : memref<131072xi32, #tpu.memory_space<hbm>> -> memref<128xi32, #tpu.memory_space<hbm>>
      %dma_start3A_53 = tpu.memref_slice %arg3[%add3A_8] : memref<131072xi32, #tpu.memory_space<hbm>> -> memref<128xi32, #tpu.memory_space<hbm>>
      tpu.enqueue_dma source(%dma_start3A_53 : memref<128xi32, #tpu.memory_space<hbm>>) target(%arg6 : memref<128xi32, #tpu.memory_space<vmem>>) target_semaphore(%run_scoped3A : memref<!tpu.dma_semaphore, #tpu.memory_space<semaphore_mem>>)
      %dma_wait3A_54 = tpu.memref_slice %arg3[%add3A_8] : memref<131072xi32, #tpu.memory_space<hbm>> -> memref<128xi32, #tpu.memory_space<hbm>>
      %dma_wait3A_55 = tpu.memref_slice %arg3[%add3A_8] : memref<131072xi32, #tpu.memory_space<hbm>> -> memref<128xi32, #tpu.memory_space<hbm>>
      tpu.wait_dma2 semaphore(%run_scoped3A : memref<!tpu.dma_semaphore, #tpu.memory_space<semaphore_mem>>) src(%dma_wait3A_55 : memref<128xi32, #tpu.memory_space<hbm>>) dst(%arg6 : memref<128xi32, #tpu.memory_space<vmem>>)
      tpu.yield
    }) : () -> ()
    %dma_start3A_9 = arith.constant 0 : i32
    %dma_start3A_10 = arith.constant 0 : i32
    %dma_start3A_11 = tpu.memref_slice %arg2[%dma_start3A_9, %dma_start3A_10] : memref<8192x128xf32, #tpu.memory_space<hbm>> -> memref<8192x128xf32, #tpu.memory_space<hbm>>
    tpu.enqueue_indirect_dma source(%dma_start3A_11 : memref<8192x128xf32, #tpu.memory_space<hbm>>) target(%arg10 : memref<128x128xf32, #tpu.memory_space<vmem>>) offsets(%arg6 : memref<128xi32, #tpu.memory_space<vmem>>) semaphore(%arg14 : memref<!tpu.dma_semaphore, #tpu.memory_space<semaphore_mem>>)
    %add3A_12 = arith.constant 256 : i32
    %add3A_13 = arith.addi %mul3A_2, %add3A_12 : i32
    "tpu.region"() ({
      %run_scoped3A = tpu.sem_alloc : memref<!tpu.dma_semaphore, #tpu.memory_space<semaphore_mem>>
      %dma_start3A_52 = tpu.memref_slice %arg3[%add3A_13] : memref<131072xi32, #tpu.memory_space<hbm>> -> memref<128xi32, #tpu.memory_space<hbm>>
      %dma_start3A_53 = tpu.memref_slice %arg3[%add3A_13] : memref<131072xi32, #tpu.memory_space<hbm>> -> memref<128xi32, #tpu.memory_space<hbm>>
      tpu.enqueue_dma source(%dma_start3A_53 : memref<128xi32, #tpu.memory_space<hbm>>) target(%arg7 : memref<128xi32, #tpu.memory_space<vmem>>) target_semaphore(%run_scoped3A : memref<!tpu.dma_semaphore, #tpu.memory_space<semaphore_mem>>)
      %dma_wait3A_54 = tpu.memref_slice %arg3[%add3A_13] : memref<131072xi32, #tpu.memory_space<hbm>> -> memref<128xi32, #tpu.memory_space<hbm>>
      %dma_wait3A_55 = tpu.memref_slice %arg3[%add3A_13] : memref<131072xi32, #tpu.memory_space<hbm>> -> memref<128xi32, #tpu.memory_space<hbm>>
      tpu.wait_dma2 semaphore(%run_scoped3A : memref<!tpu.dma_semaphore, #tpu.memory_space<semaphore_mem>>) src(%dma_wait3A_55 : memref<128xi32, #tpu.memory_space<hbm>>) dst(%arg7 : memref<128xi32, #tpu.memory_space<vmem>>)
      tpu.yield
    }) : () -> ()
    %dma_start3A_14 = arith.constant 0 : i32
    %dma_start3A_15 = arith.constant 0 : i32
    %dma_start3A_16 = tpu.memref_slice %arg2[%dma_start3A_14, %dma_start3A_15] : memref<8192x128xf32, #tpu.memory_space<hbm>> -> memref<8192x128xf32, #tpu.memory_space<hbm>>
    tpu.enqueue_indirect_dma source(%dma_start3A_16 : memref<8192x128xf32, #tpu.memory_space<hbm>>) target(%arg11 : memref<128x128xf32, #tpu.memory_space<vmem>>) offsets(%arg7 : memref<128xi32, #tpu.memory_space<vmem>>) semaphore(%arg15 : memref<!tpu.dma_semaphore, #tpu.memory_space<semaphore_mem>>)
    %add3A_17 = arith.constant 384 : i32
    %add3A_18 = arith.addi %mul3A_2, %add3A_17 : i32
    "tpu.region"() ({
      %run_scoped3A = tpu.sem_alloc : memref<!tpu.dma_semaphore, #tpu.memory_space<semaphore_mem>>
      %dma_start3A_52 = tpu.memref_slice %arg3[%add3A_18] : memref<131072xi32, #tpu.memory_space<hbm>> -> memref<128xi32, #tpu.memory_space<hbm>>
      %dma_start3A_53 = tpu.memref_slice %arg3[%add3A_18] : memref<131072xi32, #tpu.memory_space<hbm>> -> memref<128xi32, #tpu.memory_space<hbm>>
      tpu.enqueue_dma source(%dma_start3A_53 : memref<128xi32, #tpu.memory_space<hbm>>) target(%arg8 : memref<128xi32, #tpu.memory_space<vmem>>) target_semaphore(%run_scoped3A : memref<!tpu.dma_semaphore, #tpu.memory_space<semaphore_mem>>)
      %dma_wait3A_54 = tpu.memref_slice %arg3[%add3A_18] : memref<131072xi32, #tpu.memory_space<hbm>> -> memref<128xi32, #tpu.memory_space<hbm>>
      %dma_wait3A_55 = tpu.memref_slice %arg3[%add3A_18] : memref<131072xi32, #tpu.memory_space<hbm>> -> memref<128xi32, #tpu.memory_space<hbm>>
      tpu.wait_dma2 semaphore(%run_scoped3A : memref<!tpu.dma_semaphore, #tpu.memory_space<semaphore_mem>>) src(%dma_wait3A_55 : memref<128xi32, #tpu.memory_space<hbm>>) dst(%arg8 : memref<128xi32, #tpu.memory_space<vmem>>)
      tpu.yield
    }) : () -> ()
    %dma_start3A_19 = arith.constant 0 : i32
    %dma_start3A_20 = arith.constant 0 : i32
    %dma_start3A_21 = tpu.memref_slice %arg2[%dma_start3A_19, %dma_start3A_20] : memref<8192x128xf32, #tpu.memory_space<hbm>> -> memref<8192x128xf32, #tpu.memory_space<hbm>>
    tpu.enqueue_indirect_dma source(%dma_start3A_21 : memref<8192x128xf32, #tpu.memory_space<hbm>>) target(%arg12 : memref<128x128xf32, #tpu.memory_space<vmem>>) offsets(%arg8 : memref<128xi32, #tpu.memory_space<vmem>>) semaphore(%arg16 : memref<!tpu.dma_semaphore, #tpu.memory_space<semaphore_mem>>)
    %scan3A = arith.constant 0 : i32
    %scan3A_22 = arith.constant 0 : i32
    %scan3A_23 = arith.constant 8 : i32
    %scan3A_24 = arith.addi %scan3A_22, %scan3A_23 : i32
    %scan3A_25 = arith.constant 1 : i32
    scf.for %scan3A_52 = %scan3A_22 to %scan3A_24 step %scan3A_25  : i32 {
      %mul3A_53 = arith.constant 512 : i32
      %mul3A_54 = arith.muli %scan3A_52, %mul3A_53 : i32
      %add3A_55 = arith.addi %mul3A_2, %mul3A_54 : i32
      %dma_wait3A_56 = arith.constant 0 : i32
      %dma_wait3A_57 = arith.constant 0 : i32
      %dma_wait3A_58 = tpu.memref_slice %arg2[%dma_wait3A_56, %dma_wait3A_57] : memref<8192x128xf32, #tpu.memory_space<hbm>> -> memref<8192x128xf32, #tpu.memory_space<hbm>>
      tpu.wait_indirect_dma semaphore(%arg13 : memref<!tpu.dma_semaphore, #tpu.memory_space<semaphore_mem>>) src(%dma_wait3A_58 : memref<8192x128xf32, #tpu.memory_space<hbm>>) dst(%arg9 : memref<128x128xf32, #tpu.memory_space<vmem>>)
      %add3A_59 = arith.constant 0 : i32
      %add3A_60 = arith.addi %add3A_55, %add3A_59 : i32
      %dma_start3A_61 = arith.constant 0 : i32
      %dma_start3A_62 = tpu.memref_slice %arg4[%add3A_60, %dma_start3A_61] : memref<131072x128xf32, #tpu.memory_space<hbm>> -> memref<128x128xf32, #tpu.memory_space<hbm>>
      %dma_start3A_63 = arith.constant 0 : i32
      %dma_start3A_64 = tpu.memref_slice %arg4[%add3A_60, %dma_start3A_63] : memref<131072x128xf32, #tpu.memory_space<hbm>> -> memref<128x128xf32, #tpu.memory_space<hbm>>
      tpu.enqueue_dma source(%arg9 : memref<128x128xf32, #tpu.memory_space<vmem>>) target(%dma_start3A_64 : memref<128x128xf32, #tpu.memory_space<hbm>>) target_semaphore(%arg17 : memref<!tpu.dma_semaphore, #tpu.memory_space<semaphore_mem>>)
      %dma_wait3A_65 = arith.constant 0 : i32
      %dma_wait3A_66 = arith.constant 0 : i32
      %dma_wait3A_67 = tpu.memref_slice %arg2[%dma_wait3A_65, %dma_wait3A_66] : memref<8192x128xf32, #tpu.memory_space<hbm>> -> memref<8192x128xf32, #tpu.memory_space<hbm>>
      tpu.wait_indirect_dma semaphore(%arg14 : memref<!tpu.dma_semaphore, #tpu.memory_space<semaphore_mem>>) src(%dma_wait3A_67 : memref<8192x128xf32, #tpu.memory_space<hbm>>) dst(%arg10 : memref<128x128xf32, #tpu.memory_space<vmem>>)
      %add3A_68 = arith.constant 128 : i32
      %add3A_69 = arith.addi %add3A_55, %add3A_68 : i32
      %dma_start3A_70 = arith.constant 0 : i32
      %dma_start3A_71 = tpu.memref_slice %arg4[%add3A_69, %dma_start3A_70] : memref<131072x128xf32, #tpu.memory_space<hbm>> -> memref<128x128xf32, #tpu.memory_space<hbm>>
      %dma_start3A_72 = arith.constant 0 : i32
      %dma_start3A_73 = tpu.memref_slice %arg4[%add3A_69, %dma_start3A_72] : memref<131072x128xf32, #tpu.memory_space<hbm>> -> memref<128x128xf32, #tpu.memory_space<hbm>>
      tpu.enqueue_dma source(%arg10 : memref<128x128xf32, #tpu.memory_space<vmem>>) target(%dma_start3A_73 : memref<128x128xf32, #tpu.memory_space<hbm>>) target_semaphore(%arg18 : memref<!tpu.dma_semaphore, #tpu.memory_space<semaphore_mem>>)
      %dma_wait3A_74 = arith.constant 0 : i32
      %dma_wait3A_75 = arith.constant 0 : i32
      %dma_wait3A_76 = tpu.memref_slice %arg2[%dma_wait3A_74, %dma_wait3A_75] : memref<8192x128xf32, #tpu.memory_space<hbm>> -> memref<8192x128xf32, #tpu.memory_space<hbm>>
      tpu.wait_indirect_dma semaphore(%arg15 : memref<!tpu.dma_semaphore, #tpu.memory_space<semaphore_mem>>) src(%dma_wait3A_76 : memref<8192x128xf32, #tpu.memory_space<hbm>>) dst(%arg11 : memref<128x128xf32, #tpu.memory_space<vmem>>)
      %add3A_77 = arith.constant 256 : i32
      %add3A_78 = arith.addi %add3A_55, %add3A_77 : i32
      %dma_start3A_79 = arith.constant 0 : i32
      %dma_start3A_80 = tpu.memref_slice %arg4[%add3A_78, %dma_start3A_79] : memref<131072x128xf32, #tpu.memory_space<hbm>> -> memref<128x128xf32, #tpu.memory_space<hbm>>
      %dma_start3A_81 = arith.constant 0 : i32
      %dma_start3A_82 = tpu.memref_slice %arg4[%add3A_78, %dma_start3A_81] : memref<131072x128xf32, #tpu.memory_space<hbm>> -> memref<128x128xf32, #tpu.memory_space<hbm>>
      tpu.enqueue_dma source(%arg11 : memref<128x128xf32, #tpu.memory_space<vmem>>) target(%dma_start3A_82 : memref<128x128xf32, #tpu.memory_space<hbm>>) target_semaphore(%arg19 : memref<!tpu.dma_semaphore, #tpu.memory_space<semaphore_mem>>)
      %dma_wait3A_83 = arith.constant 0 : i32
      %dma_wait3A_84 = arith.constant 0 : i32
      %dma_wait3A_85 = tpu.memref_slice %arg2[%dma_wait3A_83, %dma_wait3A_84] : memref<8192x128xf32, #tpu.memory_space<hbm>> -> memref<8192x128xf32, #tpu.memory_space<hbm>>
      tpu.wait_indirect_dma semaphore(%arg16 : memref<!tpu.dma_semaphore, #tpu.memory_space<semaphore_mem>>) src(%dma_wait3A_85 : memref<8192x128xf32, #tpu.memory_space<hbm>>) dst(%arg12 : memref<128x128xf32, #tpu.memory_space<vmem>>)
      %add3A_86 = arith.constant 384 : i32
      %add3A_87 = arith.addi %add3A_55, %add3A_86 : i32
      %dma_start3A_88 = arith.constant 0 : i32
      %dma_start3A_89 = tpu.memref_slice %arg4[%add3A_87, %dma_start3A_88] : memref<131072x128xf32, #tpu.memory_space<hbm>> -> memref<128x128xf32, #tpu.memory_space<hbm>>
      %dma_start3A_90 = arith.constant 0 : i32
      %dma_start3A_91 = tpu.memref_slice %arg4[%add3A_87, %dma_start3A_90] : memref<131072x128xf32, #tpu.memory_space<hbm>> -> memref<128x128xf32, #tpu.memory_space<hbm>>
      tpu.enqueue_dma source(%arg12 : memref<128x128xf32, #tpu.memory_space<vmem>>) target(%dma_start3A_91 : memref<128x128xf32, #tpu.memory_space<hbm>>) target_semaphore(%arg20 : memref<!tpu.dma_semaphore, #tpu.memory_space<semaphore_mem>>)
      %lt3A = arith.constant 7 : i32
      %lt3A_92 = arith.cmpi slt, %scan3A_52, %lt3A : i32
      %convert_element_type3A = arith.extui %lt3A_92 : i1 to i32
      %cond3A = arith.constant 0 : i32
      %cond3A_93 = arith.cmpi ne, %convert_element_type3A, %cond3A : i32
      scf.if %cond3A_93 {
        %add3A_94 = arith.constant 512 : i32
        %add3A_95 = arith.addi %add3A_55, %add3A_94 : i32
        %add3A_96 = arith.constant 0 : i32
        %add3A_97 = arith.addi %add3A_95, %add3A_96 : i32
        "tpu.region"() ({
          %run_scoped3A = tpu.sem_alloc : memref<!tpu.dma_semaphore, #tpu.memory_space<semaphore_mem>>
          %dma_start3A_140 = tpu.memref_slice %arg3[%add3A_97] : memref<131072xi32, #tpu.memory_space<hbm>> -> memref<128xi32, #tpu.memory_space<hbm>>
          %dma_start3A_141 = tpu.memref_slice %arg3[%add3A_97] : memref<131072xi32, #tpu.memory_space<hbm>> -> memref<128xi32, #tpu.memory_space<hbm>>
          tpu.enqueue_dma source(%dma_start3A_141 : memref<128xi32, #tpu.memory_space<hbm>>) target(%arg5 : memref<128xi32, #tpu.memory_space<vmem>>) target_semaphore(%run_scoped3A : memref<!tpu.dma_semaphore, #tpu.memory_space<semaphore_mem>>)
          %dma_wait3A_142 = tpu.memref_slice %arg3[%add3A_97] : memref<131072xi32, #tpu.memory_space<hbm>> -> memref<128xi32, #tpu.memory_space<hbm>>
          %dma_wait3A_143 = tpu.memref_slice %arg3[%add3A_97] : memref<131072xi32, #tpu.memory_space<hbm>> -> memref<128xi32, #tpu.memory_space<hbm>>
          tpu.wait_dma2 semaphore(%run_scoped3A : memref<!tpu.dma_semaphore, #tpu.memory_space<semaphore_mem>>) src(%dma_wait3A_143 : memref<128xi32, #tpu.memory_space<hbm>>) dst(%arg5 : memref<128xi32, #tpu.memory_space<vmem>>)
          tpu.yield
        }) : () -> ()
        %add3A_98 = arith.constant 128 : i32
        %add3A_99 = arith.addi %add3A_95, %add3A_98 : i32
        "tpu.region"() ({
          %run_scoped3A = tpu.sem_alloc : memref<!tpu.dma_semaphore, #tpu.memory_space<semaphore_mem>>
          %dma_start3A_140 = tpu.memref_slice %arg3[%add3A_99] : memref<131072xi32, #tpu.memory_space<hbm>> -> memref<128xi32, #tpu.memory_space<hbm>>
          %dma_start3A_141 = tpu.memref_slice %arg3[%add3A_99] : memref<131072xi32, #tpu.memory_space<hbm>> -> memref<128xi32, #tpu.memory_space<hbm>>
          tpu.enqueue_dma source(%dma_start3A_141 : memref<128xi32, #tpu.memory_space<hbm>>) target(%arg6 : memref<128xi32, #tpu.memory_space<vmem>>) target_semaphore(%run_scoped3A : memref<!tpu.dma_semaphore, #tpu.memory_space<semaphore_mem>>)
          %dma_wait3A_142 = tpu.memref_slice %arg3[%add3A_99] : memref<131072xi32, #tpu.memory_space<hbm>> -> memref<128xi32, #tpu.memory_space<hbm>>
          %dma_wait3A_143 = tpu.memref_slice %arg3[%add3A_99] : memref<131072xi32, #tpu.memory_space<hbm>> -> memref<128xi32, #tpu.memory_space<hbm>>
          tpu.wait_dma2 semaphore(%run_scoped3A : memref<!tpu.dma_semaphore, #tpu.memory_space<semaphore_mem>>) src(%dma_wait3A_143 : memref<128xi32, #tpu.memory_space<hbm>>) dst(%arg6 : memref<128xi32, #tpu.memory_space<vmem>>)
          tpu.yield
        }) : () -> ()
        %add3A_100 = arith.constant 256 : i32
        %add3A_101 = arith.addi %add3A_95, %add3A_100 : i32
        "tpu.region"() ({
          %run_scoped3A = tpu.sem_alloc : memref<!tpu.dma_semaphore, #tpu.memory_space<semaphore_mem>>
          %dma_start3A_140 = tpu.memref_slice %arg3[%add3A_101] : memref<131072xi32, #tpu.memory_space<hbm>> -> memref<128xi32, #tpu.memory_space<hbm>>
          %dma_start3A_141 = tpu.memref_slice %arg3[%add3A_101] : memref<131072xi32, #tpu.memory_space<hbm>> -> memref<128xi32, #tpu.memory_space<hbm>>
          tpu.enqueue_dma source(%dma_start3A_141 : memref<128xi32, #tpu.memory_space<hbm>>) target(%arg7 : memref<128xi32, #tpu.memory_space<vmem>>) target_semaphore(%run_scoped3A : memref<!tpu.dma_semaphore, #tpu.memory_space<semaphore_mem>>)
          %dma_wait3A_142 = tpu.memref_slice %arg3[%add3A_101] : memref<131072xi32, #tpu.memory_space<hbm>> -> memref<128xi32, #tpu.memory_space<hbm>>
          %dma_wait3A_143 = tpu.memref_slice %arg3[%add3A_101] : memref<131072xi32, #tpu.memory_space<hbm>> -> memref<128xi32, #tpu.memory_space<hbm>>
          tpu.wait_dma2 semaphore(%run_scoped3A : memref<!tpu.dma_semaphore, #tpu.memory_space<semaphore_mem>>) src(%dma_wait3A_143 : memref<128xi32, #tpu.memory_space<hbm>>) dst(%arg7 : memref<128xi32, #tpu.memory_space<vmem>>)
          tpu.yield
        }) : () -> ()
        %add3A_102 = arith.constant 384 : i32
        %add3A_103 = arith.addi %add3A_95, %add3A_102 : i32
        "tpu.region"() ({
          %run_scoped3A = tpu.sem_alloc : memref<!tpu.dma_semaphore, #tpu.memory_space<semaphore_mem>>
          %dma_start3A_140 = tpu.memref_slice %arg3[%add3A_103] : memref<131072xi32, #tpu.memory_space<hbm>> -> memref<128xi32, #tpu.memory_space<hbm>>
          %dma_start3A_141 = tpu.memref_slice %arg3[%add3A_103] : memref<131072xi32, #tpu.memory_space<hbm>> -> memref<128xi32, #tpu.memory_space<hbm>>
          tpu.enqueue_dma source(%dma_start3A_141 : memref<128xi32, #tpu.memory_space<hbm>>) target(%arg8 : memref<128xi32, #tpu.memory_space<vmem>>) target_semaphore(%run_scoped3A : memref<!tpu.dma_semaphore, #tpu.memory_space<semaphore_mem>>)
          %dma_wait3A_142 = tpu.memref_slice %arg3[%add3A_103] : memref<131072xi32, #tpu.memory_space<hbm>> -> memref<128xi32, #tpu.memory_space<hbm>>
          %dma_wait3A_143 = tpu.memref_slice %arg3[%add3A_103] : memref<131072xi32, #tpu.memory_space<hbm>> -> memref<128xi32, #tpu.memory_space<hbm>>
          tpu.wait_dma2 semaphore(%run_scoped3A : memref<!tpu.dma_semaphore, #tpu.memory_space<semaphore_mem>>) src(%dma_wait3A_143 : memref<128xi32, #tpu.memory_space<hbm>>) dst(%arg8 : memref<128xi32, #tpu.memory_space<vmem>>)
          tpu.yield
        }) : () -> ()
        %add3A_104 = arith.constant 0 : i32
        %add3A_105 = arith.addi %add3A_55, %add3A_104 : i32
        %dma_wait3A_106 = arith.constant 0 : i32
        %dma_wait3A_107 = tpu.memref_slice %arg4[%add3A_105, %dma_wait3A_106] : memref<131072x128xf32, #tpu.memory_space<hbm>> -> memref<128x128xf32, #tpu.memory_space<hbm>>
        %dma_wait3A_108 = arith.constant 0 : i32
        %dma_wait3A_109 = tpu.memref_slice %arg4[%add3A_105, %dma_wait3A_108] : memref<131072x128xf32, #tpu.memory_space<hbm>> -> memref<128x128xf32, #tpu.memory_space<hbm>>
        tpu.wait_dma2 semaphore(%arg17 : memref<!tpu.dma_semaphore, #tpu.memory_space<semaphore_mem>>) src(%arg9 : memref<128x128xf32, #tpu.memory_space<vmem>>) dst(%dma_wait3A_109 : memref<128x128xf32, #tpu.memory_space<hbm>>)
        %dma_start3A_110 = arith.constant 0 : i32
        %dma_start3A_111 = arith.constant 0 : i32
        %dma_start3A_112 = tpu.memref_slice %arg2[%dma_start3A_110, %dma_start3A_111] : memref<8192x128xf32, #tpu.memory_space<hbm>> -> memref<8192x128xf32, #tpu.memory_space<hbm>>
        tpu.enqueue_indirect_dma source(%dma_start3A_112 : memref<8192x128xf32, #tpu.memory_space<hbm>>) target(%arg9 : memref<128x128xf32, #tpu.memory_space<vmem>>) offsets(%arg5 : memref<128xi32, #tpu.memory_space<vmem>>) semaphore(%arg13 : memref<!tpu.dma_semaphore, #tpu.memory_space<semaphore_mem>>)
        %add3A_113 = arith.constant 128 : i32
        %add3A_114 = arith.addi %add3A_55, %add3A_113 : i32
        %dma_wait3A_115 = arith.constant 0 : i32
        %dma_wait3A_116 = tpu.memref_slice %arg4[%add3A_114, %dma_wait3A_115] : memref<131072x128xf32, #tpu.memory_space<hbm>> -> memref<128x128xf32, #tpu.memory_space<hbm>>
        %dma_wait3A_117 = arith.constant 0 : i32
        %dma_wait3A_118 = tpu.memref_slice %arg4[%add3A_114, %dma_wait3A_117] : memref<131072x128xf32, #tpu.memory_space<hbm>> -> memref<128x128xf32, #tpu.memory_space<hbm>>
        tpu.wait_dma2 semaphore(%arg18 : memref<!tpu.dma_semaphore, #tpu.memory_space<semaphore_mem>>) src(%arg10 : memref<128x128xf32, #tpu.memory_space<vmem>>) dst(%dma_wait3A_118 : memref<128x128xf32, #tpu.memory_space<hbm>>)
        %dma_start3A_119 = arith.constant 0 : i32
        %dma_start3A_120 = arith.constant 0 : i32
        %dma_start3A_121 = tpu.memref_slice %arg2[%dma_start3A_119, %dma_start3A_120] : memref<8192x128xf32, #tpu.memory_space<hbm>> -> memref<8192x128xf32, #tpu.memory_space<hbm>>
        tpu.enqueue_indirect_dma source(%dma_start3A_121 : memref<8192x128xf32, #tpu.memory_space<hbm>>) target(%arg10 : memref<128x128xf32, #tpu.memory_space<vmem>>) offsets(%arg6 : memref<128xi32, #tpu.memory_space<vmem>>) semaphore(%arg14 : memref<!tpu.dma_semaphore, #tpu.memory_space<semaphore_mem>>)
        %add3A_122 = arith.constant 256 : i32
        %add3A_123 = arith.addi %add3A_55, %add3A_122 : i32
        %dma_wait3A_124 = arith.constant 0 : i32
        %dma_wait3A_125 = tpu.memref_slice %arg4[%add3A_123, %dma_wait3A_124] : memref<131072x128xf32, #tpu.memory_space<hbm>> -> memref<128x128xf32, #tpu.memory_space<hbm>>
        %dma_wait3A_126 = arith.constant 0 : i32
        %dma_wait3A_127 = tpu.memref_slice %arg4[%add3A_123, %dma_wait3A_126] : memref<131072x128xf32, #tpu.memory_space<hbm>> -> memref<128x128xf32, #tpu.memory_space<hbm>>
        tpu.wait_dma2 semaphore(%arg19 : memref<!tpu.dma_semaphore, #tpu.memory_space<semaphore_mem>>) src(%arg11 : memref<128x128xf32, #tpu.memory_space<vmem>>) dst(%dma_wait3A_127 : memref<128x128xf32, #tpu.memory_space<hbm>>)
        %dma_start3A_128 = arith.constant 0 : i32
        %dma_start3A_129 = arith.constant 0 : i32
        %dma_start3A_130 = tpu.memref_slice %arg2[%dma_start3A_128, %dma_start3A_129] : memref<8192x128xf32, #tpu.memory_space<hbm>> -> memref<8192x128xf32, #tpu.memory_space<hbm>>
        tpu.enqueue_indirect_dma source(%dma_start3A_130 : memref<8192x128xf32, #tpu.memory_space<hbm>>) target(%arg11 : memref<128x128xf32, #tpu.memory_space<vmem>>) offsets(%arg7 : memref<128xi32, #tpu.memory_space<vmem>>) semaphore(%arg15 : memref<!tpu.dma_semaphore, #tpu.memory_space<semaphore_mem>>)
        %add3A_131 = arith.constant 384 : i32
        %add3A_132 = arith.addi %add3A_55, %add3A_131 : i32
        %dma_wait3A_133 = arith.constant 0 : i32
        %dma_wait3A_134 = tpu.memref_slice %arg4[%add3A_132, %dma_wait3A_133] : memref<131072x128xf32, #tpu.memory_space<hbm>> -> memref<128x128xf32, #tpu.memory_space<hbm>>
        %dma_wait3A_135 = arith.constant 0 : i32
        %dma_wait3A_136 = tpu.memref_slice %arg4[%add3A_132, %dma_wait3A_135] : memref<131072x128xf32, #tpu.memory_space<hbm>> -> memref<128x128xf32, #tpu.memory_space<hbm>>
        tpu.wait_dma2 semaphore(%arg20 : memref<!tpu.dma_semaphore, #tpu.memory_space<semaphore_mem>>) src(%arg12 : memref<128x128xf32, #tpu.memory_space<vmem>>) dst(%dma_wait3A_136 : memref<128x128xf32, #tpu.memory_space<hbm>>)
        %dma_start3A_137 = arith.constant 0 : i32
        %dma_start3A_138 = arith.constant 0 : i32
        %dma_start3A_139 = tpu.memref_slice %arg2[%dma_start3A_137, %dma_start3A_138] : memref<8192x128xf32, #tpu.memory_space<hbm>> -> memref<8192x128xf32, #tpu.memory_space<hbm>>
        tpu.enqueue_indirect_dma source(%dma_start3A_139 : memref<8192x128xf32, #tpu.memory_space<hbm>>) target(%arg12 : memref<128x128xf32, #tpu.memory_space<vmem>>) offsets(%arg8 : memref<128xi32, #tpu.memory_space<vmem>>) semaphore(%arg16 : memref<!tpu.dma_semaphore, #tpu.memory_space<semaphore_mem>>)
      } else {
      }
    }
    %scan3A_26 = arith.constant 8 : i32
    %add3A_27 = arith.constant 3584 : i32
    %add3A_28 = arith.addi %mul3A_2, %add3A_27 : i32
    %add3A_29 = arith.constant 0 : i32
    %add3A_30 = arith.addi %add3A_28, %add3A_29 : i32
    %dma_wait3A = arith.constant 0 : i32
    %dma_wait3A_31 = tpu.memref_slice %arg4[%add3A_30, %dma_wait3A] : memref<131072x128xf32, #tpu.memory_space<hbm>> -> memref<128x128xf32, #tpu.memory_space<hbm>>
    %dma_wait3A_32 = arith.constant 0 : i32
    %dma_wait3A_33 = tpu.memref_slice %arg4[%add3A_30, %dma_wait3A_32] : memref<131072x128xf32, #tpu.memory_space<hbm>> -> memref<128x128xf32, #tpu.memory_space<hbm>>
    tpu.wait_dma2 semaphore(%arg17 : memref<!tpu.dma_semaphore, #tpu.memory_space<semaphore_mem>>) src(%arg9 : memref<128x128xf32, #tpu.memory_space<vmem>>) dst(%dma_wait3A_33 : memref<128x128xf32, #tpu.memory_space<hbm>>)
    %add3A_34 = arith.constant 128 : i32
    %add3A_35 = arith.addi %add3A_28, %add3A_34 : i32
    %dma_wait3A_36 = arith.constant 0 : i32
    %dma_wait3A_37 = tpu.memref_slice %arg4[%add3A_35, %dma_wait3A_36] : memref<131072x128xf32, #tpu.memory_space<hbm>> -> memref<128x128xf32, #tpu.memory_space<hbm>>
    %dma_wait3A_38 = arith.constant 0 : i32
    %dma_wait3A_39 = tpu.memref_slice %arg4[%add3A_35, %dma_wait3A_38] : memref<131072x128xf32, #tpu.memory_space<hbm>> -> memref<128x128xf32, #tpu.memory_space<hbm>>
    tpu.wait_dma2 semaphore(%arg18 : memref<!tpu.dma_semaphore, #tpu.memory_space<semaphore_mem>>) src(%arg10 : memref<128x128xf32, #tpu.memory_space<vmem>>) dst(%dma_wait3A_39 : memref<128x128xf32, #tpu.memory_space<hbm>>)
    %add3A_40 = arith.constant 256 : i32
    %add3A_41 = arith.addi %add3A_28, %add3A_40 : i32
    %dma_wait3A_42 = arith.constant 0 : i32
    %dma_wait3A_43 = tpu.memref_slice %arg4[%add3A_41, %dma_wait3A_42] : memref<131072x128xf32, #tpu.memory_space<hbm>> -> memref<128x128xf32, #tpu.memory_space<hbm>>
    %dma_wait3A_44 = arith.constant 0 : i32
    %dma_wait3A_45 = tpu.memref_slice %arg4[%add3A_41, %dma_wait3A_44] : memref<131072x128xf32, #tpu.memory_space<hbm>> -> memref<128x128xf32, #tpu.memory_space<hbm>>
    tpu.wait_dma2 semaphore(%arg19 : memref<!tpu.dma_semaphore, #tpu.memory_space<semaphore_mem>>) src(%arg11 : memref<128x128xf32, #tpu.memory_space<vmem>>) dst(%dma_wait3A_45 : memref<128x128xf32, #tpu.memory_space<hbm>>)
    %add3A_46 = arith.constant 384 : i32
    %add3A_47 = arith.addi %add3A_28, %add3A_46 : i32
    %dma_wait3A_48 = arith.constant 0 : i32
    %dma_wait3A_49 = tpu.memref_slice %arg4[%add3A_47, %dma_wait3A_48] : memref<131072x128xf32, #tpu.memory_space<hbm>> -> memref<128x128xf32, #tpu.memory_space<hbm>>
    %dma_wait3A_50 = arith.constant 0 : i32
    %dma_wait3A_51 = tpu.memref_slice %arg4[%add3A_47, %dma_wait3A_50] : memref<131072x128xf32, #tpu.memory_space<hbm>> -> memref<128x128xf32, #tpu.memory_space<hbm>>
    tpu.wait_dma2 semaphore(%arg20 : memref<!tpu.dma_semaphore, #tpu.memory_space<semaphore_mem>>) src(%arg12 : memref<128x128xf32, #tpu.memory_space<vmem>>) dst(%dma_wait3A_51 : memref<128x128xf32, #tpu.memory_space<hbm>>)
    return
  }
}

module attributes {stable_mosaic.version = 14 : i64} {
  func.func @_knn_body(%arg0: i32, %arg1: i32, %arg2: memref<1x256x8xf32, #tpu.memory_space<vmem>>, %arg3: memref<1x8x4096xf32, #tpu.memory_space<vmem>>, %arg4: memref<1x256x16xi32, #tpu.memory_space<vmem>>) attributes {dimension_semantics = [#tpu.dimension_semantics<arbitrary>, #tpu.dimension_semantics<arbitrary>], iteration_bounds = array<i64: 2, 16>, scalar_prefetch = 0 : i64, scratch_operands = 0 : i64, tpu.core_type = #tpu.core_type<tc>, window_params = [{transform_indices = @transform_0, window_bounds = array<i64: 1, 256, 8>}, {transform_indices = @transform_1, window_bounds = array<i64: 1, 8, 4096>}, {transform_indices = @transform_2, window_bounds = array<i64: 1, 256, 16>}]} {
    %get3A = arith.constant 0 : index
    %get3A_0 = arith.constant 0 : index
    %get3A_1 = arith.constant 0 : index
    %get3A_2 = vector.load %arg2[%get3A, %get3A_0, %get3A_1] : memref<1x256x8xf32, #tpu.memory_space<vmem>>, vector<1x256x8xf32>
    %get3A_3 = vector.shape_cast %get3A_2 : vector<1x256x8xf32> to vector<256x8xf32>
    %get3A_4 = arith.constant 0 : index
    %get3A_5 = arith.constant 0 : index
    %get3A_6 = arith.constant 0 : index
    %get3A_7 = vector.load %arg3[%get3A_4, %get3A_5, %get3A_6] : memref<1x8x4096xf32, #tpu.memory_space<vmem>>, vector<1x8x4096xf32>
    %get3A_8 = vector.shape_cast %get3A_7 : vector<1x8x4096xf32> to vector<8x4096xf32>
    %mul3A = arith.mulf %get3A_3, %get3A_3 : vector<256x8xf32>
    %reduce_sum3A = arith.constant dense<0.000000e+00> : vector<256xf32>
    %reduce_sum3A_9 = vector.multi_reduction <add>, %mul3A, %reduce_sum3A [1] : vector<256x8xf32> to vector<256xf32>
    %broadcast_in_dim3A = vector.shape_cast %reduce_sum3A_9 : vector<256xf32> to vector<256x1xf32>
    %mul3A_10 = arith.mulf %get3A_8, %get3A_8 : vector<8x4096xf32>
    %reduce_sum3A_11 = arith.constant dense<0.000000e+00> : vector<4096xf32>
    %reduce_sum3A_12 = vector.multi_reduction <add>, %mul3A_10, %reduce_sum3A_11 [0] : vector<8x4096xf32> to vector<4096xf32>
    %broadcast_in_dim3A_13 = vector.shape_cast %reduce_sum3A_12 : vector<4096xf32> to vector<1x4096xf32>
    %dot_general3A = arith.constant dense<0.000000e+00> : vector<256x4096xf32>
    %dot_general3A_14 = tpu.matmul %get3A_3, %get3A_8, %dot_general3A {dimension_numbers = #tpu.dot_dimension_numbers<[1], [0], [0], [1], [0, 0, 1, 1], [], []>, transpose_lhs_hint = false} : vector<256x8xf32>, vector<8x4096xf32>, vector<256x4096xf32> -> vector<256x4096xf32>
    %add3A = vector.broadcast %broadcast_in_dim3A : vector<256x1xf32> to vector<256x4096xf32>
    %add3A_15 = vector.broadcast %broadcast_in_dim3A_13 : vector<1x4096xf32> to vector<256x4096xf32>
    %add3A_16 = arith.addf %add3A, %add3A_15 : vector<256x4096xf32>
    %mul3A_17 = arith.constant 2.000000e+00 : f32
    %mul3A_18 = vector.broadcast %mul3A_17 : f32 to vector<256x4096xf32>
    %mul3A_19 = arith.mulf %mul3A_18, %dot_general3A_14 : vector<256x4096xf32>
    %sub3A = arith.subf %add3A_16, %mul3A_19 : vector<256x4096xf32>
    %iota3A = tpu.iota {dimensions = array<i32: 1>} : vector<256x4096xi32>
    %reduce_min3A = arith.constant dense<0x7F800000> : vector<256xf32>
    %reduce_min3A_20 = vector.multi_reduction <minimumf>, %sub3A, %reduce_min3A [1] : vector<256x4096xf32> to vector<256xf32>
    %broadcast_in_dim3A_21 = vector.shape_cast %reduce_min3A_20 : vector<256xf32> to vector<256x1xf32>
    %eq3A = vector.broadcast %broadcast_in_dim3A_21 : vector<256x1xf32> to vector<256x4096xf32>
    %eq3A_22 = arith.cmpf oeq, %sub3A, %eq3A : vector<256x4096xf32>
    %jit3A = arith.constant 0x7F800000 : f32
    %broadcast_in_dim3A_23 = vector.broadcast %jit3A : f32 to vector<256x4096xf32>
    %select_n3A = arith.select %eq3A_22, %broadcast_in_dim3A_23, %sub3A : vector<256x4096xi1>, vector<256x4096xf32>
    %reduce_min3A_24 = arith.constant dense<0x7F800000> : vector<256xf32>
    %reduce_min3A_25 = vector.multi_reduction <minimumf>, %select_n3A, %reduce_min3A_24 [1] : vector<256x4096xf32> to vector<256xf32>
    %broadcast_in_dim3A_26 = vector.shape_cast %reduce_min3A_25 : vector<256xf32> to vector<256x1xf32>
    %eq3A_27 = vector.broadcast %broadcast_in_dim3A_26 : vector<256x1xf32> to vector<256x4096xf32>
    %eq3A_28 = arith.cmpf oeq, %select_n3A, %eq3A_27 : vector<256x4096xf32>
    %jit3A_29 = arith.constant 4096 : i32
    %broadcast_in_dim3A_30 = vector.broadcast %jit3A_29 : i32 to vector<256x4096xi32>
    %select_n3A_31 = arith.select %eq3A_28, %iota3A, %broadcast_in_dim3A_30 : vector<256x4096xi1>, vector<256x4096xi32>
    %reduce_min3A_32 = arith.constant dense<2147483647> : vector<256xi32>
    %reduce_min3A_33 = vector.multi_reduction <minsi>, %select_n3A_31, %reduce_min3A_32 [1] : vector<256x4096xi32> to vector<256xi32>
    %broadcast_in_dim3A_34 = vector.shape_cast %reduce_min3A_33 : vector<256xi32> to vector<256x1xi32>
    %jit3A_35 = arith.constant 0x7F800000 : f32
    %broadcast_in_dim3A_36 = vector.broadcast %jit3A_35 : f32 to vector<256x4096xf32>
    %select_n3A_37 = arith.select %eq3A_28, %broadcast_in_dim3A_36, %select_n3A : vector<256x4096xi1>, vector<256x4096xf32>
    %reduce_min3A_38 = arith.constant dense<0x7F800000> : vector<256xf32>
    %reduce_min3A_39 = vector.multi_reduction <minimumf>, %select_n3A_37, %reduce_min3A_38 [1] : vector<256x4096xf32> to vector<256xf32>
    %broadcast_in_dim3A_40 = vector.shape_cast %reduce_min3A_39 : vector<256xf32> to vector<256x1xf32>
    %eq3A_41 = vector.broadcast %broadcast_in_dim3A_40 : vector<256x1xf32> to vector<256x4096xf32>
    %eq3A_42 = arith.cmpf oeq, %select_n3A_37, %eq3A_41 : vector<256x4096xf32>
    %jit3A_43 = arith.constant 4096 : i32
    %broadcast_in_dim3A_44 = vector.broadcast %jit3A_43 : i32 to vector<256x4096xi32>
    %select_n3A_45 = arith.select %eq3A_42, %iota3A, %broadcast_in_dim3A_44 : vector<256x4096xi1>, vector<256x4096xi32>
    %reduce_min3A_46 = arith.constant dense<2147483647> : vector<256xi32>
    %reduce_min3A_47 = vector.multi_reduction <minsi>, %select_n3A_45, %reduce_min3A_46 [1] : vector<256x4096xi32> to vector<256xi32>
    %broadcast_in_dim3A_48 = vector.shape_cast %reduce_min3A_47 : vector<256xi32> to vector<256x1xi32>
    %jit3A_49 = arith.constant 0x7F800000 : f32
    %broadcast_in_dim3A_50 = vector.broadcast %jit3A_49 : f32 to vector<256x4096xf32>
    %select_n3A_51 = arith.select %eq3A_42, %broadcast_in_dim3A_50, %select_n3A_37 : vector<256x4096xi1>, vector<256x4096xf32>
    %reduce_min3A_52 = arith.constant dense<0x7F800000> : vector<256xf32>
    %reduce_min3A_53 = vector.multi_reduction <minimumf>, %select_n3A_51, %reduce_min3A_52 [1] : vector<256x4096xf32> to vector<256xf32>
    %broadcast_in_dim3A_54 = vector.shape_cast %reduce_min3A_53 : vector<256xf32> to vector<256x1xf32>
    %eq3A_55 = vector.broadcast %broadcast_in_dim3A_54 : vector<256x1xf32> to vector<256x4096xf32>
    %eq3A_56 = arith.cmpf oeq, %select_n3A_51, %eq3A_55 : vector<256x4096xf32>
    %jit3A_57 = arith.constant 4096 : i32
    %broadcast_in_dim3A_58 = vector.broadcast %jit3A_57 : i32 to vector<256x4096xi32>
    %select_n3A_59 = arith.select %eq3A_56, %iota3A, %broadcast_in_dim3A_58 : vector<256x4096xi1>, vector<256x4096xi32>
    %reduce_min3A_60 = arith.constant dense<2147483647> : vector<256xi32>
    %reduce_min3A_61 = vector.multi_reduction <minsi>, %select_n3A_59, %reduce_min3A_60 [1] : vector<256x4096xi32> to vector<256xi32>
    %broadcast_in_dim3A_62 = vector.shape_cast %reduce_min3A_61 : vector<256xi32> to vector<256x1xi32>
    %jit3A_63 = arith.constant 0x7F800000 : f32
    %broadcast_in_dim3A_64 = vector.broadcast %jit3A_63 : f32 to vector<256x4096xf32>
    %select_n3A_65 = arith.select %eq3A_56, %broadcast_in_dim3A_64, %select_n3A_51 : vector<256x4096xi1>, vector<256x4096xf32>
    %reduce_min3A_66 = arith.constant dense<0x7F800000> : vector<256xf32>
    %reduce_min3A_67 = vector.multi_reduction <minimumf>, %select_n3A_65, %reduce_min3A_66 [1] : vector<256x4096xf32> to vector<256xf32>
    %broadcast_in_dim3A_68 = vector.shape_cast %reduce_min3A_67 : vector<256xf32> to vector<256x1xf32>
    %eq3A_69 = vector.broadcast %broadcast_in_dim3A_68 : vector<256x1xf32> to vector<256x4096xf32>
    %eq3A_70 = arith.cmpf oeq, %select_n3A_65, %eq3A_69 : vector<256x4096xf32>
    %jit3A_71 = arith.constant 4096 : i32
    %broadcast_in_dim3A_72 = vector.broadcast %jit3A_71 : i32 to vector<256x4096xi32>
    %select_n3A_73 = arith.select %eq3A_70, %iota3A, %broadcast_in_dim3A_72 : vector<256x4096xi1>, vector<256x4096xi32>
    %reduce_min3A_74 = arith.constant dense<2147483647> : vector<256xi32>
    %reduce_min3A_75 = vector.multi_reduction <minsi>, %select_n3A_73, %reduce_min3A_74 [1] : vector<256x4096xi32> to vector<256xi32>
    %broadcast_in_dim3A_76 = vector.shape_cast %reduce_min3A_75 : vector<256xi32> to vector<256x1xi32>
    %jit3A_77 = arith.constant 0x7F800000 : f32
    %broadcast_in_dim3A_78 = vector.broadcast %jit3A_77 : f32 to vector<256x4096xf32>
    %select_n3A_79 = arith.select %eq3A_70, %broadcast_in_dim3A_78, %select_n3A_65 : vector<256x4096xi1>, vector<256x4096xf32>
    %reduce_min3A_80 = arith.constant dense<0x7F800000> : vector<256xf32>
    %reduce_min3A_81 = vector.multi_reduction <minimumf>, %select_n3A_79, %reduce_min3A_80 [1] : vector<256x4096xf32> to vector<256xf32>
    %broadcast_in_dim3A_82 = vector.shape_cast %reduce_min3A_81 : vector<256xf32> to vector<256x1xf32>
    %eq3A_83 = vector.broadcast %broadcast_in_dim3A_82 : vector<256x1xf32> to vector<256x4096xf32>
    %eq3A_84 = arith.cmpf oeq, %select_n3A_79, %eq3A_83 : vector<256x4096xf32>
    %jit3A_85 = arith.constant 4096 : i32
    %broadcast_in_dim3A_86 = vector.broadcast %jit3A_85 : i32 to vector<256x4096xi32>
    %select_n3A_87 = arith.select %eq3A_84, %iota3A, %broadcast_in_dim3A_86 : vector<256x4096xi1>, vector<256x4096xi32>
    %reduce_min3A_88 = arith.constant dense<2147483647> : vector<256xi32>
    %reduce_min3A_89 = vector.multi_reduction <minsi>, %select_n3A_87, %reduce_min3A_88 [1] : vector<256x4096xi32> to vector<256xi32>
    %broadcast_in_dim3A_90 = vector.shape_cast %reduce_min3A_89 : vector<256xi32> to vector<256x1xi32>
    %jit3A_91 = arith.constant 0x7F800000 : f32
    %broadcast_in_dim3A_92 = vector.broadcast %jit3A_91 : f32 to vector<256x4096xf32>
    %select_n3A_93 = arith.select %eq3A_84, %broadcast_in_dim3A_92, %select_n3A_79 : vector<256x4096xi1>, vector<256x4096xf32>
    %reduce_min3A_94 = arith.constant dense<0x7F800000> : vector<256xf32>
    %reduce_min3A_95 = vector.multi_reduction <minimumf>, %select_n3A_93, %reduce_min3A_94 [1] : vector<256x4096xf32> to vector<256xf32>
    %broadcast_in_dim3A_96 = vector.shape_cast %reduce_min3A_95 : vector<256xf32> to vector<256x1xf32>
    %eq3A_97 = vector.broadcast %broadcast_in_dim3A_96 : vector<256x1xf32> to vector<256x4096xf32>
    %eq3A_98 = arith.cmpf oeq, %select_n3A_93, %eq3A_97 : vector<256x4096xf32>
    %jit3A_99 = arith.constant 4096 : i32
    %broadcast_in_dim3A_100 = vector.broadcast %jit3A_99 : i32 to vector<256x4096xi32>
    %select_n3A_101 = arith.select %eq3A_98, %iota3A, %broadcast_in_dim3A_100 : vector<256x4096xi1>, vector<256x4096xi32>
    %reduce_min3A_102 = arith.constant dense<2147483647> : vector<256xi32>
    %reduce_min3A_103 = vector.multi_reduction <minsi>, %select_n3A_101, %reduce_min3A_102 [1] : vector<256x4096xi32> to vector<256xi32>
    %broadcast_in_dim3A_104 = vector.shape_cast %reduce_min3A_103 : vector<256xi32> to vector<256x1xi32>
    %jit3A_105 = arith.constant 0x7F800000 : f32
    %broadcast_in_dim3A_106 = vector.broadcast %jit3A_105 : f32 to vector<256x4096xf32>
    %select_n3A_107 = arith.select %eq3A_98, %broadcast_in_dim3A_106, %select_n3A_93 : vector<256x4096xi1>, vector<256x4096xf32>
    %reduce_min3A_108 = arith.constant dense<0x7F800000> : vector<256xf32>
    %reduce_min3A_109 = vector.multi_reduction <minimumf>, %select_n3A_107, %reduce_min3A_108 [1] : vector<256x4096xf32> to vector<256xf32>
    %broadcast_in_dim3A_110 = vector.shape_cast %reduce_min3A_109 : vector<256xf32> to vector<256x1xf32>
    %eq3A_111 = vector.broadcast %broadcast_in_dim3A_110 : vector<256x1xf32> to vector<256x4096xf32>
    %eq3A_112 = arith.cmpf oeq, %select_n3A_107, %eq3A_111 : vector<256x4096xf32>
    %jit3A_113 = arith.constant 4096 : i32
    %broadcast_in_dim3A_114 = vector.broadcast %jit3A_113 : i32 to vector<256x4096xi32>
    %select_n3A_115 = arith.select %eq3A_112, %iota3A, %broadcast_in_dim3A_114 : vector<256x4096xi1>, vector<256x4096xi32>
    %reduce_min3A_116 = arith.constant dense<2147483647> : vector<256xi32>
    %reduce_min3A_117 = vector.multi_reduction <minsi>, %select_n3A_115, %reduce_min3A_116 [1] : vector<256x4096xi32> to vector<256xi32>
    %broadcast_in_dim3A_118 = vector.shape_cast %reduce_min3A_117 : vector<256xi32> to vector<256x1xi32>
    %jit3A_119 = arith.constant 0x7F800000 : f32
    %broadcast_in_dim3A_120 = vector.broadcast %jit3A_119 : f32 to vector<256x4096xf32>
    %select_n3A_121 = arith.select %eq3A_112, %broadcast_in_dim3A_120, %select_n3A_107 : vector<256x4096xi1>, vector<256x4096xf32>
    %reduce_min3A_122 = arith.constant dense<0x7F800000> : vector<256xf32>
    %reduce_min3A_123 = vector.multi_reduction <minimumf>, %select_n3A_121, %reduce_min3A_122 [1] : vector<256x4096xf32> to vector<256xf32>
    %broadcast_in_dim3A_124 = vector.shape_cast %reduce_min3A_123 : vector<256xf32> to vector<256x1xf32>
    %eq3A_125 = vector.broadcast %broadcast_in_dim3A_124 : vector<256x1xf32> to vector<256x4096xf32>
    %eq3A_126 = arith.cmpf oeq, %select_n3A_121, %eq3A_125 : vector<256x4096xf32>
    %jit3A_127 = arith.constant 4096 : i32
    %broadcast_in_dim3A_128 = vector.broadcast %jit3A_127 : i32 to vector<256x4096xi32>
    %select_n3A_129 = arith.select %eq3A_126, %iota3A, %broadcast_in_dim3A_128 : vector<256x4096xi1>, vector<256x4096xi32>
    %reduce_min3A_130 = arith.constant dense<2147483647> : vector<256xi32>
    %reduce_min3A_131 = vector.multi_reduction <minsi>, %select_n3A_129, %reduce_min3A_130 [1] : vector<256x4096xi32> to vector<256xi32>
    %broadcast_in_dim3A_132 = vector.shape_cast %reduce_min3A_131 : vector<256xi32> to vector<256x1xi32>
    %jit3A_133 = arith.constant 0x7F800000 : f32
    %broadcast_in_dim3A_134 = vector.broadcast %jit3A_133 : f32 to vector<256x4096xf32>
    %select_n3A_135 = arith.select %eq3A_126, %broadcast_in_dim3A_134, %select_n3A_121 : vector<256x4096xi1>, vector<256x4096xf32>
    %reduce_min3A_136 = arith.constant dense<0x7F800000> : vector<256xf32>
    %reduce_min3A_137 = vector.multi_reduction <minimumf>, %select_n3A_135, %reduce_min3A_136 [1] : vector<256x4096xf32> to vector<256xf32>
    %broadcast_in_dim3A_138 = vector.shape_cast %reduce_min3A_137 : vector<256xf32> to vector<256x1xf32>
    %eq3A_139 = vector.broadcast %broadcast_in_dim3A_138 : vector<256x1xf32> to vector<256x4096xf32>
    %eq3A_140 = arith.cmpf oeq, %select_n3A_135, %eq3A_139 : vector<256x4096xf32>
    %jit3A_141 = arith.constant 4096 : i32
    %broadcast_in_dim3A_142 = vector.broadcast %jit3A_141 : i32 to vector<256x4096xi32>
    %select_n3A_143 = arith.select %eq3A_140, %iota3A, %broadcast_in_dim3A_142 : vector<256x4096xi1>, vector<256x4096xi32>
    %reduce_min3A_144 = arith.constant dense<2147483647> : vector<256xi32>
    %reduce_min3A_145 = vector.multi_reduction <minsi>, %select_n3A_143, %reduce_min3A_144 [1] : vector<256x4096xi32> to vector<256xi32>
    %broadcast_in_dim3A_146 = vector.shape_cast %reduce_min3A_145 : vector<256xi32> to vector<256x1xi32>
    %jit3A_147 = arith.constant 0x7F800000 : f32
    %broadcast_in_dim3A_148 = vector.broadcast %jit3A_147 : f32 to vector<256x4096xf32>
    %select_n3A_149 = arith.select %eq3A_140, %broadcast_in_dim3A_148, %select_n3A_135 : vector<256x4096xi1>, vector<256x4096xf32>
    %reduce_min3A_150 = arith.constant dense<0x7F800000> : vector<256xf32>
    %reduce_min3A_151 = vector.multi_reduction <minimumf>, %select_n3A_149, %reduce_min3A_150 [1] : vector<256x4096xf32> to vector<256xf32>
    %broadcast_in_dim3A_152 = vector.shape_cast %reduce_min3A_151 : vector<256xf32> to vector<256x1xf32>
    %eq3A_153 = vector.broadcast %broadcast_in_dim3A_152 : vector<256x1xf32> to vector<256x4096xf32>
    %eq3A_154 = arith.cmpf oeq, %select_n3A_149, %eq3A_153 : vector<256x4096xf32>
    %jit3A_155 = arith.constant 4096 : i32
    %broadcast_in_dim3A_156 = vector.broadcast %jit3A_155 : i32 to vector<256x4096xi32>
    %select_n3A_157 = arith.select %eq3A_154, %iota3A, %broadcast_in_dim3A_156 : vector<256x4096xi1>, vector<256x4096xi32>
    %reduce_min3A_158 = arith.constant dense<2147483647> : vector<256xi32>
    %reduce_min3A_159 = vector.multi_reduction <minsi>, %select_n3A_157, %reduce_min3A_158 [1] : vector<256x4096xi32> to vector<256xi32>
    %broadcast_in_dim3A_160 = vector.shape_cast %reduce_min3A_159 : vector<256xi32> to vector<256x1xi32>
    %jit3A_161 = arith.constant 0x7F800000 : f32
    %broadcast_in_dim3A_162 = vector.broadcast %jit3A_161 : f32 to vector<256x4096xf32>
    %select_n3A_163 = arith.select %eq3A_154, %broadcast_in_dim3A_162, %select_n3A_149 : vector<256x4096xi1>, vector<256x4096xf32>
    %reduce_min3A_164 = arith.constant dense<0x7F800000> : vector<256xf32>
    %reduce_min3A_165 = vector.multi_reduction <minimumf>, %select_n3A_163, %reduce_min3A_164 [1] : vector<256x4096xf32> to vector<256xf32>
    %broadcast_in_dim3A_166 = vector.shape_cast %reduce_min3A_165 : vector<256xf32> to vector<256x1xf32>
    %eq3A_167 = vector.broadcast %broadcast_in_dim3A_166 : vector<256x1xf32> to vector<256x4096xf32>
    %eq3A_168 = arith.cmpf oeq, %select_n3A_163, %eq3A_167 : vector<256x4096xf32>
    %jit3A_169 = arith.constant 4096 : i32
    %broadcast_in_dim3A_170 = vector.broadcast %jit3A_169 : i32 to vector<256x4096xi32>
    %select_n3A_171 = arith.select %eq3A_168, %iota3A, %broadcast_in_dim3A_170 : vector<256x4096xi1>, vector<256x4096xi32>
    %reduce_min3A_172 = arith.constant dense<2147483647> : vector<256xi32>
    %reduce_min3A_173 = vector.multi_reduction <minsi>, %select_n3A_171, %reduce_min3A_172 [1] : vector<256x4096xi32> to vector<256xi32>
    %broadcast_in_dim3A_174 = vector.shape_cast %reduce_min3A_173 : vector<256xi32> to vector<256x1xi32>
    %jit3A_175 = arith.constant 0x7F800000 : f32
    %broadcast_in_dim3A_176 = vector.broadcast %jit3A_175 : f32 to vector<256x4096xf32>
    %select_n3A_177 = arith.select %eq3A_168, %broadcast_in_dim3A_176, %select_n3A_163 : vector<256x4096xi1>, vector<256x4096xf32>
    %reduce_min3A_178 = arith.constant dense<0x7F800000> : vector<256xf32>
    %reduce_min3A_179 = vector.multi_reduction <minimumf>, %select_n3A_177, %reduce_min3A_178 [1] : vector<256x4096xf32> to vector<256xf32>
    %broadcast_in_dim3A_180 = vector.shape_cast %reduce_min3A_179 : vector<256xf32> to vector<256x1xf32>
    %eq3A_181 = vector.broadcast %broadcast_in_dim3A_180 : vector<256x1xf32> to vector<256x4096xf32>
    %eq3A_182 = arith.cmpf oeq, %select_n3A_177, %eq3A_181 : vector<256x4096xf32>
    %jit3A_183 = arith.constant 4096 : i32
    %broadcast_in_dim3A_184 = vector.broadcast %jit3A_183 : i32 to vector<256x4096xi32>
    %select_n3A_185 = arith.select %eq3A_182, %iota3A, %broadcast_in_dim3A_184 : vector<256x4096xi1>, vector<256x4096xi32>
    %reduce_min3A_186 = arith.constant dense<2147483647> : vector<256xi32>
    %reduce_min3A_187 = vector.multi_reduction <minsi>, %select_n3A_185, %reduce_min3A_186 [1] : vector<256x4096xi32> to vector<256xi32>
    %broadcast_in_dim3A_188 = vector.shape_cast %reduce_min3A_187 : vector<256xi32> to vector<256x1xi32>
    %jit3A_189 = arith.constant 0x7F800000 : f32
    %broadcast_in_dim3A_190 = vector.broadcast %jit3A_189 : f32 to vector<256x4096xf32>
    %select_n3A_191 = arith.select %eq3A_182, %broadcast_in_dim3A_190, %select_n3A_177 : vector<256x4096xi1>, vector<256x4096xf32>
    %reduce_min3A_192 = arith.constant dense<0x7F800000> : vector<256xf32>
    %reduce_min3A_193 = vector.multi_reduction <minimumf>, %select_n3A_191, %reduce_min3A_192 [1] : vector<256x4096xf32> to vector<256xf32>
    %broadcast_in_dim3A_194 = vector.shape_cast %reduce_min3A_193 : vector<256xf32> to vector<256x1xf32>
    %eq3A_195 = vector.broadcast %broadcast_in_dim3A_194 : vector<256x1xf32> to vector<256x4096xf32>
    %eq3A_196 = arith.cmpf oeq, %select_n3A_191, %eq3A_195 : vector<256x4096xf32>
    %jit3A_197 = arith.constant 4096 : i32
    %broadcast_in_dim3A_198 = vector.broadcast %jit3A_197 : i32 to vector<256x4096xi32>
    %select_n3A_199 = arith.select %eq3A_196, %iota3A, %broadcast_in_dim3A_198 : vector<256x4096xi1>, vector<256x4096xi32>
    %reduce_min3A_200 = arith.constant dense<2147483647> : vector<256xi32>
    %reduce_min3A_201 = vector.multi_reduction <minsi>, %select_n3A_199, %reduce_min3A_200 [1] : vector<256x4096xi32> to vector<256xi32>
    %broadcast_in_dim3A_202 = vector.shape_cast %reduce_min3A_201 : vector<256xi32> to vector<256x1xi32>
    %jit3A_203 = arith.constant 0x7F800000 : f32
    %broadcast_in_dim3A_204 = vector.broadcast %jit3A_203 : f32 to vector<256x4096xf32>
    %select_n3A_205 = arith.select %eq3A_196, %broadcast_in_dim3A_204, %select_n3A_191 : vector<256x4096xi1>, vector<256x4096xf32>
    %reduce_min3A_206 = arith.constant dense<0x7F800000> : vector<256xf32>
    %reduce_min3A_207 = vector.multi_reduction <minimumf>, %select_n3A_205, %reduce_min3A_206 [1] : vector<256x4096xf32> to vector<256xf32>
    %broadcast_in_dim3A_208 = vector.shape_cast %reduce_min3A_207 : vector<256xf32> to vector<256x1xf32>
    %eq3A_209 = vector.broadcast %broadcast_in_dim3A_208 : vector<256x1xf32> to vector<256x4096xf32>
    %eq3A_210 = arith.cmpf oeq, %select_n3A_205, %eq3A_209 : vector<256x4096xf32>
    %jit3A_211 = arith.constant 4096 : i32
    %broadcast_in_dim3A_212 = vector.broadcast %jit3A_211 : i32 to vector<256x4096xi32>
    %select_n3A_213 = arith.select %eq3A_210, %iota3A, %broadcast_in_dim3A_212 : vector<256x4096xi1>, vector<256x4096xi32>
    %reduce_min3A_214 = arith.constant dense<2147483647> : vector<256xi32>
    %reduce_min3A_215 = vector.multi_reduction <minsi>, %select_n3A_213, %reduce_min3A_214 [1] : vector<256x4096xi32> to vector<256xi32>
    %broadcast_in_dim3A_216 = vector.shape_cast %reduce_min3A_215 : vector<256xi32> to vector<256x1xi32>
    %jit3A_217 = arith.constant 0x7F800000 : f32
    %broadcast_in_dim3A_218 = vector.broadcast %jit3A_217 : f32 to vector<256x4096xf32>
    %select_n3A_219 = arith.select %eq3A_210, %broadcast_in_dim3A_218, %select_n3A_205 : vector<256x4096xi1>, vector<256x4096xf32>
    %reduce_min3A_220 = arith.constant dense<0x7F800000> : vector<256xf32>
    %reduce_min3A_221 = vector.multi_reduction <minimumf>, %select_n3A_219, %reduce_min3A_220 [1] : vector<256x4096xf32> to vector<256xf32>
    %broadcast_in_dim3A_222 = vector.shape_cast %reduce_min3A_221 : vector<256xf32> to vector<256x1xf32>
    %eq3A_223 = vector.broadcast %broadcast_in_dim3A_222 : vector<256x1xf32> to vector<256x4096xf32>
    %eq3A_224 = arith.cmpf oeq, %select_n3A_219, %eq3A_223 : vector<256x4096xf32>
    %jit3A_225 = arith.constant 4096 : i32
    %broadcast_in_dim3A_226 = vector.broadcast %jit3A_225 : i32 to vector<256x4096xi32>
    %select_n3A_227 = arith.select %eq3A_224, %iota3A, %broadcast_in_dim3A_226 : vector<256x4096xi1>, vector<256x4096xi32>
    %reduce_min3A_228 = arith.constant dense<2147483647> : vector<256xi32>
    %reduce_min3A_229 = vector.multi_reduction <minsi>, %select_n3A_227, %reduce_min3A_228 [1] : vector<256x4096xi32> to vector<256xi32>
    %broadcast_in_dim3A_230 = vector.shape_cast %reduce_min3A_229 : vector<256xi32> to vector<256x1xi32>
    %jit3A_231 = arith.constant 0x7F800000 : f32
    %broadcast_in_dim3A_232 = vector.broadcast %jit3A_231 : f32 to vector<256x4096xf32>
    %select_n3A_233 = arith.select %eq3A_224, %broadcast_in_dim3A_232, %select_n3A_219 : vector<256x4096xi1>, vector<256x4096xf32>
    %reduce_min3A_234 = arith.constant dense<0x7F800000> : vector<256xf32>
    %reduce_min3A_235 = vector.multi_reduction <minimumf>, %select_n3A_233, %reduce_min3A_234 [1] : vector<256x4096xf32> to vector<256xf32>
    %broadcast_in_dim3A_236 = vector.shape_cast %reduce_min3A_235 : vector<256xf32> to vector<256x1xf32>
    %eq3A_237 = vector.broadcast %broadcast_in_dim3A_236 : vector<256x1xf32> to vector<256x4096xf32>
    %eq3A_238 = arith.cmpf oeq, %select_n3A_233, %eq3A_237 : vector<256x4096xf32>
    %jit3A_239 = arith.constant 4096 : i32
    %broadcast_in_dim3A_240 = vector.broadcast %jit3A_239 : i32 to vector<256x4096xi32>
    %select_n3A_241 = arith.select %eq3A_238, %iota3A, %broadcast_in_dim3A_240 : vector<256x4096xi1>, vector<256x4096xi32>
    %reduce_min3A_242 = arith.constant dense<2147483647> : vector<256xi32>
    %reduce_min3A_243 = vector.multi_reduction <minsi>, %select_n3A_241, %reduce_min3A_242 [1] : vector<256x4096xi32> to vector<256xi32>
    %broadcast_in_dim3A_244 = vector.shape_cast %reduce_min3A_243 : vector<256xi32> to vector<256x1xi32>
    %concatenate3A = tpu.concatenate %broadcast_in_dim3A_34, %broadcast_in_dim3A_48, %broadcast_in_dim3A_62, %broadcast_in_dim3A_76, %broadcast_in_dim3A_90, %broadcast_in_dim3A_104, %broadcast_in_dim3A_118, %broadcast_in_dim3A_132, %broadcast_in_dim3A_146, %broadcast_in_dim3A_160, %broadcast_in_dim3A_174, %broadcast_in_dim3A_188, %broadcast_in_dim3A_202, %broadcast_in_dim3A_216, %broadcast_in_dim3A_230, %broadcast_in_dim3A_244 in 1 : vector<256x1xi32>, vector<256x1xi32>, vector<256x1xi32>, vector<256x1xi32>, vector<256x1xi32>, vector<256x1xi32>, vector<256x1xi32>, vector<256x1xi32>, vector<256x1xi32>, vector<256x1xi32>, vector<256x1xi32>, vector<256x1xi32>, vector<256x1xi32>, vector<256x1xi32>, vector<256x1xi32>, vector<256x1xi32> -> vector<256x16xi32>
    %mul3A_245 = arith.constant 4096 : i32
    %mul3A_246 = arith.muli %arg0, %mul3A_245 : i32
    %add3A_247 = vector.broadcast %mul3A_246 : i32 to vector<256x16xi32>
    %add3A_248 = arith.addi %concatenate3A, %add3A_247 : vector<256x16xi32>
    %swap3A = arith.constant 0 : index
    %swap3A_249 = arith.constant 0 : index
    %swap3A_250 = arith.constant 0 : index
    %swap3A_251 = vector.load %arg4[%swap3A, %swap3A_249, %swap3A_250] : memref<1x256x16xi32, #tpu.memory_space<vmem>>, vector<1x256x16xi32>
    %swap3A_252 = vector.shape_cast %swap3A_251 : vector<1x256x16xi32> to vector<256x16xi32>
    %swap3A_253 = vector.shape_cast %add3A_248 : vector<256x16xi32> to vector<1x256x16xi32>
    tpu.vector_store %arg4[%swap3A, %swap3A_249, %swap3A_250], %swap3A_253 {strides = array<i32>} : memref<1x256x16xi32, #tpu.memory_space<vmem>>, vector<1x256x16xi32>,
    return
  }
  func.func @transform_0(%arg0: i32, %arg1: i32) -> (i32, i32, i32) {
    %c0_i32 = arith.constant 0 : i32
    %c0_i32_0 = arith.constant 0 : i32
    return %arg0, %arg1, %c0_i32 : i32, i32, i32
  }
  func.func @transform_1(%arg0: i32, %arg1: i32) -> (i32, i32, i32) {
    %c0_i32 = arith.constant 0 : i32
    %c0_i32_0 = arith.constant 0 : i32
    %c0_i32_1 = arith.constant 0 : i32
    return %arg0, %c0_i32, %c0_i32_0 : i32, i32, i32
  }
  func.func @transform_2(%arg0: i32, %arg1: i32) -> (i32, i32, i32) {
    %c0_i32 = arith.constant 0 : i32
    %c0_i32_0 = arith.constant 0 : i32
    return %arg0, %arg1, %c0_i32 : i32, i32, i32
  }
}

module attributes {stable_mosaic.version = 14 : i64} {
  func.func @_stem_body(%arg0: i32, %arg1: i32, %arg2: memref<1x512x8xf32, #tpu.memory_space<vmem>>, %arg3: memref<8x64xf32, #tpu.memory_space<vmem>>, %arg4: memref<1x64xf32, #tpu.memory_space<vmem>>, %arg5: memref<1x64xf32, #tpu.memory_space<vmem>>, %arg6: memref<64x64xf32, #tpu.memory_space<vmem>>, %arg7: memref<1x64xf32, #tpu.memory_space<vmem>>, %arg8: memref<1x64xf32, #tpu.memory_space<vmem>>, %arg9: memref<1x64xf32, #tpu.memory_space<vmem>>, %arg10: memref<1x64xf32, #tpu.memory_space<vmem>>, %arg11: memref<64x64xf32, #tpu.memory_space<vmem>>, %arg12: memref<64x64xf32, #tpu.memory_space<vmem>>, %arg13: memref<8x64xf32, #tpu.memory_space<vmem>>, %arg14: memref<1x512x64xf32, #tpu.memory_space<vmem>>, %arg15: memref<1x512x64xf32, #tpu.memory_space<vmem>>, %arg16: memref<1x512x128xf32, #tpu.memory_space<vmem>>) attributes {dimension_semantics = [#tpu.dimension_semantics<arbitrary>, #tpu.dimension_semantics<arbitrary>], iteration_bounds = array<i64: 4, 8>, scalar_prefetch = 0 : i64, scratch_operands = 0 : i64, tpu.core_type = #tpu.core_type<tc>, window_params = [{transform_indices = @transform_0, window_bounds = array<i64: 1, 512, 8>}, {pipeline_mode = #tpu.pipeline_mode<synchronous>, transform_indices = @transform_1, window_bounds = array<i64: 8, 64>}, {pipeline_mode = #tpu.pipeline_mode<synchronous>, transform_indices = @transform_2, window_bounds = array<i64: 1, 64>}, {pipeline_mode = #tpu.pipeline_mode<synchronous>, transform_indices = @transform_3, window_bounds = array<i64: 1, 64>}, {pipeline_mode = #tpu.pipeline_mode<synchronous>, transform_indices = @transform_4, window_bounds = array<i64: 64, 64>}, {pipeline_mode = #tpu.pipeline_mode<synchronous>, transform_indices = @transform_5, window_bounds = array<i64: 1, 64>}, {pipeline_mode = #tpu.pipeline_mode<synchronous>, transform_indices = @transform_6, window_bounds = array<i64: 1, 64>}, {pipeline_mode = #tpu.pipeline_mode<synchronous>, transform_indices = @transform_7, window_bounds = array<i64: 1, 64>}, {pipeline_mode = #tpu.pipeline_mode<synchronous>, transform_indices = @transform_8, window_bounds = array<i64: 1, 64>}, {pipeline_mode = #tpu.pipeline_mode<synchronous>, transform_indices = @transform_9, window_bounds = array<i64: 64, 64>}, {pipeline_mode = #tpu.pipeline_mode<synchronous>, transform_indices = @transform_10, window_bounds = array<i64: 64, 64>}, {pipeline_mode = #tpu.pipeline_mode<synchronous>, transform_indices = @transform_11, window_bounds = array<i64: 8, 64>}, {transform_indices = @transform_12, window_bounds = array<i64: 1, 512, 64>}, {transform_indices = @transform_13, window_bounds = array<i64: 1, 512, 64>}, {transform_indices = @transform_14, window_bounds = array<i64: 1, 512, 128>}]} {
    %get3A = arith.constant 0 : index
    %get3A_0 = arith.constant 0 : index
    %get3A_1 = arith.constant 0 : index
    %get3A_2 = vector.load %arg2[%get3A, %get3A_0, %get3A_1] : memref<1x512x8xf32, #tpu.memory_space<vmem>>, vector<1x512x8xf32>
    %get3A_3 = vector.shape_cast %get3A_2 : vector<1x512x8xf32> to vector<512x8xf32>
    %get3A_4 = arith.constant 0 : index
    %get3A_5 = arith.constant 0 : index
    %get3A_6 = vector.load %arg3[%get3A_4, %get3A_5] : memref<8x64xf32, #tpu.memory_space<vmem>>, vector<8x64xf32>
    %dot_general3A = arith.constant dense<0.000000e+00> : vector<512x64xf32>
    %dot_general3A_7 = tpu.matmul %get3A_3, %get3A_6, %dot_general3A {dimension_numbers = #tpu.dot_dimension_numbers<[1], [0], [0], [1], [0, 0, 1, 1], [], []>, transpose_lhs_hint = false} : vector<512x8xf32>, vector<8x64xf32>, vector<512x64xf32> -> vector<512x64xf32>
    %get3A_8 = arith.constant 0 : index
    %get3A_9 = arith.constant 0 : index
    %get3A_10 = vector.load %arg4[%get3A_8, %get3A_9] : memref<1x64xf32, #tpu.memory_space<vmem>>, vector<1x64xf32>
    %get3A_11 = arith.constant 0 : index
    %get3A_12 = arith.constant 0 : index
    %get3A_13 = vector.load %arg5[%get3A_11, %get3A_12] : memref<1x64xf32, #tpu.memory_space<vmem>>, vector<1x64xf32>
    %reduce_sum3A = arith.constant dense<0.000000e+00> : vector<512xf32>
    %reduce_sum3A_14 = vector.multi_reduction <add>, %dot_general3A_7, %reduce_sum3A [1] : vector<512x64xf32> to vector<512xf32>
    %broadcast_in_dim3A = vector.shape_cast %reduce_sum3A_14 : vector<512xf32> to vector<512x1xf32>
    %div3A = arith.constant 6.400000e+01 : f32
    %div3A_15 = vector.broadcast %div3A : f32 to vector<512x1xf32>
    %div3A_16 = arith.divf %broadcast_in_dim3A, %div3A_15 : vector<512x1xf32>
    %sub3A = vector.broadcast %div3A_16 : vector<512x1xf32> to vector<512x64xf32>
    %sub3A_17 = arith.subf %dot_general3A_7, %sub3A : vector<512x64xf32>
    %sub3A_18 = vector.broadcast %div3A_16 : vector<512x1xf32> to vector<512x64xf32>
    %sub3A_19 = arith.subf %dot_general3A_7, %sub3A_18 : vector<512x64xf32>
    %mul3A = arith.mulf %sub3A_17, %sub3A_19 : vector<512x64xf32>
    %reduce_sum3A_20 = arith.constant dense<0.000000e+00> : vector<512xf32>
    %reduce_sum3A_21 = vector.multi_reduction <add>, %mul3A, %reduce_sum3A_20 [1] : vector<512x64xf32> to vector<512xf32>
    %broadcast_in_dim3A_22 = vector.shape_cast %reduce_sum3A_21 : vector<512xf32> to vector<512x1xf32>
    %div3A_23 = arith.constant 6.400000e+01 : f32
    %div3A_24 = vector.broadcast %div3A_23 : f32 to vector<512x1xf32>
    %div3A_25 = arith.divf %broadcast_in_dim3A_22, %div3A_24 : vector<512x1xf32>
    %sub3A_26 = vector.broadcast %div3A_16 : vector<512x1xf32> to vector<512x64xf32>
    %sub3A_27 = arith.subf %dot_general3A_7, %sub3A_26 : vector<512x64xf32>
    %add3A = arith.constant 9.99999974E-6 : f32
    %add3A_28 = vector.broadcast %add3A : f32 to vector<512x1xf32>
    %add3A_29 = arith.addf %div3A_25, %add3A_28 : vector<512x1xf32>
    %sqrt3A = math.sqrt %add3A_29 : vector<512x1xf32>
    %div3A_30 = vector.broadcast %sqrt3A : vector<512x1xf32> to vector<512x64xf32>
    %div3A_31 = arith.divf %sub3A_27, %div3A_30 : vector<512x64xf32>
    %mul3A_32 = vector.broadcast %get3A_10 : vector<1x64xf32> to vector<512x64xf32>
    %mul3A_33 = arith.mulf %div3A_31, %mul3A_32 : vector<512x64xf32>
    %add3A_34 = vector.broadcast %get3A_13 : vector<1x64xf32> to vector<512x64xf32>
    %add3A_35 = arith.addf %mul3A_33, %add3A_34 : vector<512x64xf32>
    %max3A = arith.constant 0.000000e+00 : f32
    %max3A_36 = vector.broadcast %max3A : f32 to vector<512x64xf32>
    %max3A_37 = arith.maximumf %add3A_35, %max3A_36 : vector<512x64xf32>
    %get3A_38 = arith.constant 0 : index
    %get3A_39 = arith.constant 0 : index
    %get3A_40 = vector.load %arg6[%get3A_38, %get3A_39] : memref<64x64xf32, #tpu.memory_space<vmem>>, vector<64x64xf32>
    %dot_general3A_41 = arith.constant dense<0.000000e+00> : vector<512x64xf32>
    %dot_general3A_42 = tpu.matmul %max3A_37, %get3A_40, %dot_general3A_41 {dimension_numbers = #tpu.dot_dimension_numbers<[1], [0], [0], [1], [0, 0, 1, 1], [], []>, transpose_lhs_hint = false} : vector<512x64xf32>, vector<64x64xf32>, vector<512x64xf32> -> vector<512x64xf32>
    %get3A_43 = arith.constant 0 : index
    %get3A_44 = arith.constant 0 : index
    %get3A_45 = vector.load %arg7[%get3A_43, %get3A_44] : memref<1x64xf32, #tpu.memory_space<vmem>>, vector<1x64xf32>
    %get3A_46 = arith.constant 0 : index
    %get3A_47 = arith.constant 0 : index
    %get3A_48 = vector.load %arg8[%get3A_46, %get3A_47] : memref<1x64xf32, #tpu.memory_space<vmem>>, vector<1x64xf32>
    %reduce_sum3A_49 = arith.constant dense<0.000000e+00> : vector<512xf32>
    %reduce_sum3A_50 = vector.multi_reduction <add>, %dot_general3A_42, %reduce_sum3A_49 [1] : vector<512x64xf32> to vector<512xf32>
    %broadcast_in_dim3A_51 = vector.shape_cast %reduce_sum3A_50 : vector<512xf32> to vector<512x1xf32>
    %div3A_52 = arith.constant 6.400000e+01 : f32
    %div3A_53 = vector.broadcast %div3A_52 : f32 to vector<512x1xf32>
    %div3A_54 = arith.divf %broadcast_in_dim3A_51, %div3A_53 : vector<512x1xf32>
    %sub3A_55 = vector.broadcast %div3A_54 : vector<512x1xf32> to vector<512x64xf32>
    %sub3A_56 = arith.subf %dot_general3A_42, %sub3A_55 : vector<512x64xf32>
    %sub3A_57 = vector.broadcast %div3A_54 : vector<512x1xf32> to vector<512x64xf32>
    %sub3A_58 = arith.subf %dot_general3A_42, %sub3A_57 : vector<512x64xf32>
    %mul3A_59 = arith.mulf %sub3A_56, %sub3A_58 : vector<512x64xf32>
    %reduce_sum3A_60 = arith.constant dense<0.000000e+00> : vector<512xf32>
    %reduce_sum3A_61 = vector.multi_reduction <add>, %mul3A_59, %reduce_sum3A_60 [1] : vector<512x64xf32> to vector<512xf32>
    %broadcast_in_dim3A_62 = vector.shape_cast %reduce_sum3A_61 : vector<512xf32> to vector<512x1xf32>
    %div3A_63 = arith.constant 6.400000e+01 : f32
    %div3A_64 = vector.broadcast %div3A_63 : f32 to vector<512x1xf32>
    %div3A_65 = arith.divf %broadcast_in_dim3A_62, %div3A_64 : vector<512x1xf32>
    %sub3A_66 = vector.broadcast %div3A_54 : vector<512x1xf32> to vector<512x64xf32>
    %sub3A_67 = arith.subf %dot_general3A_42, %sub3A_66 : vector<512x64xf32>
    %add3A_68 = arith.constant 9.99999974E-6 : f32
    %add3A_69 = vector.broadcast %add3A_68 : f32 to vector<512x1xf32>
    %add3A_70 = arith.addf %div3A_65, %add3A_69 : vector<512x1xf32>
    %sqrt3A_71 = math.sqrt %add3A_70 : vector<512x1xf32>
    %div3A_72 = vector.broadcast %sqrt3A_71 : vector<512x1xf32> to vector<512x64xf32>
    %div3A_73 = arith.divf %sub3A_67, %div3A_72 : vector<512x64xf32>
    %mul3A_74 = vector.broadcast %get3A_45 : vector<1x64xf32> to vector<512x64xf32>
    %mul3A_75 = arith.mulf %div3A_73, %mul3A_74 : vector<512x64xf32>
    %add3A_76 = vector.broadcast %get3A_48 : vector<1x64xf32> to vector<512x64xf32>
    %add3A_77 = arith.addf %mul3A_75, %add3A_76 : vector<512x64xf32>
    %max3A_78 = arith.constant 0.000000e+00 : f32
    %max3A_79 = vector.broadcast %max3A_78 : f32 to vector<512x64xf32>
    %max3A_80 = arith.maximumf %add3A_77, %max3A_79 : vector<512x64xf32>
    %swap3A = arith.constant 0 : index
    %swap3A_81 = arith.constant 0 : index
    %swap3A_82 = arith.constant 0 : index
    %swap3A_83 = vector.load %arg14[%swap3A, %swap3A_81, %swap3A_82] : memref<1x512x64xf32, #tpu.memory_space<vmem>>, vector<1x512x64xf32>
    %swap3A_84 = vector.shape_cast %swap3A_83 : vector<1x512x64xf32> to vector<512x64xf32>
    %swap3A_85 = vector.shape_cast %max3A_80 : vector<512x64xf32> to vector<1x512x64xf32>
    tpu.vector_store %arg14[%swap3A, %swap3A_81, %swap3A_82], %swap3A_85 {strides = array<i32>} : memref<1x512x64xf32, #tpu.memory_space<vmem>>, vector<1x512x64xf32>,
    %get3A_86 = arith.constant 0 : index
    %get3A_87 = arith.constant 0 : index
    %get3A_88 = vector.load %arg9[%get3A_86, %get3A_87] : memref<1x64xf32, #tpu.memory_space<vmem>>, vector<1x64xf32>
    %get3A_89 = arith.constant 0 : index
    %get3A_90 = arith.constant 0 : index
    %get3A_91 = vector.load %arg10[%get3A_89, %get3A_90] : memref<1x64xf32, #tpu.memory_space<vmem>>, vector<1x64xf32>
    %reduce_sum3A_92 = arith.constant dense<0.000000e+00> : vector<512xf32>
    %reduce_sum3A_93 = vector.multi_reduction <add>, %max3A_80, %reduce_sum3A_92 [1] : vector<512x64xf32> to vector<512xf32>
    %broadcast_in_dim3A_94 = vector.shape_cast %reduce_sum3A_93 : vector<512xf32> to vector<512x1xf32>
    %div3A_95 = arith.constant 6.400000e+01 : f32
    %div3A_96 = vector.broadcast %div3A_95 : f32 to vector<512x1xf32>
    %div3A_97 = arith.divf %broadcast_in_dim3A_94, %div3A_96 : vector<512x1xf32>
    %sub3A_98 = vector.broadcast %div3A_97 : vector<512x1xf32> to vector<512x64xf32>
    %sub3A_99 = arith.subf %max3A_80, %sub3A_98 : vector<512x64xf32>
    %sub3A_100 = vector.broadcast %div3A_97 : vector<512x1xf32> to vector<512x64xf32>
    %sub3A_101 = arith.subf %max3A_80, %sub3A_100 : vector<512x64xf32>
    %mul3A_102 = arith.mulf %sub3A_99, %sub3A_101 : vector<512x64xf32>
    %reduce_sum3A_103 = arith.constant dense<0.000000e+00> : vector<512xf32>
    %reduce_sum3A_104 = vector.multi_reduction <add>, %mul3A_102, %reduce_sum3A_103 [1] : vector<512x64xf32> to vector<512xf32>
    %broadcast_in_dim3A_105 = vector.shape_cast %reduce_sum3A_104 : vector<512xf32> to vector<512x1xf32>
    %div3A_106 = arith.constant 6.400000e+01 : f32
    %div3A_107 = vector.broadcast %div3A_106 : f32 to vector<512x1xf32>
    %div3A_108 = arith.divf %broadcast_in_dim3A_105, %div3A_107 : vector<512x1xf32>
    %sub3A_109 = vector.broadcast %div3A_97 : vector<512x1xf32> to vector<512x64xf32>
    %sub3A_110 = arith.subf %max3A_80, %sub3A_109 : vector<512x64xf32>
    %add3A_111 = arith.constant 9.99999974E-6 : f32
    %add3A_112 = vector.broadcast %add3A_111 : f32 to vector<512x1xf32>
    %add3A_113 = arith.addf %div3A_108, %add3A_112 : vector<512x1xf32>
    %sqrt3A_114 = math.sqrt %add3A_113 : vector<512x1xf32>
    %div3A_115 = vector.broadcast %sqrt3A_114 : vector<512x1xf32> to vector<512x64xf32>
    %div3A_116 = arith.divf %sub3A_110, %div3A_115 : vector<512x64xf32>
    %mul3A_117 = vector.broadcast %get3A_88 : vector<1x64xf32> to vector<512x64xf32>
    %mul3A_118 = arith.mulf %div3A_116, %mul3A_117 : vector<512x64xf32>
    %add3A_119 = vector.broadcast %get3A_91 : vector<1x64xf32> to vector<512x64xf32>
    %add3A_120 = arith.addf %mul3A_118, %add3A_119 : vector<512x64xf32>
    %get3A_121 = arith.constant 0 : index
    %get3A_122 = arith.constant 0 : index
    %get3A_123 = vector.load %arg13[%get3A_121, %get3A_122] : memref<8x64xf32, #tpu.memory_space<vmem>>, vector<8x64xf32>
    %dot_general3A_124 = arith.constant dense<0.000000e+00> : vector<512x64xf32>
    %dot_general3A_125 = tpu.matmul %get3A_3, %get3A_123, %dot_general3A_124 {dimension_numbers = #tpu.dot_dimension_numbers<[1], [0], [0], [1], [0, 0, 1, 1], [], []>, transpose_lhs_hint = false} : vector<512x8xf32>, vector<8x64xf32>, vector<512x64xf32> -> vector<512x64xf32>
    %get3A_126 = arith.constant 0 : index
    %get3A_127 = arith.constant 0 : index
    %get3A_128 = vector.load %arg11[%get3A_126, %get3A_127] : memref<64x64xf32, #tpu.memory_space<vmem>>, vector<64x64xf32>
    %dot_general3A_129 = arith.constant dense<0.000000e+00> : vector<512x64xf32>
    %dot_general3A_130 = tpu.matmul %add3A_120, %get3A_128, %dot_general3A_129 {dimension_numbers = #tpu.dot_dimension_numbers<[1], [0], [0], [1], [0, 0, 1, 1], [], []>, transpose_lhs_hint = false} : vector<512x64xf32>, vector<64x64xf32>, vector<512x64xf32> -> vector<512x64xf32>
    %sub3A_131 = arith.subf %dot_general3A_130, %dot_general3A_125 : vector<512x64xf32>
    %swap3A_132 = arith.constant 0 : index
    %swap3A_133 = arith.constant 0 : index
    %swap3A_134 = arith.constant 0 : index
    %swap3A_135 = vector.load %arg15[%swap3A_132, %swap3A_133, %swap3A_134] : memref<1x512x64xf32, #tpu.memory_space<vmem>>, vector<1x512x64xf32>
    %swap3A_136 = vector.shape_cast %swap3A_135 : vector<1x512x64xf32> to vector<512x64xf32>
    %swap3A_137 = vector.shape_cast %sub3A_131 : vector<512x64xf32> to vector<1x512x64xf32>
    tpu.vector_store %arg15[%swap3A_132, %swap3A_133, %swap3A_134], %swap3A_137 {strides = array<i32>} : memref<1x512x64xf32, #tpu.memory_space<vmem>>, vector<1x512x64xf32>,
    %get3A_138 = arith.constant 0 : index
    %get3A_139 = arith.constant 0 : index
    %get3A_140 = vector.load %arg12[%get3A_138, %get3A_139] : memref<64x64xf32, #tpu.memory_space<vmem>>, vector<64x64xf32>
    %dot_general3A_141 = arith.constant dense<0.000000e+00> : vector<512x64xf32>
    %dot_general3A_142 = tpu.matmul %add3A_120, %get3A_140, %dot_general3A_141 {dimension_numbers = #tpu.dot_dimension_numbers<[1], [0], [0], [1], [0, 0, 1, 1], [], []>, transpose_lhs_hint = false} : vector<512x64xf32>, vector<64x64xf32>, vector<512x64xf32> -> vector<512x64xf32>
    %add3A_143 = arith.addf %dot_general3A_142, %dot_general3A_125 : vector<512x64xf32>
    %broadcast_in_dim3A_144 = arith.constant 0.000000e+00 : f32
    %broadcast_in_dim3A_145 = vector.broadcast %broadcast_in_dim3A_144 : f32 to vector<512x64xf32>
    %concatenate3A = tpu.concatenate %add3A_143, %broadcast_in_dim3A_145 in 1 : vector<512x64xf32>, vector<512x64xf32> -> vector<512x128xf32>
    %swap3A_146 = arith.constant 0 : index
    %swap3A_147 = arith.constant 0 : index
    %swap3A_148 = arith.constant 0 : index
    %swap3A_149 = vector.load %arg16[%swap3A_146, %swap3A_147, %swap3A_148] : memref<1x512x128xf32, #tpu.memory_space<vmem>>, vector<1x512x128xf32>
    %swap3A_150 = vector.shape_cast %swap3A_149 : vector<1x512x128xf32> to vector<512x128xf32>
    %swap3A_151 = vector.shape_cast %concatenate3A : vector<512x128xf32> to vector<1x512x128xf32>
    tpu.vector_store %arg16[%swap3A_146, %swap3A_147, %swap3A_148], %swap3A_151 {strides = array<i32>} : memref<1x512x128xf32, #tpu.memory_space<vmem>>, vector<1x512x128xf32>,
    return
  }
  func.func @transform_0(%arg0: i32, %arg1: i32) -> (i32, i32, i32) {
    %c0_i32 = arith.constant 0 : i32
    %c0_i32_0 = arith.constant 0 : i32
    return %arg0, %arg1, %c0_i32 : i32, i32, i32
  }
  func.func @transform_1(%arg0: i32, %arg1: i32) -> (i32, i32) {
    %c0_i32 = arith.constant 0 : i32
    %c0_i32_0 = arith.constant 0 : i32
    %c0_i32_1 = arith.constant 0 : i32
    return %c0_i32, %c0_i32_0 : i32, i32
  }
  func.func @transform_2(%arg0: i32, %arg1: i32) -> (i32, i32) {
    %c0_i32 = arith.constant 0 : i32
    %c0_i32_0 = arith.constant 0 : i32
    %c0_i32_1 = arith.constant 0 : i32
    return %c0_i32, %c0_i32_0 : i32, i32
  }
  func.func @transform_3(%arg0: i32, %arg1: i32) -> (i32, i32) {
    %c0_i32 = arith.constant 0 : i32
    %c0_i32_0 = arith.constant 0 : i32
    %c0_i32_1 = arith.constant 0 : i32
    return %c0_i32, %c0_i32_0 : i32, i32
  }
  func.func @transform_4(%arg0: i32, %arg1: i32) -> (i32, i32) {
    %c0_i32 = arith.constant 0 : i32
    %c0_i32_0 = arith.constant 0 : i32
    %c0_i32_1 = arith.constant 0 : i32
    return %c0_i32, %c0_i32_0 : i32, i32
  }
  func.func @transform_5(%arg0: i32, %arg1: i32) -> (i32, i32) {
    %c0_i32 = arith.constant 0 : i32
    %c0_i32_0 = arith.constant 0 : i32
    %c0_i32_1 = arith.constant 0 : i32
    return %c0_i32, %c0_i32_0 : i32, i32
  }
  func.func @transform_6(%arg0: i32, %arg1: i32) -> (i32, i32) {
    %c0_i32 = arith.constant 0 : i32
    %c0_i32_0 = arith.constant 0 : i32
    %c0_i32_1 = arith.constant 0 : i32
    return %c0_i32, %c0_i32_0 : i32, i32
  }
  func.func @transform_7(%arg0: i32, %arg1: i32) -> (i32, i32) {
    %c0_i32 = arith.constant 0 : i32
    %c0_i32_0 = arith.constant 0 : i32
    %c0_i32_1 = arith.constant 0 : i32
    return %c0_i32, %c0_i32_0 : i32, i32
  }
  func.func @transform_8(%arg0: i32, %arg1: i32) -> (i32, i32) {
    %c0_i32 = arith.constant 0 : i32
    %c0_i32_0 = arith.constant 0 : i32
    %c0_i32_1 = arith.constant 0 : i32
    return %c0_i32, %c0_i32_0 : i32, i32
  }
  func.func @transform_9(%arg0: i32, %arg1: i32) -> (i32, i32) {
    %c0_i32 = arith.constant 0 : i32
    %c0_i32_0 = arith.constant 0 : i32
    %c0_i32_1 = arith.constant 0 : i32
    return %c0_i32, %c0_i32_0 : i32, i32
  }
  func.func @transform_10(%arg0: i32, %arg1: i32) -> (i32, i32) {
    %c0_i32 = arith.constant 0 : i32
    %c0_i32_0 = arith.constant 0 : i32
    %c0_i32_1 = arith.constant 0 : i32
    return %c0_i32, %c0_i32_0 : i32, i32
  }
  func.func @transform_11(%arg0: i32, %arg1: i32) -> (i32, i32) {
    %c0_i32 = arith.constant 0 : i32
    %c0_i32_0 = arith.constant 0 : i32
    %c0_i32_1 = arith.constant 0 : i32
    return %c0_i32, %c0_i32_0 : i32, i32
  }
  func.func @transform_12(%arg0: i32, %arg1: i32) -> (i32, i32, i32) {
    %c0_i32 = arith.constant 0 : i32
    %c0_i32_0 = arith.constant 0 : i32
    return %arg0, %arg1, %c0_i32 : i32, i32, i32
  }
  func.func @transform_13(%arg0: i32, %arg1: i32) -> (i32, i32, i32) {
    %c0_i32 = arith.constant 0 : i32
    %c0_i32_0 = arith.constant 0 : i32
    return %arg0, %arg1, %c0_i32 : i32, i32, i32
  }
  func.func @transform_14(%arg0: i32, %arg1: i32) -> (i32, i32, i32) {
    %c0_i32 = arith.constant 0 : i32
    %c0_i32_0 = arith.constant 0 : i32
    return %arg0, %arg1, %c0_i32 : i32, i32, i32
  }
}

module attributes {stable_mosaic.version = 14 : i64} {
  func.func @_block_body(%arg0: i32, %arg1: i32, %arg2: memref<1x512x64xf32, #tpu.memory_space<vmem>>, %arg3: memref<1x512x64xf32, #tpu.memory_space<vmem>>, %arg4: memref<1x8192x128xf32, #tpu.memory_space<vmem>>, %arg5: memref<1x512x8xf32, #tpu.memory_space<vmem>>, %arg6: memref<256x256xf32, #tpu.memory_space<vmem>>, %arg7: memref<64x64xf32, #tpu.memory_space<vmem>>, %arg8: memref<1x64xf32, #tpu.memory_space<vmem>>, %arg9: memref<1x64xf32, #tpu.memory_space<vmem>>, %arg10: memref<64x128xf32, #tpu.memory_space<vmem>>, %arg11: memref<128x64xf32, #tpu.memory_space<vmem>>, %arg12: memref<1x64xf32, #tpu.memory_space<vmem>>, %arg13: memref<1x64xf32, #tpu.memory_space<vmem>>, %arg14: memref<64x64xf32, #tpu.memory_space<vmem>>, %arg15: memref<64x64xf32, #tpu.memory_space<vmem>>, %arg16: memref<8x64xf32, #tpu.memory_space<vmem>>, %arg17: memref<1x512x64xf32, #tpu.memory_space<vmem>>, %arg18: memref<1x512x64xf32, #tpu.memory_space<vmem>>, %arg19: memref<1x512x128xf32, #tpu.memory_space<vmem>>) attributes {dimension_semantics = [#tpu.dimension_semantics<arbitrary>, #tpu.dimension_semantics<arbitrary>], iteration_bounds = array<i64: 2, 8>, scalar_prefetch = 0 : i64, scratch_operands = 0 : i64, tpu.core_type = #tpu.core_type<tc>, window_params = [{transform_indices = @transform_0, window_bounds = array<i64: 1, 512, 64>}, {transform_indices = @transform_1, window_bounds = array<i64: 1, 512, 64>}, {transform_indices = @transform_2, window_bounds = array<i64: 1, 8192, 128>}, {transform_indices = @transform_3, window_bounds = array<i64: 1, 512, 8>}, {pipeline_mode = #tpu.pipeline_mode<synchronous>, transform_indices = @transform_4, window_bounds = array<i64: 256, 256>}, {pipeline_mode = #tpu.pipeline_mode<synchronous>, transform_indices = @transform_5, window_bounds = array<i64: 64, 64>}, {pipeline_mode = #tpu.pipeline_mode<synchronous>, transform_indices = @transform_6, window_bounds = array<i64: 1, 64>}, {pipeline_mode = #tpu.pipeline_mode<synchronous>, transform_indices = @transform_7, window_bounds = array<i64: 1, 64>}, {pipeline_mode = #tpu.pipeline_mode<synchronous>, transform_indices = @transform_8, window_bounds = array<i64: 64, 128>}, {pipeline_mode = #tpu.pipeline_mode<synchronous>, transform_indices = @transform_9, window_bounds = array<i64: 128, 64>}, {pipeline_mode = #tpu.pipeline_mode<synchronous>, transform_indices = @transform_10, window_bounds = array<i64: 1, 64>}, {pipeline_mode = #tpu.pipeline_mode<synchronous>, transform_indices = @transform_11, window_bounds = array<i64: 1, 64>}, {pipeline_mode = #tpu.pipeline_mode<synchronous>, transform_indices = @transform_12, window_bounds = array<i64: 64, 64>}, {pipeline_mode = #tpu.pipeline_mode<synchronous>, transform_indices = @transform_13, window_bounds = array<i64: 64, 64>}, {pipeline_mode = #tpu.pipeline_mode<synchronous>, transform_indices = @transform_14, window_bounds = array<i64: 8, 64>}, {transform_indices = @transform_15, window_bounds = array<i64: 1, 512, 64>}, {transform_indices = @transform_16, window_bounds = array<i64: 1, 512, 64>}, {transform_indices = @transform_17, window_bounds = array<i64: 1, 512, 128>}]} {
    %get3A = arith.constant 0 : index
    %get3A_0 = arith.constant 0 : index
    %get3A_1 = arith.constant 0 : index
    %get3A_2 = vector.load %arg2[%get3A, %get3A_0, %get3A_1] : memref<1x512x64xf32, #tpu.memory_space<vmem>>, vector<1x512x64xf32>
    %get3A_3 = vector.shape_cast %get3A_2 : vector<1x512x64xf32> to vector<512x64xf32>
    %get3A_4 = arith.constant 0 : index
    %get3A_5 = arith.constant 0 : index
    %get3A_6 = arith.constant 0 : index
    %get3A_7 = vector.load %arg3[%get3A_4, %get3A_5, %get3A_6] : memref<1x512x64xf32, #tpu.memory_space<vmem>>, vector<1x512x64xf32>
    %get3A_8 = vector.shape_cast %get3A_7 : vector<1x512x64xf32> to vector<512x64xf32>
    %get3A_9 = arith.constant 0 : index
    %get3A_10 = arith.constant 0 : index
    %get3A_11 = arith.constant 0 : index
    %get3A_12 = vector.load %arg4[%get3A_9, %get3A_10, %get3A_11] : memref<1x8192x128xf32, #tpu.memory_space<vmem>>, vector<1x8192x128xf32>
    %get3A_13 = vector.shape_cast %get3A_12 : vector<1x8192x128xf32> to vector<8192x128xf32>
    %get3A_14 = arith.constant 0 : index
    %get3A_15 = arith.constant 0 : index
    %get3A_16 = vector.load %arg6[%get3A_14, %get3A_15] : memref<256x256xf32, #tpu.memory_space<vmem>>, vector<256x256xf32>
    %slice3A = vector.extract_strided_slice %get3A_13 {offsets = [0, 0], sizes = [8192, 64], strides = [1, 1]} : vector<8192x128xf32> to vector<8192x64xf32>
    %reshape3A = vector.shape_cast %slice3A : vector<8192x64xf32> to vector<512x16x64xf32>
    %broadcast_in_dim3A = vector.shape_cast %get3A_8 : vector<512x64xf32> to vector<512x1x64xf32>
    %add3A = vector.broadcast %broadcast_in_dim3A : vector<512x1x64xf32> to vector<512x16x64xf32>
    %add3A_17 = arith.addf %reshape3A, %add3A : vector<512x16x64xf32>
    %max3A = arith.constant 0.000000e+00 : f32
    %max3A_18 = vector.broadcast %max3A : f32 to vector<512x16x64xf32>
    %max3A_19 = arith.maximumf %add3A_17, %max3A_18 : vector<512x16x64xf32>
    %slice3A_20 = vector.extract_strided_slice %max3A_19 {offsets = [0, 0, 0], sizes = [512, 4, 64], strides = [1, 1, 1]} : vector<512x16x64xf32> to vector<512x4x64xf32>
    %reshape3A_21 = vector.shape_cast %slice3A_20 : vector<512x4x64xf32> to vector<2048x64xf32>
    %slice3A_22 = vector.extract_strided_slice %max3A_19 {offsets = [0, 4, 0], sizes = [512, 4, 64], strides = [1, 1, 1]} : vector<512x16x64xf32> to vector<512x4x64xf32>
    %reshape3A_23 = vector.shape_cast %slice3A_22 : vector<512x4x64xf32> to vector<2048x64xf32>
    %slice3A_24 = vector.extract_strided_slice %max3A_19 {offsets = [0, 8, 0], sizes = [512, 4, 64], strides = [1, 1, 1]} : vector<512x16x64xf32> to vector<512x4x64xf32>
    %reshape3A_25 = vector.shape_cast %slice3A_24 : vector<512x4x64xf32> to vector<2048x64xf32>
    %slice3A_26 = vector.extract_strided_slice %max3A_19 {offsets = [0, 12, 0], sizes = [512, 4, 64], strides = [1, 1, 1]} : vector<512x16x64xf32> to vector<512x4x64xf32>
    %reshape3A_27 = vector.shape_cast %slice3A_26 : vector<512x4x64xf32> to vector<2048x64xf32>
    %concatenate3A = tpu.concatenate %reshape3A_21, %reshape3A_23, %reshape3A_25, %reshape3A_27 in 1 : vector<2048x64xf32>, vector<2048x64xf32>, vector<2048x64xf32>, vector<2048x64xf32> -> vector<2048x256xf32>
    %dot_general3A = arith.constant dense<0.000000e+00> : vector<2048x256xf32>
    %dot_general3A_28 = tpu.matmul %concatenate3A, %get3A_16, %dot_general3A {dimension_numbers = #tpu.dot_dimension_numbers<[1], [0], [0], [1], [0, 0, 1, 1], [], []>, transpose_lhs_hint = false} : vector<2048x256xf32>, vector<256x256xf32>, vector<2048x256xf32> -> vector<2048x256xf32>
    %max3A_29 = arith.constant 0.000000e+00 : f32
    %max3A_30 = vector.broadcast %max3A_29 : f32 to vector<2048x256xf32>
    %max3A_31 = arith.maximumf %dot_general3A_28, %max3A_30 : vector<2048x256xf32>
    %reshape3A_32 = vector.shape_cast %max3A_31 : vector<2048x256xf32> to vector<512x4x256xf32>
    %reduce_max3A = arith.constant dense<0xFF800000> : vector<512x256xf32>
    %reduce_max3A_33 = vector.multi_reduction <maximumf>, %reshape3A_32, %reduce_max3A [1] : vector<512x4x256xf32> to vector<512x256xf32>
    %slice3A_34 = vector.extract_strided_slice %reduce_max3A_33 {offsets = [0, 0], sizes = [512, 64], strides = [1, 1]} : vector<512x256xf32> to vector<512x64xf32>
    %slice3A_35 = vector.extract_strided_slice %reduce_max3A_33 {offsets = [0, 64], sizes = [512, 64], strides = [1, 1]} : vector<512x256xf32> to vector<512x64xf32>
    %max3A_36 = arith.maximumf %slice3A_34, %slice3A_35 : vector<512x64xf32>
    %slice3A_37 = vector.extract_strided_slice %reduce_max3A_33 {offsets = [0, 128], sizes = [512, 64], strides = [1, 1]} : vector<512x256xf32> to vector<512x64xf32>
    %max3A_38 = arith.maximumf %max3A_36, %slice3A_37 : vector<512x64xf32>
    %slice3A_39 = vector.extract_strided_slice %reduce_max3A_33 {offsets = [0, 192], sizes = [512, 64], strides = [1, 1]} : vector<512x256xf32> to vector<512x64xf32>
    %max3A_40 = arith.maximumf %max3A_38, %slice3A_39 : vector<512x64xf32>
    %get3A_41 = arith.constant 0 : index
    %get3A_42 = arith.constant 0 : index
    %get3A_43 = vector.load %arg7[%get3A_41, %get3A_42] : memref<64x64xf32, #tpu.memory_space<vmem>>, vector<64x64xf32>
    %dot_general3A_44 = arith.constant dense<0.000000e+00> : vector<512x64xf32>
    %dot_general3A_45 = tpu.matmul %max3A_40, %get3A_43, %dot_general3A_44 {dimension_numbers = #tpu.dot_dimension_numbers<[1], [0], [0], [1], [0, 0, 1, 1], [], []>, transpose_lhs_hint = false} : vector<512x64xf32>, vector<64x64xf32>, vector<512x64xf32> -> vector<512x64xf32>
    %add3A_46 = arith.addf %get3A_3, %dot_general3A_45 : vector<512x64xf32>
    %get3A_47 = arith.constant 0 : index
    %get3A_48 = arith.constant 0 : index
    %get3A_49 = vector.load %arg8[%get3A_47, %get3A_48] : memref<1x64xf32, #tpu.memory_space<vmem>>, vector<1x64xf32>
    %get3A_50 = arith.constant 0 : index
    %get3A_51 = arith.constant 0 : index
    %get3A_52 = vector.load %arg9[%get3A_50, %get3A_51] : memref<1x64xf32, #tpu.memory_space<vmem>>, vector<1x64xf32>
    %reduce_sum3A = arith.constant dense<0.000000e+00> : vector<512xf32>
    %reduce_sum3A_53 = vector.multi_reduction <add>, %add3A_46, %reduce_sum3A [1] : vector<512x64xf32> to vector<512xf32>
    %broadcast_in_dim3A_54 = vector.shape_cast %reduce_sum3A_53 : vector<512xf32> to vector<512x1xf32>
    %div3A = arith.constant 6.400000e+01 : f32
    %div3A_55 = vector.broadcast %div3A : f32 to vector<512x1xf32>
    %div3A_56 = arith.divf %broadcast_in_dim3A_54, %div3A_55 : vector<512x1xf32>
    %sub3A = vector.broadcast %div3A_56 : vector<512x1xf32> to vector<512x64xf32>
    %sub3A_57 = arith.subf %add3A_46, %sub3A : vector<512x64xf32>
    %sub3A_58 = vector.broadcast %div3A_56 : vector<512x1xf32> to vector<512x64xf32>
    %sub3A_59 = arith.subf %add3A_46, %sub3A_58 : vector<512x64xf32>
    %mul3A = arith.mulf %sub3A_57, %sub3A_59 : vector<512x64xf32>
    %reduce_sum3A_60 = arith.constant dense<0.000000e+00> : vector<512xf32>
    %reduce_sum3A_61 = vector.multi_reduction <add>, %mul3A, %reduce_sum3A_60 [1] : vector<512x64xf32> to vector<512xf32>
    %broadcast_in_dim3A_62 = vector.shape_cast %reduce_sum3A_61 : vector<512xf32> to vector<512x1xf32>
    %div3A_63 = arith.constant 6.400000e+01 : f32
    %div3A_64 = vector.broadcast %div3A_63 : f32 to vector<512x1xf32>
    %div3A_65 = arith.divf %broadcast_in_dim3A_62, %div3A_64 : vector<512x1xf32>
    %sub3A_66 = vector.broadcast %div3A_56 : vector<512x1xf32> to vector<512x64xf32>
    %sub3A_67 = arith.subf %add3A_46, %sub3A_66 : vector<512x64xf32>
    %add3A_68 = arith.constant 9.99999974E-6 : f32
    %add3A_69 = vector.broadcast %add3A_68 : f32 to vector<512x1xf32>
    %add3A_70 = arith.addf %div3A_65, %add3A_69 : vector<512x1xf32>
    %sqrt3A = math.sqrt %add3A_70 : vector<512x1xf32>
    %div3A_71 = vector.broadcast %sqrt3A : vector<512x1xf32> to vector<512x64xf32>
    %div3A_72 = arith.divf %sub3A_67, %div3A_71 : vector<512x64xf32>
    %mul3A_73 = vector.broadcast %get3A_49 : vector<1x64xf32> to vector<512x64xf32>
    %mul3A_74 = arith.mulf %div3A_72, %mul3A_73 : vector<512x64xf32>
    %add3A_75 = vector.broadcast %get3A_52 : vector<1x64xf32> to vector<512x64xf32>
    %add3A_76 = arith.addf %mul3A_74, %add3A_75 : vector<512x64xf32>
    %get3A_77 = arith.constant 0 : index
    %get3A_78 = arith.constant 0 : index
    %get3A_79 = vector.load %arg10[%get3A_77, %get3A_78] : memref<64x128xf32, #tpu.memory_space<vmem>>, vector<64x128xf32>
    %dot_general3A_80 = arith.constant dense<0.000000e+00> : vector<512x128xf32>
    %dot_general3A_81 = tpu.matmul %add3A_76, %get3A_79, %dot_general3A_80 {dimension_numbers = #tpu.dot_dimension_numbers<[1], [0], [0], [1], [0, 0, 1, 1], [], []>, transpose_lhs_hint = false} : vector<512x64xf32>, vector<64x128xf32>, vector<512x128xf32> -> vector<512x128xf32>
    %max3A_82 = arith.constant 0.000000e+00 : f32
    %max3A_83 = vector.broadcast %max3A_82 : f32 to vector<512x128xf32>
    %max3A_84 = arith.maximumf %dot_general3A_81, %max3A_83 : vector<512x128xf32>
    %get3A_85 = arith.constant 0 : index
    %get3A_86 = arith.constant 0 : index
    %get3A_87 = vector.load %arg11[%get3A_85, %get3A_86] : memref<128x64xf32, #tpu.memory_space<vmem>>, vector<128x64xf32>
    %dot_general3A_88 = arith.constant dense<0.000000e+00> : vector<512x64xf32>
    %dot_general3A_89 = tpu.matmul %max3A_84, %get3A_87, %dot_general3A_88 {dimension_numbers = #tpu.dot_dimension_numbers<[1], [0], [0], [1], [0, 0, 1, 1], [], []>, transpose_lhs_hint = false} : vector<512x128xf32>, vector<128x64xf32>, vector<512x64xf32> -> vector<512x64xf32>
    %add3A_90 = arith.addf %add3A_46, %dot_general3A_89 : vector<512x64xf32>
    %swap3A = arith.constant 0 : index
    %swap3A_91 = arith.constant 0 : index
    %swap3A_92 = arith.constant 0 : index
    %swap3A_93 = vector.load %arg17[%swap3A, %swap3A_91, %swap3A_92] : memref<1x512x64xf32, #tpu.memory_space<vmem>>, vector<1x512x64xf32>
    %swap3A_94 = vector.shape_cast %swap3A_93 : vector<1x512x64xf32> to vector<512x64xf32>
    %swap3A_95 = vector.shape_cast %add3A_90 : vector<512x64xf32> to vector<1x512x64xf32>
    tpu.vector_store %arg17[%swap3A, %swap3A_91, %swap3A_92], %swap3A_95 {strides = array<i32>} : memref<1x512x64xf32, #tpu.memory_space<vmem>>, vector<1x512x64xf32>,
    %get3A_96 = arith.constant 0 : index
    %get3A_97 = arith.constant 0 : index
    %get3A_98 = vector.load %arg12[%get3A_96, %get3A_97] : memref<1x64xf32, #tpu.memory_space<vmem>>, vector<1x64xf32>
    %get3A_99 = arith.constant 0 : index
    %get3A_100 = arith.constant 0 : index
    %get3A_101 = vector.load %arg13[%get3A_99, %get3A_100] : memref<1x64xf32, #tpu.memory_space<vmem>>, vector<1x64xf32>
    %reduce_sum3A_102 = arith.constant dense<0.000000e+00> : vector<512xf32>
    %reduce_sum3A_103 = vector.multi_reduction <add>, %add3A_90, %reduce_sum3A_102 [1] : vector<512x64xf32> to vector<512xf32>
    %broadcast_in_dim3A_104 = vector.shape_cast %reduce_sum3A_103 : vector<512xf32> to vector<512x1xf32>
    %div3A_105 = arith.constant 6.400000e+01 : f32
    %div3A_106 = vector.broadcast %div3A_105 : f32 to vector<512x1xf32>
    %div3A_107 = arith.divf %broadcast_in_dim3A_104, %div3A_106 : vector<512x1xf32>
    %sub3A_108 = vector.broadcast %div3A_107 : vector<512x1xf32> to vector<512x64xf32>
    %sub3A_109 = arith.subf %add3A_90, %sub3A_108 : vector<512x64xf32>
    %sub3A_110 = vector.broadcast %div3A_107 : vector<512x1xf32> to vector<512x64xf32>
    %sub3A_111 = arith.subf %add3A_90, %sub3A_110 : vector<512x64xf32>
    %mul3A_112 = arith.mulf %sub3A_109, %sub3A_111 : vector<512x64xf32>
    %reduce_sum3A_113 = arith.constant dense<0.000000e+00> : vector<512xf32>
    %reduce_sum3A_114 = vector.multi_reduction <add>, %mul3A_112, %reduce_sum3A_113 [1] : vector<512x64xf32> to vector<512xf32>
    %broadcast_in_dim3A_115 = vector.shape_cast %reduce_sum3A_114 : vector<512xf32> to vector<512x1xf32>
    %div3A_116 = arith.constant 6.400000e+01 : f32
    %div3A_117 = vector.broadcast %div3A_116 : f32 to vector<512x1xf32>
    %div3A_118 = arith.divf %broadcast_in_dim3A_115, %div3A_117 : vector<512x1xf32>
    %sub3A_119 = vector.broadcast %div3A_107 : vector<512x1xf32> to vector<512x64xf32>
    %sub3A_120 = arith.subf %add3A_90, %sub3A_119 : vector<512x64xf32>
    %add3A_121 = arith.constant 9.99999974E-6 : f32
    %add3A_122 = vector.broadcast %add3A_121 : f32 to vector<512x1xf32>
    %add3A_123 = arith.addf %div3A_118, %add3A_122 : vector<512x1xf32>
    %sqrt3A_124 = math.sqrt %add3A_123 : vector<512x1xf32>
    %div3A_125 = vector.broadcast %sqrt3A_124 : vector<512x1xf32> to vector<512x64xf32>
    %div3A_126 = arith.divf %sub3A_120, %div3A_125 : vector<512x64xf32>
    %mul3A_127 = vector.broadcast %get3A_98 : vector<1x64xf32> to vector<512x64xf32>
    %mul3A_128 = arith.mulf %div3A_126, %mul3A_127 : vector<512x64xf32>
    %add3A_129 = vector.broadcast %get3A_101 : vector<1x64xf32> to vector<512x64xf32>
    %add3A_130 = arith.addf %mul3A_128, %add3A_129 : vector<512x64xf32>
    %get3A_131 = arith.constant 0 : index
    %get3A_132 = arith.constant 0 : index
    %get3A_133 = arith.constant 0 : index
    %get3A_134 = vector.load %arg5[%get3A_131, %get3A_132, %get3A_133] : memref<1x512x8xf32, #tpu.memory_space<vmem>>, vector<1x512x8xf32>
    %get3A_135 = vector.shape_cast %get3A_134 : vector<1x512x8xf32> to vector<512x8xf32>
    %get3A_136 = arith.constant 0 : index
    %get3A_137 = arith.constant 0 : index
    %get3A_138 = vector.load %arg16[%get3A_136, %get3A_137] : memref<8x64xf32, #tpu.memory_space<vmem>>, vector<8x64xf32>
    %dot_general3A_139 = arith.constant dense<0.000000e+00> : vector<512x64xf32>
    %dot_general3A_140 = tpu.matmul %get3A_135, %get3A_138, %dot_general3A_139 {dimension_numbers = #tpu.dot_dimension_numbers<[1], [0], [0], [1], [0, 0, 1, 1], [], []>, transpose_lhs_hint = false} : vector<512x8xf32>, vector<8x64xf32>, vector<512x64xf32> -> vector<512x64xf32>
    %get3A_141 = arith.constant 0 : index
    %get3A_142 = arith.constant 0 : index
    %get3A_143 = vector.load %arg14[%get3A_141, %get3A_142] : memref<64x64xf32, #tpu.memory_space<vmem>>, vector<64x64xf32>
    %dot_general3A_144 = arith.constant dense<0.000000e+00> : vector<512x64xf32>
    %dot_general3A_145 = tpu.matmul %add3A_130, %get3A_143, %dot_general3A_144 {dimension_numbers = #tpu.dot_dimension_numbers<[1], [0], [0], [1], [0, 0, 1, 1], [], []>, transpose_lhs_hint = false} : vector<512x64xf32>, vector<64x64xf32>, vector<512x64xf32> -> vector<512x64xf32>
    %sub3A_146 = arith.subf %dot_general3A_145, %dot_general3A_140 : vector<512x64xf32>
    %swap3A_147 = arith.constant 0 : index
    %swap3A_148 = arith.constant 0 : index
    %swap3A_149 = arith.constant 0 : index
    %swap3A_150 = vector.load %arg18[%swap3A_147, %swap3A_148, %swap3A_149] : memref<1x512x64xf32, #tpu.memory_space<vmem>>, vector<1x512x64xf32>
    %swap3A_151 = vector.shape_cast %swap3A_150 : vector<1x512x64xf32> to vector<512x64xf32>
    %swap3A_152 = vector.shape_cast %sub3A_146 : vector<512x64xf32> to vector<1x512x64xf32>
    tpu.vector_store %arg18[%swap3A_147, %swap3A_148, %swap3A_149], %swap3A_152 {strides = array<i32>} : memref<1x512x64xf32, #tpu.memory_space<vmem>>, vector<1x512x64xf32>,
    %get3A_153 = arith.constant 0 : index
    %get3A_154 = arith.constant 0 : index
    %get3A_155 = vector.load %arg15[%get3A_153, %get3A_154] : memref<64x64xf32, #tpu.memory_space<vmem>>, vector<64x64xf32>
    %dot_general3A_156 = arith.constant dense<0.000000e+00> : vector<512x64xf32>
    %dot_general3A_157 = tpu.matmul %add3A_130, %get3A_155, %dot_general3A_156 {dimension_numbers = #tpu.dot_dimension_numbers<[1], [0], [0], [1], [0, 0, 1, 1], [], []>, transpose_lhs_hint = false} : vector<512x64xf32>, vector<64x64xf32>, vector<512x64xf32> -> vector<512x64xf32>
    %add3A_158 = arith.addf %dot_general3A_157, %dot_general3A_140 : vector<512x64xf32>
    %broadcast_in_dim3A_159 = arith.constant 0.000000e+00 : f32
    %broadcast_in_dim3A_160 = vector.broadcast %broadcast_in_dim3A_159 : f32 to vector<512x64xf32>
    %concatenate3A_161 = tpu.concatenate %add3A_158, %broadcast_in_dim3A_160 in 1 : vector<512x64xf32>, vector<512x64xf32> -> vector<512x128xf32>
    %swap3A_162 = arith.constant 0 : index
    %swap3A_163 = arith.constant 0 : index
    %swap3A_164 = arith.constant 0 : index
    %swap3A_165 = vector.load %arg19[%swap3A_162, %swap3A_163, %swap3A_164] : memref<1x512x128xf32, #tpu.memory_space<vmem>>, vector<1x512x128xf32>
    %swap3A_166 = vector.shape_cast %swap3A_165 : vector<1x512x128xf32> to vector<512x128xf32>
    %swap3A_167 = vector.shape_cast %concatenate3A_161 : vector<512x128xf32> to vector<1x512x128xf32>
    tpu.vector_store %arg19[%swap3A_162, %swap3A_163, %swap3A_164], %swap3A_167 {strides = array<i32>} : memref<1x512x128xf32, #tpu.memory_space<vmem>>, vector<1x512x128xf32>,
    return
  }
  func.func @transform_0(%arg0: i32, %arg1: i32) -> (i32, i32, i32) {
    %c0_i32 = arith.constant 0 : i32
    %c0_i32_0 = arith.constant 0 : i32
    return %arg0, %arg1, %c0_i32 : i32, i32, i32
  }
  func.func @transform_1(%arg0: i32, %arg1: i32) -> (i32, i32, i32) {
    %c0_i32 = arith.constant 0 : i32
    %c0_i32_0 = arith.constant 0 : i32
    return %arg0, %arg1, %c0_i32 : i32, i32, i32
  }
  func.func @transform_2(%arg0: i32, %arg1: i32) -> (i32, i32, i32) {
    %c0_i32 = arith.constant 0 : i32
    %c0_i32_0 = arith.constant 0 : i32
    return %arg0, %arg1, %c0_i32 : i32, i32, i32
  }
  func.func @transform_3(%arg0: i32, %arg1: i32) -> (i32, i32, i32) {
    %c0_i32 = arith.constant 0 : i32
    %c0_i32_0 = arith.constant 0 : i32
    return %arg0, %arg1, %c0_i32 : i32, i32, i32
  }
  func.func @transform_4(%arg0: i32, %arg1: i32) -> (i32, i32) {
    %c0_i32 = arith.constant 0 : i32
    %c0_i32_0 = arith.constant 0 : i32
    %c0_i32_1 = arith.constant 0 : i32
    return %c0_i32, %c0_i32_0 : i32, i32
  }
  func.func @transform_5(%arg0: i32, %arg1: i32) -> (i32, i32) {
    %c0_i32 = arith.constant 0 : i32
    %c0_i32_0 = arith.constant 0 : i32
    %c0_i32_1 = arith.constant 0 : i32
    return %c0_i32, %c0_i32_0 : i32, i32
  }
  func.func @transform_6(%arg0: i32, %arg1: i32) -> (i32, i32) {
    %c0_i32 = arith.constant 0 : i32
    %c0_i32_0 = arith.constant 0 : i32
    %c0_i32_1 = arith.constant 0 : i32
    return %c0_i32, %c0_i32_0 : i32, i32
  }
  func.func @transform_7(%arg0: i32, %arg1: i32) -> (i32, i32) {
    %c0_i32 = arith.constant 0 : i32
    %c0_i32_0 = arith.constant 0 : i32
    %c0_i32_1 = arith.constant 0 : i32
    return %c0_i32, %c0_i32_0 : i32, i32
  }
  func.func @transform_8(%arg0: i32, %arg1: i32) -> (i32, i32) {
    %c0_i32 = arith.constant 0 : i32
    %c0_i32_0 = arith.constant 0 : i32
    %c0_i32_1 = arith.constant 0 : i32
    return %c0_i32, %c0_i32_0 : i32, i32
  }
  func.func @transform_9(%arg0: i32, %arg1: i32) -> (i32, i32) {
    %c0_i32 = arith.constant 0 : i32
    %c0_i32_0 = arith.constant 0 : i32
    %c0_i32_1 = arith.constant 0 : i32
    return %c0_i32, %c0_i32_0 : i32, i32
  }
  func.func @transform_10(%arg0: i32, %arg1: i32) -> (i32, i32) {
    %c0_i32 = arith.constant 0 : i32
    %c0_i32_0 = arith.constant 0 : i32
    %c0_i32_1 = arith.constant 0 : i32
    return %c0_i32, %c0_i32_0 : i32, i32
  }
  func.func @transform_11(%arg0: i32, %arg1: i32) -> (i32, i32) {
    %c0_i32 = arith.constant 0 : i32
    %c0_i32_0 = arith.constant 0 : i32
    %c0_i32_1 = arith.constant 0 : i32
    return %c0_i32, %c0_i32_0 : i32, i32
  }
  func.func @transform_12(%arg0: i32, %arg1: i32) -> (i32, i32) {
    %c0_i32 = arith.constant 0 : i32
    %c0_i32_0 = arith.constant 0 : i32
    %c0_i32_1 = arith.constant 0 : i32
    return %c0_i32, %c0_i32_0 : i32, i32
  }
  func.func @transform_13(%arg0: i32, %arg1: i32) -> (i32, i32) {
    %c0_i32 = arith.constant 0 : i32
    %c0_i32_0 = arith.constant 0 : i32
    %c0_i32_1 = arith.constant 0 : i32
    return %c0_i32, %c0_i32_0 : i32, i32
  }
  func.func @transform_14(%arg0: i32, %arg1: i32) -> (i32, i32) {
    %c0_i32 = arith.constant 0 : i32
    %c0_i32_0 = arith.constant 0 : i32
    %c0_i32_1 = arith.constant 0 : i32
    return %c0_i32, %c0_i32_0 : i32, i32
  }
  func.func @transform_15(%arg0: i32, %arg1: i32) -> (i32, i32, i32) {
    %c0_i32 = arith.constant 0 : i32
    %c0_i32_0 = arith.constant 0 : i32
    return %arg0, %arg1, %c0_i32 : i32, i32, i32
  }
  func.func @transform_16(%arg0: i32, %arg1: i32) -> (i32, i32, i32) {
    %c0_i32 = arith.constant 0 : i32
    %c0_i32_0 = arith.constant 0 : i32
    return %arg0, %arg1, %c0_i32 : i32, i32, i32
  }
  func.func @transform_17(%arg0: i32, %arg1: i32) -> (i32, i32, i32) {
    %c0_i32 = arith.constant 0 : i32
    %c0_i32_0 = arith.constant 0 : i32
    return %arg0, %arg1, %c0_i32 : i32, i32, i32
  }
}

module attributes {stable_mosaic.version = 14 : i64} {
  func.func @_final_body(%arg0: i32, %arg1: i32, %arg2: memref<1x512x64xf32, #tpu.memory_space<vmem>>, %arg3: memref<1x512x64xf32, #tpu.memory_space<vmem>>, %arg4: memref<1x8192x128xf32, #tpu.memory_space<vmem>>, %arg5: memref<256x256xf32, #tpu.memory_space<vmem>>, %arg6: memref<64x64xf32, #tpu.memory_space<vmem>>, %arg7: memref<1x64xf32, #tpu.memory_space<vmem>>, %arg8: memref<1x64xf32, #tpu.memory_space<vmem>>, %arg9: memref<64x128xf32, #tpu.memory_space<vmem>>, %arg10: memref<128x64xf32, #tpu.memory_space<vmem>>, %arg11: memref<1x64xf32, #tpu.memory_space<vmem>>, %arg12: memref<1x64xf32, #tpu.memory_space<vmem>>, %arg13: memref<2x128xf32, #tpu.memory_space<vmem>>) attributes {dimension_semantics = [#tpu.dimension_semantics<arbitrary>, #tpu.dimension_semantics<arbitrary>], iteration_bounds = array<i64: 2, 8>, scalar_prefetch = 0 : i64, scratch_operands = 0 : i64, tpu.core_type = #tpu.core_type<tc>, window_params = [{transform_indices = @transform_0, window_bounds = array<i64: 1, 512, 64>}, {transform_indices = @transform_1, window_bounds = array<i64: 1, 512, 64>}, {transform_indices = @transform_2, window_bounds = array<i64: 1, 8192, 128>}, {pipeline_mode = #tpu.pipeline_mode<synchronous>, transform_indices = @transform_3, window_bounds = array<i64: 256, 256>}, {pipeline_mode = #tpu.pipeline_mode<synchronous>, transform_indices = @transform_4, window_bounds = array<i64: 64, 64>}, {pipeline_mode = #tpu.pipeline_mode<synchronous>, transform_indices = @transform_5, window_bounds = array<i64: 1, 64>}, {pipeline_mode = #tpu.pipeline_mode<synchronous>, transform_indices = @transform_6, window_bounds = array<i64: 1, 64>}, {pipeline_mode = #tpu.pipeline_mode<synchronous>, transform_indices = @transform_7, window_bounds = array<i64: 64, 128>}, {pipeline_mode = #tpu.pipeline_mode<synchronous>, transform_indices = @transform_8, window_bounds = array<i64: 128, 64>}, {pipeline_mode = #tpu.pipeline_mode<synchronous>, transform_indices = @transform_9, window_bounds = array<i64: 1, 64>}, {pipeline_mode = #tpu.pipeline_mode<synchronous>, transform_indices = @transform_10, window_bounds = array<i64: 1, 64>}, {pipeline_mode = #tpu.pipeline_mode<synchronous>, transform_indices = @transform_11, window_bounds = array<i64: 2, 128>}]} {
    %get3A = arith.constant 0 : index
    %get3A_0 = arith.constant 0 : index
    %get3A_1 = arith.constant 0 : index
    %get3A_2 = vector.load %arg2[%get3A, %get3A_0, %get3A_1] : memref<1x512x64xf32, #tpu.memory_space<vmem>>, vector<1x512x64xf32>
    %get3A_3 = vector.shape_cast %get3A_2 : vector<1x512x64xf32> to vector<512x64xf32>
    %get3A_4 = arith.constant 0 : index
    %get3A_5 = arith.constant 0 : index
    %get3A_6 = arith.constant 0 : index
    %get3A_7 = vector.load %arg3[%get3A_4, %get3A_5, %get3A_6] : memref<1x512x64xf32, #tpu.memory_space<vmem>>, vector<1x512x64xf32>
    %get3A_8 = vector.shape_cast %get3A_7 : vector<1x512x64xf32> to vector<512x64xf32>
    %get3A_9 = arith.constant 0 : index
    %get3A_10 = arith.constant 0 : index
    %get3A_11 = arith.constant 0 : index
    %get3A_12 = vector.load %arg4[%get3A_9, %get3A_10, %get3A_11] : memref<1x8192x128xf32, #tpu.memory_space<vmem>>, vector<1x8192x128xf32>
    %get3A_13 = vector.shape_cast %get3A_12 : vector<1x8192x128xf32> to vector<8192x128xf32>
    %get3A_14 = arith.constant 0 : index
    %get3A_15 = arith.constant 0 : index
    %get3A_16 = vector.load %arg5[%get3A_14, %get3A_15] : memref<256x256xf32, #tpu.memory_space<vmem>>, vector<256x256xf32>
    %slice3A = vector.extract_strided_slice %get3A_13 {offsets = [0, 0], sizes = [8192, 64], strides = [1, 1]} : vector<8192x128xf32> to vector<8192x64xf32>
    %reshape3A = vector.shape_cast %slice3A : vector<8192x64xf32> to vector<512x16x64xf32>
    %broadcast_in_dim3A = vector.shape_cast %get3A_8 : vector<512x64xf32> to vector<512x1x64xf32>
    %add3A = vector.broadcast %broadcast_in_dim3A : vector<512x1x64xf32> to vector<512x16x64xf32>
    %add3A_17 = arith.addf %reshape3A, %add3A : vector<512x16x64xf32>
    %max3A = arith.constant 0.000000e+00 : f32
    %max3A_18 = vector.broadcast %max3A : f32 to vector<512x16x64xf32>
    %max3A_19 = arith.maximumf %add3A_17, %max3A_18 : vector<512x16x64xf32>
    %slice3A_20 = vector.extract_strided_slice %max3A_19 {offsets = [0, 0, 0], sizes = [512, 4, 64], strides = [1, 1, 1]} : vector<512x16x64xf32> to vector<512x4x64xf32>
    %reshape3A_21 = vector.shape_cast %slice3A_20 : vector<512x4x64xf32> to vector<2048x64xf32>
    %slice3A_22 = vector.extract_strided_slice %max3A_19 {offsets = [0, 4, 0], sizes = [512, 4, 64], strides = [1, 1, 1]} : vector<512x16x64xf32> to vector<512x4x64xf32>
    %reshape3A_23 = vector.shape_cast %slice3A_22 : vector<512x4x64xf32> to vector<2048x64xf32>
    %slice3A_24 = vector.extract_strided_slice %max3A_19 {offsets = [0, 8, 0], sizes = [512, 4, 64], strides = [1, 1, 1]} : vector<512x16x64xf32> to vector<512x4x64xf32>
    %reshape3A_25 = vector.shape_cast %slice3A_24 : vector<512x4x64xf32> to vector<2048x64xf32>
    %slice3A_26 = vector.extract_strided_slice %max3A_19 {offsets = [0, 12, 0], sizes = [512, 4, 64], strides = [1, 1, 1]} : vector<512x16x64xf32> to vector<512x4x64xf32>
    %reshape3A_27 = vector.shape_cast %slice3A_26 : vector<512x4x64xf32> to vector<2048x64xf32>
    %concatenate3A = tpu.concatenate %reshape3A_21, %reshape3A_23, %reshape3A_25, %reshape3A_27 in 1 : vector<2048x64xf32>, vector<2048x64xf32>, vector<2048x64xf32>, vector<2048x64xf32> -> vector<2048x256xf32>
    %dot_general3A = arith.constant dense<0.000000e+00> : vector<2048x256xf32>
    %dot_general3A_28 = tpu.matmul %concatenate3A, %get3A_16, %dot_general3A {dimension_numbers = #tpu.dot_dimension_numbers<[1], [0], [0], [1], [0, 0, 1, 1], [], []>, transpose_lhs_hint = false} : vector<2048x256xf32>, vector<256x256xf32>, vector<2048x256xf32> -> vector<2048x256xf32>
    %max3A_29 = arith.constant 0.000000e+00 : f32
    %max3A_30 = vector.broadcast %max3A_29 : f32 to vector<2048x256xf32>
    %max3A_31 = arith.maximumf %dot_general3A_28, %max3A_30 : vector<2048x256xf32>
    %reshape3A_32 = vector.shape_cast %max3A_31 : vector<2048x256xf32> to vector<512x4x256xf32>
    %reduce_max3A = arith.constant dense<0xFF800000> : vector<512x256xf32>
    %reduce_max3A_33 = vector.multi_reduction <maximumf>, %reshape3A_32, %reduce_max3A [1] : vector<512x4x256xf32> to vector<512x256xf32>
    %slice3A_34 = vector.extract_strided_slice %reduce_max3A_33 {offsets = [0, 0], sizes = [512, 64], strides = [1, 1]} : vector<512x256xf32> to vector<512x64xf32>
    %slice3A_35 = vector.extract_strided_slice %reduce_max3A_33 {offsets = [0, 64], sizes = [512, 64], strides = [1, 1]} : vector<512x256xf32> to vector<512x64xf32>
    %max3A_36 = arith.maximumf %slice3A_34, %slice3A_35 : vector<512x64xf32>
    %slice3A_37 = vector.extract_strided_slice %reduce_max3A_33 {offsets = [0, 128], sizes = [512, 64], strides = [1, 1]} : vector<512x256xf32> to vector<512x64xf32>
    %max3A_38 = arith.maximumf %max3A_36, %slice3A_37 : vector<512x64xf32>
    %slice3A_39 = vector.extract_strided_slice %reduce_max3A_33 {offsets = [0, 192], sizes = [512, 64], strides = [1, 1]} : vector<512x256xf32> to vector<512x64xf32>
    %max3A_40 = arith.maximumf %max3A_38, %slice3A_39 : vector<512x64xf32>
    %get3A_41 = arith.constant 0 : index
    %get3A_42 = arith.constant 0 : index
    %get3A_43 = vector.load %arg6[%get3A_41, %get3A_42] : memref<64x64xf32, #tpu.memory_space<vmem>>, vector<64x64xf32>
    %dot_general3A_44 = arith.constant dense<0.000000e+00> : vector<512x64xf32>
    %dot_general3A_45 = tpu.matmul %max3A_40, %get3A_43, %dot_general3A_44 {dimension_numbers = #tpu.dot_dimension_numbers<[1], [0], [0], [1], [0, 0, 1, 1], [], []>, transpose_lhs_hint = false} : vector<512x64xf32>, vector<64x64xf32>, vector<512x64xf32> -> vector<512x64xf32>
    %add3A_46 = arith.addf %get3A_3, %dot_general3A_45 : vector<512x64xf32>
    %get3A_47 = arith.constant 0 : index
    %get3A_48 = arith.constant 0 : index
    %get3A_49 = vector.load %arg7[%get3A_47, %get3A_48] : memref<1x64xf32, #tpu.memory_space<vmem>>, vector<1x64xf32>
    %get3A_50 = arith.constant 0 : index
    %get3A_51 = arith.constant 0 : index
    %get3A_52 = vector.load %arg8[%get3A_50, %get3A_51] : memref<1x64xf32, #tpu.memory_space<vmem>>, vector<1x64xf32>
    %reduce_sum3A = arith.constant dense<0.000000e+00> : vector<512xf32>
    %reduce_sum3A_53 = vector.multi_reduction <add>, %add3A_46, %reduce_sum3A [1] : vector<512x64xf32> to vector<512xf32>
    %broadcast_in_dim3A_54 = vector.shape_cast %reduce_sum3A_53 : vector<512xf32> to vector<512x1xf32>
    %div3A = arith.constant 6.400000e+01 : f32
    %div3A_55 = vector.broadcast %div3A : f32 to vector<512x1xf32>
    %div3A_56 = arith.divf %broadcast_in_dim3A_54, %div3A_55 : vector<512x1xf32>
    %sub3A = vector.broadcast %div3A_56 : vector<512x1xf32> to vector<512x64xf32>
    %sub3A_57 = arith.subf %add3A_46, %sub3A : vector<512x64xf32>
    %sub3A_58 = vector.broadcast %div3A_56 : vector<512x1xf32> to vector<512x64xf32>
    %sub3A_59 = arith.subf %add3A_46, %sub3A_58 : vector<512x64xf32>
    %mul3A = arith.mulf %sub3A_57, %sub3A_59 : vector<512x64xf32>
    %reduce_sum3A_60 = arith.constant dense<0.000000e+00> : vector<512xf32>
    %reduce_sum3A_61 = vector.multi_reduction <add>, %mul3A, %reduce_sum3A_60 [1] : vector<512x64xf32> to vector<512xf32>
    %broadcast_in_dim3A_62 = vector.shape_cast %reduce_sum3A_61 : vector<512xf32> to vector<512x1xf32>
    %div3A_63 = arith.constant 6.400000e+01 : f32
    %div3A_64 = vector.broadcast %div3A_63 : f32 to vector<512x1xf32>
    %div3A_65 = arith.divf %broadcast_in_dim3A_62, %div3A_64 : vector<512x1xf32>
    %sub3A_66 = vector.broadcast %div3A_56 : vector<512x1xf32> to vector<512x64xf32>
    %sub3A_67 = arith.subf %add3A_46, %sub3A_66 : vector<512x64xf32>
    %add3A_68 = arith.constant 9.99999974E-6 : f32
    %add3A_69 = vector.broadcast %add3A_68 : f32 to vector<512x1xf32>
    %add3A_70 = arith.addf %div3A_65, %add3A_69 : vector<512x1xf32>
    %sqrt3A = math.sqrt %add3A_70 : vector<512x1xf32>
    %div3A_71 = vector.broadcast %sqrt3A : vector<512x1xf32> to vector<512x64xf32>
    %div3A_72 = arith.divf %sub3A_67, %div3A_71 : vector<512x64xf32>
    %mul3A_73 = vector.broadcast %get3A_49 : vector<1x64xf32> to vector<512x64xf32>
    %mul3A_74 = arith.mulf %div3A_72, %mul3A_73 : vector<512x64xf32>
    %add3A_75 = vector.broadcast %get3A_52 : vector<1x64xf32> to vector<512x64xf32>
    %add3A_76 = arith.addf %mul3A_74, %add3A_75 : vector<512x64xf32>
    %get3A_77 = arith.constant 0 : index
    %get3A_78 = arith.constant 0 : index
    %get3A_79 = vector.load %arg9[%get3A_77, %get3A_78] : memref<64x128xf32, #tpu.memory_space<vmem>>, vector<64x128xf32>
    %dot_general3A_80 = arith.constant dense<0.000000e+00> : vector<512x128xf32>
    %dot_general3A_81 = tpu.matmul %add3A_76, %get3A_79, %dot_general3A_80 {dimension_numbers = #tpu.dot_dimension_numbers<[1], [0], [0], [1], [0, 0, 1, 1], [], []>, transpose_lhs_hint = false} : vector<512x64xf32>, vector<64x128xf32>, vector<512x128xf32> -> vector<512x128xf32>
    %max3A_82 = arith.constant 0.000000e+00 : f32
    %max3A_83 = vector.broadcast %max3A_82 : f32 to vector<512x128xf32>
    %max3A_84 = arith.maximumf %dot_general3A_81, %max3A_83 : vector<512x128xf32>
    %get3A_85 = arith.constant 0 : index
    %get3A_86 = arith.constant 0 : index
    %get3A_87 = vector.load %arg10[%get3A_85, %get3A_86] : memref<128x64xf32, #tpu.memory_space<vmem>>, vector<128x64xf32>
    %dot_general3A_88 = arith.constant dense<0.000000e+00> : vector<512x64xf32>
    %dot_general3A_89 = tpu.matmul %max3A_84, %get3A_87, %dot_general3A_88 {dimension_numbers = #tpu.dot_dimension_numbers<[1], [0], [0], [1], [0, 0, 1, 1], [], []>, transpose_lhs_hint = false} : vector<512x128xf32>, vector<128x64xf32>, vector<512x64xf32> -> vector<512x64xf32>
    %add3A_90 = arith.addf %add3A_46, %dot_general3A_89 : vector<512x64xf32>
    %get3A_91 = arith.constant 0 : index
    %get3A_92 = arith.constant 0 : index
    %get3A_93 = vector.load %arg11[%get3A_91, %get3A_92] : memref<1x64xf32, #tpu.memory_space<vmem>>, vector<1x64xf32>
    %get3A_94 = arith.constant 0 : index
    %get3A_95 = arith.constant 0 : index
    %get3A_96 = vector.load %arg12[%get3A_94, %get3A_95] : memref<1x64xf32, #tpu.memory_space<vmem>>, vector<1x64xf32>
    %reduce_sum3A_97 = arith.constant dense<0.000000e+00> : vector<512xf32>
    %reduce_sum3A_98 = vector.multi_reduction <add>, %add3A_90, %reduce_sum3A_97 [1] : vector<512x64xf32> to vector<512xf32>
    %broadcast_in_dim3A_99 = vector.shape_cast %reduce_sum3A_98 : vector<512xf32> to vector<512x1xf32>
    %div3A_100 = arith.constant 6.400000e+01 : f32
    %div3A_101 = vector.broadcast %div3A_100 : f32 to vector<512x1xf32>
    %div3A_102 = arith.divf %broadcast_in_dim3A_99, %div3A_101 : vector<512x1xf32>
    %sub3A_103 = vector.broadcast %div3A_102 : vector<512x1xf32> to vector<512x64xf32>
    %sub3A_104 = arith.subf %add3A_90, %sub3A_103 : vector<512x64xf32>
    %sub3A_105 = vector.broadcast %div3A_102 : vector<512x1xf32> to vector<512x64xf32>
    %sub3A_106 = arith.subf %add3A_90, %sub3A_105 : vector<512x64xf32>
    %mul3A_107 = arith.mulf %sub3A_104, %sub3A_106 : vector<512x64xf32>
    %reduce_sum3A_108 = arith.constant dense<0.000000e+00> : vector<512xf32>
    %reduce_sum3A_109 = vector.multi_reduction <add>, %mul3A_107, %reduce_sum3A_108 [1] : vector<512x64xf32> to vector<512xf32>
    %broadcast_in_dim3A_110 = vector.shape_cast %reduce_sum3A_109 : vector<512xf32> to vector<512x1xf32>
    %div3A_111 = arith.constant 6.400000e+01 : f32
    %div3A_112 = vector.broadcast %div3A_111 : f32 to vector<512x1xf32>
    %div3A_113 = arith.divf %broadcast_in_dim3A_110, %div3A_112 : vector<512x1xf32>
    %sub3A_114 = vector.broadcast %div3A_102 : vector<512x1xf32> to vector<512x64xf32>
    %sub3A_115 = arith.subf %add3A_90, %sub3A_114 : vector<512x64xf32>
    %add3A_116 = arith.constant 9.99999974E-6 : f32
    %add3A_117 = vector.broadcast %add3A_116 : f32 to vector<512x1xf32>
    %add3A_118 = arith.addf %div3A_113, %add3A_117 : vector<512x1xf32>
    %sqrt3A_119 = math.sqrt %add3A_118 : vector<512x1xf32>
    %div3A_120 = vector.broadcast %sqrt3A_119 : vector<512x1xf32> to vector<512x64xf32>
    %div3A_121 = arith.divf %sub3A_115, %div3A_120 : vector<512x64xf32>
    %mul3A_122 = vector.broadcast %get3A_93 : vector<1x64xf32> to vector<512x64xf32>
    %mul3A_123 = arith.mulf %div3A_121, %mul3A_122 : vector<512x64xf32>
    %add3A_124 = vector.broadcast %get3A_96 : vector<1x64xf32> to vector<512x64xf32>
    %add3A_125 = arith.addf %mul3A_123, %add3A_124 : vector<512x64xf32>
    %reduce_sum3A_126 = arith.constant dense<0.000000e+00> : vector<64xf32>
    %reduce_sum3A_127 = vector.multi_reduction <add>, %add3A_125, %reduce_sum3A_126 [0] : vector<512x64xf32> to vector<64xf32>
    %broadcast_in_dim3A_128 = vector.shape_cast %reduce_sum3A_127 : vector<64xf32> to vector<1x64xf32>
    %mul3A_129 = arith.constant 2.44140625E-4 : f32
    %mul3A_130 = vector.broadcast %mul3A_129 : f32 to vector<1x64xf32>
    %mul3A_131 = arith.mulf %broadcast_in_dim3A_128, %mul3A_130 : vector<1x64xf32>
    %reduce_max3A_132 = arith.constant dense<0xFF800000> : vector<64xf32>
    %reduce_max3A_133 = vector.multi_reduction <maximumf>, %add3A_125, %reduce_max3A_132 [0] : vector<512x64xf32> to vector<64xf32>
    %broadcast_in_dim3A_134 = vector.shape_cast %reduce_max3A_133 : vector<64xf32> to vector<1x64xf32>
    %concatenate3A_135 = tpu.concatenate %mul3A_131, %broadcast_in_dim3A_134 in 1 : vector<1x64xf32>, vector<1x64xf32> -> vector<1x128xf32>
    %broadcast_in_dim3A_136 = vector.shape_cast %concatenate3A_135 : vector<1x128xf32> to vector<1x128xf32>
    %broadcast_in_dim3A_137 = vector.broadcast %broadcast_in_dim3A_136 : vector<1x128xf32> to vector<2x128xf32>
    %iota3A = tpu.iota {dimensions = array<i32: 0>} : vector<2x1xi32>
    %eq3A = vector.broadcast %arg0 : i32 to vector<2x1xi32>
    %eq3A_138 = arith.cmpi eq, %iota3A, %eq3A : vector<2x1xi32>
    %get3A_139 = arith.constant 0 : index
    %get3A_140 = arith.constant 0 : index
    %get3A_141 = vector.load %arg13[%get3A_139, %get3A_140] : memref<2x128xf32, #tpu.memory_space<vmem>>, vector<2x128xf32>
    %eq3A_142 = arith.constant 0 : i32
    %eq3A_143 = arith.cmpi eq, %arg1, %eq3A_142 : i32
    %convert_element_type3A = arith.extui %eq3A_143 : i1 to i32
    %cond3A = arith.constant 0 : i32
    %cond3A_144 = arith.cmpi ne, %convert_element_type3A, %cond3A : i32
    scf.if %cond3A_144 {
      %broadcast_in_dim3A_149 = vector.shape_cast %eq3A_138 : vector<2x1xi1> to vector<2x1xi1>
      %broadcast_in_dim3A_150 = vector.broadcast %broadcast_in_dim3A_149 : vector<2x1xi1> to vector<2x128xi1>
      %select_n3A = arith.select %broadcast_in_dim3A_150, %broadcast_in_dim3A_137, %get3A_141 : vector<2x128xi1>, vector<2x128xf32>
      %swap3A = arith.constant 0 : index
      %swap3A_151 = arith.constant 0 : index
      %swap3A_152 = vector.load %arg13[%swap3A, %swap3A_151] : memref<2x128xf32, #tpu.memory_space<vmem>>, vector<2x128xf32>
      tpu.vector_store %arg13[%swap3A, %swap3A_151], %select_n3A {strides = array<i32>} : memref<2x128xf32, #tpu.memory_space<vmem>>, vector<2x128xf32>,
    } else {
    }
    %gt3A = arith.constant 0 : i32
    %gt3A_145 = arith.cmpi sgt, %arg1, %gt3A : i32
    %convert_element_type3A_146 = arith.extui %gt3A_145 : i1 to i32
    %cond3A_147 = arith.constant 0 : i32
    %cond3A_148 = arith.cmpi ne, %convert_element_type3A_146, %cond3A_147 : i32
    scf.if %cond3A_148 {
      %slice3A_149 = vector.extract_strided_slice %get3A_141 {offsets = [0, 0], sizes = [2, 64], strides = [1, 1]} : vector<2x128xf32> to vector<2x64xf32>
      %slice3A_150 = vector.extract_strided_slice %broadcast_in_dim3A_137 {offsets = [0, 0], sizes = [2, 64], strides = [1, 1]} : vector<2x128xf32> to vector<2x64xf32>
      %add3A_151 = arith.addf %slice3A_149, %slice3A_150 : vector<2x64xf32>
      %slice3A_152 = vector.extract_strided_slice %get3A_141 {offsets = [0, 64], sizes = [2, 64], strides = [1, 1]} : vector<2x128xf32> to vector<2x64xf32>
      %slice3A_153 = vector.extract_strided_slice %broadcast_in_dim3A_137 {offsets = [0, 64], sizes = [2, 64], strides = [1, 1]} : vector<2x128xf32> to vector<2x64xf32>
      %max3A_154 = arith.maximumf %slice3A_152, %slice3A_153 : vector<2x64xf32>
      %concatenate3A_155 = tpu.concatenate %add3A_151, %max3A_154 in 1 : vector<2x64xf32>, vector<2x64xf32> -> vector<2x128xf32>
      %broadcast_in_dim3A_156 = vector.shape_cast %eq3A_138 : vector<2x1xi1> to vector<2x1xi1>
      %broadcast_in_dim3A_157 = vector.broadcast %broadcast_in_dim3A_156 : vector<2x1xi1> to vector<2x128xi1>
      %select_n3A = arith.select %broadcast_in_dim3A_157, %concatenate3A_155, %get3A_141 : vector<2x128xi1>, vector<2x128xf32>
      %swap3A = arith.constant 0 : index
      %swap3A_158 = arith.constant 0 : index
      %swap3A_159 = vector.load %arg13[%swap3A, %swap3A_158] : memref<2x128xf32, #tpu.memory_space<vmem>>, vector<2x128xf32>
      tpu.vector_store %arg13[%swap3A, %swap3A_158], %select_n3A {strides = array<i32>} : memref<2x128xf32, #tpu.memory_space<vmem>>, vector<2x128xf32>,
    } else {
    }
    return
  }
  func.func @transform_0(%arg0: i32, %arg1: i32) -> (i32, i32, i32) {
    %c0_i32 = arith.constant 0 : i32
    %c0_i32_0 = arith.constant 0 : i32
    return %arg0, %arg1, %c0_i32 : i32, i32, i32
  }
  func.func @transform_1(%arg0: i32, %arg1: i32) -> (i32, i32, i32) {
    %c0_i32 = arith.constant 0 : i32
    %c0_i32_0 = arith.constant 0 : i32
    return %arg0, %arg1, %c0_i32 : i32, i32, i32
  }
  func.func @transform_2(%arg0: i32, %arg1: i32) -> (i32, i32, i32) {
    %c0_i32 = arith.constant 0 : i32
    %c0_i32_0 = arith.constant 0 : i32
    return %arg0, %arg1, %c0_i32 : i32, i32, i32
  }
  func.func @transform_3(%arg0: i32, %arg1: i32) -> (i32, i32) {
    %c0_i32 = arith.constant 0 : i32
    %c0_i32_0 = arith.constant 0 : i32
    %c0_i32_1 = arith.constant 0 : i32
    return %c0_i32, %c0_i32_0 : i32, i32
  }
  func.func @transform_4(%arg0: i32, %arg1: i32) -> (i32, i32) {
    %c0_i32 = arith.constant 0 : i32
    %c0_i32_0 = arith.constant 0 : i32
    %c0_i32_1 = arith.constant 0 : i32
    return %c0_i32, %c0_i32_0 : i32, i32
  }
  func.func @transform_5(%arg0: i32, %arg1: i32) -> (i32, i32) {
    %c0_i32 = arith.constant 0 : i32
    %c0_i32_0 = arith.constant 0 : i32
    %c0_i32_1 = arith.constant 0 : i32
    return %c0_i32, %c0_i32_0 : i32, i32
  }
  func.func @transform_6(%arg0: i32, %arg1: i32) -> (i32, i32) {
    %c0_i32 = arith.constant 0 : i32
    %c0_i32_0 = arith.constant 0 : i32
    %c0_i32_1 = arith.constant 0 : i32
    return %c0_i32, %c0_i32_0 : i32, i32
  }
  func.func @transform_7(%arg0: i32, %arg1: i32) -> (i32, i32) {
    %c0_i32 = arith.constant 0 : i32
    %c0_i32_0 = arith.constant 0 : i32
    %c0_i32_1 = arith.constant 0 : i32
    return %c0_i32, %c0_i32_0 : i32, i32
  }
  func.func @transform_8(%arg0: i32, %arg1: i32) -> (i32, i32) {
    %c0_i32 = arith.constant 0 : i32
    %c0_i32_0 = arith.constant 0 : i32
    %c0_i32_1 = arith.constant 0 : i32
    return %c0_i32, %c0_i32_0 : i32, i32
  }
  func.func @transform_9(%arg0: i32, %arg1: i32) -> (i32, i32) {
    %c0_i32 = arith.constant 0 : i32
    %c0_i32_0 = arith.constant 0 : i32
    %c0_i32_1 = arith.constant 0 : i32
    return %c0_i32, %c0_i32_0 : i32, i32
  }
  func.func @transform_10(%arg0: i32, %arg1: i32) -> (i32, i32) {
    %c0_i32 = arith.constant 0 : i32
    %c0_i32_0 = arith.constant 0 : i32
    %c0_i32_1 = arith.constant 0 : i32
    return %c0_i32, %c0_i32_0 : i32, i32
  }
  func.func @transform_11(%arg0: i32, %arg1: i32) -> (i32, i32) {
    %c0_i32 = arith.constant 0 : i32
    %c0_i32_0 = arith.constant 0 : i32
    %c0_i32_1 = arith.constant 0 : i32
    return %c0_i32, %c0_i32_0 : i32, i32
  }
}

</mosaic_0001>

<sc_bundles>
// kernel: kernel.21.cloned.1.call-start
scs
__scs_entry_jumppad:
0x0: {  	(pc) =	sbr.rel $0x88, $3  }
0x1: {  	(tag) =	ssettag $0x0;
	lr =	simm.s32 $0x1  }
0x2: {  	[smem:$0x3F8F] =	sst lr;
	_ =	strace $0xD0000000  }
0x3: {  	_ = 	snop  }
0x4: {  	_ = 	snop  }
0x5: {  	_ = 	snop  }
0x6: {  	_ = 	snop  }
0x7: {  	_ = 	snop  }
__scs_overlays_trampoline_lowered:
0x8: {  	[smem:$0x3F9E] =	sst s0  }
0x9: {  	[smem:$0x3F9F] =	sst s1  }
0xa: {  	[smem:$0x3FA0] =	sst s2  }
0xb: {  	[smem:$0x3FA1] =	sst s3  }
0xc: {  	[smem:$0x3FA2] =	sst s4  }
0xd: {  	[smem:$0x3FA3] =	sst s5  }
0xe: {  	[smem:$0x3FA4] =	sst s6  }
0xf: {  	[smem:$0x3FA5] =	sst s7  }
0x10: {  	[smem:$0x3FA6] =	sst s8  }
0x11: {  	[smem:$0x3FA7] =	sst s9;
	s0 =	simm.s32 @!p0 $0x0  }
0x12: {  	s1 =	sld [smem:$0x3F8D];
	s0 =	simm.s32 @p0 $0x1  }
0x13: {  	[smem:$0x3FA8] =	sst s0;
	s0 =	simm.s32 @!p1 $0x0  }
0x14: {  	s2 =	sld [smem:$0x3F8C];
	s0 =	simm.s32 @p1 $0x1  }
0x15: {  	[smem:$0x3FA9] =	sst s0;
	s0 =	simm.s32 @!p2 $0x0  }
0x16: {  	s3 =	sld [smem:$0x3FDB];
	s0 =	simm.s32 @p2 $0x1  }
0x17: {  	s4 =	simm.s32 $0x1BF5;
	[smem:$0x3FAB] =	sst s0  }
0x18: {  	s0 =	sld [smem:$0x3F8E];
	_ =	swait.ge [sflag:s4], $0x0  }
0x19: {  	s7 =	sld [smem:$0x3F8F]  }
0x1a: {  	s8 =	sadd.s32 $0xFFFFE003, lr  }
0x1b: {  	s9 =	sadd.s32 $0xFFFFFEF7, lr;
	s5 =	simm.s32 $0xFFFFFFFF;
	p2 =	slt.u32 s8, $0xFFFFF086  }
0x1c: {  	p1 =	slt.u32 s9, $0xF7A;
	s5 =	simm.s32 @!p2 $0x0  }
0x1d: {  	s5 =	simm.s32 @p1 $0x1;
	p0 =	seq.s32 s7, s2  }
0x1e: {  	s7 =	smul.u32 @!p0 $0xF7A, s2;
	p2 =	seq.s32 @!p0 s5, $0x0  }
0x1f: {  	s9 =	smul.u32 $0xF7A, s1;
	s8 =	simm.s32 @!p0 $0x1BF5;
	p2 =	por !p2, p0  }
0x20: {  	[sflag:s8] =	ssyncset.s32 @!p0 $0xFFFFF086;
	s6 =	sadd.s32 @!p0 s3, s7;
	s7 =	simm.s32 @!p0 $0x108  }
0x21: {  	s3 =	sadd.s32 s3, s9;
	s6 =	sadd.s32 @!p0 $0x88, s6;
	s7 =	simm.s32 @p2 $0x1082  }
0x22: {  	[simem:s7], [sflag:s8] =	dma.local @!p0 [hbm:s6], $0xF7A  }
0x23: {  	s9 =	sor.u32 $0xD0000000, s2;
	s6 =	simm.s32 $0x108;
	_ =	swait.ge @!p0 [sflag:s8], $0x0  }
0x24: {  	s3 =	sadd.s32 $0x88, s3;
	s6 =	simm.s32 @!p1 $0x1082;
	[sflag:s4] =	ssyncset.s32 $0xFFFFF086  }
0x25: {  	[simem:s6], [sflag:s4] =	dma.local [hbm:s3], $0xF7A  }
0x26: {  	[smem:$0x3F8F] =	sst s1;
	(tag) =	ssettag s2;
	_ =	strace s9  }
0x27: {  	s1 =	sld [smem:$0x3F9F]  }
0x28: {  	s2 =	sld [smem:$0x3FA0]  }
0x29: {  	s4 =	sld [smem:$0x3FA2]  }
0x2a: {  	p0 =	seq.s32 s5, $0x0;
	s5 =	sld [smem:$0x3FA3]  }
0x2b: {  	s6 =	sld [smem:$0x3FA4]  }
0x2c: {  	s7 =	sld [smem:$0x3FA5]  }
0x2d: {  	s3 =	simm.s32 $0x108;
	s8 =	sld [smem:$0x3FA6]  }
0x2e: {  	s3 =	simm.s32 @!p0 $0x1082;
	s9 =	sld [smem:$0x3FA7]  }
0x2f: {  	lr =	sadd.s32 s0, s3;
	s0 =	sld [smem:$0x3F9E]  }
0x30: {  	s3 =	sld [smem:$0x3FA1]  }
0x31: {  	[smem:$0x3FAA] =	sst s10  }
0x32: {  	s10 =	sld [smem:$0x3FA8];
	_ =	sdelay $0x3  }
0x33: {  	p0 =	seq.s32 s10, $0x1;
	s10 =	sld [smem:$0x3FAA];
	_ =	sdelay $0x3  }
0x34: {  	[smem:$0x3FAA] =	sst s10  }
0x35: {  	s10 =	sld [smem:$0x3FA9];
	_ =	sdelay $0x3  }
0x36: {  	p1 =	seq.s32 s10, $0x1;
	s10 =	sld [smem:$0x3FAA];
	_ =	sdelay $0x3  }
0x37: {  	[smem:$0x3FAA] =	sst s10  }
0x38: {  	s10 =	sld [smem:$0x3FAB]  }
0x39: {  	_ = 	snop;
	(pc) =	sbr.ind lr, $3  }
0x3a: {  	_ = 	snop  }
0x3b: {  	_ = 	snop  }
0x3c: {  	p2 =	seq.s32 s10, $0x1;
	s10 =	sld [smem:$0x3FAA]  }
0x3d: {  	_ =	shalt  }
0x3e: {  	_ =	shalt  }
0x3f: {  	_ =	shalt  }
0x40: {  	_ =	shalt  }
0x41: {  	_ =	shalt  }
0x42: {  	_ =	shalt  }
0x43: {  	_ =	shalt  }
0x44: {  	_ =	shalt  }
0x45: {  	_ =	shalt  }
0x46: {  	_ =	shalt  }
0x47: {  	_ =	shalt  }
0x48: {  	_ =	shalt  }
0x49: {  	_ =	shalt  }
0x4a: {  	_ =	shalt  }
0x4b: {  	_ =	shalt  }
0x4c: {  	_ =	shalt  }
0x4d: {  	_ =	shalt  }
0x4e: {  	_ =	shalt  }
0x4f: {  	_ =	shalt  }
0x50: {  	_ =	shalt  }
0x51: {  	_ =	shalt  }
0x52: {  	_ =	shalt  }
0x53: {  	_ =	shalt  }
0x54: {  	_ =	shalt  }
0x55: {  	_ =	shalt  }
0x56: {  	_ =	shalt  }
0x57: {  	_ =	shalt  }
0x58: {  	_ =	shalt  }
0x59: {  	_ =	shalt  }
0x5a: {  	_ =	shalt  }
0x5b: {  	_ =	shalt  }
0x5c: {  	_ =	shalt  }
0x5d: {  	_ =	shalt  }
0x5e: {  	_ =	shalt  }
0x5f: {  	_ =	shalt  }
0x60: {  	_ =	shalt  }
0x61: {  	_ =	shalt  }
0x62: {  	_ =	shalt  }
0x63: {  	_ =	shalt  }
0x64: {  	_ =	shalt  }
0x65: {  	_ =	shalt  }
0x66: {  	_ =	shalt  }
0x67: {  	_ =	shalt  }
0x68: {  	_ =	shalt  }
0x69: {  	_ =	shalt  }
0x6a: {  	_ =	shalt  }
0x6b: {  	_ =	shalt  }
0x6c: {  	_ =	shalt  }
0x6d: {  	_ =	shalt  }
0x6e: {  	_ =	shalt  }
0x6f: {  	_ =	shalt  }
0x70: {  	_ =	shalt  }
0x71: {  	_ =	shalt  }
0x72: {  	_ =	shalt  }
0x73: {  	_ =	shalt  }
0x74: {  	_ =	shalt  }
0x75: {  	_ =	shalt  }
0x76: {  	_ =	shalt  }
0x77: {  	_ =	shalt  }
0x78: {  	_ =	shalt  }
0x79: {  	_ =	shalt  }
0x7a: {  	_ =	shalt  }
0x7b: {  	_ =	shalt  }
0x7c: {  	_ =	shalt  }
0x7d: {  	_ =	shalt  }
0x7e: {  	_ =	shalt  }
0x7f: {  	_ =	shalt  }
0x80: {  	_ =	shalt  }
0x81: {  	_ =	shalt  }
0x82: {  	_ =	shalt  }
0x83: {  	_ =	shalt  }
0x84: {  	_ =	shalt  }
0x85: {  	_ =	shalt  }
0x86: {  	_ =	shalt  }
0x87: {  	_ =	shalt  }
.Lfunc_end0:
.L_simem_size_0:
called_computation_lowered:
.L_overlay_start_0:
0x88: {  	s2 =	sld [smem:$0x3FD9]  }
0x89: {  	s3 =	sld [smem:$0x3FFE];
	_ =	sdelay $0x1  }
0x8a: {  	s1 =	srdreg.scid  }
0x8b: {  	s0 =	sand.u32 $0x1, s1  }
0x8c: {  	s17 =	sshll.u32 s0, $0xA;
	s2 =	sadd.s32 s3, s2  }
0x8d: {  	s2 =	sadd.s32 s2, s17  }
0x8e: {  	[smem:$0x3FB6] =	sst s2  }
0x8f: {  	_ = 	snop  }
0x90: {  	(tm) =	ssettm $0x1  }
0x91: {  	s18 =	sld [smem:$0x3FFB];
	_ =	sdelay $0x3  }
0x92: {  	_ =	strace s18  }
0x93: {  	s2 =	sld [smem:$0x3FFC];
	_ =	sdelay $0x3  }
0x94: {  	_ =	strace s2  }
0x95: {  	s2 =	sld [smem:$0x3FFD];
	_ =	sdelay $0x3  }
0x96: {  	_ =	strace s2  }
0x97: {  	_ =	strace $0x8FFFFFFF  }
0x98: {  	s19 =	sld [smem:$0x3FDB];
	_ =	sdelay $0x1  }
0x99: {  	s20 =	simm.s32 $_scs_section_size  }
0x9a: {  	s4 =	simm.s32 $_size__tile_overlayer_lowered;
	s5 =	simm.s32 $_tile_overlayer_lowered  }
0x9b: {  	s6 =	simm.s32 $0x1BFF;
	s21 =	sshll.u32 s5, $0x1;
	s3 =	sadd.s32 s20, s19  }
0x9c: {  	s22 =	simm.s32 $0x0;
	s4 =	sshll.u32 s4, $0x1;
	s5 =	sadd.s32 s21, s3  }
0x9d: {  	[timem:s22], [sflag:s6] =	dma.local [hbm:s5], s4  }
0x9e: {  	_ =	swait.ge [sflag:s6], s4  }
0x9f: {  	s4 =	ssub.s32 $0x0, s4;
	[sflag:s6] =	ssyncset.done $0x0  }
0xa0: {  	[sflag:s6] =	ssyncadd.s32 s4;
	_ =	sdelay $0x1  }
0xa1: {  	s23 =	simm.s32 $0x1B8B  }
0xa2: {  	_ =	swait.ge [sflag:s23], $0x1  }
0xa3: {  	[sflag:s23] =	ssyncset.done $0x0  }
0xa4: {  	[sflag:s23] =	ssyncadd.s32 $0xFFFFFFFF  }
0xa5: {  	s4 =	sld [smem:$0x0]  }
0xa6: {  	s5 =	sand.u32 $0xFFFFFFFE, s1  }
0xa7: {  	p0 =	sne.s32 s1, s5  }
0xa8: {  	s5 =	sshll.u32 @p0 s5, $0xE  }
0xa9: {  	s5 =	sadd.s32 @p0 $0x11B8D, s5;
	s6 =	sshll.u32 @p0 s4, $0x11  }
0xaa: {  	s5 =	sor.u32 @p0 s6, s5  }
0xab: {  	[sflag:s5] =	ssyncadd.remote.s32 @p0 $0x1;
	_ =	sdelay $0x1  }
0xac: {  	s5 =	simm.s32 @p0 $0x1B8D  }
0xad: {  	_ =	swait.eq @p0 [sflag:s5], $0x1  }
0xae: {  	[sflag:s5] =	ssyncadd.s32 @p0 $0xFFFFFFFF  }
0xaf: {  	s6 =	sshll.u32 @!p0 s1, $0xE  }
0xb0: {  	s6 =	sor.u32 @!p0 $0x4000, s6;
	s5 =	simm.s32 @!p0 $0x1B8D  }
0xb1: {  	s4 =	sshll.u32 @!p0 s4, $0x11;
	s6 =	sadd.s32 @!p0 $0x11B8D, s6;
	_ =	swait.eq @!p0 [sflag:s5], $0x1  }
0xb2: {  	s4 =	sor.u32 @!p0 s4, s6;
	[sflag:s5] =	ssyncadd.s32 @!p0 $0xFFFFFFFF  }
0xb3: {  	s25 =	simm.s32 $0x1B8E;
	s24 =	sld [smem:$0x3FFE];
	[sflag:s4] =	ssyncadd.remote.s32 @!p0 $0x1  }
0xb4: {  	s26 =	simm.s32 $execute0_lowered;
	[smem:$0x3FD2] =	sst s25  }
0xb5: {  	s5 =	sshll.u32 s26, $0x1;
	_ =	strace $0x80000049;
	[dreg:$0x1] =	wrdreg $0xFFFFFFFF  }
0xb6: {  	s28 =	simm.s32 $_size_execute0_lowered;
	s3 =	sadd.s32 s3, s5;
	[dreg:$0x0] =	wrdreg $0x0  }
0xb7: {  	s5 =	sshll.u32 s28, $0x1;
	[dreg:$0x2] =	wrdreg s3  }
0xb8: {  	[dreg:$0x3] =	wrdreg s5  }
0xb9: {  	[dreg:$0x4] =	wrdreg $0xC0  }
0xba: {  	_ =	task [dreg:s22], $0x5FFFF  }
0xbb: {  	[dreg:$0x1] =	wrdreg $0xFFFFFFFF  }
0xbc: {  	[dreg:$0x0] =	wrdreg $0x60  }
0xbd: {  	[dreg:$0x2] =	wrdreg s24  }
0xbe: {  	[dreg:$0x3] =	wrdreg $0x9  }
0xbf: {  	_ =	task.clear_ibuf [dreg:s22], $0x4FFFF;
	_ =	strace $0x90000049  }
0xc0: {  	s29 =	simm.s32 $0x9;
	_ =	strace $0x8000004B  }
0xc1: {  	_ =	swait.ge [sflag:s29], $0x1  }
0xc2: {  	[sflag:s29] =	ssyncadd.s32 $0xFFFFFFFF  }
0xc3: {  	_ =	strace $0x9000004B  }
0xc4: {  	_ =	sfence  }
0xc5: {  	s30 =	sld [smem:$0x0];
	_ =	sdelay $0x2  }
0xc6: {  	s31 =	sshll.u32 s1, $0xD;
	s1 =	sshrl.u32 s1, $0x2  }
0xc7: {  	s4 =	sand.u32 $0x4000, s31;
	s1 =	sadd.s32 s1, s30  }
0xc8: {  	s0 =	sor.u32 s4, s0;
	s1 =	sshll.u32 s1, $0x11  }
0xc9: {  	s0 =	sor.u32 s1, s0  }
0xca: {  	s0 =	sadd.s32 $0x8F2B, s0  }
0xcb: {  	[sflag:s0] =	ssyncadd.remote.s32 $0x1  }
0xcc: {  	_ =	sfence.sel $0xFFFF  }
0xcd: {  	[dreg:$0x0] =	wrdreg $0xFFFFFFFF;
	(pc) =	sbr.abs _section_cstart, $3  }
0xce: {  	[dreg:$0x1] =	wrdreg $0xFFFFFFFF  }
0xcf: {  	_ =	task.clear_ibuf [dreg:s22], $0x2FFFF;
	_ =	strace $0x9FFFFFFF  }
0xd0: {  	(tm) =	ssettm $0x7FFFFFFF  }
0xd1: {  	_ =	shalt  }
tec
execute0_lowered:
.L_overlay_start_1:
0x0: {  	(tag) =	ssettag $0x1  }
0x1: {  	s0 =	rddreg [dreg:$0x0]  }
0x2: {  	s2 =	simm.s32 $0x0;
	s1 =	srdreg.scid;
	s8 =	stileid.u32  }
0x3: {  	s14 =	simm.s32 $0x9;
	s15 =	simm.s32 $0x80;
	s16 =	simm.s32 $0x200  }
0x4: {  	s28 =	simm.s32 $0x6;
	s29 =	simm.s32 $0x7;
	s30 =	simm.s32 $0x8  }
0x5: {  	s31 =	simm.s32 $0x0;
	[smem:$0x7FF] =	sst s2;
	s1 =	sand.u32 $0x1, s1  }
0x6: {  	s3 =	sadd.s32 $0x156000, s0;
	s4 =	sshll.u32 s8, $0xD;
	s7 =	sadd.s32 $0x8FE00, s0  }
0x7: {  	s17 =	sshll.u32 s8, $0x11;
	_ =	strace $0x8000004A;
	s5 =	sshll.u32 s1, $0xC  }
0x8: {  	s6 =	ssub.s32 $0x2, s1;
	s0 =	sadd.s32 s17, s0;
	s1 =	sshll.u32 s1, $0x10  }
0x9: {  	s17 =	simm.s32 $0x4200;
	s5 =	sor.u32 s5, s4;
	s18 =	sshrl.u32 s6, $0x1  }
0xa: {  	s0 =	sadd.s32 s1, s0;
	s9 =	sshrl.u32 s5, $0x3;
	s6 =	ssub.s32 s6, s18  }
0xb: {  	s22 =	sor.u32 $0x380, s5;
	s24 =	sor.u32 $0x300, s5;
	s25 =	sor.u32 $0x280, s5  }
0xc: {  	s10 =	sor.u32 $0x200, s5;
	s18 =	simm.s32 $0x100;
	s4 =	sadd.s32 s7, s9  }
0xd: {  	s6 =	smax.u32 s6, $0x1;
	s9 =	sadd.s32 $0x376000, s0;
	s23 =	sshrl.u32 s22, $0x3  }
0xe: {  	s1 =	sshrl.u32 s25, $0x3;
	s26 =	sshrl.u32 s10, $0x3;
	s22 =	simm.s32 $0x1  }
0xf: {  	s25 =	simm.s32 $0x4;
	s19 =	sadd.s32 $0x10, s4;
	[dreg:$0x5] =	wrdreg s6  }
0x10: {  	s20 =	sadd.s32 $0x20, s4;
	s21 =	sadd.s32 $0x30, s4;
	[dreg:$0x2] =	wrdreg s19  }
.Ltmp0:
0x11: {  	s0 =	sadd.s32 s23, s7;
	[dreg:$0x3] =	wrdreg s20;
	(pc) =	sbr.rel .LBB2_1-.Ltmp0, $4  }
0x12: {  	s1 =	sadd.s32 s1, s7;
	s23 =	simm.s32 $0x2;
	[dreg:$0x4] =	wrdreg s21  }
0x13: {  	[dreg:$0x6] =	wrdreg s0;
	s0 =	sshrl.u32 s24, $0x3;
	s19 =	simm.s32 $0x8200  }
0x14: {  	s20 =	simm.s32 $0x180;
	s21 =	simm.s32 $0xC200;
	s24 =	simm.s32 $0x3  }
0x15: {  	s5 =	sadd.s32 s0, s7;
	s0 =	sadd.s32 s26, s7;
	s26 =	simm.s32 $0x5  }
.LBB2_4:
0x16: {  	_ =	swait.ge [sflag:s26], $0x4000  }
0x17: {  	[sflag:s26] =	ssyncset.done $0x0  }
0x18: {  	[sflag:s26] =	ssyncadd.s32 $0xFFFFC000  }
0x19: {  	_ =	swait.ge [sflag:s28], $0x4000  }
0x1a: {  	[sflag:s28] =	ssyncset.done $0x0  }
0x1b: {  	[sflag:s28] =	ssyncadd.s32 $0xFFFFC000  }
0x1c: {  	_ =	swait.ge [sflag:s29], $0x4000  }
0x1d: {  	[sflag:s29] =	ssyncset.done $0x0  }
0x1e: {  	[sflag:s29] =	ssyncadd.s32 $0xFFFFC000  }
0x1f: {  	_ =	swait.ge [sflag:s30], $0x4000  }
0x20: {  	s31 =	sadd.s32 $0x1, s31;
	s6 =	rddreg [dreg:$0x5]  }
0x21: {  	p0 =	sne.s32 s31, s6  }
.Ltmp1:
0x22: {  	_ = 	snop;
	(pc) =	sbr.rel @!p0 .LBB2_5-.Ltmp1, $3  }
0x23: {  	_ =	sdelay $0x1  }
0x24: {  	[sflag:s30] =	ssyncset.done $0x0  }
0x25: {  	[sflag:s30] =	ssyncadd.s32 $0xFFFFC000  }
.LBB2_1:
0x26: {  	[tilespmem:s2], [sflag:$0x9] =	stream.linear.gather [hbm4b:s4+s2], $0x80, $0x38;
	[tilespmem:$0x10200] =	vst v63  }
0x27: {  	_ =	swait.ge [sflag:s14], $0x80  }
0x28: {  	[sflag:s14] =	ssyncset.done $0x0  }
0x29: {  	[sflag:s14] =	ssyncadd.s32 $0xFFFFFF80  }
0x2a: {  	[tilespmem:s16], [sflag:$0x1] =	stream.indirect.gather [hbm4b:s3+s15], $0x80, s2, s15, $0xb8;
	[tilespmem:$0x10200] =	vst v63  }
0x2b: {  	s6 =	rddreg [dreg:$0x2]  }
0x2c: {  	[tilespmem:s15], [sflag:$0x9] =	stream.linear.gather [hbm4b:s6+s2], $0x80, $0x38;
	[tilespmem:$0x10200] =	vst v63  }
0x2d: {  	_ =	swait.ge [sflag:s14], $0x80  }
0x2e: {  	[sflag:s14] =	ssyncset.done $0x0  }
0x2f: {  	[sflag:s14] =	ssyncadd.s32 $0xFFFFFF80  }
0x30: {  	[tilespmem:s17], [sflag:$0x2] =	stream.indirect.gather [hbm4b:s3+s15], $0x80, s15, s15, $0xb8;
	[tilespmem:$0x10200] =	vst v63  }
0x31: {  	s12 =	rddreg [dreg:$0x3]  }
0x32: {  	[tilespmem:s18], [sflag:$0x9] =	stream.linear.gather [hbm4b:s12+s2], $0x80, $0x38;
	[tilespmem:$0x10200] =	vst v63  }
0x33: {  	_ =	swait.ge [sflag:s14], $0x80  }
0x34: {  	[sflag:s14] =	ssyncset.done $0x0  }
0x35: {  	[sflag:s14] =	ssyncadd.s32 $0xFFFFFF80  }
0x36: {  	[tilespmem:s19], [sflag:$0x3] =	stream.indirect.gather [hbm4b:s3+s15], $0x80, s18, s15, $0xb8;
	[tilespmem:$0x10200] =	vst v63  }
0x37: {  	s13 =	rddreg [dreg:$0x4]  }
0x38: {  	[tilespmem:s20], [sflag:$0x9] =	stream.linear.gather [hbm4b:s13+s2], $0x80, $0x38;
	[tilespmem:$0x10200] =	vst v63  }
0x39: {  	s11 =	smov.u32 s5;
	_ =	swait.ge [sflag:s14], $0x80  }
0x3a: {  	s7 =	simm.s32 $0x0;
	s12 =	smov.u32 s1;
	[sflag:s14] =	ssyncset.done $0x0  }
0x3b: {  	s13 =	smov.u32 s0;
	s10 =	rddreg [dreg:$0x6];
	[sflag:s14] =	ssyncadd.s32 $0xFFFFFF80  }
0x3c: {  	[tilespmem:s21], [sflag:$0x4] =	stream.indirect.gather [hbm4b:s3+s15], $0x80, s20, s15, $0xb8;
	[tilespmem:$0x10200] =	vst v63  }
.LBB2_2:
0x3d: {  	_ =	swait.ge [sflag:s22], $0x4000  }
0x3e: {  	[sflag:s22] =	ssyncset.done $0x0  }
0x3f: {  	s8 =	sadd.s32 s7, s9;
	[sflag:s22] =	ssyncadd.s32 $0xFFFFC000  }
0x40: {  	[hbm4b:s8+s2] =	stream.linear.scatter [tilespmem:s16], [sflag:$0x5], $0x4000, $0x38;
	[tilespmem:$0x10200] =	vst v63  }
0x41: {  	_ =	swait.ge [sflag:s23], $0x4000  }
0x42: {  	[sflag:s23] =	ssyncset.done $0x0  }
0x43: {  	s6 =	sadd.s32 $0x800, s8;
	[sflag:s23] =	ssyncadd.s32 $0xFFFFC000  }
0x44: {  	[hbm4b:s6+s2] =	stream.linear.scatter [tilespmem:s17], [sflag:$0x6], $0x4000, $0x38;
	[tilespmem:$0x10200] =	vst v63  }
0x45: {  	_ =	swait.ge [sflag:s24], $0x4000  }
0x46: {  	[sflag:s24] =	ssyncset.done $0x0  }
0x47: {  	p0 =	seq.s32 s7, $0xE000;
	s6 =	sadd.s32 $0x1000, s8;
	[sflag:s24] =	ssyncadd.s32 $0xFFFFC000  }
0x48: {  	[hbm4b:s6+s2] =	stream.linear.scatter [tilespmem:s19], [sflag:$0x7], $0x4000, $0x38;
	[tilespmem:$0x10200] =	vst v63  }
.Ltmp2:
0x49: {  	_ = 	snop;
	(pc) =	sbr.rel @p0 .LBB2_4-.Ltmp2, $4  }
0x4a: {  	_ =	swait.ge [sflag:s25], $0x4000  }
0x4b: {  	[sflag:s25] =	ssyncset.done $0x0  }
0x4c: {  	s8 =	sadd.s32 $0x1800, s8;
	[sflag:s25] =	ssyncadd.s32 $0xFFFFC000  }
0x4d: {  	[hbm4b:s8+s2] =	stream.linear.scatter [tilespmem:s21], [sflag:$0x8], $0x4000, $0x38;
	[tilespmem:$0x10200] =	vst v63  }
0x4e: {  	[tilespmem:s2], [sflag:$0x9] =	stream.linear.gather [hbm4b:s13+s2], $0x80, $0x38;
	[tilespmem:$0x10200] =	vst v63  }
0x4f: {  	_ =	swait.ge [sflag:s14], $0x80  }
0x50: {  	[sflag:s14] =	ssyncset.done $0x0  }
0x51: {  	[sflag:s14] =	ssyncadd.s32 $0xFFFFFF80  }
0x52: {  	[tilespmem:s15], [sflag:$0x9] =	stream.linear.gather [hbm4b:s12+s2], $0x80, $0x38;
	[tilespmem:$0x10200] =	vst v63  }
0x53: {  	_ =	swait.ge [sflag:s14], $0x80  }
0x54: {  	[sflag:s14] =	ssyncset.done $0x0  }
0x55: {  	[sflag:s14] =	ssyncadd.s32 $0xFFFFFF80  }
0x56: {  	[tilespmem:s18], [sflag:$0x9] =	stream.linear.gather [hbm4b:s11+s2], $0x80, $0x38;
	[tilespmem:$0x10200] =	vst v63  }
0x57: {  	_ =	swait.ge [sflag:s14], $0x80  }
0x58: {  	[sflag:s14] =	ssyncset.done $0x0  }
0x59: {  	[sflag:s14] =	ssyncadd.s32 $0xFFFFFF80  }
0x5a: {  	[tilespmem:s20], [sflag:$0x9] =	stream.linear.gather [hbm4b:s10+s2], $0x80, $0x38;
	[tilespmem:$0x10200] =	vst v63  }
0x5b: {  	_ =	swait.ge [sflag:s14], $0x80  }
0x5c: {  	[sflag:s14] =	ssyncset.done $0x0  }
0x5d: {  	[sflag:s14] =	ssyncadd.s32 $0xFFFFFF80  }
0x5e: {  	_ =	swait.ge [sflag:s26], $0x4000  }
0x5f: {  	[sflag:s26] =	ssyncset.done $0x0  }
0x60: {  	[sflag:s26] =	ssyncadd.s32 $0xFFFFC000  }
0x61: {  	[tilespmem:s16], [sflag:$0x1] =	stream.indirect.gather [hbm4b:s3+s15], $0x80, s2, s15, $0xb8;
	[tilespmem:$0x10200] =	vst v63  }
0x62: {  	_ =	swait.ge [sflag:s28], $0x4000  }
0x63: {  	[sflag:s28] =	ssyncset.done $0x0  }
0x64: {  	[sflag:s28] =	ssyncadd.s32 $0xFFFFC000  }
0x65: {  	[tilespmem:s17], [sflag:$0x2] =	stream.indirect.gather [hbm4b:s3+s15], $0x80, s15, s15, $0xb8;
	[tilespmem:$0x10200] =	vst v63  }
0x66: {  	_ =	swait.ge [sflag:s29], $0x4000  }
0x67: {  	[sflag:s29] =	ssyncset.done $0x0  }
0x68: {  	[sflag:s29] =	ssyncadd.s32 $0xFFFFC000  }
0x69: {  	[tilespmem:s19], [sflag:$0x3] =	stream.indirect.gather [hbm4b:s3+s15], $0x80, s18, s15, $0xb8;
	[tilespmem:$0x10200] =	vst v63  }
.Ltmp3:
0x6a: {  	_ = 	snop;
	(pc) =	sbr.rel .LBB2_2-.Ltmp3, $4  }
0x6b: {  	s7 =	sadd.s32 $0x2000, s7;
	_ =	swait.ge [sflag:s30], $0x4000  }
0x6c: {  	s13 =	sadd.s32 $0x40, s13;
	s12 =	sadd.s32 $0x40, s12;
	[sflag:s30] =	ssyncset.done $0x0  }
0x6d: {  	s11 =	sadd.s32 $0x40, s11;
	s10 =	sadd.s32 $0x40, s10;
	[sflag:s30] =	ssyncadd.s32 $0xFFFFC000  }
0x6e: {  	[tilespmem:s21], [sflag:$0x4] =	stream.indirect.gather [hbm4b:s3+s15], $0x80, s20, s15, $0xb8;
	[tilespmem:$0x10200] =	vst v63  }
.LBB2_5:
0x6f: {  	_ =	sfence.sel $0x180000  }
0x70: {  	[bflag:$0x0] =	sbarrier.arrive $0xFFFF  }
0x71: {  	_ =	strace $0x9000004A  }
0x72: {  	s0 =	stileid.u32;
	[bflag:$0x2] =	sbarrier.arrive $0xFFFF  }
0x73: {  	p0 =	sne.s32 s0, $0x0;
	s0 =	rddreg [dreg:$0x1]  }
0x74: {  	s0 =	sadd.s32 @!p0 $0x100000, s0  }
0x75: {  	[sflag:s0] =	ssyncadd.tile.s32 @!p0 $0x1;
	_ =	shalt  }
.Lfunc_end2:
_tile_overlayer_lowered:
.L_overlay_start_2:
0x76: {  	(tag) =	ssettag $0x2  }
0x77: {  	s0 =	rddreg [dreg:$0x0];
	s2 =	stileid.u32  }
0x78: {  	s1 =	rddreg [dreg:$0x1];
	p0 =	sne.s32 s2, $0x0  }
0x79: {  	s3 =	rddreg [dreg:$0x2];
	[bflag:$0x3] =	sbarrier.arrive $0xFFFF;
	s2 =	simm.s32 @!p0 $0x1C09  }
0x7a: {  	[timem:s3], [sflag:s2] =	dma.local @!p0 [hbm:s0], s1  }
0x7b: {  	s0 =	simm.s32 @!p0 $0x9  }
0x7c: {  	_ =	swait.ge @!p0 [sflag:s0], s1  }
0x7d: {  	s1 =	ssub.s32 @!p0 $0x0, s1;
	[sflag:s0] =	ssyncset.done @!p0 $0x0  }
0x7e: {  	[sflag:s0] =	ssyncadd.s32 @!p0 s1  }
0x7f: {  	[bflag:$0x3] =	sbarrier.arrive $0xFFFF  }
0x80: {  	_ =	shalt  }

// kernel: kernel.24.cloned.1.call-start
scs
__scs_entry_jumppad:
0x0: {  	(pc) =	sbr.rel $0x88, $3  }
0x1: {  	(tag) =	ssettag $0x0;
	lr =	simm.s32 $0x1  }
0x2: {  	[smem:$0x3F8F] =	sst lr;
	_ =	strace $0xD0000000  }
0x3: {  	_ = 	snop  }
0x4: {  	_ = 	snop  }
0x5: {  	_ = 	snop  }
0x6: {  	_ = 	snop  }
0x7: {  	_ = 	snop  }
__scs_overlays_trampoline_lowered:
0x8: {  	[smem:$0x3F9E] =	sst s0  }
0x9: {  	[smem:$0x3F9F] =	sst s1  }
0xa: {  	[smem:$0x3FA0] =	sst s2  }
0xb: {  	[smem:$0x3FA1] =	sst s3  }
0xc: {  	[smem:$0x3FA2] =	sst s4  }
0xd: {  	[smem:$0x3FA3] =	sst s5  }
0xe: {  	[smem:$0x3FA4] =	sst s6  }
0xf: {  	[smem:$0x3FA5] =	sst s7  }
0x10: {  	[smem:$0x3FA6] =	sst s8  }
0x11: {  	[smem:$0x3FA7] =	sst s9;
	s0 =	simm.s32 @!p0 $0x0  }
0x12: {  	s1 =	sld [smem:$0x3F8D];
	s0 =	simm.s32 @p0 $0x1  }
0x13: {  	[smem:$0x3FA8] =	sst s0;
	s0 =	simm.s32 @!p1 $0x0  }
0x14: {  	s2 =	sld [smem:$0x3F8C];
	s0 =	simm.s32 @p1 $0x1  }
0x15: {  	[smem:$0x3FA9] =	sst s0;
	s0 =	simm.s32 @!p2 $0x0  }
0x16: {  	s3 =	sld [smem:$0x3FDB];
	s0 =	simm.s32 @p2 $0x1  }
0x17: {  	s4 =	simm.s32 $0x1BF5;
	[smem:$0x3FAB] =	sst s0  }
0x18: {  	s0 =	sld [smem:$0x3F8E];
	_ =	swait.ge [sflag:s4], $0x0  }
0x19: {  	s7 =	sld [smem:$0x3F8F]  }
0x1a: {  	s8 =	sadd.s32 $0xFFFFE003, lr  }
0x1b: {  	s9 =	sadd.s32 $0xFFFFFEF7, lr;
	s5 =	simm.s32 $0xFFFFFFFF;
	p2 =	slt.u32 s8, $0xFFFFF086  }
0x1c: {  	p1 =	slt.u32 s9, $0xF7A;
	s5 =	simm.s32 @!p2 $0x0  }
0x1d: {  	s5 =	simm.s32 @p1 $0x1;
	p0 =	seq.s32 s7, s2  }
0x1e: {  	s7 =	smul.u32 @!p0 $0xF7A, s2;
	p2 =	seq.s32 @!p0 s5, $0x0  }
0x1f: {  	s9 =	smul.u32 $0xF7A, s1;
	s8 =	simm.s32 @!p0 $0x1BF5;
	p2 =	por !p2, p0  }
0x20: {  	[sflag:s8] =	ssyncset.s32 @!p0 $0xFFFFF086;
	s6 =	sadd.s32 @!p0 s3, s7;
	s7 =	simm.s32 @!p0 $0x108  }
0x21: {  	s3 =	sadd.s32 s3, s9;
	s6 =	sadd.s32 @!p0 $0x88, s6;
	s7 =	simm.s32 @p2 $0x1082  }
0x22: {  	[simem:s7], [sflag:s8] =	dma.local @!p0 [hbm:s6], $0xF7A  }
0x23: {  	s9 =	sor.u32 $0xD0000000, s2;
	s6 =	simm.s32 $0x108;
	_ =	swait.ge @!p0 [sflag:s8], $0x0  }
0x24: {  	s3 =	sadd.s32 $0x88, s3;
	s6 =	simm.s32 @!p1 $0x1082;
	[sflag:s4] =	ssyncset.s32 $0xFFFFF086  }
0x25: {  	[simem:s6], [sflag:s4] =	dma.local [hbm:s3], $0xF7A  }
0x26: {  	[smem:$0x3F8F] =	sst s1;
	(tag) =	ssettag s2;
	_ =	strace s9  }
0x27: {  	s1 =	sld [smem:$0x3F9F]  }
0x28: {  	s2 =	sld [smem:$0x3FA0]  }
0x29: {  	s4 =	sld [smem:$0x3FA2]  }
0x2a: {  	p0 =	seq.s32 s5, $0x0;
	s5 =	sld [smem:$0x3FA3]  }
0x2b: {  	s6 =	sld [smem:$0x3FA4]  }
0x2c: {  	s7 =	sld [smem:$0x3FA5]  }
0x2d: {  	s3 =	simm.s32 $0x108;
	s8 =	sld [smem:$0x3FA6]  }
0x2e: {  	s3 =	simm.s32 @!p0 $0x1082;
	s9 =	sld [smem:$0x3FA7]  }
0x2f: {  	lr =	sadd.s32 s0, s3;
	s0 =	sld [smem:$0x3F9E]  }
0x30: {  	s3 =	sld [smem:$0x3FA1]  }
0x31: {  	[smem:$0x3FAA] =	sst s10  }
0x32: {  	s10 =	sld [smem:$0x3FA8];
	_ =	sdelay $0x3  }
0x33: {  	p0 =	seq.s32 s10, $0x1;
	s10 =	sld [smem:$0x3FAA];
	_ =	sdelay $0x3  }
0x34: {  	[smem:$0x3FAA] =	sst s10  }
0x35: {  	s10 =	sld [smem:$0x3FA9];
	_ =	sdelay $0x3  }
0x36: {  	p1 =	seq.s32 s10, $0x1;
	s10 =	sld [smem:$0x3FAA];
	_ =	sdelay $0x3  }
0x37: {  	[smem:$0x3FAA] =	sst s10  }
0x38: {  	s10 =	sld [smem:$0x3FAB]  }
0x39: {  	_ = 	snop;
	(pc) =	sbr.ind lr, $3  }
0x3a: {  	_ = 	snop  }
0x3b: {  	_ = 	snop  }
0x3c: {  	p2 =	seq.s32 s10, $0x1;
	s10 =	sld [smem:$0x3FAA]  }
0x3d: {  	_ =	shalt  }
0x3e: {  	_ =	shalt  }
0x3f: {  	_ =	shalt  }
0x40: {  	_ =	shalt  }
0x41: {  	_ =	shalt  }
0x42: {  	_ =	shalt  }
0x43: {  	_ =	shalt  }
0x44: {  	_ =	shalt  }
0x45: {  	_ =	shalt  }
0x46: {  	_ =	shalt  }
0x47: {  	_ =	shalt  }
0x48: {  	_ =	shalt  }
0x49: {  	_ =	shalt  }
0x4a: {  	_ =	shalt  }
0x4b: {  	_ =	shalt  }
0x4c: {  	_ =	shalt  }
0x4d: {  	_ =	shalt  }
0x4e: {  	_ =	shalt  }
0x4f: {  	_ =	shalt  }
0x50: {  	_ =	shalt  }
0x51: {  	_ =	shalt  }
0x52: {  	_ =	shalt  }
0x53: {  	_ =	shalt  }
0x54: {  	_ =	shalt  }
0x55: {  	_ =	shalt  }
0x56: {  	_ =	shalt  }
0x57: {  	_ =	shalt  }
0x58: {  	_ =	shalt  }
0x59: {  	_ =	shalt  }
0x5a: {  	_ =	shalt  }
0x5b: {  	_ =	shalt  }
0x5c: {  	_ =	shalt  }
0x5d: {  	_ =	shalt  }
0x5e: {  	_ =	shalt  }
0x5f: {  	_ =	shalt  }
0x60: {  	_ =	shalt  }
0x61: {  	_ =	shalt  }
0x62: {  	_ =	shalt  }
0x63: {  	_ =	shalt  }
0x64: {  	_ =	shalt  }
0x65: {  	_ =	shalt  }
0x66: {  	_ =	shalt  }
0x67: {  	_ =	shalt  }
0x68: {  	_ =	shalt  }
0x69: {  	_ =	shalt  }
0x6a: {  	_ =	shalt  }
0x6b: {  	_ =	shalt  }
0x6c: {  	_ =	shalt  }
0x6d: {  	_ =	shalt  }
0x6e: {  	_ =	shalt  }
0x6f: {  	_ =	shalt  }
0x70: {  	_ =	shalt  }
0x71: {  	_ =	shalt  }
0x72: {  	_ =	shalt  }
0x73: {  	_ =	shalt  }
0x74: {  	_ =	shalt  }
0x75: {  	_ =	shalt  }
0x76: {  	_ =	shalt  }
0x77: {  	_ =	shalt  }
0x78: {  	_ =	shalt  }
0x79: {  	_ =	shalt  }
0x7a: {  	_ =	shalt  }
0x7b: {  	_ =	shalt  }
0x7c: {  	_ =	shalt  }
0x7d: {  	_ =	shalt  }
0x7e: {  	_ =	shalt  }
0x7f: {  	_ =	shalt  }
0x80: {  	_ =	shalt  }
0x81: {  	_ =	shalt  }
0x82: {  	_ =	shalt  }
0x83: {  	_ =	shalt  }
0x84: {  	_ =	shalt  }
0x85: {  	_ =	shalt  }
0x86: {  	_ =	shalt  }
0x87: {  	_ =	shalt  }
.Lfunc_end0:
.L_simem_size_0:
called_computation.1_lowered:
.L_overlay_start_0:
0x88: {  	s2 =	sld [smem:$0x3FD9]  }
0x89: {  	s3 =	sld [smem:$0x3FFE];
	_ =	sdelay $0x1  }
0x8a: {  	s1 =	srdreg.scid  }
0x8b: {  	s0 =	sand.u32 $0x1, s1  }
0x8c: {  	s16 =	sshll.u32 s0, $0xA;
	s2 =	sadd.s32 s3, s2  }
0x8d: {  	s2 =	sadd.s32 s2, s16  }
0x8e: {  	[smem:$0x3FB6] =	sst s2  }
0x8f: {  	_ = 	snop  }
0x90: {  	(tm) =	ssettm $0x1  }
0x91: {  	s17 =	sld [smem:$0x3FFB];
	_ =	sdelay $0x3  }
0x92: {  	_ =	strace s17  }
0x93: {  	s2 =	sld [smem:$0x3FFC];
	_ =	sdelay $0x3  }
0x94: {  	_ =	strace s2  }
0x95: {  	s2 =	sld [smem:$0x3FFD];
	_ =	sdelay $0x3  }
0x96: {  	_ =	strace s2  }
0x97: {  	_ =	strace $0x8FFFFFFF  }
0x98: {  	s18 =	sld [smem:$0x3FDB];
	_ =	sdelay $0x1  }
0x99: {  	s19 =	simm.s32 $_scs_section_size  }
0x9a: {  	s4 =	simm.s32 $_size__tile_overlayer_lowered;
	s5 =	simm.s32 $_tile_overlayer_lowered  }
0x9b: {  	s22 =	simm.s32 $0x1BFF;
	s21 =	sshll.u32 s5, $0x1;
	s2 =	sadd.s32 s19, s18  }
0x9c: {  	s6 =	simm.s32 $0x0;
	s20 =	sshll.u32 s4, $0x1;
	s4 =	sadd.s32 s21, s2  }
0x9d: {  	[timem:s6], [sflag:s22] =	dma.local [hbm:s4], s20  }
0x9e: {  	_ =	swait.ge [sflag:s22], s20  }
0x9f: {  	s3 =	ssub.s32 $0x0, s20;
	[sflag:s22] =	ssyncset.done $0x0  }
0xa0: {  	[sflag:s22] =	ssyncadd.s32 s3;
	_ =	sdelay $0x1  }
0xa1: {  	s23 =	simm.s32 $0x1B8B  }
0xa2: {  	_ =	swait.ge [sflag:s23], $0x1  }
0xa3: {  	[sflag:s23] =	ssyncset.done $0x0  }
0xa4: {  	s25 =	simm.s32 $0x1B8E;
	s24 =	sld [smem:$0x3FFE];
	[sflag:s23] =	ssyncadd.s32 $0xFFFFFFFF  }
0xa5: {  	s26 =	simm.s32 $execute0_lowered;
	[smem:$0x3FD2] =	sst s25  }
0xa6: {  	s4 =	sshll.u32 s26, $0x1;
	_ =	strace $0x80000046;
	[dreg:$0x1] =	wrdreg $0xFFFFFFFF  }
0xa7: {  	s28 =	simm.s32 $_size_execute0_lowered;
	s2 =	sadd.s32 s2, s4;
	[dreg:$0x0] =	wrdreg $0x0  }
0xa8: {  	s4 =	sshll.u32 s28, $0x1;
	[dreg:$0x2] =	wrdreg s2  }
0xa9: {  	[dreg:$0x3] =	wrdreg s4  }
0xaa: {  	[dreg:$0x4] =	wrdreg $0xC0  }
0xab: {  	_ =	task [dreg:s6], $0x5FFFF  }
0xac: {  	[dreg:$0x1] =	wrdreg $0xFFFFFFFF  }
0xad: {  	[dreg:$0x0] =	wrdreg $0x60  }
0xae: {  	[dreg:$0x2] =	wrdreg s24  }
0xaf: {  	[dreg:$0x3] =	wrdreg $0xA  }
0xb0: {  	_ =	task.clear_ibuf [dreg:s6], $0x4FFFF;
	_ =	strace $0x90000046  }
0xb1: {  	s29 =	simm.s32 $0xA;
	_ =	strace $0x80000048  }
0xb2: {  	_ =	swait.ge [sflag:s29], $0x1  }
0xb3: {  	[sflag:s29] =	ssyncadd.s32 $0xFFFFFFFF  }
0xb4: {  	_ =	strace $0x90000048  }
0xb5: {  	_ =	sfence  }
0xb6: {  	s30 =	sld [smem:$0x0];
	_ =	sdelay $0x2  }
0xb7: {  	s31 =	sshll.u32 s1, $0xD;
	s1 =	sshrl.u32 s1, $0x2  }
0xb8: {  	s3 =	sand.u32 $0x4000, s31;
	s1 =	sadd.s32 s1, s30  }
0xb9: {  	s0 =	sor.u32 s3, s0;
	s1 =	sshll.u32 s1, $0x11  }
0xba: {  	s0 =	sor.u32 s1, s0  }
0xbb: {  	s0 =	sadd.s32 $0x8F2B, s0  }
0xbc: {  	[sflag:s0] =	ssyncadd.remote.s32 $0x1  }
0xbd: {  	_ =	sfence.sel $0xFFFF  }
0xbe: {  	[dreg:$0x0] =	wrdreg $0xFFFFFFFF;
	(pc) =	sbr.abs _section_cstart, $3  }
0xbf: {  	[dreg:$0x1] =	wrdreg $0xFFFFFFFF  }
0xc0: {  	_ =	task.clear_ibuf [dreg:s6], $0x2FFFF;
	_ =	strace $0x9FFFFFFF  }
0xc1: {  	(tm) =	ssettm $0x7FFFFFFF  }
tec
execute0_lowered:
.L_overlay_start_1:
0x0: {  	(tag) =	ssettag $0x1  }
0x1: {  	s0 =	rddreg [dreg:$0x0]  }
0x2: {  	s2 =	simm.s32 $0x0;
	s1 =	srdreg.scid;
	s8 =	stileid.u32  }
0x3: {  	s14 =	simm.s32 $0x9;
	s15 =	simm.s32 $0x80;
	s16 =	simm.s32 $0x200  }
0x4: {  	s28 =	simm.s32 $0x6;
	s29 =	simm.s32 $0x7;
	s30 =	simm.s32 $0x8  }
0x5: {  	s31 =	simm.s32 $0x0;
	[smem:$0x7FF] =	sst s2;
	s1 =	sand.u32 $0x1, s1  }
0x6: {  	s3 =	sadd.s32 $0x136000, s0;
	s4 =	sshll.u32 s8, $0xD;
	s7 =	sadd.s32 $0xAFE00, s0  }
0x7: {  	s17 =	sshll.u32 s8, $0x11;
	_ =	strace $0x80000047;
	s5 =	sshll.u32 s1, $0xC  }
0x8: {  	s6 =	ssub.s32 $0x2, s1;
	s0 =	sadd.s32 s17, s0;
	s1 =	sshll.u32 s1, $0x10  }
0x9: {  	s17 =	simm.s32 $0x4200;
	s5 =	sor.u32 s5, s4;
	s18 =	sshrl.u32 s6, $0x1  }
0xa: {  	s0 =	sadd.s32 s1, s0;
	s9 =	sshrl.u32 s5, $0x3;
	s6 =	ssub.s32 s6, s18  }
0xb: {  	s22 =	sor.u32 $0x380, s5;
	s24 =	sor.u32 $0x300, s5;
	s25 =	sor.u32 $0x280, s5  }
0xc: {  	s10 =	sor.u32 $0x200, s5;
	s18 =	simm.s32 $0x100;
	s4 =	sadd.s32 s7, s9  }
0xd: {  	s6 =	smax.u32 s6, $0x1;
	s9 =	sadd.s32 $0x176000, s0;
	s23 =	sshrl.u32 s22, $0x3  }
0xe: {  	s1 =	sshrl.u32 s25, $0x3;
	s26 =	sshrl.u32 s10, $0x3;
	s22 =	simm.s32 $0x1  }
0xf: {  	s25 =	simm.s32 $0x4;
	s19 =	sadd.s32 $0x10, s4;
	[dreg:$0x5] =	wrdreg s6  }
0x10: {  	s20 =	sadd.s32 $0x20, s4;
	s21 =	sadd.s32 $0x30, s4;
	[dreg:$0x2] =	wrdreg s19  }
.Ltmp0:
0x11: {  	s0 =	sadd.s32 s23, s7;
	[dreg:$0x3] =	wrdreg s20;
	(pc) =	sbr.rel .LBB2_1-.Ltmp0, $4  }
0x12: {  	s1 =	sadd.s32 s1, s7;
	s23 =	simm.s32 $0x2;
	[dreg:$0x4] =	wrdreg s21  }
0x13: {  	[dreg:$0x6] =	wrdreg s0;
	s0 =	sshrl.u32 s24, $0x3;
	s19 =	simm.s32 $0x8200  }
0x14: {  	s20 =	simm.s32 $0x180;
	s21 =	simm.s32 $0xC200;
	s24 =	simm.s32 $0x3  }
0x15: {  	s5 =	sadd.s32 s0, s7;
	s0 =	sadd.s32 s26, s7;
	s26 =	simm.s32 $0x5  }
.LBB2_4:
0x16: {  	_ =	swait.ge [sflag:s26], $0x4000  }
0x17: {  	[sflag:s26] =	ssyncset.done $0x0  }
0x18: {  	[sflag:s26] =	ssyncadd.s32 $0xFFFFC000  }
0x19: {  	_ =	swait.ge [sflag:s28], $0x4000  }
0x1a: {  	[sflag:s28] =	ssyncset.done $0x0  }
0x1b: {  	[sflag:s28] =	ssyncadd.s32 $0xFFFFC000  }
0x1c: {  	_ =	swait.ge [sflag:s29], $0x4000  }
0x1d: {  	[sflag:s29] =	ssyncset.done $0x0  }
0x1e: {  	[sflag:s29] =	ssyncadd.s32 $0xFFFFC000  }
0x1f: {  	_ =	swait.ge [sflag:s30], $0x4000  }
0x20: {  	s31 =	sadd.s32 $0x1, s31;
	s6 =	rddreg [dreg:$0x5]  }
0x21: {  	p0 =	sne.s32 s31, s6  }
.Ltmp1:
0x22: {  	_ = 	snop;
	(pc) =	sbr.rel @!p0 .LBB2_5-.Ltmp1, $3  }
0x23: {  	_ =	sdelay $0x1  }
0x24: {  	[sflag:s30] =	ssyncset.done $0x0  }
0x25: {  	[sflag:s30] =	ssyncadd.s32 $0xFFFFC000  }
.LBB2_1:
0x26: {  	[tilespmem:s2], [sflag:$0x9] =	stream.linear.gather [hbm4b:s4+s2], $0x80, $0x38;
	[tilespmem:$0x10200] =	vst v63  }
0x27: {  	_ =	swait.ge [sflag:s14], $0x80  }
0x28: {  	[sflag:s14] =	ssyncset.done $0x0  }
0x29: {  	[sflag:s14] =	ssyncadd.s32 $0xFFFFFF80  }
0x2a: {  	[tilespmem:s16], [sflag:$0x1] =	stream.indirect.gather [hbm4b:s3+s15], $0x80, s2, s15, $0xb8;
	[tilespmem:$0x10200] =	vst v63  }
0x2b: {  	s6 =	rddreg [dreg:$0x2]  }
0x2c: {  	[tilespmem:s15], [sflag:$0x9] =	stream.linear.gather [hbm4b:s6+s2], $0x80, $0x38;
	[tilespmem:$0x10200] =	vst v63  }
0x2d: {  	_ =	swait.ge [sflag:s14], $0x80  }
0x2e: {  	[sflag:s14] =	ssyncset.done $0x0  }
0x2f: {  	[sflag:s14] =	ssyncadd.s32 $0xFFFFFF80  }
0x30: {  	[tilespmem:s17], [sflag:$0x2] =	stream.indirect.gather [hbm4b:s3+s15], $0x80, s15, s15, $0xb8;
	[tilespmem:$0x10200] =	vst v63  }
0x31: {  	s12 =	rddreg [dreg:$0x3]  }
0x32: {  	[tilespmem:s18], [sflag:$0x9] =	stream.linear.gather [hbm4b:s12+s2], $0x80, $0x38;
	[tilespmem:$0x10200] =	vst v63  }
0x33: {  	_ =	swait.ge [sflag:s14], $0x80  }
0x34: {  	[sflag:s14] =	ssyncset.done $0x0  }
0x35: {  	[sflag:s14] =	ssyncadd.s32 $0xFFFFFF80  }
0x36: {  	[tilespmem:s19], [sflag:$0x3] =	stream.indirect.gather [hbm4b:s3+s15], $0x80, s18, s15, $0xb8;
	[tilespmem:$0x10200] =	vst v63  }
0x37: {  	s13 =	rddreg [dreg:$0x4]  }
0x38: {  	[tilespmem:s20], [sflag:$0x9] =	stream.linear.gather [hbm4b:s13+s2], $0x80, $0x38;
	[tilespmem:$0x10200] =	vst v63  }
0x39: {  	s11 =	smov.u32 s5;
	_ =	swait.ge [sflag:s14], $0x80  }
0x3a: {  	s7 =	simm.s32 $0x0;
	s12 =	smov.u32 s1;
	[sflag:s14] =	ssyncset.done $0x0  }
0x3b: {  	s13 =	smov.u32 s0;
	s10 =	rddreg [dreg:$0x6];
	[sflag:s14] =	ssyncadd.s32 $0xFFFFFF80  }
0x3c: {  	[tilespmem:s21], [sflag:$0x4] =	stream.indirect.gather [hbm4b:s3+s15], $0x80, s20, s15, $0xb8;
	[tilespmem:$0x10200] =	vst v63  }
.LBB2_2:
0x3d: {  	_ =	swait.ge [sflag:s22], $0x4000  }
0x3e: {  	[sflag:s22] =	ssyncset.done $0x0  }
0x3f: {  	s8 =	sadd.s32 s7, s9;
	[sflag:s22] =	ssyncadd.s32 $0xFFFFC000  }
0x40: {  	[hbm4b:s8+s2] =	stream.linear.scatter [tilespmem:s16], [sflag:$0x5], $0x4000, $0x38;
	[tilespmem:$0x10200] =	vst v63  }
0x41: {  	_ =	swait.ge [sflag:s23], $0x4000  }
0x42: {  	[sflag:s23] =	ssyncset.done $0x0  }
0x43: {  	s6 =	sadd.s32 $0x800, s8;
	[sflag:s23] =	ssyncadd.s32 $0xFFFFC000  }
0x44: {  	[hbm4b:s6+s2] =	stream.linear.scatter [tilespmem:s17], [sflag:$0x6], $0x4000, $0x38;
	[tilespmem:$0x10200] =	vst v63  }
0x45: {  	_ =	swait.ge [sflag:s24], $0x4000  }
0x46: {  	[sflag:s24] =	ssyncset.done $0x0  }
0x47: {  	p0 =	seq.s32 s7, $0xE000;
	s6 =	sadd.s32 $0x1000, s8;
	[sflag:s24] =	ssyncadd.s32 $0xFFFFC000  }
0x48: {  	[hbm4b:s6+s2] =	stream.linear.scatter [tilespmem:s19], [sflag:$0x7], $0x4000, $0x38;
	[tilespmem:$0x10200] =	vst v63  }
.Ltmp2:
0x49: {  	_ = 	snop;
	(pc) =	sbr.rel @p0 .LBB2_4-.Ltmp2, $4  }
0x4a: {  	_ =	swait.ge [sflag:s25], $0x4000  }
0x4b: {  	[sflag:s25] =	ssyncset.done $0x0  }
0x4c: {  	s8 =	sadd.s32 $0x1800, s8;
	[sflag:s25] =	ssyncadd.s32 $0xFFFFC000  }
0x4d: {  	[hbm4b:s8+s2] =	stream.linear.scatter [tilespmem:s21], [sflag:$0x8], $0x4000, $0x38;
	[tilespmem:$0x10200] =	vst v63  }
0x4e: {  	[tilespmem:s2], [sflag:$0x9] =	stream.linear.gather [hbm4b:s13+s2], $0x80, $0x38;
	[tilespmem:$0x10200] =	vst v63  }
0x4f: {  	_ =	swait.ge [sflag:s14], $0x80  }
0x50: {  	[sflag:s14] =	ssyncset.done $0x0  }
0x51: {  	[sflag:s14] =	ssyncadd.s32 $0xFFFFFF80  }
0x52: {  	[tilespmem:s15], [sflag:$0x9] =	stream.linear.gather [hbm4b:s12+s2], $0x80, $0x38;
	[tilespmem:$0x10200] =	vst v63  }
0x53: {  	_ =	swait.ge [sflag:s14], $0x80  }
0x54: {  	[sflag:s14] =	ssyncset.done $0x0  }
0x55: {  	[sflag:s14] =	ssyncadd.s32 $0xFFFFFF80  }
0x56: {  	[tilespmem:s18], [sflag:$0x9] =	stream.linear.gather [hbm4b:s11+s2], $0x80, $0x38;
	[tilespmem:$0x10200] =	vst v63  }
0x57: {  	_ =	swait.ge [sflag:s14], $0x80  }
0x58: {  	[sflag:s14] =	ssyncset.done $0x0  }
0x59: {  	[sflag:s14] =	ssyncadd.s32 $0xFFFFFF80  }
0x5a: {  	[tilespmem:s20], [sflag:$0x9] =	stream.linear.gather [hbm4b:s10+s2], $0x80, $0x38;
	[tilespmem:$0x10200] =	vst v63  }
0x5b: {  	_ =	swait.ge [sflag:s14], $0x80  }
0x5c: {  	[sflag:s14] =	ssyncset.done $0x0  }
0x5d: {  	[sflag:s14] =	ssyncadd.s32 $0xFFFFFF80  }
0x5e: {  	_ =	swait.ge [sflag:s26], $0x4000  }
0x5f: {  	[sflag:s26] =	ssyncset.done $0x0  }
0x60: {  	[sflag:s26] =	ssyncadd.s32 $0xFFFFC000  }
0x61: {  	[tilespmem:s16], [sflag:$0x1] =	stream.indirect.gather [hbm4b:s3+s15], $0x80, s2, s15, $0xb8;
	[tilespmem:$0x10200] =	vst v63  }
0x62: {  	_ =	swait.ge [sflag:s28], $0x4000  }
0x63: {  	[sflag:s28] =	ssyncset.done $0x0  }
0x64: {  	[sflag:s28] =	ssyncadd.s32 $0xFFFFC000  }
0x65: {  	[tilespmem:s17], [sflag:$0x2] =	stream.indirect.gather [hbm4b:s3+s15], $0x80, s15, s15, $0xb8;
	[tilespmem:$0x10200] =	vst v63  }
0x66: {  	_ =	swait.ge [sflag:s29], $0x4000  }
0x67: {  	[sflag:s29] =	ssyncset.done $0x0  }
0x68: {  	[sflag:s29] =	ssyncadd.s32 $0xFFFFC000  }
0x69: {  	[tilespmem:s19], [sflag:$0x3] =	stream.indirect.gather [hbm4b:s3+s15], $0x80, s18, s15, $0xb8;
	[tilespmem:$0x10200] =	vst v63  }
.Ltmp3:
0x6a: {  	_ = 	snop;
	(pc) =	sbr.rel .LBB2_2-.Ltmp3, $4  }
0x6b: {  	s7 =	sadd.s32 $0x2000, s7;
	_ =	swait.ge [sflag:s30], $0x4000  }
0x6c: {  	s13 =	sadd.s32 $0x40, s13;
	s12 =	sadd.s32 $0x40, s12;
	[sflag:s30] =	ssyncset.done $0x0  }
0x6d: {  	s11 =	sadd.s32 $0x40, s11;
	s10 =	sadd.s32 $0x40, s10;
	[sflag:s30] =	ssyncadd.s32 $0xFFFFC000  }
0x6e: {  	[tilespmem:s21], [sflag:$0x4] =	stream.indirect.gather [hbm4b:s3+s15], $0x80, s20, s15, $0xb8;
	[tilespmem:$0x10200] =	vst v63  }
.LBB2_5:
0x6f: {  	_ =	sfence.sel $0x180000  }
0x70: {  	[bflag:$0x0] =	sbarrier.arrive $0xFFFF  }
0x71: {  	_ =	strace $0x90000047  }
0x72: {  	s0 =	stileid.u32;
	[bflag:$0x2] =	sbarrier.arrive $0xFFFF  }
0x73: {  	p0 =	sne.s32 s0, $0x0;
	s0 =	rddreg [dreg:$0x1]  }
0x74: {  	s0 =	sadd.s32 @!p0 $0x100000, s0  }
0x75: {  	[sflag:s0] =	ssyncadd.tile.s32 @!p0 $0x1;
	_ =	shalt  }
.Lfunc_end2:
_tile_overlayer_lowered:
.L_overlay_start_2:
0x76: {  	(tag) =	ssettag $0x2  }
0x77: {  	s0 =	rddreg [dreg:$0x0];
	s2 =	stileid.u32  }
0x78: {  	s1 =	rddreg [dreg:$0x1];
	p0 =	sne.s32 s2, $0x0  }
0x79: {  	s3 =	rddreg [dreg:$0x2];
	[bflag:$0x3] =	sbarrier.arrive $0xFFFF;
	s2 =	simm.s32 @!p0 $0x1C09  }
0x7a: {  	[timem:s3], [sflag:s2] =	dma.local @!p0 [hbm:s0], s1  }
0x7b: {  	s0 =	simm.s32 @!p0 $0x9  }
0x7c: {  	_ =	swait.ge @!p0 [sflag:s0], s1  }
0x7d: {  	s1 =	ssub.s32 @!p0 $0x0, s1;
	[sflag:s0] =	ssyncset.done @!p0 $0x0  }
0x7e: {  	[sflag:s0] =	ssyncadd.s32 @!p0 s1  }
0x7f: {  	[bflag:$0x3] =	sbarrier.arrive $0xFFFF  }
0x80: {  	_ =	shalt  }

// kernel: kernel.27.cloned.1.call-start
scs
__scs_entry_jumppad:
0x0: {  	(pc) =	sbr.rel $0x88, $3  }
0x1: {  	(tag) =	ssettag $0x0;
	lr =	simm.s32 $0x1  }
0x2: {  	[smem:$0x3F8F] =	sst lr;
	_ =	strace $0xD0000000  }
0x3: {  	_ = 	snop  }
0x4: {  	_ = 	snop  }
0x5: {  	_ = 	snop  }
0x6: {  	_ = 	snop  }
0x7: {  	_ = 	snop  }
__scs_overlays_trampoline_lowered:
0x8: {  	[smem:$0x3F9E] =	sst s0  }
0x9: {  	[smem:$0x3F9F] =	sst s1  }
0xa: {  	[smem:$0x3FA0] =	sst s2  }
0xb: {  	[smem:$0x3FA1] =	sst s3  }
0xc: {  	[smem:$0x3FA2] =	sst s4  }
0xd: {  	[smem:$0x3FA3] =	sst s5  }
0xe: {  	[smem:$0x3FA4] =	sst s6  }
0xf: {  	[smem:$0x3FA5] =	sst s7  }
0x10: {  	[smem:$0x3FA6] =	sst s8  }
0x11: {  	[smem:$0x3FA7] =	sst s9;
	s0 =	simm.s32 @!p0 $0x0  }
0x12: {  	s1 =	sld [smem:$0x3F8D];
	s0 =	simm.s32 @p0 $0x1  }
0x13: {  	[smem:$0x3FA8] =	sst s0;
	s0 =	simm.s32 @!p1 $0x0  }
0x14: {  	s2 =	sld [smem:$0x3F8C];
	s0 =	simm.s32 @p1 $0x1  }
0x15: {  	[smem:$0x3FA9] =	sst s0;
	s0 =	simm.s32 @!p2 $0x0  }
0x16: {  	s3 =	sld [smem:$0x3FDB];
	s0 =	simm.s32 @p2 $0x1  }
0x17: {  	s4 =	simm.s32 $0x1BF5;
	[smem:$0x3FAB] =	sst s0  }
0x18: {  	s0 =	sld [smem:$0x3F8E];
	_ =	swait.ge [sflag:s4], $0x0  }
0x19: {  	s7 =	sld [smem:$0x3F8F]  }
0x1a: {  	s8 =	sadd.s32 $0xFFFFE003, lr  }
0x1b: {  	s9 =	sadd.s32 $0xFFFFFEF7, lr;
	s5 =	simm.s32 $0xFFFFFFFF;
	p2 =	slt.u32 s8, $0xFFFFF086  }
0x1c: {  	p1 =	slt.u32 s9, $0xF7A;
	s5 =	simm.s32 @!p2 $0x0  }
0x1d: {  	s5 =	simm.s32 @p1 $0x1;
	p0 =	seq.s32 s7, s2  }
0x1e: {  	s7 =	smul.u32 @!p0 $0xF7A, s2;
	p2 =	seq.s32 @!p0 s5, $0x0  }
0x1f: {  	s9 =	smul.u32 $0xF7A, s1;
	s8 =	simm.s32 @!p0 $0x1BF5;
	p2 =	por !p2, p0  }
0x20: {  	[sflag:s8] =	ssyncset.s32 @!p0 $0xFFFFF086;
	s6 =	sadd.s32 @!p0 s3, s7;
	s7 =	simm.s32 @!p0 $0x108  }
0x21: {  	s3 =	sadd.s32 s3, s9;
	s6 =	sadd.s32 @!p0 $0x88, s6;
	s7 =	simm.s32 @p2 $0x1082  }
0x22: {  	[simem:s7], [sflag:s8] =	dma.local @!p0 [hbm:s6], $0xF7A  }
0x23: {  	s9 =	sor.u32 $0xD0000000, s2;
	s6 =	simm.s32 $0x108;
	_ =	swait.ge @!p0 [sflag:s8], $0x0  }
0x24: {  	s3 =	sadd.s32 $0x88, s3;
	s6 =	simm.s32 @!p1 $0x1082;
	[sflag:s4] =	ssyncset.s32 $0xFFFFF086  }
0x25: {  	[simem:s6], [sflag:s4] =	dma.local [hbm:s3], $0xF7A  }
0x26: {  	[smem:$0x3F8F] =	sst s1;
	(tag) =	ssettag s2;
	_ =	strace s9  }
0x27: {  	s1 =	sld [smem:$0x3F9F]  }
0x28: {  	s2 =	sld [smem:$0x3FA0]  }
0x29: {  	s4 =	sld [smem:$0x3FA2]  }
0x2a: {  	p0 =	seq.s32 s5, $0x0;
	s5 =	sld [smem:$0x3FA3]  }
0x2b: {  	s6 =	sld [smem:$0x3FA4]  }
0x2c: {  	s7 =	sld [smem:$0x3FA5]  }
0x2d: {  	s3 =	simm.s32 $0x108;
	s8 =	sld [smem:$0x3FA6]  }
0x2e: {  	s3 =	simm.s32 @!p0 $0x1082;
	s9 =	sld [smem:$0x3FA7]  }
0x2f: {  	lr =	sadd.s32 s0, s3;
	s0 =	sld [smem:$0x3F9E]  }
0x30: {  	s3 =	sld [smem:$0x3FA1]  }
0x31: {  	[smem:$0x3FAA] =	sst s10  }
0x32: {  	s10 =	sld [smem:$0x3FA8];
	_ =	sdelay $0x3  }
0x33: {  	p0 =	seq.s32 s10, $0x1;
	s10 =	sld [smem:$0x3FAA];
	_ =	sdelay $0x3  }
0x34: {  	[smem:$0x3FAA] =	sst s10  }
0x35: {  	s10 =	sld [smem:$0x3FA9];
	_ =	sdelay $0x3  }
0x36: {  	p1 =	seq.s32 s10, $0x1;
	s10 =	sld [smem:$0x3FAA];
	_ =	sdelay $0x3  }
0x37: {  	[smem:$0x3FAA] =	sst s10  }
0x38: {  	s10 =	sld [smem:$0x3FAB]  }
0x39: {  	_ = 	snop;
	(pc) =	sbr.ind lr, $3  }
0x3a: {  	_ = 	snop  }
0x3b: {  	_ = 	snop  }
0x3c: {  	p2 =	seq.s32 s10, $0x1;
	s10 =	sld [smem:$0x3FAA]  }
0x3d: {  	_ =	shalt  }
0x3e: {  	_ =	shalt  }
0x3f: {  	_ =	shalt  }
0x40: {  	_ =	shalt  }
0x41: {  	_ =	shalt  }
0x42: {  	_ =	shalt  }
0x43: {  	_ =	shalt  }
0x44: {  	_ =	shalt  }
0x45: {  	_ =	shalt  }
0x46: {  	_ =	shalt  }
0x47: {  	_ =	shalt  }
0x48: {  	_ =	shalt  }
0x49: {  	_ =	shalt  }
0x4a: {  	_ =	shalt  }
0x4b: {  	_ =	shalt  }
0x4c: {  	_ =	shalt  }
0x4d: {  	_ =	shalt  }
0x4e: {  	_ =	shalt  }
0x4f: {  	_ =	shalt  }
0x50: {  	_ =	shalt  }
0x51: {  	_ =	shalt  }
0x52: {  	_ =	shalt  }
0x53: {  	_ =	shalt  }
0x54: {  	_ =	shalt  }
0x55: {  	_ =	shalt  }
0x56: {  	_ =	shalt  }
0x57: {  	_ =	shalt  }
0x58: {  	_ =	shalt  }
0x59: {  	_ =	shalt  }
0x5a: {  	_ =	shalt  }
0x5b: {  	_ =	shalt  }
0x5c: {  	_ =	shalt  }
0x5d: {  	_ =	shalt  }
0x5e: {  	_ =	shalt  }
0x5f: {  	_ =	shalt  }
0x60: {  	_ =	shalt  }
0x61: {  	_ =	shalt  }
0x62: {  	_ =	shalt  }
0x63: {  	_ =	shalt  }
0x64: {  	_ =	shalt  }
0x65: {  	_ =	shalt  }
0x66: {  	_ =	shalt  }
0x67: {  	_ =	shalt  }
0x68: {  	_ =	shalt  }
0x69: {  	_ =	shalt  }
0x6a: {  	_ =	shalt  }
0x6b: {  	_ =	shalt  }
0x6c: {  	_ =	shalt  }
0x6d: {  	_ =	shalt  }
0x6e: {  	_ =	shalt  }
0x6f: {  	_ =	shalt  }
0x70: {  	_ =	shalt  }
0x71: {  	_ =	shalt  }
0x72: {  	_ =	shalt  }
0x73: {  	_ =	shalt  }
0x74: {  	_ =	shalt  }
0x75: {  	_ =	shalt  }
0x76: {  	_ =	shalt  }
0x77: {  	_ =	shalt  }
0x78: {  	_ =	shalt  }
0x79: {  	_ =	shalt  }
0x7a: {  	_ =	shalt  }
0x7b: {  	_ =	shalt  }
0x7c: {  	_ =	shalt  }
0x7d: {  	_ =	shalt  }
0x7e: {  	_ =	shalt  }
0x7f: {  	_ =	shalt  }
0x80: {  	_ =	shalt  }
0x81: {  	_ =	shalt  }
0x82: {  	_ =	shalt  }
0x83: {  	_ =	shalt  }
0x84: {  	_ =	shalt  }
0x85: {  	_ =	shalt  }
0x86: {  	_ =	shalt  }
0x87: {  	_ =	shalt  }
.Lfunc_end0:
.L_simem_size_0:
called_computation.2_lowered:
.L_overlay_start_0:
0x88: {  	s2 =	sld [smem:$0x3FD9]  }
0x89: {  	s3 =	sld [smem:$0x3FFE];
	_ =	sdelay $0x1  }
0x8a: {  	s1 =	srdreg.scid  }
0x8b: {  	s0 =	sand.u32 $0x1, s1  }
0x8c: {  	s17 =	sshll.u32 s0, $0xA;
	s2 =	sadd.s32 s3, s2  }
0x8d: {  	s2 =	sadd.s32 s2, s17  }
0x8e: {  	[smem:$0x3FB6] =	sst s2  }
0x8f: {  	_ = 	snop  }
0x90: {  	(tm) =	ssettm $0x1  }
0x91: {  	s18 =	sld [smem:$0x3FFB];
	_ =	sdelay $0x3  }
0x92: {  	_ =	strace s18  }
0x93: {  	s2 =	sld [smem:$0x3FFC];
	_ =	sdelay $0x3  }
0x94: {  	_ =	strace s2  }
0x95: {  	s2 =	sld [smem:$0x3FFD];
	_ =	sdelay $0x3  }
0x96: {  	_ =	strace s2  }
0x97: {  	_ =	strace $0x8FFFFFFF  }
0x98: {  	s19 =	sld [smem:$0x3FDB];
	_ =	sdelay $0x1  }
0x99: {  	s20 =	simm.s32 $_scs_section_size  }
0x9a: {  	s4 =	simm.s32 $_size__tile_overlayer_lowered;
	s5 =	simm.s32 $_tile_overlayer_lowered  }
0x9b: {  	s6 =	simm.s32 $0x1BFF;
	s21 =	sshll.u32 s5, $0x1;
	s3 =	sadd.s32 s20, s19  }
0x9c: {  	s22 =	simm.s32 $0x0;
	s4 =	sshll.u32 s4, $0x1;
	s5 =	sadd.s32 s21, s3  }
0x9d: {  	[timem:s22], [sflag:s6] =	dma.local [hbm:s5], s4  }
0x9e: {  	_ =	swait.ge [sflag:s6], s4  }
0x9f: {  	s4 =	ssub.s32 $0x0, s4;
	[sflag:s6] =	ssyncset.done $0x0  }
0xa0: {  	[sflag:s6] =	ssyncadd.s32 s4;
	_ =	sdelay $0x1  }
0xa1: {  	s23 =	simm.s32 $0x1B8B  }
0xa2: {  	_ =	swait.ge [sflag:s23], $0x1  }
0xa3: {  	[sflag:s23] =	ssyncset.done $0x0  }
0xa4: {  	[sflag:s23] =	ssyncadd.s32 $0xFFFFFFFF  }
0xa5: {  	s4 =	sld [smem:$0x0]  }
0xa6: {  	s5 =	sand.u32 $0xFFFFFFFE, s1  }
0xa7: {  	p0 =	sne.s32 s1, s5  }
0xa8: {  	s5 =	sshll.u32 @p0 s5, $0xE  }
0xa9: {  	s5 =	sadd.s32 @p0 $0x11B8D, s5;
	s6 =	sshll.u32 @p0 s4, $0x11  }
0xaa: {  	s5 =	sor.u32 @p0 s6, s5  }
0xab: {  	[sflag:s5] =	ssyncadd.remote.s32 @p0 $0x1;
	_ =	sdelay $0x1  }
0xac: {  	s5 =	simm.s32 @p0 $0x1B8D  }
0xad: {  	_ =	swait.eq @p0 [sflag:s5], $0x1  }
0xae: {  	[sflag:s5] =	ssyncadd.s32 @p0 $0xFFFFFFFF  }
0xaf: {  	s6 =	sshll.u32 @!p0 s1, $0xE  }
0xb0: {  	s6 =	sor.u32 @!p0 $0x4000, s6;
	s5 =	simm.s32 @!p0 $0x1B8D  }
0xb1: {  	s4 =	sshll.u32 @!p0 s4, $0x11;
	s6 =	sadd.s32 @!p0 $0x11B8D, s6;
	_ =	swait.eq @!p0 [sflag:s5], $0x1  }
0xb2: {  	s4 =	sor.u32 @!p0 s4, s6;
	[sflag:s5] =	ssyncadd.s32 @!p0 $0xFFFFFFFF  }
0xb3: {  	s25 =	simm.s32 $0x1B8E;
	s24 =	sld [smem:$0x3FFE];
	[sflag:s4] =	ssyncadd.remote.s32 @!p0 $0x1  }
0xb4: {  	s26 =	simm.s32 $execute0_lowered;
	[smem:$0x3FD2] =	sst s25  }
0xb5: {  	s5 =	sshll.u32 s26, $0x1;
	_ =	strace $0x8000004F;
	[dreg:$0x1] =	wrdreg $0xFFFFFFFF  }
0xb6: {  	s28 =	simm.s32 $_size_execute0_lowered;
	s3 =	sadd.s32 s3, s5;
	[dreg:$0x0] =	wrdreg $0x0  }
0xb7: {  	s5 =	sshll.u32 s28, $0x1;
	[dreg:$0x2] =	wrdreg s3  }
0xb8: {  	[dreg:$0x3] =	wrdreg s5  }
0xb9: {  	[dreg:$0x4] =	wrdreg $0xC0  }
0xba: {  	_ =	task [dreg:s22], $0x5FFFF  }
0xbb: {  	[dreg:$0x1] =	wrdreg $0xFFFFFFFF  }
0xbc: {  	[dreg:$0x0] =	wrdreg $0x60  }
0xbd: {  	[dreg:$0x2] =	wrdreg s24  }
0xbe: {  	[dreg:$0x3] =	wrdreg $0x9  }
0xbf: {  	_ =	task.clear_ibuf [dreg:s22], $0x4FFFF;
	_ =	strace $0x9000004F  }
0xc0: {  	s29 =	simm.s32 $0x9;
	_ =	strace $0x80000051  }
0xc1: {  	_ =	swait.ge [sflag:s29], $0x1  }
0xc2: {  	[sflag:s29] =	ssyncadd.s32 $0xFFFFFFFF  }
0xc3: {  	_ =	strace $0x90000051  }
0xc4: {  	_ =	sfence  }
0xc5: {  	s30 =	sld [smem:$0x0];
	_ =	sdelay $0x2  }
0xc6: {  	s31 =	sshll.u32 s1, $0xD;
	s1 =	sshrl.u32 s1, $0x2  }
0xc7: {  	s4 =	sand.u32 $0x4000, s31;
	s1 =	sadd.s32 s1, s30  }
0xc8: {  	s0 =	sor.u32 s4, s0;
	s1 =	sshll.u32 s1, $0x11  }
0xc9: {  	s0 =	sor.u32 s1, s0  }
0xca: {  	s0 =	sadd.s32 $0x8F2B, s0  }
0xcb: {  	[sflag:s0] =	ssyncadd.remote.s32 $0x1  }
0xcc: {  	_ =	sfence.sel $0xFFFF  }
0xcd: {  	[dreg:$0x0] =	wrdreg $0xFFFFFFFF;
	(pc) =	sbr.abs _section_cstart, $3  }
0xce: {  	[dreg:$0x1] =	wrdreg $0xFFFFFFFF  }
0xcf: {  	_ =	task.clear_ibuf [dreg:s22], $0x2FFFF;
	_ =	strace $0x9FFFFFFF  }
0xd0: {  	(tm) =	ssettm $0x7FFFFFFF  }
0xd1: {  	_ =	shalt  }
tec
execute0_lowered:
.L_overlay_start_1:
0x0: {  	(tag) =	ssettag $0x1  }
0x1: {  	s0 =	rddreg [dreg:$0x0]  }
0x2: {  	s2 =	simm.s32 $0x0;
	s1 =	srdreg.scid;
	s8 =	stileid.u32  }
0x3: {  	s14 =	simm.s32 $0x9;
	s15 =	simm.s32 $0x80;
	s16 =	simm.s32 $0x200  }
0x4: {  	s28 =	simm.s32 $0x6;
	s29 =	simm.s32 $0x7;
	s30 =	simm.s32 $0x8  }
0x5: {  	s31 =	simm.s32 $0x0;
	[smem:$0x7FF] =	sst s2;
	s1 =	sand.u32 $0x1, s1  }
0x6: {  	s3 =	sadd.s32 $0xD6000, s0;
	s4 =	sshll.u32 s8, $0xD;
	s7 =	sadd.s32 $0x8FE00, s0  }
0x7: {  	s17 =	sshll.u32 s8, $0x11;
	_ =	strace $0x80000050;
	s5 =	sshll.u32 s1, $0xC  }
0x8: {  	s6 =	ssub.s32 $0x2, s1;
	s0 =	sadd.s32 s17, s0;
	s1 =	sshll.u32 s1, $0x10  }
0x9: {  	s17 =	simm.s32 $0x4200;
	s5 =	sor.u32 s5, s4;
	s18 =	sshrl.u32 s6, $0x1  }
0xa: {  	s0 =	sadd.s32 s1, s0;
	s9 =	sshrl.u32 s5, $0x3;
	s6 =	ssub.s32 s6, s18  }
0xb: {  	s22 =	sor.u32 $0x380, s5;
	s24 =	sor.u32 $0x300, s5;
	s25 =	sor.u32 $0x280, s5  }
0xc: {  	s10 =	sor.u32 $0x200, s5;
	s18 =	simm.s32 $0x100;
	s4 =	sadd.s32 s7, s9  }
0xd: {  	s6 =	smax.u32 s6, $0x1;
	s9 =	sadd.s32 $0x376000, s0;
	s23 =	sshrl.u32 s22, $0x3  }
0xe: {  	s1 =	sshrl.u32 s25, $0x3;
	s26 =	sshrl.u32 s10, $0x3;
	s22 =	simm.s32 $0x1  }
0xf: {  	s25 =	simm.s32 $0x4;
	s19 =	sadd.s32 $0x10, s4;
	[dreg:$0x5] =	wrdreg s6  }
0x10: {  	s20 =	sadd.s32 $0x20, s4;
	s21 =	sadd.s32 $0x30, s4;
	[dreg:$0x2] =	wrdreg s19  }
.Ltmp0:
0x11: {  	s0 =	sadd.s32 s23, s7;
	[dreg:$0x3] =	wrdreg s20;
	(pc) =	sbr.rel .LBB2_1-.Ltmp0, $4  }
0x12: {  	s1 =	sadd.s32 s1, s7;
	s23 =	simm.s32 $0x2;
	[dreg:$0x4] =	wrdreg s21  }
0x13: {  	[dreg:$0x6] =	wrdreg s0;
	s0 =	sshrl.u32 s24, $0x3;
	s19 =	simm.s32 $0x8200  }
0x14: {  	s20 =	simm.s32 $0x180;
	s21 =	simm.s32 $0xC200;
	s24 =	simm.s32 $0x3  }
0x15: {  	s5 =	sadd.s32 s0, s7;
	s0 =	sadd.s32 s26, s7;
	s26 =	simm.s32 $0x5  }
.LBB2_4:
0x16: {  	_ =	swait.ge [sflag:s26], $0x4000  }
0x17: {  	[sflag:s26] =	ssyncset.done $0x0  }
0x18: {  	[sflag:s26] =	ssyncadd.s32 $0xFFFFC000  }
0x19: {  	_ =	swait.ge [sflag:s28], $0x4000  }
0x1a: {  	[sflag:s28] =	ssyncset.done $0x0  }
0x1b: {  	[sflag:s28] =	ssyncadd.s32 $0xFFFFC000  }
0x1c: {  	_ =	swait.ge [sflag:s29], $0x4000  }
0x1d: {  	[sflag:s29] =	ssyncset.done $0x0  }
0x1e: {  	[sflag:s29] =	ssyncadd.s32 $0xFFFFC000  }
0x1f: {  	_ =	swait.ge [sflag:s30], $0x4000  }
0x20: {  	s31 =	sadd.s32 $0x1, s31;
	s6 =	rddreg [dreg:$0x5]  }
0x21: {  	p0 =	sne.s32 s31, s6  }
.Ltmp1:
0x22: {  	_ = 	snop;
	(pc) =	sbr.rel @!p0 .LBB2_5-.Ltmp1, $3  }
0x23: {  	_ =	sdelay $0x1  }
0x24: {  	[sflag:s30] =	ssyncset.done $0x0  }
0x25: {  	[sflag:s30] =	ssyncadd.s32 $0xFFFFC000  }
.LBB2_1:
0x26: {  	[tilespmem:s2], [sflag:$0x9] =	stream.linear.gather [hbm4b:s4+s2], $0x80, $0x38;
	[tilespmem:$0x10200] =	vst v63  }
0x27: {  	_ =	swait.ge [sflag:s14], $0x80  }
0x28: {  	[sflag:s14] =	ssyncset.done $0x0  }
0x29: {  	[sflag:s14] =	ssyncadd.s32 $0xFFFFFF80  }
0x2a: {  	[tilespmem:s16], [sflag:$0x1] =	stream.indirect.gather [hbm4b:s3+s15], $0x80, s2, s15, $0xb8;
	[tilespmem:$0x10200] =	vst v63  }
0x2b: {  	s6 =	rddreg [dreg:$0x2]  }
0x2c: {  	[tilespmem:s15], [sflag:$0x9] =	stream.linear.gather [hbm4b:s6+s2], $0x80, $0x38;
	[tilespmem:$0x10200] =	vst v63  }
0x2d: {  	_ =	swait.ge [sflag:s14], $0x80  }
0x2e: {  	[sflag:s14] =	ssyncset.done $0x0  }
0x2f: {  	[sflag:s14] =	ssyncadd.s32 $0xFFFFFF80  }
0x30: {  	[tilespmem:s17], [sflag:$0x2] =	stream.indirect.gather [hbm4b:s3+s15], $0x80, s15, s15, $0xb8;
	[tilespmem:$0x10200] =	vst v63  }
0x31: {  	s12 =	rddreg [dreg:$0x3]  }
0x32: {  	[tilespmem:s18], [sflag:$0x9] =	stream.linear.gather [hbm4b:s12+s2], $0x80, $0x38;
	[tilespmem:$0x10200] =	vst v63  }
0x33: {  	_ =	swait.ge [sflag:s14], $0x80  }
0x34: {  	[sflag:s14] =	ssyncset.done $0x0  }
0x35: {  	[sflag:s14] =	ssyncadd.s32 $0xFFFFFF80  }
0x36: {  	[tilespmem:s19], [sflag:$0x3] =	stream.indirect.gather [hbm4b:s3+s15], $0x80, s18, s15, $0xb8;
	[tilespmem:$0x10200] =	vst v63  }
0x37: {  	s13 =	rddreg [dreg:$0x4]  }
0x38: {  	[tilespmem:s20], [sflag:$0x9] =	stream.linear.gather [hbm4b:s13+s2], $0x80, $0x38;
	[tilespmem:$0x10200] =	vst v63  }
0x39: {  	s11 =	smov.u32 s5;
	_ =	swait.ge [sflag:s14], $0x80  }
0x3a: {  	s7 =	simm.s32 $0x0;
	s12 =	smov.u32 s1;
	[sflag:s14] =	ssyncset.done $0x0  }
0x3b: {  	s13 =	smov.u32 s0;
	s10 =	rddreg [dreg:$0x6];
	[sflag:s14] =	ssyncadd.s32 $0xFFFFFF80  }
0x3c: {  	[tilespmem:s21], [sflag:$0x4] =	stream.indirect.gather [hbm4b:s3+s15], $0x80, s20, s15, $0xb8;
	[tilespmem:$0x10200] =	vst v63  }
.LBB2_2:
0x3d: {  	_ =	swait.ge [sflag:s22], $0x4000  }
0x3e: {  	[sflag:s22] =	ssyncset.done $0x0  }
0x3f: {  	s8 =	sadd.s32 s7, s9;
	[sflag:s22] =	ssyncadd.s32 $0xFFFFC000  }
0x40: {  	[hbm4b:s8+s2] =	stream.linear.scatter [tilespmem:s16], [sflag:$0x5], $0x4000, $0x38;
	[tilespmem:$0x10200] =	vst v63  }
0x41: {  	_ =	swait.ge [sflag:s23], $0x4000  }
0x42: {  	[sflag:s23] =	ssyncset.done $0x0  }
0x43: {  	s6 =	sadd.s32 $0x800, s8;
	[sflag:s23] =	ssyncadd.s32 $0xFFFFC000  }
0x44: {  	[hbm4b:s6+s2] =	stream.linear.scatter [tilespmem:s17], [sflag:$0x6], $0x4000, $0x38;
	[tilespmem:$0x10200] =	vst v63  }
0x45: {  	_ =	swait.ge [sflag:s24], $0x4000  }
0x46: {  	[sflag:s24] =	ssyncset.done $0x0  }
0x47: {  	p0 =	seq.s32 s7, $0xE000;
	s6 =	sadd.s32 $0x1000, s8;
	[sflag:s24] =	ssyncadd.s32 $0xFFFFC000  }
0x48: {  	[hbm4b:s6+s2] =	stream.linear.scatter [tilespmem:s19], [sflag:$0x7], $0x4000, $0x38;
	[tilespmem:$0x10200] =	vst v63  }
.Ltmp2:
0x49: {  	_ = 	snop;
	(pc) =	sbr.rel @p0 .LBB2_4-.Ltmp2, $4  }
0x4a: {  	_ =	swait.ge [sflag:s25], $0x4000  }
0x4b: {  	[sflag:s25] =	ssyncset.done $0x0  }
0x4c: {  	s8 =	sadd.s32 $0x1800, s8;
	[sflag:s25] =	ssyncadd.s32 $0xFFFFC000  }
0x4d: {  	[hbm4b:s8+s2] =	stream.linear.scatter [tilespmem:s21], [sflag:$0x8], $0x4000, $0x38;
	[tilespmem:$0x10200] =	vst v63  }
0x4e: {  	[tilespmem:s2], [sflag:$0x9] =	stream.linear.gather [hbm4b:s13+s2], $0x80, $0x38;
	[tilespmem:$0x10200] =	vst v63  }
0x4f: {  	_ =	swait.ge [sflag:s14], $0x80  }
0x50: {  	[sflag:s14] =	ssyncset.done $0x0  }
0x51: {  	[sflag:s14] =	ssyncadd.s32 $0xFFFFFF80  }
0x52: {  	[tilespmem:s15], [sflag:$0x9] =	stream.linear.gather [hbm4b:s12+s2], $0x80, $0x38;
	[tilespmem:$0x10200] =	vst v63  }
0x53: {  	_ =	swait.ge [sflag:s14], $0x80  }
0x54: {  	[sflag:s14] =	ssyncset.done $0x0  }
0x55: {  	[sflag:s14] =	ssyncadd.s32 $0xFFFFFF80  }
0x56: {  	[tilespmem:s18], [sflag:$0x9] =	stream.linear.gather [hbm4b:s11+s2], $0x80, $0x38;
	[tilespmem:$0x10200] =	vst v63  }
0x57: {  	_ =	swait.ge [sflag:s14], $0x80  }
0x58: {  	[sflag:s14] =	ssyncset.done $0x0  }
0x59: {  	[sflag:s14] =	ssyncadd.s32 $0xFFFFFF80  }
0x5a: {  	[tilespmem:s20], [sflag:$0x9] =	stream.linear.gather [hbm4b:s10+s2], $0x80, $0x38;
	[tilespmem:$0x10200] =	vst v63  }
0x5b: {  	_ =	swait.ge [sflag:s14], $0x80  }
0x5c: {  	[sflag:s14] =	ssyncset.done $0x0  }
0x5d: {  	[sflag:s14] =	ssyncadd.s32 $0xFFFFFF80  }
0x5e: {  	_ =	swait.ge [sflag:s26], $0x4000  }
0x5f: {  	[sflag:s26] =	ssyncset.done $0x0  }
0x60: {  	[sflag:s26] =	ssyncadd.s32 $0xFFFFC000  }
0x61: {  	[tilespmem:s16], [sflag:$0x1] =	stream.indirect.gather [hbm4b:s3+s15], $0x80, s2, s15, $0xb8;
	[tilespmem:$0x10200] =	vst v63  }
0x62: {  	_ =	swait.ge [sflag:s28], $0x4000  }
0x63: {  	[sflag:s28] =	ssyncset.done $0x0  }
0x64: {  	[sflag:s28] =	ssyncadd.s32 $0xFFFFC000  }
0x65: {  	[tilespmem:s17], [sflag:$0x2] =	stream.indirect.gather [hbm4b:s3+s15], $0x80, s15, s15, $0xb8;
	[tilespmem:$0x10200] =	vst v63  }
0x66: {  	_ =	swait.ge [sflag:s29], $0x4000  }
0x67: {  	[sflag:s29] =	ssyncset.done $0x0  }
0x68: {  	[sflag:s29] =	ssyncadd.s32 $0xFFFFC000  }
0x69: {  	[tilespmem:s19], [sflag:$0x3] =	stream.indirect.gather [hbm4b:s3+s15], $0x80, s18, s15, $0xb8;
	[tilespmem:$0x10200] =	vst v63  }
.Ltmp3:
0x6a: {  	_ = 	snop;
	(pc) =	sbr.rel .LBB2_2-.Ltmp3, $4  }
0x6b: {  	s7 =	sadd.s32 $0x2000, s7;
	_ =	swait.ge [sflag:s30], $0x4000  }
0x6c: {  	s13 =	sadd.s32 $0x40, s13;
	s12 =	sadd.s32 $0x40, s12;
	[sflag:s30] =	ssyncset.done $0x0  }
0x6d: {  	s11 =	sadd.s32 $0x40, s11;
	s10 =	sadd.s32 $0x40, s10;
	[sflag:s30] =	ssyncadd.s32 $0xFFFFC000  }
0x6e: {  	[tilespmem:s21], [sflag:$0x4] =	stream.indirect.gather [hbm4b:s3+s15], $0x80, s20, s15, $0xb8;
	[tilespmem:$0x10200] =	vst v63  }
.LBB2_5:
0x6f: {  	_ =	sfence.sel $0x180000  }
0x70: {  	[bflag:$0x0] =	sbarrier.arrive $0xFFFF  }
0x71: {  	_ =	strace $0x90000050  }
0x72: {  	s0 =	stileid.u32;
	[bflag:$0x2] =	sbarrier.arrive $0xFFFF  }
0x73: {  	p0 =	sne.s32 s0, $0x0;
	s0 =	rddreg [dreg:$0x1]  }
0x74: {  	s0 =	sadd.s32 @!p0 $0x100000, s0  }
0x75: {  	[sflag:s0] =	ssyncadd.tile.s32 @!p0 $0x1;
	_ =	shalt  }
.Lfunc_end2:
_tile_overlayer_lowered:
.L_overlay_start_2:
0x76: {  	(tag) =	ssettag $0x2  }
0x77: {  	s0 =	rddreg [dreg:$0x0];
	s2 =	stileid.u32  }
0x78: {  	s1 =	rddreg [dreg:$0x1];
	p0 =	sne.s32 s2, $0x0  }
0x79: {  	s3 =	rddreg [dreg:$0x2];
	[bflag:$0x3] =	sbarrier.arrive $0xFFFF;
	s2 =	simm.s32 @!p0 $0x1C09  }
0x7a: {  	[timem:s3], [sflag:s2] =	dma.local @!p0 [hbm:s0], s1  }
0x7b: {  	s0 =	simm.s32 @!p0 $0x9  }
0x7c: {  	_ =	swait.ge @!p0 [sflag:s0], s1  }
0x7d: {  	s1 =	ssub.s32 @!p0 $0x0, s1;
	[sflag:s0] =	ssyncset.done @!p0 $0x0  }
0x7e: {  	[sflag:s0] =	ssyncadd.s32 @!p0 s1  }
0x7f: {  	[bflag:$0x3] =	sbarrier.arrive $0xFFFF  }
0x80: {  	_ =	shalt  }

// kernel: kernel.30.cloned.1.call-start
scs
__scs_entry_jumppad:
0x0: {  	(pc) =	sbr.rel $0x88, $3  }
0x1: {  	(tag) =	ssettag $0x0;
	lr =	simm.s32 $0x1  }
0x2: {  	[smem:$0x3F8F] =	sst lr;
	_ =	strace $0xD0000000  }
0x3: {  	_ = 	snop  }
0x4: {  	_ = 	snop  }
0x5: {  	_ = 	snop  }
0x6: {  	_ = 	snop  }
0x7: {  	_ = 	snop  }
__scs_overlays_trampoline_lowered:
0x8: {  	[smem:$0x3F9E] =	sst s0  }
0x9: {  	[smem:$0x3F9F] =	sst s1  }
0xa: {  	[smem:$0x3FA0] =	sst s2  }
0xb: {  	[smem:$0x3FA1] =	sst s3  }
0xc: {  	[smem:$0x3FA2] =	sst s4  }
0xd: {  	[smem:$0x3FA3] =	sst s5  }
0xe: {  	[smem:$0x3FA4] =	sst s6  }
0xf: {  	[smem:$0x3FA5] =	sst s7  }
0x10: {  	[smem:$0x3FA6] =	sst s8  }
0x11: {  	[smem:$0x3FA7] =	sst s9;
	s0 =	simm.s32 @!p0 $0x0  }
0x12: {  	s1 =	sld [smem:$0x3F8D];
	s0 =	simm.s32 @p0 $0x1  }
0x13: {  	[smem:$0x3FA8] =	sst s0;
	s0 =	simm.s32 @!p1 $0x0  }
0x14: {  	s2 =	sld [smem:$0x3F8C];
	s0 =	simm.s32 @p1 $0x1  }
0x15: {  	[smem:$0x3FA9] =	sst s0;
	s0 =	simm.s32 @!p2 $0x0  }
0x16: {  	s3 =	sld [smem:$0x3FDB];
	s0 =	simm.s32 @p2 $0x1  }
0x17: {  	s4 =	simm.s32 $0x1BF5;
	[smem:$0x3FAB] =	sst s0  }
0x18: {  	s0 =	sld [smem:$0x3F8E];
	_ =	swait.ge [sflag:s4], $0x0  }
0x19: {  	s7 =	sld [smem:$0x3F8F]  }
0x1a: {  	s8 =	sadd.s32 $0xFFFFE003, lr  }
0x1b: {  	s9 =	sadd.s32 $0xFFFFFEF7, lr;
	s5 =	simm.s32 $0xFFFFFFFF;
	p2 =	slt.u32 s8, $0xFFFFF086  }
0x1c: {  	p1 =	slt.u32 s9, $0xF7A;
	s5 =	simm.s32 @!p2 $0x0  }
0x1d: {  	s5 =	simm.s32 @p1 $0x1;
	p0 =	seq.s32 s7, s2  }
0x1e: {  	s7 =	smul.u32 @!p0 $0xF7A, s2;
	p2 =	seq.s32 @!p0 s5, $0x0  }
0x1f: {  	s9 =	smul.u32 $0xF7A, s1;
	s8 =	simm.s32 @!p0 $0x1BF5;
	p2 =	por !p2, p0  }
0x20: {  	[sflag:s8] =	ssyncset.s32 @!p0 $0xFFFFF086;
	s6 =	sadd.s32 @!p0 s3, s7;
	s7 =	simm.s32 @!p0 $0x108  }
0x21: {  	s3 =	sadd.s32 s3, s9;
	s6 =	sadd.s32 @!p0 $0x88, s6;
	s7 =	simm.s32 @p2 $0x1082  }
0x22: {  	[simem:s7], [sflag:s8] =	dma.local @!p0 [hbm:s6], $0xF7A  }
0x23: {  	s9 =	sor.u32 $0xD0000000, s2;
	s6 =	simm.s32 $0x108;
	_ =	swait.ge @!p0 [sflag:s8], $0x0  }
0x24: {  	s3 =	sadd.s32 $0x88, s3;
	s6 =	simm.s32 @!p1 $0x1082;
	[sflag:s4] =	ssyncset.s32 $0xFFFFF086  }
0x25: {  	[simem:s6], [sflag:s4] =	dma.local [hbm:s3], $0xF7A  }
0x26: {  	[smem:$0x3F8F] =	sst s1;
	(tag) =	ssettag s2;
	_ =	strace s9  }
0x27: {  	s1 =	sld [smem:$0x3F9F]  }
0x28: {  	s2 =	sld [smem:$0x3FA0]  }
0x29: {  	s4 =	sld [smem:$0x3FA2]  }
0x2a: {  	p0 =	seq.s32 s5, $0x0;
	s5 =	sld [smem:$0x3FA3]  }
0x2b: {  	s6 =	sld [smem:$0x3FA4]  }
0x2c: {  	s7 =	sld [smem:$0x3FA5]  }
0x2d: {  	s3 =	simm.s32 $0x108;
	s8 =	sld [smem:$0x3FA6]  }
0x2e: {  	s3 =	simm.s32 @!p0 $0x1082;
	s9 =	sld [smem:$0x3FA7]  }
0x2f: {  	lr =	sadd.s32 s0, s3;
	s0 =	sld [smem:$0x3F9E]  }
0x30: {  	s3 =	sld [smem:$0x3FA1]  }
0x31: {  	[smem:$0x3FAA] =	sst s10  }
0x32: {  	s10 =	sld [smem:$0x3FA8];
	_ =	sdelay $0x3  }
0x33: {  	p0 =	seq.s32 s10, $0x1;
	s10 =	sld [smem:$0x3FAA];
	_ =	sdelay $0x3  }
0x34: {  	[smem:$0x3FAA] =	sst s10  }
0x35: {  	s10 =	sld [smem:$0x3FA9];
	_ =	sdelay $0x3  }
0x36: {  	p1 =	seq.s32 s10, $0x1;
	s10 =	sld [smem:$0x3FAA];
	_ =	sdelay $0x3  }
0x37: {  	[smem:$0x3FAA] =	sst s10  }
0x38: {  	s10 =	sld [smem:$0x3FAB]  }
0x39: {  	_ = 	snop;
	(pc) =	sbr.ind lr, $3  }
0x3a: {  	_ = 	snop  }
0x3b: {  	_ = 	snop  }
0x3c: {  	p2 =	seq.s32 s10, $0x1;
	s10 =	sld [smem:$0x3FAA]  }
0x3d: {  	_ =	shalt  }
0x3e: {  	_ =	shalt  }
0x3f: {  	_ =	shalt  }
0x40: {  	_ =	shalt  }
0x41: {  	_ =	shalt  }
0x42: {  	_ =	shalt  }
0x43: {  	_ =	shalt  }
0x44: {  	_ =	shalt  }
0x45: {  	_ =	shalt  }
0x46: {  	_ =	shalt  }
0x47: {  	_ =	shalt  }
0x48: {  	_ =	shalt  }
0x49: {  	_ =	shalt  }
0x4a: {  	_ =	shalt  }
0x4b: {  	_ =	shalt  }
0x4c: {  	_ =	shalt  }
0x4d: {  	_ =	shalt  }
0x4e: {  	_ =	shalt  }
0x4f: {  	_ =	shalt  }
0x50: {  	_ =	shalt  }
0x51: {  	_ =	shalt  }
0x52: {  	_ =	shalt  }
0x53: {  	_ =	shalt  }
0x54: {  	_ =	shalt  }
0x55: {  	_ =	shalt  }
0x56: {  	_ =	shalt  }
0x57: {  	_ =	shalt  }
0x58: {  	_ =	shalt  }
0x59: {  	_ =	shalt  }
0x5a: {  	_ =	shalt  }
0x5b: {  	_ =	shalt  }
0x5c: {  	_ =	shalt  }
0x5d: {  	_ =	shalt  }
0x5e: {  	_ =	shalt  }
0x5f: {  	_ =	shalt  }
0x60: {  	_ =	shalt  }
0x61: {  	_ =	shalt  }
0x62: {  	_ =	shalt  }
0x63: {  	_ =	shalt  }
0x64: {  	_ =	shalt  }
0x65: {  	_ =	shalt  }
0x66: {  	_ =	shalt  }
0x67: {  	_ =	shalt  }
0x68: {  	_ =	shalt  }
0x69: {  	_ =	shalt  }
0x6a: {  	_ =	shalt  }
0x6b: {  	_ =	shalt  }
0x6c: {  	_ =	shalt  }
0x6d: {  	_ =	shalt  }
0x6e: {  	_ =	shalt  }
0x6f: {  	_ =	shalt  }
0x70: {  	_ =	shalt  }
0x71: {  	_ =	shalt  }
0x72: {  	_ =	shalt  }
0x73: {  	_ =	shalt  }
0x74: {  	_ =	shalt  }
0x75: {  	_ =	shalt  }
0x76: {  	_ =	shalt  }
0x77: {  	_ =	shalt  }
0x78: {  	_ =	shalt  }
0x79: {  	_ =	shalt  }
0x7a: {  	_ =	shalt  }
0x7b: {  	_ =	shalt  }
0x7c: {  	_ =	shalt  }
0x7d: {  	_ =	shalt  }
0x7e: {  	_ =	shalt  }
0x7f: {  	_ =	shalt  }
0x80: {  	_ =	shalt  }
0x81: {  	_ =	shalt  }
0x82: {  	_ =	shalt  }
0x83: {  	_ =	shalt  }
0x84: {  	_ =	shalt  }
0x85: {  	_ =	shalt  }
0x86: {  	_ =	shalt  }
0x87: {  	_ =	shalt  }
.Lfunc_end0:
.L_simem_size_0:
called_computation.3_lowered:
.L_overlay_start_0:
0x88: {  	s2 =	sld [smem:$0x3FD9]  }
0x89: {  	s3 =	sld [smem:$0x3FFE];
	_ =	sdelay $0x1  }
0x8a: {  	s1 =	srdreg.scid  }
0x8b: {  	s0 =	sand.u32 $0x1, s1  }
0x8c: {  	s17 =	sshll.u32 s0, $0xA;
	s2 =	sadd.s32 s3, s2  }
0x8d: {  	s2 =	sadd.s32 s2, s17  }
0x8e: {  	[smem:$0x3FB6] =	sst s2  }
0x8f: {  	_ = 	snop  }
0x90: {  	(tm) =	ssettm $0x1  }
0x91: {  	s18 =	sld [smem:$0x3FFB];
	_ =	sdelay $0x3  }
0x92: {  	_ =	strace s18  }
0x93: {  	s2 =	sld [smem:$0x3FFC];
	_ =	sdelay $0x3  }
0x94: {  	_ =	strace s2  }
0x95: {  	s2 =	sld [smem:$0x3FFD];
	_ =	sdelay $0x3  }
0x96: {  	_ =	strace s2  }
0x97: {  	_ =	strace $0x8FFFFFFF  }
0x98: {  	s19 =	sld [smem:$0x3FDB];
	_ =	sdelay $0x1  }
0x99: {  	s20 =	simm.s32 $_scs_section_size  }
0x9a: {  	s4 =	simm.s32 $_size__tile_overlayer_lowered;
	s5 =	simm.s32 $_tile_overlayer_lowered  }
0x9b: {  	s6 =	simm.s32 $0x1BFF;
	s21 =	sshll.u32 s5, $0x1;
	s3 =	sadd.s32 s20, s19  }
0x9c: {  	s22 =	simm.s32 $0x0;
	s4 =	sshll.u32 s4, $0x1;
	s5 =	sadd.s32 s21, s3  }
0x9d: {  	[timem:s22], [sflag:s6] =	dma.local [hbm:s5], s4  }
0x9e: {  	_ =	swait.ge [sflag:s6], s4  }
0x9f: {  	s4 =	ssub.s32 $0x0, s4;
	[sflag:s6] =	ssyncset.done $0x0  }
0xa0: {  	[sflag:s6] =	ssyncadd.s32 s4;
	_ =	sdelay $0x1  }
0xa1: {  	s23 =	simm.s32 $0x1B8B  }
0xa2: {  	_ =	swait.ge [sflag:s23], $0x1  }
0xa3: {  	[sflag:s23] =	ssyncset.done $0x0  }
0xa4: {  	[sflag:s23] =	ssyncadd.s32 $0xFFFFFFFF  }
0xa5: {  	s4 =	sld [smem:$0x0]  }
0xa6: {  	s5 =	sand.u32 $0xFFFFFFFE, s1  }
0xa7: {  	p0 =	sne.s32 s1, s5  }
0xa8: {  	s5 =	sshll.u32 @p0 s5, $0xE  }
0xa9: {  	s5 =	sadd.s32 @p0 $0x11B8D, s5;
	s6 =	sshll.u32 @p0 s4, $0x11  }
0xaa: {  	s5 =	sor.u32 @p0 s6, s5  }
0xab: {  	[sflag:s5] =	ssyncadd.remote.s32 @p0 $0x1;
	_ =	sdelay $0x1  }
0xac: {  	s5 =	simm.s32 @p0 $0x1B8D  }
0xad: {  	_ =	swait.eq @p0 [sflag:s5], $0x1  }
0xae: {  	[sflag:s5] =	ssyncadd.s32 @p0 $0xFFFFFFFF  }
0xaf: {  	s6 =	sshll.u32 @!p0 s1, $0xE  }
0xb0: {  	s6 =	sor.u32 @!p0 $0x4000, s6;
	s5 =	simm.s32 @!p0 $0x1B8D  }
0xb1: {  	s4 =	sshll.u32 @!p0 s4, $0x11;
	s6 =	sadd.s32 @!p0 $0x11B8D, s6;
	_ =	swait.eq @!p0 [sflag:s5], $0x1  }
0xb2: {  	s4 =	sor.u32 @!p0 s4, s6;
	[sflag:s5] =	ssyncadd.s32 @!p0 $0xFFFFFFFF  }
0xb3: {  	s25 =	simm.s32 $0x1B8E;
	s24 =	sld [smem:$0x3FFE];
	[sflag:s4] =	ssyncadd.remote.s32 @!p0 $0x1  }
0xb4: {  	s26 =	simm.s32 $execute0_lowered;
	[smem:$0x3FD2] =	sst s25  }
0xb5: {  	s5 =	sshll.u32 s26, $0x1;
	_ =	strace $0x8000004C;
	[dreg:$0x1] =	wrdreg $0xFFFFFFFF  }
0xb6: {  	s28 =	simm.s32 $_size_execute0_lowered;
	s3 =	sadd.s32 s3, s5;
	[dreg:$0x0] =	wrdreg $0x0  }
0xb7: {  	s5 =	sshll.u32 s28, $0x1;
	[dreg:$0x2] =	wrdreg s3  }
0xb8: {  	[dreg:$0x3] =	wrdreg s5  }
0xb9: {  	[dreg:$0x4] =	wrdreg $0xC0  }
0xba: {  	_ =	task [dreg:s22], $0x5FFFF  }
0xbb: {  	[dreg:$0x1] =	wrdreg $0xFFFFFFFF  }
0xbc: {  	[dreg:$0x0] =	wrdreg $0x60  }
0xbd: {  	[dreg:$0x2] =	wrdreg s24  }
0xbe: {  	[dreg:$0x3] =	wrdreg $0xA  }
0xbf: {  	_ =	task.clear_ibuf [dreg:s22], $0x4FFFF;
	_ =	strace $0x9000004C  }
0xc0: {  	s29 =	simm.s32 $0xA;
	_ =	strace $0x8000004E  }
0xc1: {  	_ =	swait.ge [sflag:s29], $0x1  }
0xc2: {  	[sflag:s29] =	ssyncadd.s32 $0xFFFFFFFF  }
0xc3: {  	_ =	strace $0x9000004E  }
0xc4: {  	_ =	sfence  }
0xc5: {  	s30 =	sld [smem:$0x0];
	_ =	sdelay $0x2  }
0xc6: {  	s31 =	sshll.u32 s1, $0xD;
	s1 =	sshrl.u32 s1, $0x2  }
0xc7: {  	s4 =	sand.u32 $0x4000, s31;
	s1 =	sadd.s32 s1, s30  }
0xc8: {  	s0 =	sor.u32 s4, s0;
	s1 =	sshll.u32 s1, $0x11  }
0xc9: {  	s0 =	sor.u32 s1, s0  }
0xca: {  	s0 =	sadd.s32 $0x8F2B, s0  }
0xcb: {  	[sflag:s0] =	ssyncadd.remote.s32 $0x1  }
0xcc: {  	_ =	sfence.sel $0xFFFF  }
0xcd: {  	[dreg:$0x0] =	wrdreg $0xFFFFFFFF;
	(pc) =	sbr.abs _section_cstart, $3  }
0xce: {  	[dreg:$0x1] =	wrdreg $0xFFFFFFFF  }
0xcf: {  	_ =	task.clear_ibuf [dreg:s22], $0x2FFFF;
	_ =	strace $0x9FFFFFFF  }
0xd0: {  	(tm) =	ssettm $0x7FFFFFFF  }
0xd1: {  	_ =	shalt  }
tec
execute0_lowered:
.L_overlay_start_1:
0x0: {  	(tag) =	ssettag $0x1  }
0x1: {  	s0 =	rddreg [dreg:$0x0]  }
0x2: {  	s2 =	simm.s32 $0x0;
	s1 =	srdreg.scid;
	s8 =	stileid.u32  }
0x3: {  	s14 =	simm.s32 $0x9;
	s15 =	simm.s32 $0x80;
	s16 =	simm.s32 $0x200  }
0x4: {  	s28 =	simm.s32 $0x6;
	s29 =	simm.s32 $0x7;
	s30 =	simm.s32 $0x8  }
0x5: {  	s31 =	simm.s32 $0x0;
	[smem:$0x7FF] =	sst s2;
	s1 =	sand.u32 $0x1, s1  }
0x6: {  	s3 =	sadd.s32 $0x4F800, s0;
	s4 =	sshll.u32 s8, $0xD;
	s7 =	sadd.s32 $0xAFE00, s0  }
0x7: {  	s17 =	sshll.u32 s8, $0x11;
	_ =	strace $0x8000004D;
	s5 =	sshll.u32 s1, $0xC  }
0x8: {  	s6 =	ssub.s32 $0x2, s1;
	s0 =	sadd.s32 s17, s0;
	s1 =	sshll.u32 s1, $0x10  }
0x9: {  	s17 =	simm.s32 $0x4200;
	s5 =	sor.u32 s5, s4;
	s18 =	sshrl.u32 s6, $0x1  }
0xa: {  	s0 =	sadd.s32 s1, s0;
	s9 =	sshrl.u32 s5, $0x3;
	s6 =	ssub.s32 s6, s18  }
0xb: {  	s22 =	sor.u32 $0x380, s5;
	s24 =	sor.u32 $0x300, s5;
	s25 =	sor.u32 $0x280, s5  }
0xc: {  	s10 =	sor.u32 $0x200, s5;
	s18 =	simm.s32 $0x100;
	s4 =	sadd.s32 s7, s9  }
0xd: {  	s6 =	smax.u32 s6, $0x1;
	s9 =	sadd.s32 $0x176000, s0;
	s23 =	sshrl.u32 s22, $0x3  }
0xe: {  	s1 =	sshrl.u32 s25, $0x3;
	s26 =	sshrl.u32 s10, $0x3;
	s22 =	simm.s32 $0x1  }
0xf: {  	s25 =	simm.s32 $0x4;
	s19 =	sadd.s32 $0x10, s4;
	[dreg:$0x5] =	wrdreg s6  }
0x10: {  	s20 =	sadd.s32 $0x20, s4;
	s21 =	sadd.s32 $0x30, s4;
	[dreg:$0x2] =	wrdreg s19  }
.Ltmp0:
0x11: {  	s0 =	sadd.s32 s23, s7;
	[dreg:$0x3] =	wrdreg s20;
	(pc) =	sbr.rel .LBB2_1-.Ltmp0, $4  }
0x12: {  	s1 =	sadd.s32 s1, s7;
	s23 =	simm.s32 $0x2;
	[dreg:$0x4] =	wrdreg s21  }
0x13: {  	[dreg:$0x6] =	wrdreg s0;
	s0 =	sshrl.u32 s24, $0x3;
	s19 =	simm.s32 $0x8200  }
0x14: {  	s20 =	simm.s32 $0x180;
	s21 =	simm.s32 $0xC200;
	s24 =	simm.s32 $0x3  }
0x15: {  	s5 =	sadd.s32 s0, s7;
	s0 =	sadd.s32 s26, s7;
	s26 =	simm.s32 $0x5  }
.LBB2_4:
0x16: {  	_ =	swait.ge [sflag:s26], $0x4000  }
0x17: {  	[sflag:s26] =	ssyncset.done $0x0  }
0x18: {  	[sflag:s26] =	ssyncadd.s32 $0xFFFFC000  }
0x19: {  	_ =	swait.ge [sflag:s28], $0x4000  }
0x1a: {  	[sflag:s28] =	ssyncset.done $0x0  }
0x1b: {  	[sflag:s28] =	ssyncadd.s32 $0xFFFFC000  }
0x1c: {  	_ =	swait.ge [sflag:s29], $0x4000  }
0x1d: {  	[sflag:s29] =	ssyncset.done $0x0  }
0x1e: {  	[sflag:s29] =	ssyncadd.s32 $0xFFFFC000  }
0x1f: {  	_ =	swait.ge [sflag:s30], $0x4000  }
0x20: {  	s31 =	sadd.s32 $0x1, s31;
	s6 =	rddreg [dreg:$0x5]  }
0x21: {  	p0 =	sne.s32 s31, s6  }
.Ltmp1:
0x22: {  	_ = 	snop;
	(pc) =	sbr.rel @!p0 .LBB2_5-.Ltmp1, $3  }
0x23: {  	_ =	sdelay $0x1  }
0x24: {  	[sflag:s30] =	ssyncset.done $0x0  }
0x25: {  	[sflag:s30] =	ssyncadd.s32 $0xFFFFC000  }
.LBB2_1:
0x26: {  	[tilespmem:s2], [sflag:$0x9] =	stream.linear.gather [hbm4b:s4+s2], $0x80, $0x38;
	[tilespmem:$0x10200] =	vst v63  }
0x27: {  	_ =	swait.ge [sflag:s14], $0x80  }
0x28: {  	[sflag:s14] =	ssyncset.done $0x0  }
0x29: {  	[sflag:s14] =	ssyncadd.s32 $0xFFFFFF80  }
0x2a: {  	[tilespmem:s16], [sflag:$0x1] =	stream.indirect.gather [hbm4b:s3+s15], $0x80, s2, s15, $0xb8;
	[tilespmem:$0x10200] =	vst v63  }
0x2b: {  	s6 =	rddreg [dreg:$0x2]  }
0x2c: {  	[tilespmem:s15], [sflag:$0x9] =	stream.linear.gather [hbm4b:s6+s2], $0x80, $0x38;
	[tilespmem:$0x10200] =	vst v63  }
0x2d: {  	_ =	swait.ge [sflag:s14], $0x80  }
0x2e: {  	[sflag:s14] =	ssyncset.done $0x0  }
0x2f: {  	[sflag:s14] =	ssyncadd.s32 $0xFFFFFF80  }
0x30: {  	[tilespmem:s17], [sflag:$0x2] =	stream.indirect.gather [hbm4b:s3+s15], $0x80, s15, s15, $0xb8;
	[tilespmem:$0x10200] =	vst v63  }
0x31: {  	s12 =	rddreg [dreg:$0x3]  }
0x32: {  	[tilespmem:s18], [sflag:$0x9] =	stream.linear.gather [hbm4b:s12+s2], $0x80, $0x38;
	[tilespmem:$0x10200] =	vst v63  }
0x33: {  	_ =	swait.ge [sflag:s14], $0x80  }
0x34: {  	[sflag:s14] =	ssyncset.done $0x0  }
0x35: {  	[sflag:s14] =	ssyncadd.s32 $0xFFFFFF80  }
0x36: {  	[tilespmem:s19], [sflag:$0x3] =	stream.indirect.gather [hbm4b:s3+s15], $0x80, s18, s15, $0xb8;
	[tilespmem:$0x10200] =	vst v63  }
0x37: {  	s13 =	rddreg [dreg:$0x4]  }
0x38: {  	[tilespmem:s20], [sflag:$0x9] =	stream.linear.gather [hbm4b:s13+s2], $0x80, $0x38;
	[tilespmem:$0x10200] =	vst v63  }
0x39: {  	s11 =	smov.u32 s5;
	_ =	swait.ge [sflag:s14], $0x80  }
0x3a: {  	s7 =	simm.s32 $0x0;
	s12 =	smov.u32 s1;
	[sflag:s14] =	ssyncset.done $0x0  }
0x3b: {  	s13 =	smov.u32 s0;
	s10 =	rddreg [dreg:$0x6];
	[sflag:s14] =	ssyncadd.s32 $0xFFFFFF80  }
0x3c: {  	[tilespmem:s21], [sflag:$0x4] =	stream.indirect.gather [hbm4b:s3+s15], $0x80, s20, s15, $0xb8;
	[tilespmem:$0x10200] =	vst v63  }
.LBB2_2:
0x3d: {  	_ =	swait.ge [sflag:s22], $0x4000  }
0x3e: {  	[sflag:s22] =	ssyncset.done $0x0  }
0x3f: {  	s8 =	sadd.s32 s7, s9;
	[sflag:s22] =	ssyncadd.s32 $0xFFFFC000  }
0x40: {  	[hbm4b:s8+s2] =	stream.linear.scatter [tilespmem:s16], [sflag:$0x5], $0x4000, $0x38;
	[tilespmem:$0x10200] =	vst v63  }
0x41: {  	_ =	swait.ge [sflag:s23], $0x4000  }
0x42: {  	[sflag:s23] =	ssyncset.done $0x0  }
0x43: {  	s6 =	sadd.s32 $0x800, s8;
	[sflag:s23] =	ssyncadd.s32 $0xFFFFC000  }
0x44: {  	[hbm4b:s6+s2] =	stream.linear.scatter [tilespmem:s17], [sflag:$0x6], $0x4000, $0x38;
	[tilespmem:$0x10200] =	vst v63  }
0x45: {  	_ =	swait.ge [sflag:s24], $0x4000  }
0x46: {  	[sflag:s24] =	ssyncset.done $0x0  }
0x47: {  	p0 =	seq.s32 s7, $0xE000;
	s6 =	sadd.s32 $0x1000, s8;
	[sflag:s24] =	ssyncadd.s32 $0xFFFFC000  }
0x48: {  	[hbm4b:s6+s2] =	stream.linear.scatter [tilespmem:s19], [sflag:$0x7], $0x4000, $0x38;
	[tilespmem:$0x10200] =	vst v63  }
.Ltmp2:
0x49: {  	_ = 	snop;
	(pc) =	sbr.rel @p0 .LBB2_4-.Ltmp2, $4  }
0x4a: {  	_ =	swait.ge [sflag:s25], $0x4000  }
0x4b: {  	[sflag:s25] =	ssyncset.done $0x0  }
0x4c: {  	s8 =	sadd.s32 $0x1800, s8;
	[sflag:s25] =	ssyncadd.s32 $0xFFFFC000  }
0x4d: {  	[hbm4b:s8+s2] =	stream.linear.scatter [tilespmem:s21], [sflag:$0x8], $0x4000, $0x38;
	[tilespmem:$0x10200] =	vst v63  }
0x4e: {  	[tilespmem:s2], [sflag:$0x9] =	stream.linear.gather [hbm4b:s13+s2], $0x80, $0x38;
	[tilespmem:$0x10200] =	vst v63  }
0x4f: {  	_ =	swait.ge [sflag:s14], $0x80  }
0x50: {  	[sflag:s14] =	ssyncset.done $0x0  }
0x51: {  	[sflag:s14] =	ssyncadd.s32 $0xFFFFFF80  }
0x52: {  	[tilespmem:s15], [sflag:$0x9] =	stream.linear.gather [hbm4b:s12+s2], $0x80, $0x38;
	[tilespmem:$0x10200] =	vst v63  }
0x53: {  	_ =	swait.ge [sflag:s14], $0x80  }
0x54: {  	[sflag:s14] =	ssyncset.done $0x0  }
0x55: {  	[sflag:s14] =	ssyncadd.s32 $0xFFFFFF80  }
0x56: {  	[tilespmem:s18], [sflag:$0x9] =	stream.linear.gather [hbm4b:s11+s2], $0x80, $0x38;
	[tilespmem:$0x10200] =	vst v63  }
0x57: {  	_ =	swait.ge [sflag:s14], $0x80  }
0x58: {  	[sflag:s14] =	ssyncset.done $0x0  }
0x59: {  	[sflag:s14] =	ssyncadd.s32 $0xFFFFFF80  }
0x5a: {  	[tilespmem:s20], [sflag:$0x9] =	stream.linear.gather [hbm4b:s10+s2], $0x80, $0x38;
	[tilespmem:$0x10200] =	vst v63  }
0x5b: {  	_ =	swait.ge [sflag:s14], $0x80  }
0x5c: {  	[sflag:s14] =	ssyncset.done $0x0  }
0x5d: {  	[sflag:s14] =	ssyncadd.s32 $0xFFFFFF80  }
0x5e: {  	_ =	swait.ge [sflag:s26], $0x4000  }
0x5f: {  	[sflag:s26] =	ssyncset.done $0x0  }
0x60: {  	[sflag:s26] =	ssyncadd.s32 $0xFFFFC000  }
0x61: {  	[tilespmem:s16], [sflag:$0x1] =	stream.indirect.gather [hbm4b:s3+s15], $0x80, s2, s15, $0xb8;
	[tilespmem:$0x10200] =	vst v63  }
0x62: {  	_ =	swait.ge [sflag:s28], $0x4000  }
0x63: {  	[sflag:s28] =	ssyncset.done $0x0  }
0x64: {  	[sflag:s28] =	ssyncadd.s32 $0xFFFFC000  }
0x65: {  	[tilespmem:s17], [sflag:$0x2] =	stream.indirect.gather [hbm4b:s3+s15], $0x80, s15, s15, $0xb8;
	[tilespmem:$0x10200] =	vst v63  }
0x66: {  	_ =	swait.ge [sflag:s29], $0x4000  }
0x67: {  	[sflag:s29] =	ssyncset.done $0x0  }
0x68: {  	[sflag:s29] =	ssyncadd.s32 $0xFFFFC000  }
0x69: {  	[tilespmem:s19], [sflag:$0x3] =	stream.indirect.gather [hbm4b:s3+s15], $0x80, s18, s15, $0xb8;
	[tilespmem:$0x10200] =	vst v63  }
.Ltmp3:
0x6a: {  	_ = 	snop;
	(pc) =	sbr.rel .LBB2_2-.Ltmp3, $4  }
0x6b: {  	s7 =	sadd.s32 $0x2000, s7;
	_ =	swait.ge [sflag:s30], $0x4000  }
0x6c: {  	s13 =	sadd.s32 $0x40, s13;
	s12 =	sadd.s32 $0x40, s12;
	[sflag:s30] =	ssyncset.done $0x0  }
0x6d: {  	s11 =	sadd.s32 $0x40, s11;
	s10 =	sadd.s32 $0x40, s10;
	[sflag:s30] =	ssyncadd.s32 $0xFFFFC000  }
0x6e: {  	[tilespmem:s21], [sflag:$0x4] =	stream.indirect.gather [hbm4b:s3+s15], $0x80, s20, s15, $0xb8;
	[tilespmem:$0x10200] =	vst v63  }
.LBB2_5:
0x6f: {  	_ =	sfence.sel $0x180000  }
0x70: {  	[bflag:$0x0] =	sbarrier.arrive $0xFFFF  }
0x71: {  	_ =	strace $0x9000004D  }
0x72: {  	s0 =	stileid.u32;
	[bflag:$0x2] =	sbarrier.arrive $0xFFFF  }
0x73: {  	p0 =	sne.s32 s0, $0x0;
	s0 =	rddreg [dreg:$0x1]  }
0x74: {  	s0 =	sadd.s32 @!p0 $0x100000, s0  }
0x75: {  	[sflag:s0] =	ssyncadd.tile.s32 @!p0 $0x1;
	_ =	shalt  }
.Lfunc_end2:
_tile_overlayer_lowered:
.L_overlay_start_2:
0x76: {  	(tag) =	ssettag $0x2  }
0x77: {  	s0 =	rddreg [dreg:$0x0];
	s2 =	stileid.u32  }
0x78: {  	s1 =	rddreg [dreg:$0x1];
	p0 =	sne.s32 s2, $0x0  }
0x79: {  	s3 =	rddreg [dreg:$0x2];
	[bflag:$0x3] =	sbarrier.arrive $0xFFFF;
	s2 =	simm.s32 @!p0 $0x1C09  }
0x7a: {  	[timem:s3], [sflag:s2] =	dma.local @!p0 [hbm:s0], s1  }
0x7b: {  	s0 =	simm.s32 @!p0 $0x9  }
0x7c: {  	_ =	swait.ge @!p0 [sflag:s0], s1  }
0x7d: {  	s1 =	ssub.s32 @!p0 $0x0, s1;
	[sflag:s0] =	ssyncset.done @!p0 $0x0  }
0x7e: {  	[sflag:s0] =	ssyncadd.s32 @!p0 s1  }
0x7f: {  	[bflag:$0x3] =	sbarrier.arrive $0xFFFF  }
0x80: {  	_ =	shalt  }

// kernel: kernel.33.cloned.1.call-start
scs
__scs_entry_jumppad:
0x0: {  	(pc) =	sbr.rel $0x88, $3  }
0x1: {  	(tag) =	ssettag $0x0;
	lr =	simm.s32 $0x1  }
0x2: {  	[smem:$0x3F8F] =	sst lr;
	_ =	strace $0xD0000000  }
0x3: {  	_ = 	snop  }
0x4: {  	_ = 	snop  }
0x5: {  	_ = 	snop  }
0x6: {  	_ = 	snop  }
0x7: {  	_ = 	snop  }
__scs_overlays_trampoline_lowered:
0x8: {  	[smem:$0x3F9E] =	sst s0  }
0x9: {  	[smem:$0x3F9F] =	sst s1  }
0xa: {  	[smem:$0x3FA0] =	sst s2  }
0xb: {  	[smem:$0x3FA1] =	sst s3  }
0xc: {  	[smem:$0x3FA2] =	sst s4  }
0xd: {  	[smem:$0x3FA3] =	sst s5  }
0xe: {  	[smem:$0x3FA4] =	sst s6  }
0xf: {  	[smem:$0x3FA5] =	sst s7  }
0x10: {  	[smem:$0x3FA6] =	sst s8  }
0x11: {  	[smem:$0x3FA7] =	sst s9;
	s0 =	simm.s32 @!p0 $0x0  }
0x12: {  	s1 =	sld [smem:$0x3F8D];
	s0 =	simm.s32 @p0 $0x1  }
0x13: {  	[smem:$0x3FA8] =	sst s0;
	s0 =	simm.s32 @!p1 $0x0  }
0x14: {  	s2 =	sld [smem:$0x3F8C];
	s0 =	simm.s32 @p1 $0x1  }
0x15: {  	[smem:$0x3FA9] =	sst s0;
	s0 =	simm.s32 @!p2 $0x0  }
0x16: {  	s3 =	sld [smem:$0x3FDB];
	s0 =	simm.s32 @p2 $0x1  }
0x17: {  	s4 =	simm.s32 $0x1BF5;
	[smem:$0x3FAB] =	sst s0  }
0x18: {  	s0 =	sld [smem:$0x3F8E];
	_ =	swait.ge [sflag:s4], $0x0  }
0x19: {  	s7 =	sld [smem:$0x3F8F]  }
0x1a: {  	s8 =	sadd.s32 $0xFFFFE003, lr  }
0x1b: {  	s9 =	sadd.s32 $0xFFFFFEF7, lr;
	s5 =	simm.s32 $0xFFFFFFFF;
	p2 =	slt.u32 s8, $0xFFFFF086  }
0x1c: {  	p1 =	slt.u32 s9, $0xF7A;
	s5 =	simm.s32 @!p2 $0x0  }
0x1d: {  	s5 =	simm.s32 @p1 $0x1;
	p0 =	seq.s32 s7, s2  }
0x1e: {  	s7 =	smul.u32 @!p0 $0xF7A, s2;
	p2 =	seq.s32 @!p0 s5, $0x0  }
0x1f: {  	s9 =	smul.u32 $0xF7A, s1;
	s8 =	simm.s32 @!p0 $0x1BF5;
	p2 =	por !p2, p0  }
0x20: {  	[sflag:s8] =	ssyncset.s32 @!p0 $0xFFFFF086;
	s6 =	sadd.s32 @!p0 s3, s7;
	s7 =	simm.s32 @!p0 $0x108  }
0x21: {  	s3 =	sadd.s32 s3, s9;
	s6 =	sadd.s32 @!p0 $0x88, s6;
	s7 =	simm.s32 @p2 $0x1082  }
0x22: {  	[simem:s7], [sflag:s8] =	dma.local @!p0 [hbm:s6], $0xF7A  }
0x23: {  	s9 =	sor.u32 $0xD0000000, s2;
	s6 =	simm.s32 $0x108;
	_ =	swait.ge @!p0 [sflag:s8], $0x0  }
0x24: {  	s3 =	sadd.s32 $0x88, s3;
	s6 =	simm.s32 @!p1 $0x1082;
	[sflag:s4] =	ssyncset.s32 $0xFFFFF086  }
0x25: {  	[simem:s6], [sflag:s4] =	dma.local [hbm:s3], $0xF7A  }
0x26: {  	[smem:$0x3F8F] =	sst s1;
	(tag) =	ssettag s2;
	_ =	strace s9  }
0x27: {  	s1 =	sld [smem:$0x3F9F]  }
0x28: {  	s2 =	sld [smem:$0x3FA0]  }
0x29: {  	s4 =	sld [smem:$0x3FA2]  }
0x2a: {  	p0 =	seq.s32 s5, $0x0;
	s5 =	sld [smem:$0x3FA3]  }
0x2b: {  	s6 =	sld [smem:$0x3FA4]  }
0x2c: {  	s7 =	sld [smem:$0x3FA5]  }
0x2d: {  	s3 =	simm.s32 $0x108;
	s8 =	sld [smem:$0x3FA6]  }
0x2e: {  	s3 =	simm.s32 @!p0 $0x1082;
	s9 =	sld [smem:$0x3FA7]  }
0x2f: {  	lr =	sadd.s32 s0, s3;
	s0 =	sld [smem:$0x3F9E]  }
0x30: {  	s3 =	sld [smem:$0x3FA1]  }
0x31: {  	[smem:$0x3FAA] =	sst s10  }
0x32: {  	s10 =	sld [smem:$0x3FA8];
	_ =	sdelay $0x3  }
0x33: {  	p0 =	seq.s32 s10, $0x1;
	s10 =	sld [smem:$0x3FAA];
	_ =	sdelay $0x3  }
0x34: {  	[smem:$0x3FAA] =	sst s10  }
0x35: {  	s10 =	sld [smem:$0x3FA9];
	_ =	sdelay $0x3  }
0x36: {  	p1 =	seq.s32 s10, $0x1;
	s10 =	sld [smem:$0x3FAA];
	_ =	sdelay $0x3  }
0x37: {  	[smem:$0x3FAA] =	sst s10  }
0x38: {  	s10 =	sld [smem:$0x3FAB]  }
0x39: {  	_ = 	snop;
	(pc) =	sbr.ind lr, $3  }
0x3a: {  	_ = 	snop  }
0x3b: {  	_ = 	snop  }
0x3c: {  	p2 =	seq.s32 s10, $0x1;
	s10 =	sld [smem:$0x3FAA]  }
0x3d: {  	_ =	shalt  }
0x3e: {  	_ =	shalt  }
0x3f: {  	_ =	shalt  }
0x40: {  	_ =	shalt  }
0x41: {  	_ =	shalt  }
0x42: {  	_ =	shalt  }
0x43: {  	_ =	shalt  }
0x44: {  	_ =	shalt  }
0x45: {  	_ =	shalt  }
0x46: {  	_ =	shalt  }
0x47: {  	_ =	shalt  }
0x48: {  	_ =	shalt  }
0x49: {  	_ =	shalt  }
0x4a: {  	_ =	shalt  }
0x4b: {  	_ =	shalt  }
0x4c: {  	_ =	shalt  }
0x4d: {  	_ =	shalt  }
0x4e: {  	_ =	shalt  }
0x4f: {  	_ =	shalt  }
0x50: {  	_ =	shalt  }
0x51: {  	_ =	shalt  }
0x52: {  	_ =	shalt  }
0x53: {  	_ =	shalt  }
0x54: {  	_ =	shalt  }
0x55: {  	_ =	shalt  }
0x56: {  	_ =	shalt  }
0x57: {  	_ =	shalt  }
0x58: {  	_ =	shalt  }
0x59: {  	_ =	shalt  }
0x5a: {  	_ =	shalt  }
0x5b: {  	_ =	shalt  }
0x5c: {  	_ =	shalt  }
0x5d: {  	_ =	shalt  }
0x5e: {  	_ =	shalt  }
0x5f: {  	_ =	shalt  }
0x60: {  	_ =	shalt  }
0x61: {  	_ =	shalt  }
0x62: {  	_ =	shalt  }
0x63: {  	_ =	shalt  }
0x64: {  	_ =	shalt  }
0x65: {  	_ =	shalt  }
0x66: {  	_ =	shalt  }
0x67: {  	_ =	shalt  }
0x68: {  	_ =	shalt  }
0x69: {  	_ =	shalt  }
0x6a: {  	_ =	shalt  }
0x6b: {  	_ =	shalt  }
0x6c: {  	_ =	shalt  }
0x6d: {  	_ =	shalt  }
0x6e: {  	_ =	shalt  }
0x6f: {  	_ =	shalt  }
0x70: {  	_ =	shalt  }
0x71: {  	_ =	shalt  }
0x72: {  	_ =	shalt  }
0x73: {  	_ =	shalt  }
0x74: {  	_ =	shalt  }
0x75: {  	_ =	shalt  }
0x76: {  	_ =	shalt  }
0x77: {  	_ =	shalt  }
0x78: {  	_ =	shalt  }
0x79: {  	_ =	shalt  }
0x7a: {  	_ =	shalt  }
0x7b: {  	_ =	shalt  }
0x7c: {  	_ =	shalt  }
0x7d: {  	_ =	shalt  }
0x7e: {  	_ =	shalt  }
0x7f: {  	_ =	shalt  }
0x80: {  	_ =	shalt  }
0x81: {  	_ =	shalt  }
0x82: {  	_ =	shalt  }
0x83: {  	_ =	shalt  }
0x84: {  	_ =	shalt  }
0x85: {  	_ =	shalt  }
0x86: {  	_ =	shalt  }
0x87: {  	_ =	shalt  }
.Lfunc_end0:
.L_simem_size_0:
called_computation.4_lowered:
.L_overlay_start_0:
0x88: {  	s2 =	sld [smem:$0x3FD9]  }
0x89: {  	s3 =	sld [smem:$0x3FFE];
	_ =	sdelay $0x1  }
0x8a: {  	s1 =	srdreg.scid  }
0x8b: {  	s0 =	sand.u32 $0x1, s1  }
0x8c: {  	s17 =	sshll.u32 s0, $0xA;
	s2 =	sadd.s32 s3, s2  }
0x8d: {  	s2 =	sadd.s32 s2, s17  }
0x8e: {  	[smem:$0x3FB6] =	sst s2  }
0x8f: {  	_ = 	snop  }
0x90: {  	(tm) =	ssettm $0x1  }
0x91: {  	s18 =	sld [smem:$0x3FFB];
	_ =	sdelay $0x3  }
0x92: {  	_ =	strace s18  }
0x93: {  	s2 =	sld [smem:$0x3FFC];
	_ =	sdelay $0x3  }
0x94: {  	_ =	strace s2  }
0x95: {  	s2 =	sld [smem:$0x3FFD];
	_ =	sdelay $0x3  }
0x96: {  	_ =	strace s2  }
0x97: {  	_ =	strace $0x8FFFFFFF  }
0x98: {  	s19 =	sld [smem:$0x3FDB];
	_ =	sdelay $0x1  }
0x99: {  	s20 =	simm.s32 $_scs_section_size  }
0x9a: {  	s4 =	simm.s32 $_size__tile_overlayer_lowered;
	s5 =	simm.s32 $_tile_overlayer_lowered  }
0x9b: {  	s6 =	simm.s32 $0x1BFF;
	s21 =	sshll.u32 s5, $0x1;
	s3 =	sadd.s32 s20, s19  }
0x9c: {  	s22 =	simm.s32 $0x0;
	s4 =	sshll.u32 s4, $0x1;
	s5 =	sadd.s32 s21, s3  }
0x9d: {  	[timem:s22], [sflag:s6] =	dma.local [hbm:s5], s4  }
0x9e: {  	_ =	swait.ge [sflag:s6], s4  }
0x9f: {  	s4 =	ssub.s32 $0x0, s4;
	[sflag:s6] =	ssyncset.done $0x0  }
0xa0: {  	[sflag:s6] =	ssyncadd.s32 s4;
	_ =	sdelay $0x1  }
0xa1: {  	s23 =	simm.s32 $0x1B8B  }
0xa2: {  	_ =	swait.ge [sflag:s23], $0x1  }
0xa3: {  	[sflag:s23] =	ssyncset.done $0x0  }
0xa4: {  	[sflag:s23] =	ssyncadd.s32 $0xFFFFFFFF  }
0xa5: {  	s4 =	sld [smem:$0x0]  }
0xa6: {  	s5 =	sand.u32 $0xFFFFFFFE, s1  }
0xa7: {  	p0 =	sne.s32 s1, s5  }
0xa8: {  	s5 =	sshll.u32 @p0 s5, $0xE  }
0xa9: {  	s5 =	sadd.s32 @p0 $0x11B8D, s5;
	s6 =	sshll.u32 @p0 s4, $0x11  }
0xaa: {  	s5 =	sor.u32 @p0 s6, s5  }
0xab: {  	[sflag:s5] =	ssyncadd.remote.s32 @p0 $0x1;
	_ =	sdelay $0x1  }
0xac: {  	s5 =	simm.s32 @p0 $0x1B8D  }
0xad: {  	_ =	swait.eq @p0 [sflag:s5], $0x1  }
0xae: {  	[sflag:s5] =	ssyncadd.s32 @p0 $0xFFFFFFFF  }
0xaf: {  	s6 =	sshll.u32 @!p0 s1, $0xE  }
0xb0: {  	s6 =	sor.u32 @!p0 $0x4000, s6;
	s5 =	simm.s32 @!p0 $0x1B8D  }
0xb1: {  	s4 =	sshll.u32 @!p0 s4, $0x11;
	s6 =	sadd.s32 @!p0 $0x11B8D, s6;
	_ =	swait.eq @!p0 [sflag:s5], $0x1  }
0xb2: {  	s4 =	sor.u32 @!p0 s4, s6;
	[sflag:s5] =	ssyncadd.s32 @!p0 $0xFFFFFFFF  }
0xb3: {  	s25 =	simm.s32 $0x1B8E;
	s24 =	sld [smem:$0x3FFE];
	[sflag:s4] =	ssyncadd.remote.s32 @!p0 $0x1  }
0xb4: {  	s26 =	simm.s32 $execute0_lowered;
	[smem:$0x3FD2] =	sst s25  }
0xb5: {  	s5 =	sshll.u32 s26, $0x1;
	_ =	strace $0x80000055;
	[dreg:$0x1] =	wrdreg $0xFFFFFFFF  }
0xb6: {  	s28 =	simm.s32 $_size_execute0_lowered;
	s3 =	sadd.s32 s3, s5;
	[dreg:$0x0] =	wrdreg $0x0  }
0xb7: {  	s5 =	sshll.u32 s28, $0x1;
	[dreg:$0x2] =	wrdreg s3  }
0xb8: {  	[dreg:$0x3] =	wrdreg s5  }
0xb9: {  	[dreg:$0x4] =	wrdreg $0xC0  }
0xba: {  	_ =	task [dreg:s22], $0x5FFFF  }
0xbb: {  	[dreg:$0x1] =	wrdreg $0xFFFFFFFF  }
0xbc: {  	[dreg:$0x0] =	wrdreg $0x60  }
0xbd: {  	[dreg:$0x2] =	wrdreg s24  }
0xbe: {  	[dreg:$0x3] =	wrdreg $0x9  }
0xbf: {  	_ =	task.clear_ibuf [dreg:s22], $0x4FFFF;
	_ =	strace $0x90000055  }
0xc0: {  	s29 =	simm.s32 $0x9;
	_ =	strace $0x80000057  }
0xc1: {  	_ =	swait.ge [sflag:s29], $0x1  }
0xc2: {  	[sflag:s29] =	ssyncadd.s32 $0xFFFFFFFF  }
0xc3: {  	_ =	strace $0x90000057  }
0xc4: {  	_ =	sfence  }
0xc5: {  	s30 =	sld [smem:$0x0];
	_ =	sdelay $0x2  }
0xc6: {  	s31 =	sshll.u32 s1, $0xD;
	s1 =	sshrl.u32 s1, $0x2  }
0xc7: {  	s4 =	sand.u32 $0x4000, s31;
	s1 =	sadd.s32 s1, s30  }
0xc8: {  	s0 =	sor.u32 s4, s0;
	s1 =	sshll.u32 s1, $0x11  }
0xc9: {  	s0 =	sor.u32 s1, s0  }
0xca: {  	s0 =	sadd.s32 $0x8F2B, s0  }
0xcb: {  	[sflag:s0] =	ssyncadd.remote.s32 $0x1  }
0xcc: {  	_ =	sfence.sel $0xFFFF  }
0xcd: {  	[dreg:$0x0] =	wrdreg $0xFFFFFFFF;
	(pc) =	sbr.abs _section_cstart, $3  }
0xce: {  	[dreg:$0x1] =	wrdreg $0xFFFFFFFF  }
0xcf: {  	_ =	task.clear_ibuf [dreg:s22], $0x2FFFF;
	_ =	strace $0x9FFFFFFF  }
0xd0: {  	(tm) =	ssettm $0x7FFFFFFF  }
0xd1: {  	_ =	shalt  }
tec
execute0_lowered:
.L_overlay_start_1:
0x0: {  	(tag) =	ssettag $0x1  }
0x1: {  	s0 =	rddreg [dreg:$0x0]  }
0x2: {  	s2 =	simm.s32 $0x0;
	s1 =	srdreg.scid;
	s8 =	stileid.u32  }
0x3: {  	s14 =	simm.s32 $0x9;
	s15 =	simm.s32 $0x80;
	s16 =	simm.s32 $0x200  }
0x4: {  	s28 =	simm.s32 $0x6;
	s29 =	simm.s32 $0x7;
	s30 =	simm.s32 $0x8  }
0x5: {  	s31 =	simm.s32 $0x0;
	[smem:$0x7FF] =	sst s2;
	s1 =	sand.u32 $0x1, s1  }
0x6: {  	s3 =	sadd.s32 $0xD6000, s0;
	s4 =	sshll.u32 s8, $0xD;
	s7 =	sadd.s32 $0x8FE00, s0  }
0x7: {  	s17 =	sshll.u32 s8, $0x11;
	_ =	strace $0x80000056;
	s5 =	sshll.u32 s1, $0xC  }
0x8: {  	s6 =	ssub.s32 $0x2, s1;
	s0 =	sadd.s32 s17, s0;
	s1 =	sshll.u32 s1, $0x10  }
0x9: {  	s17 =	simm.s32 $0x4200;
	s5 =	sor.u32 s5, s4;
	s18 =	sshrl.u32 s6, $0x1  }
0xa: {  	s0 =	sadd.s32 s1, s0;
	s9 =	sshrl.u32 s5, $0x3;
	s6 =	ssub.s32 s6, s18  }
0xb: {  	s22 =	sor.u32 $0x380, s5;
	s24 =	sor.u32 $0x300, s5;
	s25 =	sor.u32 $0x280, s5  }
0xc: {  	s10 =	sor.u32 $0x200, s5;
	s18 =	simm.s32 $0x100;
	s4 =	sadd.s32 s7, s9  }
0xd: {  	s6 =	smax.u32 s6, $0x1;
	s9 =	sadd.s32 $0x336000, s0;
	s23 =	sshrl.u32 s22, $0x3  }
0xe: {  	s1 =	sshrl.u32 s25, $0x3;
	s26 =	sshrl.u32 s10, $0x3;
	s22 =	simm.s32 $0x1  }
0xf: {  	s25 =	simm.s32 $0x4;
	s19 =	sadd.s32 $0x10, s4;
	[dreg:$0x5] =	wrdreg s6  }
0x10: {  	s20 =	sadd.s32 $0x20, s4;
	s21 =	sadd.s32 $0x30, s4;
	[dreg:$0x2] =	wrdreg s19  }
.Ltmp0:
0x11: {  	s0 =	sadd.s32 s23, s7;
	[dreg:$0x3] =	wrdreg s20;
	(pc) =	sbr.rel .LBB2_1-.Ltmp0, $4  }
0x12: {  	s1 =	sadd.s32 s1, s7;
	s23 =	simm.s32 $0x2;
	[dreg:$0x4] =	wrdreg s21  }
0x13: {  	[dreg:$0x6] =	wrdreg s0;
	s0 =	sshrl.u32 s24, $0x3;
	s19 =	simm.s32 $0x8200  }
0x14: {  	s20 =	simm.s32 $0x180;
	s21 =	simm.s32 $0xC200;
	s24 =	simm.s32 $0x3  }
0x15: {  	s5 =	sadd.s32 s0, s7;
	s0 =	sadd.s32 s26, s7;
	s26 =	simm.s32 $0x5  }
.LBB2_4:
0x16: {  	_ =	swait.ge [sflag:s26], $0x4000  }
0x17: {  	[sflag:s26] =	ssyncset.done $0x0  }
0x18: {  	[sflag:s26] =	ssyncadd.s32 $0xFFFFC000  }
0x19: {  	_ =	swait.ge [sflag:s28], $0x4000  }
0x1a: {  	[sflag:s28] =	ssyncset.done $0x0  }
0x1b: {  	[sflag:s28] =	ssyncadd.s32 $0xFFFFC000  }
0x1c: {  	_ =	swait.ge [sflag:s29], $0x4000  }
0x1d: {  	[sflag:s29] =	ssyncset.done $0x0  }
0x1e: {  	[sflag:s29] =	ssyncadd.s32 $0xFFFFC000  }
0x1f: {  	_ =	swait.ge [sflag:s30], $0x4000  }
0x20: {  	s31 =	sadd.s32 $0x1, s31;
	s6 =	rddreg [dreg:$0x5]  }
0x21: {  	p0 =	sne.s32 s31, s6  }
.Ltmp1:
0x22: {  	_ = 	snop;
	(pc) =	sbr.rel @!p0 .LBB2_5-.Ltmp1, $3  }
0x23: {  	_ =	sdelay $0x1  }
0x24: {  	[sflag:s30] =	ssyncset.done $0x0  }
0x25: {  	[sflag:s30] =	ssyncadd.s32 $0xFFFFC000  }
.LBB2_1:
0x26: {  	[tilespmem:s2], [sflag:$0x9] =	stream.linear.gather [hbm4b:s4+s2], $0x80, $0x38;
	[tilespmem:$0x10200] =	vst v63  }
0x27: {  	_ =	swait.ge [sflag:s14], $0x80  }
0x28: {  	[sflag:s14] =	ssyncset.done $0x0  }
0x29: {  	[sflag:s14] =	ssyncadd.s32 $0xFFFFFF80  }
0x2a: {  	[tilespmem:s16], [sflag:$0x1] =	stream.indirect.gather [hbm4b:s3+s15], $0x80, s2, s15, $0xb8;
	[tilespmem:$0x10200] =	vst v63  }
0x2b: {  	s6 =	rddreg [dreg:$0x2]  }
0x2c: {  	[tilespmem:s15], [sflag:$0x9] =	stream.linear.gather [hbm4b:s6+s2], $0x80, $0x38;
	[tilespmem:$0x10200] =	vst v63  }
0x2d: {  	_ =	swait.ge [sflag:s14], $0x80  }
0x2e: {  	[sflag:s14] =	ssyncset.done $0x0  }
0x2f: {  	[sflag:s14] =	ssyncadd.s32 $0xFFFFFF80  }
0x30: {  	[tilespmem:s17], [sflag:$0x2] =	stream.indirect.gather [hbm4b:s3+s15], $0x80, s15, s15, $0xb8;
	[tilespmem:$0x10200] =	vst v63  }
0x31: {  	s12 =	rddreg [dreg:$0x3]  }
0x32: {  	[tilespmem:s18], [sflag:$0x9] =	stream.linear.gather [hbm4b:s12+s2], $0x80, $0x38;
	[tilespmem:$0x10200] =	vst v63  }
0x33: {  	_ =	swait.ge [sflag:s14], $0x80  }
0x34: {  	[sflag:s14] =	ssyncset.done $0x0  }
0x35: {  	[sflag:s14] =	ssyncadd.s32 $0xFFFFFF80  }
0x36: {  	[tilespmem:s19], [sflag:$0x3] =	stream.indirect.gather [hbm4b:s3+s15], $0x80, s18, s15, $0xb8;
	[tilespmem:$0x10200] =	vst v63  }
0x37: {  	s13 =	rddreg [dreg:$0x4]  }
0x38: {  	[tilespmem:s20], [sflag:$0x9] =	stream.linear.gather [hbm4b:s13+s2], $0x80, $0x38;
	[tilespmem:$0x10200] =	vst v63  }
0x39: {  	s11 =	smov.u32 s5;
	_ =	swait.ge [sflag:s14], $0x80  }
0x3a: {  	s7 =	simm.s32 $0x0;
	s12 =	smov.u32 s1;
	[sflag:s14] =	ssyncset.done $0x0  }
0x3b: {  	s13 =	smov.u32 s0;
	s10 =	rddreg [dreg:$0x6];
	[sflag:s14] =	ssyncadd.s32 $0xFFFFFF80  }
0x3c: {  	[tilespmem:s21], [sflag:$0x4] =	stream.indirect.gather [hbm4b:s3+s15], $0x80, s20, s15, $0xb8;
	[tilespmem:$0x10200] =	vst v63  }
.LBB2_2:
0x3d: {  	_ =	swait.ge [sflag:s22], $0x4000  }
0x3e: {  	[sflag:s22] =	ssyncset.done $0x0  }
0x3f: {  	s8 =	sadd.s32 s7, s9;
	[sflag:s22] =	ssyncadd.s32 $0xFFFFC000  }
0x40: {  	[hbm4b:s8+s2] =	stream.linear.scatter [tilespmem:s16], [sflag:$0x5], $0x4000, $0x38;
	[tilespmem:$0x10200] =	vst v63  }
0x41: {  	_ =	swait.ge [sflag:s23], $0x4000  }
0x42: {  	[sflag:s23] =	ssyncset.done $0x0  }
0x43: {  	s6 =	sadd.s32 $0x800, s8;
	[sflag:s23] =	ssyncadd.s32 $0xFFFFC000  }
0x44: {  	[hbm4b:s6+s2] =	stream.linear.scatter [tilespmem:s17], [sflag:$0x6], $0x4000, $0x38;
	[tilespmem:$0x10200] =	vst v63  }
0x45: {  	_ =	swait.ge [sflag:s24], $0x4000  }
0x46: {  	[sflag:s24] =	ssyncset.done $0x0  }
0x47: {  	p0 =	seq.s32 s7, $0xE000;
	s6 =	sadd.s32 $0x1000, s8;
	[sflag:s24] =	ssyncadd.s32 $0xFFFFC000  }
0x48: {  	[hbm4b:s6+s2] =	stream.linear.scatter [tilespmem:s19], [sflag:$0x7], $0x4000, $0x38;
	[tilespmem:$0x10200] =	vst v63  }
.Ltmp2:
0x49: {  	_ = 	snop;
	(pc) =	sbr.rel @p0 .LBB2_4-.Ltmp2, $4  }
0x4a: {  	_ =	swait.ge [sflag:s25], $0x4000  }
0x4b: {  	[sflag:s25] =	ssyncset.done $0x0  }
0x4c: {  	s8 =	sadd.s32 $0x1800, s8;
	[sflag:s25] =	ssyncadd.s32 $0xFFFFC000  }
0x4d: {  	[hbm4b:s8+s2] =	stream.linear.scatter [tilespmem:s21], [sflag:$0x8], $0x4000, $0x38;
	[tilespmem:$0x10200] =	vst v63  }
0x4e: {  	[tilespmem:s2], [sflag:$0x9] =	stream.linear.gather [hbm4b:s13+s2], $0x80, $0x38;
	[tilespmem:$0x10200] =	vst v63  }
0x4f: {  	_ =	swait.ge [sflag:s14], $0x80  }
0x50: {  	[sflag:s14] =	ssyncset.done $0x0  }
0x51: {  	[sflag:s14] =	ssyncadd.s32 $0xFFFFFF80  }
0x52: {  	[tilespmem:s15], [sflag:$0x9] =	stream.linear.gather [hbm4b:s12+s2], $0x80, $0x38;
	[tilespmem:$0x10200] =	vst v63  }
0x53: {  	_ =	swait.ge [sflag:s14], $0x80  }
0x54: {  	[sflag:s14] =	ssyncset.done $0x0  }
0x55: {  	[sflag:s14] =	ssyncadd.s32 $0xFFFFFF80  }
0x56: {  	[tilespmem:s18], [sflag:$0x9] =	stream.linear.gather [hbm4b:s11+s2], $0x80, $0x38;
	[tilespmem:$0x10200] =	vst v63  }
0x57: {  	_ =	swait.ge [sflag:s14], $0x80  }
0x58: {  	[sflag:s14] =	ssyncset.done $0x0  }
0x59: {  	[sflag:s14] =	ssyncadd.s32 $0xFFFFFF80  }
0x5a: {  	[tilespmem:s20], [sflag:$0x9] =	stream.linear.gather [hbm4b:s10+s2], $0x80, $0x38;
	[tilespmem:$0x10200] =	vst v63  }
0x5b: {  	_ =	swait.ge [sflag:s14], $0x80  }
0x5c: {  	[sflag:s14] =	ssyncset.done $0x0  }
0x5d: {  	[sflag:s14] =	ssyncadd.s32 $0xFFFFFF80  }
0x5e: {  	_ =	swait.ge [sflag:s26], $0x4000  }
0x5f: {  	[sflag:s26] =	ssyncset.done $0x0  }
0x60: {  	[sflag:s26] =	ssyncadd.s32 $0xFFFFC000  }
0x61: {  	[tilespmem:s16], [sflag:$0x1] =	stream.indirect.gather [hbm4b:s3+s15], $0x80, s2, s15, $0xb8;
	[tilespmem:$0x10200] =	vst v63  }
0x62: {  	_ =	swait.ge [sflag:s28], $0x4000  }
0x63: {  	[sflag:s28] =	ssyncset.done $0x0  }
0x64: {  	[sflag:s28] =	ssyncadd.s32 $0xFFFFC000  }
0x65: {  	[tilespmem:s17], [sflag:$0x2] =	stream.indirect.gather [hbm4b:s3+s15], $0x80, s15, s15, $0xb8;
	[tilespmem:$0x10200] =	vst v63  }
0x66: {  	_ =	swait.ge [sflag:s29], $0x4000  }
0x67: {  	[sflag:s29] =	ssyncset.done $0x0  }
0x68: {  	[sflag:s29] =	ssyncadd.s32 $0xFFFFC000  }
0x69: {  	[tilespmem:s19], [sflag:$0x3] =	stream.indirect.gather [hbm4b:s3+s15], $0x80, s18, s15, $0xb8;
	[tilespmem:$0x10200] =	vst v63  }
.Ltmp3:
0x6a: {  	_ = 	snop;
	(pc) =	sbr.rel .LBB2_2-.Ltmp3, $4  }
0x6b: {  	s7 =	sadd.s32 $0x2000, s7;
	_ =	swait.ge [sflag:s30], $0x4000  }
0x6c: {  	s13 =	sadd.s32 $0x40, s13;
	s12 =	sadd.s32 $0x40, s12;
	[sflag:s30] =	ssyncset.done $0x0  }
0x6d: {  	s11 =	sadd.s32 $0x40, s11;
	s10 =	sadd.s32 $0x40, s10;
	[sflag:s30] =	ssyncadd.s32 $0xFFFFC000  }
0x6e: {  	[tilespmem:s21], [sflag:$0x4] =	stream.indirect.gather [hbm4b:s3+s15], $0x80, s20, s15, $0xb8;
	[tilespmem:$0x10200] =	vst v63  }
.LBB2_5:
0x6f: {  	_ =	sfence.sel $0x180000  }
0x70: {  	[bflag:$0x0] =	sbarrier.arrive $0xFFFF  }
0x71: {  	_ =	strace $0x90000056  }
0x72: {  	s0 =	stileid.u32;
	[bflag:$0x2] =	sbarrier.arrive $0xFFFF  }
0x73: {  	p0 =	sne.s32 s0, $0x0;
	s0 =	rddreg [dreg:$0x1]  }
0x74: {  	s0 =	sadd.s32 @!p0 $0x100000, s0  }
0x75: {  	[sflag:s0] =	ssyncadd.tile.s32 @!p0 $0x1;
	_ =	shalt  }
.Lfunc_end2:
_tile_overlayer_lowered:
.L_overlay_start_2:
0x76: {  	(tag) =	ssettag $0x2  }
0x77: {  	s0 =	rddreg [dreg:$0x0];
	s2 =	stileid.u32  }
0x78: {  	s1 =	rddreg [dreg:$0x1];
	p0 =	sne.s32 s2, $0x0  }
0x79: {  	s3 =	rddreg [dreg:$0x2];
	[bflag:$0x3] =	sbarrier.arrive $0xFFFF;
	s2 =	simm.s32 @!p0 $0x1C09  }
0x7a: {  	[timem:s3], [sflag:s2] =	dma.local @!p0 [hbm:s0], s1  }
0x7b: {  	s0 =	simm.s32 @!p0 $0x9  }
0x7c: {  	_ =	swait.ge @!p0 [sflag:s0], s1  }
0x7d: {  	s1 =	ssub.s32 @!p0 $0x0, s1;
	[sflag:s0] =	ssyncset.done @!p0 $0x0  }
0x7e: {  	[sflag:s0] =	ssyncadd.s32 @!p0 s1  }
0x7f: {  	[bflag:$0x3] =	sbarrier.arrive $0xFFFF  }
0x80: {  	_ =	shalt  }

// kernel: kernel.36.cloned.1.call-start
scs
__scs_entry_jumppad:
0x0: {  	(pc) =	sbr.rel $0x88, $3  }
0x1: {  	(tag) =	ssettag $0x0;
	lr =	simm.s32 $0x1  }
0x2: {  	[smem:$0x3F8F] =	sst lr;
	_ =	strace $0xD0000000  }
0x3: {  	_ = 	snop  }
0x4: {  	_ = 	snop  }
0x5: {  	_ = 	snop  }
0x6: {  	_ = 	snop  }
0x7: {  	_ = 	snop  }
__scs_overlays_trampoline_lowered:
0x8: {  	[smem:$0x3F9E] =	sst s0  }
0x9: {  	[smem:$0x3F9F] =	sst s1  }
0xa: {  	[smem:$0x3FA0] =	sst s2  }
0xb: {  	[smem:$0x3FA1] =	sst s3  }
0xc: {  	[smem:$0x3FA2] =	sst s4  }
0xd: {  	[smem:$0x3FA3] =	sst s5  }
0xe: {  	[smem:$0x3FA4] =	sst s6  }
0xf: {  	[smem:$0x3FA5] =	sst s7  }
0x10: {  	[smem:$0x3FA6] =	sst s8  }
0x11: {  	[smem:$0x3FA7] =	sst s9;
	s0 =	simm.s32 @!p0 $0x0  }
0x12: {  	s1 =	sld [smem:$0x3F8D];
	s0 =	simm.s32 @p0 $0x1  }
0x13: {  	[smem:$0x3FA8] =	sst s0;
	s0 =	simm.s32 @!p1 $0x0  }
0x14: {  	s2 =	sld [smem:$0x3F8C];
	s0 =	simm.s32 @p1 $0x1  }
0x15: {  	[smem:$0x3FA9] =	sst s0;
	s0 =	simm.s32 @!p2 $0x0  }
0x16: {  	s3 =	sld [smem:$0x3FDB];
	s0 =	simm.s32 @p2 $0x1  }
0x17: {  	s4 =	simm.s32 $0x1BF5;
	[smem:$0x3FAB] =	sst s0  }
0x18: {  	s0 =	sld [smem:$0x3F8E];
	_ =	swait.ge [sflag:s4], $0x0  }
0x19: {  	s7 =	sld [smem:$0x3F8F]  }
0x1a: {  	s8 =	sadd.s32 $0xFFFFE003, lr  }
0x1b: {  	s9 =	sadd.s32 $0xFFFFFEF7, lr;
	s5 =	simm.s32 $0xFFFFFFFF;
	p2 =	slt.u32 s8, $0xFFFFF086  }
0x1c: {  	p1 =	slt.u32 s9, $0xF7A;
	s5 =	simm.s32 @!p2 $0x0  }
0x1d: {  	s5 =	simm.s32 @p1 $0x1;
	p0 =	seq.s32 s7, s2  }
0x1e: {  	s7 =	smul.u32 @!p0 $0xF7A, s2;
	p2 =	seq.s32 @!p0 s5, $0x0  }
0x1f: {  	s9 =	smul.u32 $0xF7A, s1;
	s8 =	simm.s32 @!p0 $0x1BF5;
	p2 =	por !p2, p0  }
0x20: {  	[sflag:s8] =	ssyncset.s32 @!p0 $0xFFFFF086;
	s6 =	sadd.s32 @!p0 s3, s7;
	s7 =	simm.s32 @!p0 $0x108  }
0x21: {  	s3 =	sadd.s32 s3, s9;
	s6 =	sadd.s32 @!p0 $0x88, s6;
	s7 =	simm.s32 @p2 $0x1082  }
0x22: {  	[simem:s7], [sflag:s8] =	dma.local @!p0 [hbm:s6], $0xF7A  }
0x23: {  	s9 =	sor.u32 $0xD0000000, s2;
	s6 =	simm.s32 $0x108;
	_ =	swait.ge @!p0 [sflag:s8], $0x0  }
0x24: {  	s3 =	sadd.s32 $0x88, s3;
	s6 =	simm.s32 @!p1 $0x1082;
	[sflag:s4] =	ssyncset.s32 $0xFFFFF086  }
0x25: {  	[simem:s6], [sflag:s4] =	dma.local [hbm:s3], $0xF7A  }
0x26: {  	[smem:$0x3F8F] =	sst s1;
	(tag) =	ssettag s2;
	_ =	strace s9  }
0x27: {  	s1 =	sld [smem:$0x3F9F]  }
0x28: {  	s2 =	sld [smem:$0x3FA0]  }
0x29: {  	s4 =	sld [smem:$0x3FA2]  }
0x2a: {  	p0 =	seq.s32 s5, $0x0;
	s5 =	sld [smem:$0x3FA3]  }
0x2b: {  	s6 =	sld [smem:$0x3FA4]  }
0x2c: {  	s7 =	sld [smem:$0x3FA5]  }
0x2d: {  	s3 =	simm.s32 $0x108;
	s8 =	sld [smem:$0x3FA6]  }
0x2e: {  	s3 =	simm.s32 @!p0 $0x1082;
	s9 =	sld [smem:$0x3FA7]  }
0x2f: {  	lr =	sadd.s32 s0, s3;
	s0 =	sld [smem:$0x3F9E]  }
0x30: {  	s3 =	sld [smem:$0x3FA1]  }
0x31: {  	[smem:$0x3FAA] =	sst s10  }
0x32: {  	s10 =	sld [smem:$0x3FA8];
	_ =	sdelay $0x3  }
0x33: {  	p0 =	seq.s32 s10, $0x1;
	s10 =	sld [smem:$0x3FAA];
	_ =	sdelay $0x3  }
0x34: {  	[smem:$0x3FAA] =	sst s10  }
0x35: {  	s10 =	sld [smem:$0x3FA9];
	_ =	sdelay $0x3  }
0x36: {  	p1 =	seq.s32 s10, $0x1;
	s10 =	sld [smem:$0x3FAA];
	_ =	sdelay $0x3  }
0x37: {  	[smem:$0x3FAA] =	sst s10  }
0x38: {  	s10 =	sld [smem:$0x3FAB]  }
0x39: {  	_ = 	snop;
	(pc) =	sbr.ind lr, $3  }
0x3a: {  	_ = 	snop  }
0x3b: {  	_ = 	snop  }
0x3c: {  	p2 =	seq.s32 s10, $0x1;
	s10 =	sld [smem:$0x3FAA]  }
0x3d: {  	_ =	shalt  }
0x3e: {  	_ =	shalt  }
0x3f: {  	_ =	shalt  }
0x40: {  	_ =	shalt  }
0x41: {  	_ =	shalt  }
0x42: {  	_ =	shalt  }
0x43: {  	_ =	shalt  }
0x44: {  	_ =	shalt  }
0x45: {  	_ =	shalt  }
0x46: {  	_ =	shalt  }
0x47: {  	_ =	shalt  }
0x48: {  	_ =	shalt  }
0x49: {  	_ =	shalt  }
0x4a: {  	_ =	shalt  }
0x4b: {  	_ =	shalt  }
0x4c: {  	_ =	shalt  }
0x4d: {  	_ =	shalt  }
0x4e: {  	_ =	shalt  }
0x4f: {  	_ =	shalt  }
0x50: {  	_ =	shalt  }
0x51: {  	_ =	shalt  }
0x52: {  	_ =	shalt  }
0x53: {  	_ =	shalt  }
0x54: {  	_ =	shalt  }
0x55: {  	_ =	shalt  }
0x56: {  	_ =	shalt  }
0x57: {  	_ =	shalt  }
0x58: {  	_ =	shalt  }
0x59: {  	_ =	shalt  }
0x5a: {  	_ =	shalt  }
0x5b: {  	_ =	shalt  }
0x5c: {  	_ =	shalt  }
0x5d: {  	_ =	shalt  }
0x5e: {  	_ =	shalt  }
0x5f: {  	_ =	shalt  }
0x60: {  	_ =	shalt  }
0x61: {  	_ =	shalt  }
0x62: {  	_ =	shalt  }
0x63: {  	_ =	shalt  }
0x64: {  	_ =	shalt  }
0x65: {  	_ =	shalt  }
0x66: {  	_ =	shalt  }
0x67: {  	_ =	shalt  }
0x68: {  	_ =	shalt  }
0x69: {  	_ =	shalt  }
0x6a: {  	_ =	shalt  }
0x6b: {  	_ =	shalt  }
0x6c: {  	_ =	shalt  }
0x6d: {  	_ =	shalt  }
0x6e: {  	_ =	shalt  }
0x6f: {  	_ =	shalt  }
0x70: {  	_ =	shalt  }
0x71: {  	_ =	shalt  }
0x72: {  	_ =	shalt  }
0x73: {  	_ =	shalt  }
0x74: {  	_ =	shalt  }
0x75: {  	_ =	shalt  }
0x76: {  	_ =	shalt  }
0x77: {  	_ =	shalt  }
0x78: {  	_ =	shalt  }
0x79: {  	_ =	shalt  }
0x7a: {  	_ =	shalt  }
0x7b: {  	_ =	shalt  }
0x7c: {  	_ =	shalt  }
0x7d: {  	_ =	shalt  }
0x7e: {  	_ =	shalt  }
0x7f: {  	_ =	shalt  }
0x80: {  	_ =	shalt  }
0x81: {  	_ =	shalt  }
0x82: {  	_ =	shalt  }
0x83: {  	_ =	shalt  }
0x84: {  	_ =	shalt  }
0x85: {  	_ =	shalt  }
0x86: {  	_ =	shalt  }
0x87: {  	_ =	shalt  }
.Lfunc_end0:
.L_simem_size_0:
called_computation.5_lowered:
.L_overlay_start_0:
0x88: {  	s2 =	sld [smem:$0x3FD9]  }
0x89: {  	s3 =	sld [smem:$0x3FFE];
	_ =	sdelay $0x1  }
0x8a: {  	s1 =	srdreg.scid  }
0x8b: {  	s0 =	sand.u32 $0x1, s1  }
0x8c: {  	s17 =	sshll.u32 s0, $0xA;
	s2 =	sadd.s32 s3, s2  }
0x8d: {  	s2 =	sadd.s32 s2, s17  }
0x8e: {  	[smem:$0x3FB6] =	sst s2  }
0x8f: {  	_ = 	snop  }
0x90: {  	(tm) =	ssettm $0x1  }
0x91: {  	s18 =	sld [smem:$0x3FFB];
	_ =	sdelay $0x3  }
0x92: {  	_ =	strace s18  }
0x93: {  	s2 =	sld [smem:$0x3FFC];
	_ =	sdelay $0x3  }
0x94: {  	_ =	strace s2  }
0x95: {  	s2 =	sld [smem:$0x3FFD];
	_ =	sdelay $0x3  }
0x96: {  	_ =	strace s2  }
0x97: {  	_ =	strace $0x8FFFFFFF  }
0x98: {  	s19 =	sld [smem:$0x3FDB];
	_ =	sdelay $0x1  }
0x99: {  	s20 =	simm.s32 $_scs_section_size  }
0x9a: {  	s4 =	simm.s32 $_size__tile_overlayer_lowered;
	s5 =	simm.s32 $_tile_overlayer_lowered  }
0x9b: {  	s6 =	simm.s32 $0x1BFF;
	s21 =	sshll.u32 s5, $0x1;
	s3 =	sadd.s32 s20, s19  }
0x9c: {  	s22 =	simm.s32 $0x0;
	s4 =	sshll.u32 s4, $0x1;
	s5 =	sadd.s32 s21, s3  }
0x9d: {  	[timem:s22], [sflag:s6] =	dma.local [hbm:s5], s4  }
0x9e: {  	_ =	swait.ge [sflag:s6], s4  }
0x9f: {  	s4 =	ssub.s32 $0x0, s4;
	[sflag:s6] =	ssyncset.done $0x0  }
0xa0: {  	[sflag:s6] =	ssyncadd.s32 s4;
	_ =	sdelay $0x1  }
0xa1: {  	s23 =	simm.s32 $0x1B8B  }
0xa2: {  	_ =	swait.ge [sflag:s23], $0x1  }
0xa3: {  	[sflag:s23] =	ssyncset.done $0x0  }
0xa4: {  	[sflag:s23] =	ssyncadd.s32 $0xFFFFFFFF  }
0xa5: {  	s4 =	sld [smem:$0x0]  }
0xa6: {  	s5 =	sand.u32 $0xFFFFFFFE, s1  }
0xa7: {  	p0 =	sne.s32 s1, s5  }
0xa8: {  	s5 =	sshll.u32 @p0 s5, $0xE  }
0xa9: {  	s5 =	sadd.s32 @p0 $0x11B8D, s5;
	s6 =	sshll.u32 @p0 s4, $0x11  }
0xaa: {  	s5 =	sor.u32 @p0 s6, s5  }
0xab: {  	[sflag:s5] =	ssyncadd.remote.s32 @p0 $0x1;
	_ =	sdelay $0x1  }
0xac: {  	s5 =	simm.s32 @p0 $0x1B8D  }
0xad: {  	_ =	swait.eq @p0 [sflag:s5], $0x1  }
0xae: {  	[sflag:s5] =	ssyncadd.s32 @p0 $0xFFFFFFFF  }
0xaf: {  	s6 =	sshll.u32 @!p0 s1, $0xE  }
0xb0: {  	s6 =	sor.u32 @!p0 $0x4000, s6;
	s5 =	simm.s32 @!p0 $0x1B8D  }
0xb1: {  	s4 =	sshll.u32 @!p0 s4, $0x11;
	s6 =	sadd.s32 @!p0 $0x11B8D, s6;
	_ =	swait.eq @!p0 [sflag:s5], $0x1  }
0xb2: {  	s4 =	sor.u32 @!p0 s4, s6;
	[sflag:s5] =	ssyncadd.s32 @!p0 $0xFFFFFFFF  }
0xb3: {  	s25 =	simm.s32 $0x1B8E;
	s24 =	sld [smem:$0x3FFE];
	[sflag:s4] =	ssyncadd.remote.s32 @!p0 $0x1  }
0xb4: {  	s26 =	simm.s32 $execute0_lowered;
	[smem:$0x3FD2] =	sst s25  }
0xb5: {  	s5 =	sshll.u32 s26, $0x1;
	_ =	strace $0x80000052;
	[dreg:$0x1] =	wrdreg $0xFFFFFFFF  }
0xb6: {  	s28 =	simm.s32 $_size_execute0_lowered;
	s3 =	sadd.s32 s3, s5;
	[dreg:$0x0] =	wrdreg $0x0  }
0xb7: {  	s5 =	sshll.u32 s28, $0x1;
	[dreg:$0x2] =	wrdreg s3  }
0xb8: {  	[dreg:$0x3] =	wrdreg s5  }
0xb9: {  	[dreg:$0x4] =	wrdreg $0xC0  }
0xba: {  	_ =	task [dreg:s22], $0x5FFFF  }
0xbb: {  	[dreg:$0x1] =	wrdreg $0xFFFFFFFF  }
0xbc: {  	[dreg:$0x0] =	wrdreg $0x60  }
0xbd: {  	[dreg:$0x2] =	wrdreg s24  }
0xbe: {  	[dreg:$0x3] =	wrdreg $0xA  }
0xbf: {  	_ =	task.clear_ibuf [dreg:s22], $0x4FFFF;
	_ =	strace $0x90000052  }
0xc0: {  	s29 =	simm.s32 $0xA;
	_ =	strace $0x80000054  }
0xc1: {  	_ =	swait.ge [sflag:s29], $0x1  }
0xc2: {  	[sflag:s29] =	ssyncadd.s32 $0xFFFFFFFF  }
0xc3: {  	_ =	strace $0x90000054  }
0xc4: {  	_ =	sfence  }
0xc5: {  	s30 =	sld [smem:$0x0];
	_ =	sdelay $0x2  }
0xc6: {  	s31 =	sshll.u32 s1, $0xD;
	s1 =	sshrl.u32 s1, $0x2  }
0xc7: {  	s4 =	sand.u32 $0x4000, s31;
	s1 =	sadd.s32 s1, s30  }
0xc8: {  	s0 =	sor.u32 s4, s0;
	s1 =	sshll.u32 s1, $0x11  }
0xc9: {  	s0 =	sor.u32 s1, s0  }
0xca: {  	s0 =	sadd.s32 $0x8F2B, s0  }
0xcb: {  	[sflag:s0] =	ssyncadd.remote.s32 $0x1  }
0xcc: {  	_ =	sfence.sel $0xFFFF  }
0xcd: {  	[dreg:$0x0] =	wrdreg $0xFFFFFFFF;
	(pc) =	sbr.abs _section_cstart, $3  }
0xce: {  	[dreg:$0x1] =	wrdreg $0xFFFFFFFF  }
0xcf: {  	_ =	task.clear_ibuf [dreg:s22], $0x2FFFF;
	_ =	strace $0x9FFFFFFF  }
0xd0: {  	(tm) =	ssettm $0x7FFFFFFF  }
0xd1: {  	_ =	shalt  }
tec
execute0_lowered:
.L_overlay_start_1:
0x0: {  	(tag) =	ssettag $0x1  }
0x1: {  	s0 =	rddreg [dreg:$0x0]  }
0x2: {  	s2 =	simm.s32 $0x0;
	s1 =	srdreg.scid;
	s8 =	stileid.u32  }
0x3: {  	s14 =	simm.s32 $0x9;
	s15 =	simm.s32 $0x80;
	s16 =	simm.s32 $0x200  }
0x4: {  	s28 =	simm.s32 $0x6;
	s29 =	simm.s32 $0x7;
	s30 =	simm.s32 $0x8  }
0x5: {  	s31 =	simm.s32 $0x0;
	[smem:$0x7FF] =	sst s2;
	s1 =	sand.u32 $0x1, s1  }
0x6: {  	s3 =	sadd.s32 $0xB6000, s0;
	s4 =	sshll.u32 s8, $0xD;
	s7 =	sadd.s32 $0xAFE00, s0  }
0x7: {  	s17 =	sshll.u32 s8, $0x11;
	_ =	strace $0x80000053;
	s5 =	sshll.u32 s1, $0xC  }
0x8: {  	s6 =	ssub.s32 $0x2, s1;
	s0 =	sadd.s32 s17, s0;
	s1 =	sshll.u32 s1, $0x10  }
0x9: {  	s17 =	simm.s32 $0x4200;
	s5 =	sor.u32 s5, s4;
	s18 =	sshrl.u32 s6, $0x1  }
0xa: {  	s0 =	sadd.s32 s1, s0;
	s9 =	sshrl.u32 s5, $0x3;
	s6 =	ssub.s32 s6, s18  }
0xb: {  	s22 =	sor.u32 $0x380, s5;
	s24 =	sor.u32 $0x300, s5;
	s25 =	sor.u32 $0x280, s5  }
0xc: {  	s10 =	sor.u32 $0x200, s5;
	s18 =	simm.s32 $0x100;
	s4 =	sadd.s32 s7, s9  }
0xd: {  	s6 =	smax.u32 s6, $0x1;
	s9 =	sadd.s32 $0x136000, s0;
	s23 =	sshrl.u32 s22, $0x3  }
0xe: {  	s1 =	sshrl.u32 s25, $0x3;
	s26 =	sshrl.u32 s10, $0x3;
	s22 =	simm.s32 $0x1  }
0xf: {  	s25 =	simm.s32 $0x4;
	s19 =	sadd.s32 $0x10, s4;
	[dreg:$0x5] =	wrdreg s6  }
0x10: {  	s20 =	sadd.s32 $0x20, s4;
	s21 =	sadd.s32 $0x30, s4;
	[dreg:$0x2] =	wrdreg s19  }
.Ltmp0:
0x11: {  	s0 =	sadd.s32 s23, s7;
	[dreg:$0x3] =	wrdreg s20;
	(pc) =	sbr.rel .LBB2_1-.Ltmp0, $4  }
0x12: {  	s1 =	sadd.s32 s1, s7;
	s23 =	simm.s32 $0x2;
	[dreg:$0x4] =	wrdreg s21  }
0x13: {  	[dreg:$0x6] =	wrdreg s0;
	s0 =	sshrl.u32 s24, $0x3;
	s19 =	simm.s32 $0x8200  }
0x14: {  	s20 =	simm.s32 $0x180;
	s21 =	simm.s32 $0xC200;
	s24 =	simm.s32 $0x3  }
0x15: {  	s5 =	sadd.s32 s0, s7;
	s0 =	sadd.s32 s26, s7;
	s26 =	simm.s32 $0x5  }
.LBB2_4:
0x16: {  	_ =	swait.ge [sflag:s26], $0x4000  }
0x17: {  	[sflag:s26] =	ssyncset.done $0x0  }
0x18: {  	[sflag:s26] =	ssyncadd.s32 $0xFFFFC000  }
0x19: {  	_ =	swait.ge [sflag:s28], $0x4000  }
0x1a: {  	[sflag:s28] =	ssyncset.done $0x0  }
0x1b: {  	[sflag:s28] =	ssyncadd.s32 $0xFFFFC000  }
0x1c: {  	_ =	swait.ge [sflag:s29], $0x4000  }
0x1d: {  	[sflag:s29] =	ssyncset.done $0x0  }
0x1e: {  	[sflag:s29] =	ssyncadd.s32 $0xFFFFC000  }
0x1f: {  	_ =	swait.ge [sflag:s30], $0x4000  }
0x20: {  	s31 =	sadd.s32 $0x1, s31;
	s6 =	rddreg [dreg:$0x5]  }
0x21: {  	p0 =	sne.s32 s31, s6  }
.Ltmp1:
0x22: {  	_ = 	snop;
	(pc) =	sbr.rel @!p0 .LBB2_5-.Ltmp1, $3  }
0x23: {  	_ =	sdelay $0x1  }
0x24: {  	[sflag:s30] =	ssyncset.done $0x0  }
0x25: {  	[sflag:s30] =	ssyncadd.s32 $0xFFFFC000  }
.LBB2_1:
0x26: {  	[tilespmem:s2], [sflag:$0x9] =	stream.linear.gather [hbm4b:s4+s2], $0x80, $0x38;
	[tilespmem:$0x10200] =	vst v63  }
0x27: {  	_ =	swait.ge [sflag:s14], $0x80  }
0x28: {  	[sflag:s14] =	ssyncset.done $0x0  }
0x29: {  	[sflag:s14] =	ssyncadd.s32 $0xFFFFFF80  }
0x2a: {  	[tilespmem:s16], [sflag:$0x1] =	stream.indirect.gather [hbm4b:s3+s15], $0x80, s2, s15, $0xb8;
	[tilespmem:$0x10200] =	vst v63  }
0x2b: {  	s6 =	rddreg [dreg:$0x2]  }
0x2c: {  	[tilespmem:s15], [sflag:$0x9] =	stream.linear.gather [hbm4b:s6+s2], $0x80, $0x38;
	[tilespmem:$0x10200] =	vst v63  }
0x2d: {  	_ =	swait.ge [sflag:s14], $0x80  }
0x2e: {  	[sflag:s14] =	ssyncset.done $0x0  }
0x2f: {  	[sflag:s14] =	ssyncadd.s32 $0xFFFFFF80  }
0x30: {  	[tilespmem:s17], [sflag:$0x2] =	stream.indirect.gather [hbm4b:s3+s15], $0x80, s15, s15, $0xb8;
	[tilespmem:$0x10200] =	vst v63  }
0x31: {  	s12 =	rddreg [dreg:$0x3]  }
0x32: {  	[tilespmem:s18], [sflag:$0x9] =	stream.linear.gather [hbm4b:s12+s2], $0x80, $0x38;
	[tilespmem:$0x10200] =	vst v63  }
0x33: {  	_ =	swait.ge [sflag:s14], $0x80  }
0x34: {  	[sflag:s14] =	ssyncset.done $0x0  }
0x35: {  	[sflag:s14] =	ssyncadd.s32 $0xFFFFFF80  }
0x36: {  	[tilespmem:s19], [sflag:$0x3] =	stream.indirect.gather [hbm4b:s3+s15], $0x80, s18, s15, $0xb8;
	[tilespmem:$0x10200] =	vst v63  }
0x37: {  	s13 =	rddreg [dreg:$0x4]  }
0x38: {  	[tilespmem:s20], [sflag:$0x9] =	stream.linear.gather [hbm4b:s13+s2], $0x80, $0x38;
	[tilespmem:$0x10200] =	vst v63  }
0x39: {  	s11 =	smov.u32 s5;
	_ =	swait.ge [sflag:s14], $0x80  }
0x3a: {  	s7 =	simm.s32 $0x0;
	s12 =	smov.u32 s1;
	[sflag:s14] =	ssyncset.done $0x0  }
0x3b: {  	s13 =	smov.u32 s0;
	s10 =	rddreg [dreg:$0x6];
	[sflag:s14] =	ssyncadd.s32 $0xFFFFFF80  }
0x3c: {  	[tilespmem:s21], [sflag:$0x4] =	stream.indirect.gather [hbm4b:s3+s15], $0x80, s20, s15, $0xb8;
	[tilespmem:$0x10200] =	vst v63  }
.LBB2_2:
0x3d: {  	_ =	swait.ge [sflag:s22], $0x4000  }
0x3e: {  	[sflag:s22] =	ssyncset.done $0x0  }
0x3f: {  	s8 =	sadd.s32 s7, s9;
	[sflag:s22] =	ssyncadd.s32 $0xFFFFC000  }
0x40: {  	[hbm4b:s8+s2] =	stream.linear.scatter [tilespmem:s16], [sflag:$0x5], $0x4000, $0x38;
	[tilespmem:$0x10200] =	vst v63  }
0x41: {  	_ =	swait.ge [sflag:s23], $0x4000  }
0x42: {  	[sflag:s23] =	ssyncset.done $0x0  }
0x43: {  	s6 =	sadd.s32 $0x800, s8;
	[sflag:s23] =	ssyncadd.s32 $0xFFFFC000  }
0x44: {  	[hbm4b:s6+s2] =	stream.linear.scatter [tilespmem:s17], [sflag:$0x6], $0x4000, $0x38;
	[tilespmem:$0x10200] =	vst v63  }
0x45: {  	_ =	swait.ge [sflag:s24], $0x4000  }
0x46: {  	[sflag:s24] =	ssyncset.done $0x0  }
0x47: {  	p0 =	seq.s32 s7, $0xE000;
	s6 =	sadd.s32 $0x1000, s8;
	[sflag:s24] =	ssyncadd.s32 $0xFFFFC000  }
0x48: {  	[hbm4b:s6+s2] =	stream.linear.scatter [tilespmem:s19], [sflag:$0x7], $0x4000, $0x38;
	[tilespmem:$0x10200] =	vst v63  }
.Ltmp2:
0x49: {  	_ = 	snop;
	(pc) =	sbr.rel @p0 .LBB2_4-.Ltmp2, $4  }
0x4a: {  	_ =	swait.ge [sflag:s25], $0x4000  }
0x4b: {  	[sflag:s25] =	ssyncset.done $0x0  }
0x4c: {  	s8 =	sadd.s32 $0x1800, s8;
	[sflag:s25] =	ssyncadd.s32 $0xFFFFC000  }
0x4d: {  	[hbm4b:s8+s2] =	stream.linear.scatter [tilespmem:s21], [sflag:$0x8], $0x4000, $0x38;
	[tilespmem:$0x10200] =	vst v63  }
0x4e: {  	[tilespmem:s2], [sflag:$0x9] =	stream.linear.gather [hbm4b:s13+s2], $0x80, $0x38;
	[tilespmem:$0x10200] =	vst v63  }
0x4f: {  	_ =	swait.ge [sflag:s14], $0x80  }
0x50: {  	[sflag:s14] =	ssyncset.done $0x0  }
0x51: {  	[sflag:s14] =	ssyncadd.s32 $0xFFFFFF80  }
0x52: {  	[tilespmem:s15], [sflag:$0x9] =	stream.linear.gather [hbm4b:s12+s2], $0x80, $0x38;
	[tilespmem:$0x10200] =	vst v63  }
0x53: {  	_ =	swait.ge [sflag:s14], $0x80  }
0x54: {  	[sflag:s14] =	ssyncset.done $0x0  }
0x55: {  	[sflag:s14] =	ssyncadd.s32 $0xFFFFFF80  }
0x56: {  	[tilespmem:s18], [sflag:$0x9] =	stream.linear.gather [hbm4b:s11+s2], $0x80, $0x38;
	[tilespmem:$0x10200] =	vst v63  }
0x57: {  	_ =	swait.ge [sflag:s14], $0x80  }
0x58: {  	[sflag:s14] =	ssyncset.done $0x0  }
0x59: {  	[sflag:s14] =	ssyncadd.s32 $0xFFFFFF80  }
0x5a: {  	[tilespmem:s20], [sflag:$0x9] =	stream.linear.gather [hbm4b:s10+s2], $0x80, $0x38;
	[tilespmem:$0x10200] =	vst v63  }
0x5b: {  	_ =	swait.ge [sflag:s14], $0x80  }
0x5c: {  	[sflag:s14] =	ssyncset.done $0x0  }
0x5d: {  	[sflag:s14] =	ssyncadd.s32 $0xFFFFFF80  }
0x5e: {  	_ =	swait.ge [sflag:s26], $0x4000  }
0x5f: {  	[sflag:s26] =	ssyncset.done $0x0  }
0x60: {  	[sflag:s26] =	ssyncadd.s32 $0xFFFFC000  }
0x61: {  	[tilespmem:s16], [sflag:$0x1] =	stream.indirect.gather [hbm4b:s3+s15], $0x80, s2, s15, $0xb8;
	[tilespmem:$0x10200] =	vst v63  }
0x62: {  	_ =	swait.ge [sflag:s28], $0x4000  }
0x63: {  	[sflag:s28] =	ssyncset.done $0x0  }
0x64: {  	[sflag:s28] =	ssyncadd.s32 $0xFFFFC000  }
0x65: {  	[tilespmem:s17], [sflag:$0x2] =	stream.indirect.gather [hbm4b:s3+s15], $0x80, s15, s15, $0xb8;
	[tilespmem:$0x10200] =	vst v63  }
0x66: {  	_ =	swait.ge [sflag:s29], $0x4000  }
0x67: {  	[sflag:s29] =	ssyncset.done $0x0  }
0x68: {  	[sflag:s29] =	ssyncadd.s32 $0xFFFFC000  }
0x69: {  	[tilespmem:s19], [sflag:$0x3] =	stream.indirect.gather [hbm4b:s3+s15], $0x80, s18, s15, $0xb8;
	[tilespmem:$0x10200] =	vst v63  }
.Ltmp3:
0x6a: {  	_ = 	snop;
	(pc) =	sbr.rel .LBB2_2-.Ltmp3, $4  }
0x6b: {  	s7 =	sadd.s32 $0x2000, s7;
	_ =	swait.ge [sflag:s30], $0x4000  }
0x6c: {  	s13 =	sadd.s32 $0x40, s13;
	s12 =	sadd.s32 $0x40, s12;
	[sflag:s30] =	ssyncset.done $0x0  }
0x6d: {  	s11 =	sadd.s32 $0x40, s11;
	s10 =	sadd.s32 $0x40, s10;
	[sflag:s30] =	ssyncadd.s32 $0xFFFFC000  }
0x6e: {  	[tilespmem:s21], [sflag:$0x4] =	stream.indirect.gather [hbm4b:s3+s15], $0x80, s20, s15, $0xb8;
	[tilespmem:$0x10200] =	vst v63  }
.LBB2_5:
0x6f: {  	_ =	sfence.sel $0x180000  }
0x70: {  	[bflag:$0x0] =	sbarrier.arrive $0xFFFF  }
0x71: {  	_ =	strace $0x90000053  }
0x72: {  	s0 =	stileid.u32;
	[bflag:$0x2] =	sbarrier.arrive $0xFFFF  }
0x73: {  	p0 =	sne.s32 s0, $0x0;
	s0 =	rddreg [dreg:$0x1]  }
0x74: {  	s0 =	sadd.s32 @!p0 $0x100000, s0  }
0x75: {  	[sflag:s0] =	ssyncadd.tile.s32 @!p0 $0x1;
	_ =	shalt  }
.Lfunc_end2:
_tile_overlayer_lowered:
.L_overlay_start_2:
0x76: {  	(tag) =	ssettag $0x2  }
0x77: {  	s0 =	rddreg [dreg:$0x0];
	s2 =	stileid.u32  }
0x78: {  	s1 =	rddreg [dreg:$0x1];
	p0 =	sne.s32 s2, $0x0  }
0x79: {  	s3 =	rddreg [dreg:$0x2];
	[bflag:$0x3] =	sbarrier.arrive $0xFFFF;
	s2 =	simm.s32 @!p0 $0x1C09  }
0x7a: {  	[timem:s3], [sflag:s2] =	dma.local @!p0 [hbm:s0], s1  }
0x7b: {  	s0 =	simm.s32 @!p0 $0x9  }
0x7c: {  	_ =	swait.ge @!p0 [sflag:s0], s1  }
0x7d: {  	s1 =	ssub.s32 @!p0 $0x0, s1;
	[sflag:s0] =	ssyncset.done @!p0 $0x0  }
0x7e: {  	[sflag:s0] =	ssyncadd.s32 @!p0 s1  }
0x7f: {  	[bflag:$0x3] =	sbarrier.arrive $0xFFFF  }
0x80: {  	_ =	shalt  }

// kernel: kernel.39.cloned.1.call-start
scs
__scs_entry_jumppad:
0x0: {  	(pc) =	sbr.rel $0x88, $3  }
0x1: {  	(tag) =	ssettag $0x0;
	lr =	simm.s32 $0x1  }
0x2: {  	[smem:$0x3F8F] =	sst lr;
	_ =	strace $0xD0000000  }
0x3: {  	_ = 	snop  }
0x4: {  	_ = 	snop  }
0x5: {  	_ = 	snop  }
0x6: {  	_ = 	snop  }
0x7: {  	_ = 	snop  }
__scs_overlays_trampoline_lowered:
0x8: {  	[smem:$0x3F9E] =	sst s0  }
0x9: {  	[smem:$0x3F9F] =	sst s1  }
0xa: {  	[smem:$0x3FA0] =	sst s2  }
0xb: {  	[smem:$0x3FA1] =	sst s3  }
0xc: {  	[smem:$0x3FA2] =	sst s4  }
0xd: {  	[smem:$0x3FA3] =	sst s5  }
0xe: {  	[smem:$0x3FA4] =	sst s6  }
0xf: {  	[smem:$0x3FA5] =	sst s7  }
0x10: {  	[smem:$0x3FA6] =	sst s8  }
0x11: {  	[smem:$0x3FA7] =	sst s9;
	s0 =	simm.s32 @!p0 $0x0  }
0x12: {  	s1 =	sld [smem:$0x3F8D];
	s0 =	simm.s32 @p0 $0x1  }
0x13: {  	[smem:$0x3FA8] =	sst s0;
	s0 =	simm.s32 @!p1 $0x0  }
0x14: {  	s2 =	sld [smem:$0x3F8C];
	s0 =	simm.s32 @p1 $0x1  }
0x15: {  	[smem:$0x3FA9] =	sst s0;
	s0 =	simm.s32 @!p2 $0x0  }
0x16: {  	s3 =	sld [smem:$0x3FDB];
	s0 =	simm.s32 @p2 $0x1  }
0x17: {  	s4 =	simm.s32 $0x1BF5;
	[smem:$0x3FAB] =	sst s0  }
0x18: {  	s0 =	sld [smem:$0x3F8E];
	_ =	swait.ge [sflag:s4], $0x0  }
0x19: {  	s7 =	sld [smem:$0x3F8F]  }
0x1a: {  	s8 =	sadd.s32 $0xFFFFE003, lr  }
0x1b: {  	s9 =	sadd.s32 $0xFFFFFEF7, lr;
	s5 =	simm.s32 $0xFFFFFFFF;
	p2 =	slt.u32 s8, $0xFFFFF086  }
0x1c: {  	p1 =	slt.u32 s9, $0xF7A;
	s5 =	simm.s32 @!p2 $0x0  }
0x1d: {  	s5 =	simm.s32 @p1 $0x1;
	p0 =	seq.s32 s7, s2  }
0x1e: {  	s7 =	smul.u32 @!p0 $0xF7A, s2;
	p2 =	seq.s32 @!p0 s5, $0x0  }
0x1f: {  	s9 =	smul.u32 $0xF7A, s1;
	s8 =	simm.s32 @!p0 $0x1BF5;
	p2 =	por !p2, p0  }
0x20: {  	[sflag:s8] =	ssyncset.s32 @!p0 $0xFFFFF086;
	s6 =	sadd.s32 @!p0 s3, s7;
	s7 =	simm.s32 @!p0 $0x108  }
0x21: {  	s3 =	sadd.s32 s3, s9;
	s6 =	sadd.s32 @!p0 $0x88, s6;
	s7 =	simm.s32 @p2 $0x1082  }
0x22: {  	[simem:s7], [sflag:s8] =	dma.local @!p0 [hbm:s6], $0xF7A  }
0x23: {  	s9 =	sor.u32 $0xD0000000, s2;
	s6 =	simm.s32 $0x108;
	_ =	swait.ge @!p0 [sflag:s8], $0x0  }
0x24: {  	s3 =	sadd.s32 $0x88, s3;
	s6 =	simm.s32 @!p1 $0x1082;
	[sflag:s4] =	ssyncset.s32 $0xFFFFF086  }
0x25: {  	[simem:s6], [sflag:s4] =	dma.local [hbm:s3], $0xF7A  }
0x26: {  	[smem:$0x3F8F] =	sst s1;
	(tag) =	ssettag s2;
	_ =	strace s9  }
0x27: {  	s1 =	sld [smem:$0x3F9F]  }
0x28: {  	s2 =	sld [smem:$0x3FA0]  }
0x29: {  	s4 =	sld [smem:$0x3FA2]  }
0x2a: {  	p0 =	seq.s32 s5, $0x0;
	s5 =	sld [smem:$0x3FA3]  }
0x2b: {  	s6 =	sld [smem:$0x3FA4]  }
0x2c: {  	s7 =	sld [smem:$0x3FA5]  }
0x2d: {  	s3 =	simm.s32 $0x108;
	s8 =	sld [smem:$0x3FA6]  }
0x2e: {  	s3 =	simm.s32 @!p0 $0x1082;
	s9 =	sld [smem:$0x3FA7]  }
0x2f: {  	lr =	sadd.s32 s0, s3;
	s0 =	sld [smem:$0x3F9E]  }
0x30: {  	s3 =	sld [smem:$0x3FA1]  }
0x31: {  	[smem:$0x3FAA] =	sst s10  }
0x32: {  	s10 =	sld [smem:$0x3FA8];
	_ =	sdelay $0x3  }
0x33: {  	p0 =	seq.s32 s10, $0x1;
	s10 =	sld [smem:$0x3FAA];
	_ =	sdelay $0x3  }
0x34: {  	[smem:$0x3FAA] =	sst s10  }
0x35: {  	s10 =	sld [smem:$0x3FA9];
	_ =	sdelay $0x3  }
0x36: {  	p1 =	seq.s32 s10, $0x1;
	s10 =	sld [smem:$0x3FAA];
	_ =	sdelay $0x3  }
0x37: {  	[smem:$0x3FAA] =	sst s10  }
0x38: {  	s10 =	sld [smem:$0x3FAB]  }
0x39: {  	_ = 	snop;
	(pc) =	sbr.ind lr, $3  }
0x3a: {  	_ = 	snop  }
0x3b: {  	_ = 	snop  }
0x3c: {  	p2 =	seq.s32 s10, $0x1;
	s10 =	sld [smem:$0x3FAA]  }
0x3d: {  	_ =	shalt  }
0x3e: {  	_ =	shalt  }
0x3f: {  	_ =	shalt  }
0x40: {  	_ =	shalt  }
0x41: {  	_ =	shalt  }
0x42: {  	_ =	shalt  }
0x43: {  	_ =	shalt  }
0x44: {  	_ =	shalt  }
0x45: {  	_ =	shalt  }
0x46: {  	_ =	shalt  }
0x47: {  	_ =	shalt  }
0x48: {  	_ =	shalt  }
0x49: {  	_ =	shalt  }
0x4a: {  	_ =	shalt  }
0x4b: {  	_ =	shalt  }
0x4c: {  	_ =	shalt  }
0x4d: {  	_ =	shalt  }
0x4e: {  	_ =	shalt  }
0x4f: {  	_ =	shalt  }
0x50: {  	_ =	shalt  }
0x51: {  	_ =	shalt  }
0x52: {  	_ =	shalt  }
0x53: {  	_ =	shalt  }
0x54: {  	_ =	shalt  }
0x55: {  	_ =	shalt  }
0x56: {  	_ =	shalt  }
0x57: {  	_ =	shalt  }
0x58: {  	_ =	shalt  }
0x59: {  	_ =	shalt  }
0x5a: {  	_ =	shalt  }
0x5b: {  	_ =	shalt  }
0x5c: {  	_ =	shalt  }
0x5d: {  	_ =	shalt  }
0x5e: {  	_ =	shalt  }
0x5f: {  	_ =	shalt  }
0x60: {  	_ =	shalt  }
0x61: {  	_ =	shalt  }
0x62: {  	_ =	shalt  }
0x63: {  	_ =	shalt  }
0x64: {  	_ =	shalt  }
0x65: {  	_ =	shalt  }
0x66: {  	_ =	shalt  }
0x67: {  	_ =	shalt  }
0x68: {  	_ =	shalt  }
0x69: {  	_ =	shalt  }
0x6a: {  	_ =	shalt  }
0x6b: {  	_ =	shalt  }
0x6c: {  	_ =	shalt  }
0x6d: {  	_ =	shalt  }
0x6e: {  	_ =	shalt  }
0x6f: {  	_ =	shalt  }
0x70: {  	_ =	shalt  }
0x71: {  	_ =	shalt  }
0x72: {  	_ =	shalt  }
0x73: {  	_ =	shalt  }
0x74: {  	_ =	shalt  }
0x75: {  	_ =	shalt  }
0x76: {  	_ =	shalt  }
0x77: {  	_ =	shalt  }
0x78: {  	_ =	shalt  }
0x79: {  	_ =	shalt  }
0x7a: {  	_ =	shalt  }
0x7b: {  	_ =	shalt  }
0x7c: {  	_ =	shalt  }
0x7d: {  	_ =	shalt  }
0x7e: {  	_ =	shalt  }
0x7f: {  	_ =	shalt  }
0x80: {  	_ =	shalt  }
0x81: {  	_ =	shalt  }
0x82: {  	_ =	shalt  }
0x83: {  	_ =	shalt  }
0x84: {  	_ =	shalt  }
0x85: {  	_ =	shalt  }
0x86: {  	_ =	shalt  }
0x87: {  	_ =	shalt  }
.Lfunc_end0:
.L_simem_size_0:
called_computation.6_lowered:
.L_overlay_start_0:
0x88: {  	s2 =	sld [smem:$0x3FD9]  }
0x89: {  	s3 =	sld [smem:$0x3FFE];
	_ =	sdelay $0x1  }
0x8a: {  	s1 =	srdreg.scid  }
0x8b: {  	s0 =	sand.u32 $0x1, s1  }
0x8c: {  	s17 =	sshll.u32 s0, $0xA;
	s2 =	sadd.s32 s3, s2  }
0x8d: {  	s2 =	sadd.s32 s2, s17  }
0x8e: {  	[smem:$0x3FB6] =	sst s2  }
0x8f: {  	_ = 	snop  }
0x90: {  	(tm) =	ssettm $0x1  }
0x91: {  	s18 =	sld [smem:$0x3FFB];
	_ =	sdelay $0x3  }
0x92: {  	_ =	strace s18  }
0x93: {  	s2 =	sld [smem:$0x3FFC];
	_ =	sdelay $0x3  }
0x94: {  	_ =	strace s2  }
0x95: {  	s2 =	sld [smem:$0x3FFD];
	_ =	sdelay $0x3  }
0x96: {  	_ =	strace s2  }
0x97: {  	_ =	strace $0x8FFFFFFF  }
0x98: {  	s19 =	sld [smem:$0x3FDB];
	_ =	sdelay $0x1  }
0x99: {  	s20 =	simm.s32 $_scs_section_size  }
0x9a: {  	s4 =	simm.s32 $_size__tile_overlayer_lowered;
	s5 =	simm.s32 $_tile_overlayer_lowered  }
0x9b: {  	s6 =	simm.s32 $0x1BFF;
	s21 =	sshll.u32 s5, $0x1;
	s3 =	sadd.s32 s20, s19  }
0x9c: {  	s22 =	simm.s32 $0x0;
	s4 =	sshll.u32 s4, $0x1;
	s5 =	sadd.s32 s21, s3  }
0x9d: {  	[timem:s22], [sflag:s6] =	dma.local [hbm:s5], s4  }
0x9e: {  	_ =	swait.ge [sflag:s6], s4  }
0x9f: {  	s4 =	ssub.s32 $0x0, s4;
	[sflag:s6] =	ssyncset.done $0x0  }
0xa0: {  	[sflag:s6] =	ssyncadd.s32 s4;
	_ =	sdelay $0x1  }
0xa1: {  	s23 =	simm.s32 $0x1B8B  }
0xa2: {  	_ =	swait.ge [sflag:s23], $0x1  }
0xa3: {  	[sflag:s23] =	ssyncset.done $0x0  }
0xa4: {  	[sflag:s23] =	ssyncadd.s32 $0xFFFFFFFF  }
0xa5: {  	s4 =	sld [smem:$0x0]  }
0xa6: {  	s5 =	sand.u32 $0xFFFFFFFE, s1  }
0xa7: {  	p0 =	sne.s32 s1, s5  }
0xa8: {  	s5 =	sshll.u32 @p0 s5, $0xE  }
0xa9: {  	s5 =	sadd.s32 @p0 $0x11B8D, s5;
	s6 =	sshll.u32 @p0 s4, $0x11  }
0xaa: {  	s5 =	sor.u32 @p0 s6, s5  }
0xab: {  	[sflag:s5] =	ssyncadd.remote.s32 @p0 $0x1;
	_ =	sdelay $0x1  }
0xac: {  	s5 =	simm.s32 @p0 $0x1B8D  }
0xad: {  	_ =	swait.eq @p0 [sflag:s5], $0x1  }
0xae: {  	[sflag:s5] =	ssyncadd.s32 @p0 $0xFFFFFFFF  }
0xaf: {  	s6 =	sshll.u32 @!p0 s1, $0xE  }
0xb0: {  	s6 =	sor.u32 @!p0 $0x4000, s6;
	s5 =	simm.s32 @!p0 $0x1B8D  }
0xb1: {  	s4 =	sshll.u32 @!p0 s4, $0x11;
	s6 =	sadd.s32 @!p0 $0x11B8D, s6;
	_ =	swait.eq @!p0 [sflag:s5], $0x1  }
0xb2: {  	s4 =	sor.u32 @!p0 s4, s6;
	[sflag:s5] =	ssyncadd.s32 @!p0 $0xFFFFFFFF  }
0xb3: {  	s25 =	simm.s32 $0x1B8E;
	s24 =	sld [smem:$0x3FFE];
	[sflag:s4] =	ssyncadd.remote.s32 @!p0 $0x1  }
0xb4: {  	s26 =	simm.s32 $execute0_lowered;
	[smem:$0x3FD2] =	sst s25  }
0xb5: {  	s5 =	sshll.u32 s26, $0x1;
	_ =	strace $0x8000005B;
	[dreg:$0x1] =	wrdreg $0xFFFFFFFF  }
0xb6: {  	s28 =	simm.s32 $_size_execute0_lowered;
	s3 =	sadd.s32 s3, s5;
	[dreg:$0x0] =	wrdreg $0x0  }
0xb7: {  	s5 =	sshll.u32 s28, $0x1;
	[dreg:$0x2] =	wrdreg s3  }
0xb8: {  	[dreg:$0x3] =	wrdreg s5  }
0xb9: {  	[dreg:$0x4] =	wrdreg $0xC0  }
0xba: {  	_ =	task [dreg:s22], $0x5FFFF  }
0xbb: {  	[dreg:$0x1] =	wrdreg $0xFFFFFFFF  }
0xbc: {  	[dreg:$0x0] =	wrdreg $0x60  }
0xbd: {  	[dreg:$0x2] =	wrdreg s24  }
0xbe: {  	[dreg:$0x3] =	wrdreg $0x9  }
0xbf: {  	_ =	task.clear_ibuf [dreg:s22], $0x4FFFF;
	_ =	strace $0x9000005B  }
0xc0: {  	s29 =	simm.s32 $0x9;
	_ =	strace $0x8000005D  }
0xc1: {  	_ =	swait.ge [sflag:s29], $0x1  }
0xc2: {  	[sflag:s29] =	ssyncadd.s32 $0xFFFFFFFF  }
0xc3: {  	_ =	strace $0x9000005D  }
0xc4: {  	_ =	sfence  }
0xc5: {  	s30 =	sld [smem:$0x0];
	_ =	sdelay $0x2  }
0xc6: {  	s31 =	sshll.u32 s1, $0xD;
	s1 =	sshrl.u32 s1, $0x2  }
0xc7: {  	s4 =	sand.u32 $0x4000, s31;
	s1 =	sadd.s32 s1, s30  }
0xc8: {  	s0 =	sor.u32 s4, s0;
	s1 =	sshll.u32 s1, $0x11  }
0xc9: {  	s0 =	sor.u32 s1, s0  }
0xca: {  	s0 =	sadd.s32 $0x8F2B, s0  }
0xcb: {  	[sflag:s0] =	ssyncadd.remote.s32 $0x1  }
0xcc: {  	_ =	sfence.sel $0xFFFF  }
0xcd: {  	[dreg:$0x0] =	wrdreg $0xFFFFFFFF;
	(pc) =	sbr.abs _section_cstart, $3  }
0xce: {  	[dreg:$0x1] =	wrdreg $0xFFFFFFFF  }
0xcf: {  	_ =	task.clear_ibuf [dreg:s22], $0x2FFFF;
	_ =	strace $0x9FFFFFFF  }
0xd0: {  	(tm) =	ssettm $0x7FFFFFFF  }
0xd1: {  	_ =	shalt  }
tec
execute0_lowered:
.L_overlay_start_1:
0x0: {  	(tag) =	ssettag $0x1  }
0x1: {  	s0 =	rddreg [dreg:$0x0]  }
0x2: {  	s2 =	simm.s32 $0x0;
	s1 =	srdreg.scid;
	s8 =	stileid.u32  }
0x3: {  	s14 =	simm.s32 $0x9;
	s15 =	simm.s32 $0x80;
	s16 =	simm.s32 $0x200  }
0x4: {  	s28 =	simm.s32 $0x6;
	s29 =	simm.s32 $0x7;
	s30 =	simm.s32 $0x8  }
0x5: {  	s31 =	simm.s32 $0x0;
	[smem:$0x7FF] =	sst s2;
	s1 =	sand.u32 $0x1, s1  }
0x6: {  	s3 =	sadd.s32 $0x2F800, s0;
	s4 =	sshll.u32 s8, $0xD;
	s7 =	sadd.s32 $0x8FE00, s0  }
0x7: {  	s17 =	sshll.u32 s8, $0x11;
	_ =	strace $0x8000005C;
	s5 =	sshll.u32 s1, $0xC  }
0x8: {  	s6 =	ssub.s32 $0x2, s1;
	s0 =	sadd.s32 s17, s0;
	s1 =	sshll.u32 s1, $0x10  }
0x9: {  	s17 =	simm.s32 $0x4200;
	s5 =	sor.u32 s5, s4;
	s18 =	sshrl.u32 s6, $0x1  }
0xa: {  	s0 =	sadd.s32 s1, s0;
	s9 =	sshrl.u32 s5, $0x3;
	s6 =	ssub.s32 s6, s18  }
0xb: {  	s22 =	sor.u32 $0x380, s5;
	s24 =	sor.u32 $0x300, s5;
	s25 =	sor.u32 $0x280, s5  }
0xc: {  	s10 =	sor.u32 $0x200, s5;
	s18 =	simm.s32 $0x100;
	s4 =	sadd.s32 s7, s9  }
0xd: {  	s6 =	smax.u32 s6, $0x1;
	s9 =	sadd.s32 $0x336000, s0;
	s23 =	sshrl.u32 s22, $0x3  }
0xe: {  	s1 =	sshrl.u32 s25, $0x3;
	s26 =	sshrl.u32 s10, $0x3;
	s22 =	simm.s32 $0x1  }
0xf: {  	s25 =	simm.s32 $0x4;
	s19 =	sadd.s32 $0x10, s4;
	[dreg:$0x5] =	wrdreg s6  }
0x10: {  	s20 =	sadd.s32 $0x20, s4;
	s21 =	sadd.s32 $0x30, s4;
	[dreg:$0x2] =	wrdreg s19  }
.Ltmp0:
0x11: {  	s0 =	sadd.s32 s23, s7;
	[dreg:$0x3] =	wrdreg s20;
	(pc) =	sbr.rel .LBB2_1-.Ltmp0, $4  }
0x12: {  	s1 =	sadd.s32 s1, s7;
	s23 =	simm.s32 $0x2;
	[dreg:$0x4] =	wrdreg s21  }
0x13: {  	[dreg:$0x6] =	wrdreg s0;
	s0 =	sshrl.u32 s24, $0x3;
	s19 =	simm.s32 $0x8200  }
0x14: {  	s20 =	simm.s32 $0x180;
	s21 =	simm.s32 $0xC200;
	s24 =	simm.s32 $0x3  }
0x15: {  	s5 =	sadd.s32 s0, s7;
	s0 =	sadd.s32 s26, s7;
	s26 =	simm.s32 $0x5  }
.LBB2_4:
0x16: {  	_ =	swait.ge [sflag:s26], $0x4000  }
0x17: {  	[sflag:s26] =	ssyncset.done $0x0  }
0x18: {  	[sflag:s26] =	ssyncadd.s32 $0xFFFFC000  }
0x19: {  	_ =	swait.ge [sflag:s28], $0x4000  }
0x1a: {  	[sflag:s28] =	ssyncset.done $0x0  }
0x1b: {  	[sflag:s28] =	ssyncadd.s32 $0xFFFFC000  }
0x1c: {  	_ =	swait.ge [sflag:s29], $0x4000  }
0x1d: {  	[sflag:s29] =	ssyncset.done $0x0  }
0x1e: {  	[sflag:s29] =	ssyncadd.s32 $0xFFFFC000  }
0x1f: {  	_ =	swait.ge [sflag:s30], $0x4000  }
0x20: {  	s31 =	sadd.s32 $0x1, s31;
	s6 =	rddreg [dreg:$0x5]  }
0x21: {  	p0 =	sne.s32 s31, s6  }
.Ltmp1:
0x22: {  	_ = 	snop;
	(pc) =	sbr.rel @!p0 .LBB2_5-.Ltmp1, $3  }
0x23: {  	_ =	sdelay $0x1  }
0x24: {  	[sflag:s30] =	ssyncset.done $0x0  }
0x25: {  	[sflag:s30] =	ssyncadd.s32 $0xFFFFC000  }
.LBB2_1:
0x26: {  	[tilespmem:s2], [sflag:$0x9] =	stream.linear.gather [hbm4b:s4+s2], $0x80, $0x38;
	[tilespmem:$0x10200] =	vst v63  }
0x27: {  	_ =	swait.ge [sflag:s14], $0x80  }
0x28: {  	[sflag:s14] =	ssyncset.done $0x0  }
0x29: {  	[sflag:s14] =	ssyncadd.s32 $0xFFFFFF80  }
0x2a: {  	[tilespmem:s16], [sflag:$0x1] =	stream.indirect.gather [hbm4b:s3+s15], $0x80, s2, s15, $0xb8;
	[tilespmem:$0x10200] =	vst v63  }
0x2b: {  	s6 =	rddreg [dreg:$0x2]  }
0x2c: {  	[tilespmem:s15], [sflag:$0x9] =	stream.linear.gather [hbm4b:s6+s2], $0x80, $0x38;
	[tilespmem:$0x10200] =	vst v63  }
0x2d: {  	_ =	swait.ge [sflag:s14], $0x80  }
0x2e: {  	[sflag:s14] =	ssyncset.done $0x0  }
0x2f: {  	[sflag:s14] =	ssyncadd.s32 $0xFFFFFF80  }
0x30: {  	[tilespmem:s17], [sflag:$0x2] =	stream.indirect.gather [hbm4b:s3+s15], $0x80, s15, s15, $0xb8;
	[tilespmem:$0x10200] =	vst v63  }
0x31: {  	s12 =	rddreg [dreg:$0x3]  }
0x32: {  	[tilespmem:s18], [sflag:$0x9] =	stream.linear.gather [hbm4b:s12+s2], $0x80, $0x38;
	[tilespmem:$0x10200] =	vst v63  }
0x33: {  	_ =	swait.ge [sflag:s14], $0x80  }
0x34: {  	[sflag:s14] =	ssyncset.done $0x0  }
0x35: {  	[sflag:s14] =	ssyncadd.s32 $0xFFFFFF80  }
0x36: {  	[tilespmem:s19], [sflag:$0x3] =	stream.indirect.gather [hbm4b:s3+s15], $0x80, s18, s15, $0xb8;
	[tilespmem:$0x10200] =	vst v63  }
0x37: {  	s13 =	rddreg [dreg:$0x4]  }
0x38: {  	[tilespmem:s20], [sflag:$0x9] =	stream.linear.gather [hbm4b:s13+s2], $0x80, $0x38;
	[tilespmem:$0x10200] =	vst v63  }
0x39: {  	s11 =	smov.u32 s5;
	_ =	swait.ge [sflag:s14], $0x80  }
0x3a: {  	s7 =	simm.s32 $0x0;
	s12 =	smov.u32 s1;
	[sflag:s14] =	ssyncset.done $0x0  }
0x3b: {  	s13 =	smov.u32 s0;
	s10 =	rddreg [dreg:$0x6];
	[sflag:s14] =	ssyncadd.s32 $0xFFFFFF80  }
0x3c: {  	[tilespmem:s21], [sflag:$0x4] =	stream.indirect.gather [hbm4b:s3+s15], $0x80, s20, s15, $0xb8;
	[tilespmem:$0x10200] =	vst v63  }
.LBB2_2:
0x3d: {  	_ =	swait.ge [sflag:s22], $0x4000  }
0x3e: {  	[sflag:s22] =	ssyncset.done $0x0  }
0x3f: {  	s8 =	sadd.s32 s7, s9;
	[sflag:s22] =	ssyncadd.s32 $0xFFFFC000  }
0x40: {  	[hbm4b:s8+s2] =	stream.linear.scatter [tilespmem:s16], [sflag:$0x5], $0x4000, $0x38;
	[tilespmem:$0x10200] =	vst v63  }
0x41: {  	_ =	swait.ge [sflag:s23], $0x4000  }
0x42: {  	[sflag:s23] =	ssyncset.done $0x0  }
0x43: {  	s6 =	sadd.s32 $0x800, s8;
	[sflag:s23] =	ssyncadd.s32 $0xFFFFC000  }
0x44: {  	[hbm4b:s6+s2] =	stream.linear.scatter [tilespmem:s17], [sflag:$0x6], $0x4000, $0x38;
	[tilespmem:$0x10200] =	vst v63  }
0x45: {  	_ =	swait.ge [sflag:s24], $0x4000  }
0x46: {  	[sflag:s24] =	ssyncset.done $0x0  }
0x47: {  	p0 =	seq.s32 s7, $0xE000;
	s6 =	sadd.s32 $0x1000, s8;
	[sflag:s24] =	ssyncadd.s32 $0xFFFFC000  }
0x48: {  	[hbm4b:s6+s2] =	stream.linear.scatter [tilespmem:s19], [sflag:$0x7], $0x4000, $0x38;
	[tilespmem:$0x10200] =	vst v63  }
.Ltmp2:
0x49: {  	_ = 	snop;
	(pc) =	sbr.rel @p0 .LBB2_4-.Ltmp2, $4  }
0x4a: {  	_ =	swait.ge [sflag:s25], $0x4000  }
0x4b: {  	[sflag:s25] =	ssyncset.done $0x0  }
0x4c: {  	s8 =	sadd.s32 $0x1800, s8;
	[sflag:s25] =	ssyncadd.s32 $0xFFFFC000  }
0x4d: {  	[hbm4b:s8+s2] =	stream.linear.scatter [tilespmem:s21], [sflag:$0x8], $0x4000, $0x38;
	[tilespmem:$0x10200] =	vst v63  }
0x4e: {  	[tilespmem:s2], [sflag:$0x9] =	stream.linear.gather [hbm4b:s13+s2], $0x80, $0x38;
	[tilespmem:$0x10200] =	vst v63  }
0x4f: {  	_ =	swait.ge [sflag:s14], $0x80  }
0x50: {  	[sflag:s14] =	ssyncset.done $0x0  }
0x51: {  	[sflag:s14] =	ssyncadd.s32 $0xFFFFFF80  }
0x52: {  	[tilespmem:s15], [sflag:$0x9] =	stream.linear.gather [hbm4b:s12+s2], $0x80, $0x38;
	[tilespmem:$0x10200] =	vst v63  }
0x53: {  	_ =	swait.ge [sflag:s14], $0x80  }
0x54: {  	[sflag:s14] =	ssyncset.done $0x0  }
0x55: {  	[sflag:s14] =	ssyncadd.s32 $0xFFFFFF80  }
0x56: {  	[tilespmem:s18], [sflag:$0x9] =	stream.linear.gather [hbm4b:s11+s2], $0x80, $0x38;
	[tilespmem:$0x10200] =	vst v63  }
0x57: {  	_ =	swait.ge [sflag:s14], $0x80  }
0x58: {  	[sflag:s14] =	ssyncset.done $0x0  }
0x59: {  	[sflag:s14] =	ssyncadd.s32 $0xFFFFFF80  }
0x5a: {  	[tilespmem:s20], [sflag:$0x9] =	stream.linear.gather [hbm4b:s10+s2], $0x80, $0x38;
	[tilespmem:$0x10200] =	vst v63  }
0x5b: {  	_ =	swait.ge [sflag:s14], $0x80  }
0x5c: {  	[sflag:s14] =	ssyncset.done $0x0  }
0x5d: {  	[sflag:s14] =	ssyncadd.s32 $0xFFFFFF80  }
0x5e: {  	_ =	swait.ge [sflag:s26], $0x4000  }
0x5f: {  	[sflag:s26] =	ssyncset.done $0x0  }
0x60: {  	[sflag:s26] =	ssyncadd.s32 $0xFFFFC000  }
0x61: {  	[tilespmem:s16], [sflag:$0x1] =	stream.indirect.gather [hbm4b:s3+s15], $0x80, s2, s15, $0xb8;
	[tilespmem:$0x10200] =	vst v63  }
0x62: {  	_ =	swait.ge [sflag:s28], $0x4000  }
0x63: {  	[sflag:s28] =	ssyncset.done $0x0  }
0x64: {  	[sflag:s28] =	ssyncadd.s32 $0xFFFFC000  }
0x65: {  	[tilespmem:s17], [sflag:$0x2] =	stream.indirect.gather [hbm4b:s3+s15], $0x80, s15, s15, $0xb8;
	[tilespmem:$0x10200] =	vst v63  }
0x66: {  	_ =	swait.ge [sflag:s29], $0x4000  }
0x67: {  	[sflag:s29] =	ssyncset.done $0x0  }
0x68: {  	[sflag:s29] =	ssyncadd.s32 $0xFFFFC000  }
0x69: {  	[tilespmem:s19], [sflag:$0x3] =	stream.indirect.gather [hbm4b:s3+s15], $0x80, s18, s15, $0xb8;
	[tilespmem:$0x10200] =	vst v63  }
.Ltmp3:
0x6a: {  	_ = 	snop;
	(pc) =	sbr.rel .LBB2_2-.Ltmp3, $4  }
0x6b: {  	s7 =	sadd.s32 $0x2000, s7;
	_ =	swait.ge [sflag:s30], $0x4000  }
0x6c: {  	s13 =	sadd.s32 $0x40, s13;
	s12 =	sadd.s32 $0x40, s12;
	[sflag:s30] =	ssyncset.done $0x0  }
0x6d: {  	s11 =	sadd.s32 $0x40, s11;
	s10 =	sadd.s32 $0x40, s10;
	[sflag:s30] =	ssyncadd.s32 $0xFFFFC000  }
0x6e: {  	[tilespmem:s21], [sflag:$0x4] =	stream.indirect.gather [hbm4b:s3+s15], $0x80, s20, s15, $0xb8;
	[tilespmem:$0x10200] =	vst v63  }
.LBB2_5:
0x6f: {  	_ =	sfence.sel $0x180000  }
0x70: {  	[bflag:$0x0] =	sbarrier.arrive $0xFFFF  }
0x71: {  	_ =	strace $0x9000005C  }
0x72: {  	s0 =	stileid.u32;
	[bflag:$0x2] =	sbarrier.arrive $0xFFFF  }
0x73: {  	p0 =	sne.s32 s0, $0x0;
	s0 =	rddreg [dreg:$0x1]  }
0x74: {  	s0 =	sadd.s32 @!p0 $0x100000, s0  }
0x75: {  	[sflag:s0] =	ssyncadd.tile.s32 @!p0 $0x1;
	_ =	shalt  }
.Lfunc_end2:
_tile_overlayer_lowered:
.L_overlay_start_2:
0x76: {  	(tag) =	ssettag $0x2  }
0x77: {  	s0 =	rddreg [dreg:$0x0];
	s2 =	stileid.u32  }
0x78: {  	s1 =	rddreg [dreg:$0x1];
	p0 =	sne.s32 s2, $0x0  }
0x79: {  	s3 =	rddreg [dreg:$0x2];
	[bflag:$0x3] =	sbarrier.arrive $0xFFFF;
	s2 =	simm.s32 @!p0 $0x1C09  }
0x7a: {  	[timem:s3], [sflag:s2] =	dma.local @!p0 [hbm:s0], s1  }
0x7b: {  	s0 =	simm.s32 @!p0 $0x9  }
0x7c: {  	_ =	swait.ge @!p0 [sflag:s0], s1  }
0x7d: {  	s1 =	ssub.s32 @!p0 $0x0, s1;
	[sflag:s0] =	ssyncset.done @!p0 $0x0  }
0x7e: {  	[sflag:s0] =	ssyncadd.s32 @!p0 s1  }
0x7f: {  	[bflag:$0x3] =	sbarrier.arrive $0xFFFF  }
0x80: {  	_ =	shalt  }

// kernel: kernel.42.cloned.1.call-start
scs
__scs_entry_jumppad:
0x0: {  	(pc) =	sbr.rel $0x88, $3  }
0x1: {  	(tag) =	ssettag $0x0;
	lr =	simm.s32 $0x1  }
0x2: {  	[smem:$0x3F8F] =	sst lr;
	_ =	strace $0xD0000000  }
0x3: {  	_ = 	snop  }
0x4: {  	_ = 	snop  }
0x5: {  	_ = 	snop  }
0x6: {  	_ = 	snop  }
0x7: {  	_ = 	snop  }
__scs_overlays_trampoline_lowered:
0x8: {  	[smem:$0x3F9E] =	sst s0  }
0x9: {  	[smem:$0x3F9F] =	sst s1  }
0xa: {  	[smem:$0x3FA0] =	sst s2  }
0xb: {  	[smem:$0x3FA1] =	sst s3  }
0xc: {  	[smem:$0x3FA2] =	sst s4  }
0xd: {  	[smem:$0x3FA3] =	sst s5  }
0xe: {  	[smem:$0x3FA4] =	sst s6  }
0xf: {  	[smem:$0x3FA5] =	sst s7  }
0x10: {  	[smem:$0x3FA6] =	sst s8  }
0x11: {  	[smem:$0x3FA7] =	sst s9;
	s0 =	simm.s32 @!p0 $0x0  }
0x12: {  	s1 =	sld [smem:$0x3F8D];
	s0 =	simm.s32 @p0 $0x1  }
0x13: {  	[smem:$0x3FA8] =	sst s0;
	s0 =	simm.s32 @!p1 $0x0  }
0x14: {  	s2 =	sld [smem:$0x3F8C];
	s0 =	simm.s32 @p1 $0x1  }
0x15: {  	[smem:$0x3FA9] =	sst s0;
	s0 =	simm.s32 @!p2 $0x0  }
0x16: {  	s3 =	sld [smem:$0x3FDB];
	s0 =	simm.s32 @p2 $0x1  }
0x17: {  	s4 =	simm.s32 $0x1BF5;
	[smem:$0x3FAB] =	sst s0  }
0x18: {  	s0 =	sld [smem:$0x3F8E];
	_ =	swait.ge [sflag:s4], $0x0  }
0x19: {  	s7 =	sld [smem:$0x3F8F]  }
0x1a: {  	s8 =	sadd.s32 $0xFFFFE003, lr  }
0x1b: {  	s9 =	sadd.s32 $0xFFFFFEF7, lr;
	s5 =	simm.s32 $0xFFFFFFFF;
	p2 =	slt.u32 s8, $0xFFFFF086  }
0x1c: {  	p1 =	slt.u32 s9, $0xF7A;
	s5 =	simm.s32 @!p2 $0x0  }
0x1d: {  	s5 =	simm.s32 @p1 $0x1;
	p0 =	seq.s32 s7, s2  }
0x1e: {  	s7 =	smul.u32 @!p0 $0xF7A, s2;
	p2 =	seq.s32 @!p0 s5, $0x0  }
0x1f: {  	s9 =	smul.u32 $0xF7A, s1;
	s8 =	simm.s32 @!p0 $0x1BF5;
	p2 =	por !p2, p0  }
0x20: {  	[sflag:s8] =	ssyncset.s32 @!p0 $0xFFFFF086;
	s6 =	sadd.s32 @!p0 s3, s7;
	s7 =	simm.s32 @!p0 $0x108  }
0x21: {  	s3 =	sadd.s32 s3, s9;
	s6 =	sadd.s32 @!p0 $0x88, s6;
	s7 =	simm.s32 @p2 $0x1082  }
0x22: {  	[simem:s7], [sflag:s8] =	dma.local @!p0 [hbm:s6], $0xF7A  }
0x23: {  	s9 =	sor.u32 $0xD0000000, s2;
	s6 =	simm.s32 $0x108;
	_ =	swait.ge @!p0 [sflag:s8], $0x0  }
0x24: {  	s3 =	sadd.s32 $0x88, s3;
	s6 =	simm.s32 @!p1 $0x1082;
	[sflag:s4] =	ssyncset.s32 $0xFFFFF086  }
0x25: {  	[simem:s6], [sflag:s4] =	dma.local [hbm:s3], $0xF7A  }
0x26: {  	[smem:$0x3F8F] =	sst s1;
	(tag) =	ssettag s2;
	_ =	strace s9  }
0x27: {  	s1 =	sld [smem:$0x3F9F]  }
0x28: {  	s2 =	sld [smem:$0x3FA0]  }
0x29: {  	s4 =	sld [smem:$0x3FA2]  }
0x2a: {  	p0 =	seq.s32 s5, $0x0;
	s5 =	sld [smem:$0x3FA3]  }
0x2b: {  	s6 =	sld [smem:$0x3FA4]  }
0x2c: {  	s7 =	sld [smem:$0x3FA5]  }
0x2d: {  	s3 =	simm.s32 $0x108;
	s8 =	sld [smem:$0x3FA6]  }
0x2e: {  	s3 =	simm.s32 @!p0 $0x1082;
	s9 =	sld [smem:$0x3FA7]  }
0x2f: {  	lr =	sadd.s32 s0, s3;
	s0 =	sld [smem:$0x3F9E]  }
0x30: {  	s3 =	sld [smem:$0x3FA1]  }
0x31: {  	[smem:$0x3FAA] =	sst s10  }
0x32: {  	s10 =	sld [smem:$0x3FA8];
	_ =	sdelay $0x3  }
0x33: {  	p0 =	seq.s32 s10, $0x1;
	s10 =	sld [smem:$0x3FAA];
	_ =	sdelay $0x3  }
0x34: {  	[smem:$0x3FAA] =	sst s10  }
0x35: {  	s10 =	sld [smem:$0x3FA9];
	_ =	sdelay $0x3  }
0x36: {  	p1 =	seq.s32 s10, $0x1;
	s10 =	sld [smem:$0x3FAA];
	_ =	sdelay $0x3  }
0x37: {  	[smem:$0x3FAA] =	sst s10  }
0x38: {  	s10 =	sld [smem:$0x3FAB]  }
0x39: {  	_ = 	snop;
	(pc) =	sbr.ind lr, $3  }
0x3a: {  	_ = 	snop  }
0x3b: {  	_ = 	snop  }
0x3c: {  	p2 =	seq.s32 s10, $0x1;
	s10 =	sld [smem:$0x3FAA]  }
0x3d: {  	_ =	shalt  }
0x3e: {  	_ =	shalt  }
0x3f: {  	_ =	shalt  }
0x40: {  	_ =	shalt  }
0x41: {  	_ =	shalt  }
0x42: {  	_ =	shalt  }
0x43: {  	_ =	shalt  }
0x44: {  	_ =	shalt  }
0x45: {  	_ =	shalt  }
0x46: {  	_ =	shalt  }
0x47: {  	_ =	shalt  }
0x48: {  	_ =	shalt  }
0x49: {  	_ =	shalt  }
0x4a: {  	_ =	shalt  }
0x4b: {  	_ =	shalt  }
0x4c: {  	_ =	shalt  }
0x4d: {  	_ =	shalt  }
0x4e: {  	_ =	shalt  }
0x4f: {  	_ =	shalt  }
0x50: {  	_ =	shalt  }
0x51: {  	_ =	shalt  }
0x52: {  	_ =	shalt  }
0x53: {  	_ =	shalt  }
0x54: {  	_ =	shalt  }
0x55: {  	_ =	shalt  }
0x56: {  	_ =	shalt  }
0x57: {  	_ =	shalt  }
0x58: {  	_ =	shalt  }
0x59: {  	_ =	shalt  }
0x5a: {  	_ =	shalt  }
0x5b: {  	_ =	shalt  }
0x5c: {  	_ =	shalt  }
0x5d: {  	_ =	shalt  }
0x5e: {  	_ =	shalt  }
0x5f: {  	_ =	shalt  }
0x60: {  	_ =	shalt  }
0x61: {  	_ =	shalt  }
0x62: {  	_ =	shalt  }
0x63: {  	_ =	shalt  }
0x64: {  	_ =	shalt  }
0x65: {  	_ =	shalt  }
0x66: {  	_ =	shalt  }
0x67: {  	_ =	shalt  }
0x68: {  	_ =	shalt  }
0x69: {  	_ =	shalt  }
0x6a: {  	_ =	shalt  }
0x6b: {  	_ =	shalt  }
0x6c: {  	_ =	shalt  }
0x6d: {  	_ =	shalt  }
0x6e: {  	_ =	shalt  }
0x6f: {  	_ =	shalt  }
0x70: {  	_ =	shalt  }
0x71: {  	_ =	shalt  }
0x72: {  	_ =	shalt  }
0x73: {  	_ =	shalt  }
0x74: {  	_ =	shalt  }
0x75: {  	_ =	shalt  }
0x76: {  	_ =	shalt  }
0x77: {  	_ =	shalt  }
0x78: {  	_ =	shalt  }
0x79: {  	_ =	shalt  }
0x7a: {  	_ =	shalt  }
0x7b: {  	_ =	shalt  }
0x7c: {  	_ =	shalt  }
0x7d: {  	_ =	shalt  }
0x7e: {  	_ =	shalt  }
0x7f: {  	_ =	shalt  }
0x80: {  	_ =	shalt  }
0x81: {  	_ =	shalt  }
0x82: {  	_ =	shalt  }
0x83: {  	_ =	shalt  }
0x84: {  	_ =	shalt  }
0x85: {  	_ =	shalt  }
0x86: {  	_ =	shalt  }
0x87: {  	_ =	shalt  }
.Lfunc_end0:
.L_simem_size_0:
called_computation.7_lowered:
.L_overlay_start_0:
0x88: {  	s2 =	sld [smem:$0x3FD9]  }
0x89: {  	s3 =	sld [smem:$0x3FFE];
	_ =	sdelay $0x1  }
0x8a: {  	s1 =	srdreg.scid  }
0x8b: {  	s0 =	sand.u32 $0x1, s1  }
0x8c: {  	s17 =	sshll.u32 s0, $0xA;
	s2 =	sadd.s32 s3, s2  }
0x8d: {  	s2 =	sadd.s32 s2, s17  }
0x8e: {  	[smem:$0x3FB6] =	sst s2  }
0x8f: {  	_ = 	snop  }
0x90: {  	(tm) =	ssettm $0x1  }
0x91: {  	s18 =	sld [smem:$0x3FFB];
	_ =	sdelay $0x3  }
0x92: {  	_ =	strace s18  }
0x93: {  	s2 =	sld [smem:$0x3FFC];
	_ =	sdelay $0x3  }
0x94: {  	_ =	strace s2  }
0x95: {  	s2 =	sld [smem:$0x3FFD];
	_ =	sdelay $0x3  }
0x96: {  	_ =	strace s2  }
0x97: {  	_ =	strace $0x8FFFFFFF  }
0x98: {  	s19 =	sld [smem:$0x3FDB];
	_ =	sdelay $0x1  }
0x99: {  	s20 =	simm.s32 $_scs_section_size  }
0x9a: {  	s4 =	simm.s32 $_size__tile_overlayer_lowered;
	s5 =	simm.s32 $_tile_overlayer_lowered  }
0x9b: {  	s6 =	simm.s32 $0x1BFF;
	s21 =	sshll.u32 s5, $0x1;
	s3 =	sadd.s32 s20, s19  }
0x9c: {  	s22 =	simm.s32 $0x0;
	s4 =	sshll.u32 s4, $0x1;
	s5 =	sadd.s32 s21, s3  }
0x9d: {  	[timem:s22], [sflag:s6] =	dma.local [hbm:s5], s4  }
0x9e: {  	_ =	swait.ge [sflag:s6], s4  }
0x9f: {  	s4 =	ssub.s32 $0x0, s4;
	[sflag:s6] =	ssyncset.done $0x0  }
0xa0: {  	[sflag:s6] =	ssyncadd.s32 s4;
	_ =	sdelay $0x1  }
0xa1: {  	s23 =	simm.s32 $0x1B8B  }
0xa2: {  	_ =	swait.ge [sflag:s23], $0x1  }
0xa3: {  	[sflag:s23] =	ssyncset.done $0x0  }
0xa4: {  	[sflag:s23] =	ssyncadd.s32 $0xFFFFFFFF  }
0xa5: {  	s4 =	sld [smem:$0x0]  }
0xa6: {  	s5 =	sand.u32 $0xFFFFFFFE, s1  }
0xa7: {  	p0 =	sne.s32 s1, s5  }
0xa8: {  	s5 =	sshll.u32 @p0 s5, $0xE  }
0xa9: {  	s5 =	sadd.s32 @p0 $0x11B8D, s5;
	s6 =	sshll.u32 @p0 s4, $0x11  }
0xaa: {  	s5 =	sor.u32 @p0 s6, s5  }
0xab: {  	[sflag:s5] =	ssyncadd.remote.s32 @p0 $0x1;
	_ =	sdelay $0x1  }
0xac: {  	s5 =	simm.s32 @p0 $0x1B8D  }
0xad: {  	_ =	swait.eq @p0 [sflag:s5], $0x1  }
0xae: {  	[sflag:s5] =	ssyncadd.s32 @p0 $0xFFFFFFFF  }
0xaf: {  	s6 =	sshll.u32 @!p0 s1, $0xE  }
0xb0: {  	s6 =	sor.u32 @!p0 $0x4000, s6;
	s5 =	simm.s32 @!p0 $0x1B8D  }
0xb1: {  	s4 =	sshll.u32 @!p0 s4, $0x11;
	s6 =	sadd.s32 @!p0 $0x11B8D, s6;
	_ =	swait.eq @!p0 [sflag:s5], $0x1  }
0xb2: {  	s4 =	sor.u32 @!p0 s4, s6;
	[sflag:s5] =	ssyncadd.s32 @!p0 $0xFFFFFFFF  }
0xb3: {  	s25 =	simm.s32 $0x1B8E;
	s24 =	sld [smem:$0x3FFE];
	[sflag:s4] =	ssyncadd.remote.s32 @!p0 $0x1  }
0xb4: {  	s26 =	simm.s32 $execute0_lowered;
	[smem:$0x3FD2] =	sst s25  }
0xb5: {  	s5 =	sshll.u32 s26, $0x1;
	_ =	strace $0x80000058;
	[dreg:$0x1] =	wrdreg $0xFFFFFFFF  }
0xb6: {  	s28 =	simm.s32 $_size_execute0_lowered;
	s3 =	sadd.s32 s3, s5;
	[dreg:$0x0] =	wrdreg $0x0  }
0xb7: {  	s5 =	sshll.u32 s28, $0x1;
	[dreg:$0x2] =	wrdreg s3  }
0xb8: {  	[dreg:$0x3] =	wrdreg s5  }
0xb9: {  	[dreg:$0x4] =	wrdreg $0xC0  }
0xba: {  	_ =	task [dreg:s22], $0x5FFFF  }
0xbb: {  	[dreg:$0x1] =	wrdreg $0xFFFFFFFF  }
0xbc: {  	[dreg:$0x0] =	wrdreg $0x60  }
0xbd: {  	[dreg:$0x2] =	wrdreg s24  }
0xbe: {  	[dreg:$0x3] =	wrdreg $0xA  }
0xbf: {  	_ =	task.clear_ibuf [dreg:s22], $0x4FFFF;
	_ =	strace $0x90000058  }
0xc0: {  	s29 =	simm.s32 $0xA;
	_ =	strace $0x8000005A  }
0xc1: {  	_ =	swait.ge [sflag:s29], $0x1  }
0xc2: {  	[sflag:s29] =	ssyncadd.s32 $0xFFFFFFFF  }
0xc3: {  	_ =	strace $0x9000005A  }
0xc4: {  	_ =	sfence  }
0xc5: {  	s30 =	sld [smem:$0x0];
	_ =	sdelay $0x2  }
0xc6: {  	s31 =	sshll.u32 s1, $0xD;
	s1 =	sshrl.u32 s1, $0x2  }
0xc7: {  	s4 =	sand.u32 $0x4000, s31;
	s1 =	sadd.s32 s1, s30  }
0xc8: {  	s0 =	sor.u32 s4, s0;
	s1 =	sshll.u32 s1, $0x11  }
0xc9: {  	s0 =	sor.u32 s1, s0  }
0xca: {  	s0 =	sadd.s32 $0x8F2B, s0  }
0xcb: {  	[sflag:s0] =	ssyncadd.remote.s32 $0x1  }
0xcc: {  	_ =	sfence.sel $0xFFFF  }
0xcd: {  	[dreg:$0x0] =	wrdreg $0xFFFFFFFF;
	(pc) =	sbr.abs _section_cstart, $3  }
0xce: {  	[dreg:$0x1] =	wrdreg $0xFFFFFFFF  }
0xcf: {  	_ =	task.clear_ibuf [dreg:s22], $0x2FFFF;
	_ =	strace $0x9FFFFFFF  }
0xd0: {  	(tm) =	ssettm $0x7FFFFFFF  }
0xd1: {  	_ =	shalt  }
tec
execute0_lowered:
.L_overlay_start_1:
0x0: {  	(tag) =	ssettag $0x1  }
0x1: {  	s0 =	rddreg [dreg:$0x0]  }
0x2: {  	s2 =	simm.s32 $0x0;
	s1 =	srdreg.scid;
	s8 =	stileid.u32  }
0x3: {  	s14 =	simm.s32 $0x9;
	s15 =	simm.s32 $0x80;
	s16 =	simm.s32 $0x200  }
0x4: {  	s28 =	simm.s32 $0x6;
	s29 =	simm.s32 $0x7;
	s30 =	simm.s32 $0x8  }
0x5: {  	s31 =	simm.s32 $0x0;
	[smem:$0x7FF] =	sst s2;
	s1 =	sand.u32 $0x1, s1  }
0x6: {  	s3 =	sadd.s32 $0xF800, s0;
	s4 =	sshll.u32 s8, $0xD;
	s7 =	sadd.s32 $0xAFE00, s0  }
0x7: {  	s17 =	sshll.u32 s8, $0x11;
	_ =	strace $0x80000059;
	s5 =	sshll.u32 s1, $0xC  }
0x8: {  	s6 =	ssub.s32 $0x2, s1;
	s0 =	sadd.s32 s17, s0;
	s1 =	sshll.u32 s1, $0x10  }
0x9: {  	s17 =	simm.s32 $0x4200;
	s5 =	sor.u32 s5, s4;
	s18 =	sshrl.u32 s6, $0x1  }
0xa: {  	s0 =	sadd.s32 s1, s0;
	s9 =	sshrl.u32 s5, $0x3;
	s6 =	ssub.s32 s6, s18  }
0xb: {  	s22 =	sor.u32 $0x380, s5;
	s24 =	sor.u32 $0x300, s5;
	s25 =	sor.u32 $0x280, s5  }
0xc: {  	s10 =	sor.u32 $0x200, s5;
	s18 =	simm.s32 $0x100;
	s4 =	sadd.s32 s7, s9  }
0xd: {  	s6 =	smax.u32 s6, $0x1;
	s9 =	sadd.s32 $0x136000, s0;
	s23 =	sshrl.u32 s22, $0x3  }
0xe: {  	s1 =	sshrl.u32 s25, $0x3;
	s26 =	sshrl.u32 s10, $0x3;
	s22 =	simm.s32 $0x1  }
0xf: {  	s25 =	simm.s32 $0x4;
	s19 =	sadd.s32 $0x10, s4;
	[dreg:$0x5] =	wrdreg s6  }
0x10: {  	s20 =	sadd.s32 $0x20, s4;
	s21 =	sadd.s32 $0x30, s4;
	[dreg:$0x2] =	wrdreg s19  }
.Ltmp0:
0x11: {  	s0 =	sadd.s32 s23, s7;
	[dreg:$0x3] =	wrdreg s20;
	(pc) =	sbr.rel .LBB2_1-.Ltmp0, $4  }
0x12: {  	s1 =	sadd.s32 s1, s7;
	s23 =	simm.s32 $0x2;
	[dreg:$0x4] =	wrdreg s21  }
0x13: {  	[dreg:$0x6] =	wrdreg s0;
	s0 =	sshrl.u32 s24, $0x3;
	s19 =	simm.s32 $0x8200  }
0x14: {  	s20 =	simm.s32 $0x180;
	s21 =	simm.s32 $0xC200;
	s24 =	simm.s32 $0x3  }
0x15: {  	s5 =	sadd.s32 s0, s7;
	s0 =	sadd.s32 s26, s7;
	s26 =	simm.s32 $0x5  }
.LBB2_4:
0x16: {  	_ =	swait.ge [sflag:s26], $0x4000  }
0x17: {  	[sflag:s26] =	ssyncset.done $0x0  }
0x18: {  	[sflag:s26] =	ssyncadd.s32 $0xFFFFC000  }
0x19: {  	_ =	swait.ge [sflag:s28], $0x4000  }
0x1a: {  	[sflag:s28] =	ssyncset.done $0x0  }
0x1b: {  	[sflag:s28] =	ssyncadd.s32 $0xFFFFC000  }
0x1c: {  	_ =	swait.ge [sflag:s29], $0x4000  }
0x1d: {  	[sflag:s29] =	ssyncset.done $0x0  }
0x1e: {  	[sflag:s29] =	ssyncadd.s32 $0xFFFFC000  }
0x1f: {  	_ =	swait.ge [sflag:s30], $0x4000  }
0x20: {  	s31 =	sadd.s32 $0x1, s31;
	s6 =	rddreg [dreg:$0x5]  }
0x21: {  	p0 =	sne.s32 s31, s6  }
.Ltmp1:
0x22: {  	_ = 	snop;
	(pc) =	sbr.rel @!p0 .LBB2_5-.Ltmp1, $3  }
0x23: {  	_ =	sdelay $0x1  }
0x24: {  	[sflag:s30] =	ssyncset.done $0x0  }
0x25: {  	[sflag:s30] =	ssyncadd.s32 $0xFFFFC000  }
.LBB2_1:
0x26: {  	[tilespmem:s2], [sflag:$0x9] =	stream.linear.gather [hbm4b:s4+s2], $0x80, $0x38;
	[tilespmem:$0x10200] =	vst v63  }
0x27: {  	_ =	swait.ge [sflag:s14], $0x80  }
0x28: {  	[sflag:s14] =	ssyncset.done $0x0  }
0x29: {  	[sflag:s14] =	ssyncadd.s32 $0xFFFFFF80  }
0x2a: {  	[tilespmem:s16], [sflag:$0x1] =	stream.indirect.gather [hbm4b:s3+s15], $0x80, s2, s15, $0xb8;
	[tilespmem:$0x10200] =	vst v63  }
0x2b: {  	s6 =	rddreg [dreg:$0x2]  }
0x2c: {  	[tilespmem:s15], [sflag:$0x9] =	stream.linear.gather [hbm4b:s6+s2], $0x80, $0x38;
	[tilespmem:$0x10200] =	vst v63  }
0x2d: {  	_ =	swait.ge [sflag:s14], $0x80  }
0x2e: {  	[sflag:s14] =	ssyncset.done $0x0  }
0x2f: {  	[sflag:s14] =	ssyncadd.s32 $0xFFFFFF80  }
0x30: {  	[tilespmem:s17], [sflag:$0x2] =	stream.indirect.gather [hbm4b:s3+s15], $0x80, s15, s15, $0xb8;
	[tilespmem:$0x10200] =	vst v63  }
0x31: {  	s12 =	rddreg [dreg:$0x3]  }
0x32: {  	[tilespmem:s18], [sflag:$0x9] =	stream.linear.gather [hbm4b:s12+s2], $0x80, $0x38;
	[tilespmem:$0x10200] =	vst v63  }
0x33: {  	_ =	swait.ge [sflag:s14], $0x80  }
0x34: {  	[sflag:s14] =	ssyncset.done $0x0  }
0x35: {  	[sflag:s14] =	ssyncadd.s32 $0xFFFFFF80  }
0x36: {  	[tilespmem:s19], [sflag:$0x3] =	stream.indirect.gather [hbm4b:s3+s15], $0x80, s18, s15, $0xb8;
	[tilespmem:$0x10200] =	vst v63  }
0x37: {  	s13 =	rddreg [dreg:$0x4]  }
0x38: {  	[tilespmem:s20], [sflag:$0x9] =	stream.linear.gather [hbm4b:s13+s2], $0x80, $0x38;
	[tilespmem:$0x10200] =	vst v63  }
0x39: {  	s11 =	smov.u32 s5;
	_ =	swait.ge [sflag:s14], $0x80  }
0x3a: {  	s7 =	simm.s32 $0x0;
	s12 =	smov.u32 s1;
	[sflag:s14] =	ssyncset.done $0x0  }
0x3b: {  	s13 =	smov.u32 s0;
	s10 =	rddreg [dreg:$0x6];
	[sflag:s14] =	ssyncadd.s32 $0xFFFFFF80  }
0x3c: {  	[tilespmem:s21], [sflag:$0x4] =	stream.indirect.gather [hbm4b:s3+s15], $0x80, s20, s15, $0xb8;
	[tilespmem:$0x10200] =	vst v63  }
.LBB2_2:
0x3d: {  	_ =	swait.ge [sflag:s22], $0x4000  }
0x3e: {  	[sflag:s22] =	ssyncset.done $0x0  }
0x3f: {  	s8 =	sadd.s32 s7, s9;
	[sflag:s22] =	ssyncadd.s32 $0xFFFFC000  }
0x40: {  	[hbm4b:s8+s2] =	stream.linear.scatter [tilespmem:s16], [sflag:$0x5], $0x4000, $0x38;
	[tilespmem:$0x10200] =	vst v63  }
0x41: {  	_ =	swait.ge [sflag:s23], $0x4000  }
0x42: {  	[sflag:s23] =	ssyncset.done $0x0  }
0x43: {  	s6 =	sadd.s32 $0x800, s8;
	[sflag:s23] =	ssyncadd.s32 $0xFFFFC000  }
0x44: {  	[hbm4b:s6+s2] =	stream.linear.scatter [tilespmem:s17], [sflag:$0x6], $0x4000, $0x38;
	[tilespmem:$0x10200] =	vst v63  }
0x45: {  	_ =	swait.ge [sflag:s24], $0x4000  }
0x46: {  	[sflag:s24] =	ssyncset.done $0x0  }
0x47: {  	p0 =	seq.s32 s7, $0xE000;
	s6 =	sadd.s32 $0x1000, s8;
	[sflag:s24] =	ssyncadd.s32 $0xFFFFC000  }
0x48: {  	[hbm4b:s6+s2] =	stream.linear.scatter [tilespmem:s19], [sflag:$0x7], $0x4000, $0x38;
	[tilespmem:$0x10200] =	vst v63  }
.Ltmp2:
0x49: {  	_ = 	snop;
	(pc) =	sbr.rel @p0 .LBB2_4-.Ltmp2, $4  }
0x4a: {  	_ =	swait.ge [sflag:s25], $0x4000  }
0x4b: {  	[sflag:s25] =	ssyncset.done $0x0  }
0x4c: {  	s8 =	sadd.s32 $0x1800, s8;
	[sflag:s25] =	ssyncadd.s32 $0xFFFFC000  }
0x4d: {  	[hbm4b:s8+s2] =	stream.linear.scatter [tilespmem:s21], [sflag:$0x8], $0x4000, $0x38;
	[tilespmem:$0x10200] =	vst v63  }
0x4e: {  	[tilespmem:s2], [sflag:$0x9] =	stream.linear.gather [hbm4b:s13+s2], $0x80, $0x38;
	[tilespmem:$0x10200] =	vst v63  }
0x4f: {  	_ =	swait.ge [sflag:s14], $0x80  }
0x50: {  	[sflag:s14] =	ssyncset.done $0x0  }
0x51: {  	[sflag:s14] =	ssyncadd.s32 $0xFFFFFF80  }
0x52: {  	[tilespmem:s15], [sflag:$0x9] =	stream.linear.gather [hbm4b:s12+s2], $0x80, $0x38;
	[tilespmem:$0x10200] =	vst v63  }
0x53: {  	_ =	swait.ge [sflag:s14], $0x80  }
0x54: {  	[sflag:s14] =	ssyncset.done $0x0  }
0x55: {  	[sflag:s14] =	ssyncadd.s32 $0xFFFFFF80  }
0x56: {  	[tilespmem:s18], [sflag:$0x9] =	stream.linear.gather [hbm4b:s11+s2], $0x80, $0x38;
	[tilespmem:$0x10200] =	vst v63  }
0x57: {  	_ =	swait.ge [sflag:s14], $0x80  }
0x58: {  	[sflag:s14] =	ssyncset.done $0x0  }
0x59: {  	[sflag:s14] =	ssyncadd.s32 $0xFFFFFF80  }
0x5a: {  	[tilespmem:s20], [sflag:$0x9] =	stream.linear.gather [hbm4b:s10+s2], $0x80, $0x38;
	[tilespmem:$0x10200] =	vst v63  }
0x5b: {  	_ =	swait.ge [sflag:s14], $0x80  }
0x5c: {  	[sflag:s14] =	ssyncset.done $0x0  }
0x5d: {  	[sflag:s14] =	ssyncadd.s32 $0xFFFFFF80  }
0x5e: {  	_ =	swait.ge [sflag:s26], $0x4000  }
0x5f: {  	[sflag:s26] =	ssyncset.done $0x0  }
0x60: {  	[sflag:s26] =	ssyncadd.s32 $0xFFFFC000  }
0x61: {  	[tilespmem:s16], [sflag:$0x1] =	stream.indirect.gather [hbm4b:s3+s15], $0x80, s2, s15, $0xb8;
	[tilespmem:$0x10200] =	vst v63  }
0x62: {  	_ =	swait.ge [sflag:s28], $0x4000  }
0x63: {  	[sflag:s28] =	ssyncset.done $0x0  }
0x64: {  	[sflag:s28] =	ssyncadd.s32 $0xFFFFC000  }
0x65: {  	[tilespmem:s17], [sflag:$0x2] =	stream.indirect.gather [hbm4b:s3+s15], $0x80, s15, s15, $0xb8;
	[tilespmem:$0x10200] =	vst v63  }
0x66: {  	_ =	swait.ge [sflag:s29], $0x4000  }
0x67: {  	[sflag:s29] =	ssyncset.done $0x0  }
0x68: {  	[sflag:s29] =	ssyncadd.s32 $0xFFFFC000  }
0x69: {  	[tilespmem:s19], [sflag:$0x3] =	stream.indirect.gather [hbm4b:s3+s15], $0x80, s18, s15, $0xb8;
	[tilespmem:$0x10200] =	vst v63  }
.Ltmp3:
0x6a: {  	_ = 	snop;
	(pc) =	sbr.rel .LBB2_2-.Ltmp3, $4  }
0x6b: {  	s7 =	sadd.s32 $0x2000, s7;
	_ =	swait.ge [sflag:s30], $0x4000  }
0x6c: {  	s13 =	sadd.s32 $0x40, s13;
	s12 =	sadd.s32 $0x40, s12;
	[sflag:s30] =	ssyncset.done $0x0  }
0x6d: {  	s11 =	sadd.s32 $0x40, s11;
	s10 =	sadd.s32 $0x40, s10;
	[sflag:s30] =	ssyncadd.s32 $0xFFFFC000  }
0x6e: {  	[tilespmem:s21], [sflag:$0x4] =	stream.indirect.gather [hbm4b:s3+s15], $0x80, s20, s15, $0xb8;
	[tilespmem:$0x10200] =	vst v63  }
.LBB2_5:
0x6f: {  	_ =	sfence.sel $0x180000  }
0x70: {  	[bflag:$0x0] =	sbarrier.arrive $0xFFFF  }
0x71: {  	_ =	strace $0x90000059  }
0x72: {  	s0 =	stileid.u32;
	[bflag:$0x2] =	sbarrier.arrive $0xFFFF  }
0x73: {  	p0 =	sne.s32 s0, $0x0;
	s0 =	rddreg [dreg:$0x1]  }
0x74: {  	s0 =	sadd.s32 @!p0 $0x100000, s0  }
0x75: {  	[sflag:s0] =	ssyncadd.tile.s32 @!p0 $0x1;
	_ =	shalt  }
.Lfunc_end2:
_tile_overlayer_lowered:
.L_overlay_start_2:
0x76: {  	(tag) =	ssettag $0x2  }
0x77: {  	s0 =	rddreg [dreg:$0x0];
	s2 =	stileid.u32  }
0x78: {  	s1 =	rddreg [dreg:$0x1];
	p0 =	sne.s32 s2, $0x0  }
0x79: {  	s3 =	rddreg [dreg:$0x2];
	[bflag:$0x3] =	sbarrier.arrive $0xFFFF;
	s2 =	simm.s32 @!p0 $0x1C09  }
0x7a: {  	[timem:s3], [sflag:s2] =	dma.local @!p0 [hbm:s0], s1  }
0x7b: {  	s0 =	simm.s32 @!p0 $0x9  }
0x7c: {  	_ =	swait.ge @!p0 [sflag:s0], s1  }
0x7d: {  	s1 =	ssub.s32 @!p0 $0x0, s1;
	[sflag:s0] =	ssyncset.done @!p0 $0x0  }
0x7e: {  	[sflag:s0] =	ssyncadd.s32 @!p0 s1  }
0x7f: {  	[bflag:$0x3] =	sbarrier.arrive $0xFFFF  }
0x80: {  	_ =	shalt  }

</sc_bundles>
